<compile_context>
chip_gen: v7x
topology: tpu7x:2x2x1
jax: 0.10.2.dev20260603
libtpu: 0.0.44.dev20260713+nightly
codegen_flags: <defaults>
</compile_context>

<pallas_src>
import jax
import jax.numpy as jnp
from jax import lax
from jax.experimental import pallas as pl
from jax.experimental.pallas import tpu as pltpu
from jax.experimental.pallas import tpu_sc as plsc

NC = 2
NS = 16
L = 16
NW = NC * NS

B = 4096
F = 26
D = 16
FIELD_DIM = 100000

BPW = B // NW
KPW = BPW * F
NSTREAM = KPW // BPW


def _fm_body(x_hbm, wemb_hbm, wlin_hbm, bias_hbm, out_hbm,
             x_v, idx_v, rows_v, lin_v, out_v, bias_v,
             sem_e, sem_l):
    wid = lax.axis_index("s") * NC + lax.axis_index("c")
    base_k = wid * KPW

    pltpu.sync_copy(x_hbm.at[pl.ds(base_k, KPW)], x_v)
    pltpu.sync_copy(bias_hbm, bias_v)

    lane = lax.broadcasted_iota(jnp.int32, (L,), 0)

    def build_idx(m, carry):
        for st in range(BPW // L):
            pos = lane + (m * BPW + st * L)
            off = (pos % F) * FIELD_DIM
            idx_v[m, pl.ds(st * L, L)] = x_v[pl.ds(m * BPW + st * L, L)] + off
        return carry
    lax.fori_loop(0, NSTREAM, build_idx, 0)

    def fire(m, carry):
        pltpu.make_async_copy(
            wemb_hbm.at[idx_v.at[m]], rows_v.at[pl.ds(m * BPW, BPW)], sem_e
        ).start()
        pltpu.make_async_copy(
            wlin_hbm.at[idx_v.at[m]], lin_v.at[pl.ds(m * BPW, BPW)], sem_l
        ).start()
        return carry
    lax.fori_loop(0, NSTREAM, fire, 0)

    def drain(m, carry):
        pltpu.make_async_copy(
            wemb_hbm.at[idx_v.at[m]], rows_v.at[pl.ds(m * BPW, BPW)], sem_e
        ).wait()
        pltpu.make_async_copy(
            wlin_hbm.at[idx_v.at[m]], lin_v.at[pl.ds(m * BPW, BPW)], sem_l
        ).wait()
        return carry
    lax.fori_loop(0, NSTREAM, drain, 0)

    bias_vec = bias_v[...]
    lmask = lane < (F - L)

    def do_group(g, carry):
        out16 = jnp.zeros((L,), jnp.float32)
        for i in range(L):
            base = (g * L + i) * F
            s = jnp.zeros((L,), jnp.float32)
            ss = jnp.zeros((L,), jnp.float32)
            for j in range(F):
                v = rows_v[base + j, :]
                s = s + v
                ss = ss + v * v
            lina = lin_v[pl.ds(base, L)]
            linb = lin_v[pl.ds(base + L, L)]
            t = 0.5 * (s * s - ss) + lina + jnp.where(lmask, linb, 0.0)
            out16 = jnp.where(lane == i, jnp.sum(t), out16)
        out_v[pl.ds(g * L, L)] = out16 + bias_vec
        return carry
    lax.fori_loop(0, BPW // L, do_group, 0)

    pltpu.sync_copy(out_v, out_hbm.at[pl.ds(wid * BPW, BPW)])


@jax.jit
def _fm(x_flat, w_emb, w_lin_flat, bias16):
    run = pl.kernel(
        _fm_body,
        out_type=jax.ShapeDtypeStruct((B,), jnp.float32),
        mesh=plsc.VectorSubcoreMesh(core_axis_name="c", subcore_axis_name="s"),
        compiler_params=pltpu.CompilerParams(
            needs_layout_passes=False, use_tc_tiling_on_sc=False),
        scratch_types=[
            pltpu.VMEM((KPW,), jnp.int32),
            pltpu.VMEM((NSTREAM, BPW), jnp.int32),
            pltpu.VMEM((KPW, D), jnp.float32),
            pltpu.VMEM((KPW + L,), jnp.float32),
            pltpu.VMEM((BPW,), jnp.float32),
            pltpu.VMEM((L,), jnp.float32),
            pltpu.SemaphoreType.DMA,
            pltpu.SemaphoreType.DMA,
        ],
    )
    return run(x_flat, w_emb, w_lin_flat, bias16)


def kernel(x, W_emb, W_lin, bias):
    x_flat = x.astype(jnp.int32).reshape(B * F)
    w_lin_flat = W_lin.reshape(-1)
    bias16 = jnp.broadcast_to(bias.astype(jnp.float32), (L,))
    return _fm(x_flat, W_emb, w_lin_flat, bias16)

# --- scband reference (transcript-rebuilt; emitter-appended) ---
"""Pipeline reference for scband-factorization-machine-model-11802570129915 (READ-ONLY COPY).

The authoritative reference and input builder live on the scoring server;
editing this copy changes nothing except your own understanding.
"""

import jax, jax.numpy as jnp
import numpy as np

FIELD_DIMS = [100000] * 26
EMBED_DIM = 16
TOTAL = int(np.sum(FIELD_DIMS))
OFFSETS = jnp.asarray(np.concatenate(([0], np.cumsum(FIELD_DIMS)[:-1])), dtype=jnp.int64)


def setup_inputs(seed: int = 0) -> dict:
    key = jax.random.key(seed)
    k1, k2, k3 = jax.random.split(key, 3)
    x = jax.random.randint(k1, (4096, 26), 0, 100000, dtype=jnp.int64)
    W_emb = jax.random.normal(k2, (TOTAL, EMBED_DIM), dtype=jnp.float32) * 0.01
    W_lin = jax.random.normal(k3, (TOTAL, 1), dtype=jnp.float32) * 0.01
    bias = jnp.zeros((1,), dtype=jnp.float32)
    return {"x": x, "W_emb": W_emb, "W_lin": W_lin, "bias": bias}


def reference(x, W_emb, W_lin, bias):
    # FeaturesEmbedding: add per-field offsets, gather rows -> (B, F, D)
    idx = x + OFFSETS[None, :]
    emb = jnp.take(W_emb, idx, axis=0)  # (B, F, D)
    # FeaturesLinear: per-feature scalar weights summed over fields + bias -> (B, 1)
    linear = jnp.sum(jnp.take(W_lin, idx, axis=0), axis=1) + bias  # (B, 1)
    # FactorizationMachine (reduce_sum=True)
    square_of_sum = jnp.sum(emb, axis=1) ** 2          # (B, D)
    sum_of_square = jnp.sum(emb ** 2, axis=1)          # (B, D)
    fm = 0.5 * jnp.sum(square_of_sum - sum_of_square, axis=1, keepdims=True)  # (B, 1)
    score = jnp.squeeze(linear + fm, axis=1)           # (B,)
    return score

if __name__ == "__main__":
    import jax
    _d = setup_inputs()
    print(jax.jit(kernel)(*tuple(_d.values())))

</pallas_src>

<mosaic_0001>
#map = affine_map<(d0, d1) -> (0)>
#map1 = affine_map<(d0, d1) -> (0, 0)>
module attributes {stable_mosaic.version = 14 : i64} {
  func.func @_fm_body(%arg0: i32, %arg1: i32, %arg2: memref<106496xi32, #tpu.memory_space<hbm>>, %arg3: memref<2600000x16xf32, #tpu.memory_space<hbm>>, %arg4: memref<2600000xf32, #tpu.memory_space<hbm>>, %arg5: memref<16xf32, #tpu.memory_space<hbm>>, %arg6: memref<4096xf32, #tpu.memory_space<hbm>>, %arg7: memref<3328xi32, #tpu.memory_space<vmem>>, %arg8: memref<26x128xi32, #tpu.memory_space<vmem>>, %arg9: memref<3328x16xf32, #tpu.memory_space<vmem>>, %arg10: memref<3344xf32, #tpu.memory_space<vmem>>, %arg11: memref<128xf32, #tpu.memory_space<vmem>>, %arg12: memref<16xf32, #tpu.memory_space<vmem>>, %arg13: memref<!tpu.dma_semaphore, #tpu.memory_space<semaphore_mem>>, %arg14: memref<!tpu.dma_semaphore, #tpu.memory_space<semaphore_mem>>) attributes {dimension_semantics = [#tpu.dimension_semantics<core_parallel>, #tpu.dimension_semantics<subcore_parallel>], iteration_bounds = array<i64: 2, 16>, scalar_prefetch = 0 : i64, scratch_operands = 8 : i64, tpu.core_type = #tpu.core_type<sc_vector_subcore>, window_params = [{transform_indices = #map}, {transform_indices = #map1}, {transform_indices = #map}, {transform_indices = #map}, {transform_indices = #map}]} {
    %mul3A = arith.constant 2 : i32
    %mul3A_0 = arith.muli %arg1, %mul3A : i32
    %add3A = arith.addi %mul3A_0, %arg0 : i32
    %mul3A_1 = arith.constant 3328 : i32
    %mul3A_2 = arith.muli %add3A, %mul3A_1 : i32
    "tpu.region"() ({
      %run_scoped3A = tpu.sem_alloc : memref<!tpu.dma_semaphore, #tpu.memory_space<semaphore_mem>>
      %dma_start3A = tpu.memref_slice %arg2[%mul3A_2] : memref<106496xi32, #tpu.memory_space<hbm>> -> memref<3328xi32, #tpu.memory_space<hbm>>
      %dma_start3A_31 = tpu.memref_slice %arg2[%mul3A_2] : memref<106496xi32, #tpu.memory_space<hbm>> -> memref<3328xi32, #tpu.memory_space<hbm>>
      tpu.enqueue_dma source(%dma_start3A_31 : memref<3328xi32, #tpu.memory_space<hbm>>) target(%arg7 : memref<3328xi32, #tpu.memory_space<vmem>>) target_semaphore(%run_scoped3A : memref<!tpu.dma_semaphore, #tpu.memory_space<semaphore_mem>>)
      %dma_wait3A = tpu.memref_slice %arg2[%mul3A_2] : memref<106496xi32, #tpu.memory_space<hbm>> -> memref<3328xi32, #tpu.memory_space<hbm>>
      %dma_wait3A_32 = tpu.memref_slice %arg2[%mul3A_2] : memref<106496xi32, #tpu.memory_space<hbm>> -> memref<3328xi32, #tpu.memory_space<hbm>>
      tpu.wait_dma2 semaphore(%run_scoped3A : memref<!tpu.dma_semaphore, #tpu.memory_space<semaphore_mem>>) src(%dma_wait3A_32 : memref<3328xi32, #tpu.memory_space<hbm>>) dst(%arg7 : memref<3328xi32, #tpu.memory_space<vmem>>)
      tpu.yield
    }) : () -> ()
    "tpu.region"() ({
      %run_scoped3A = tpu.sem_alloc : memref<!tpu.dma_semaphore, #tpu.memory_space<semaphore_mem>>
      tpu.enqueue_dma source(%arg5 : memref<16xf32, #tpu.memory_space<hbm>>) target(%arg12 : memref<16xf32, #tpu.memory_space<vmem>>) target_semaphore(%run_scoped3A : memref<!tpu.dma_semaphore, #tpu.memory_space<semaphore_mem>>)
      tpu.wait_dma2 semaphore(%run_scoped3A : memref<!tpu.dma_semaphore, #tpu.memory_space<semaphore_mem>>) src(%arg5 : memref<16xf32, #tpu.memory_space<hbm>>) dst(%arg12 : memref<16xf32, #tpu.memory_space<vmem>>)
      tpu.yield
    }) : () -> ()
    %iota3A = tpu.iota {dimensions = array<i32: 0>} : vector<16xi32>
    %scan3A = arith.constant 0 : i32
    %scan3A_3 = arith.constant 0 : i32
    %scan3A_4 = arith.constant 26 : i32
    %scan3A_5 = arith.addi %scan3A_3, %scan3A_4 : i32
    %scan3A_6 = arith.constant 1 : i32
    scf.for %scan3A_31 = %scan3A_3 to %scan3A_5 step %scan3A_6  : i32 {
      %mul3A_32 = arith.constant 128 : i32
      %mul3A_33 = arith.muli %scan3A_31, %mul3A_32 : i32
      %add3A_34 = arith.constant 0 : i32
      %add3A_35 = arith.addi %mul3A_33, %add3A_34 : i32
      %add3A_36 = vector.broadcast %add3A_35 : i32 to vector<16xi32>
      %add3A_37 = arith.addi %iota3A, %add3A_36 : vector<16xi32>
      %jit3A = arith.constant 26 : i32
      %eq3A = arith.constant 0 : i32
      %eq3A_38 = arith.cmpi eq, %jit3A, %eq3A : i32
      %jit3A_39 = arith.constant 1 : i32
      %select_n3A = arith.select %eq3A_38, %jit3A_39, %jit3A : i32
      %rem3A = vector.broadcast %select_n3A : i32 to vector<16xi32>
      %rem3A_40 = arith.remsi %add3A_37, %rem3A : vector<16xi32>
      %ne3A = arith.constant 0 : i32
      %ne3A_41 = vector.broadcast %ne3A : i32 to vector<16xi32>
      %ne3A_42 = arith.cmpi ne, %rem3A_40, %ne3A_41 : vector<16xi32>
      %lt3A_43 = arith.constant 0 : i32
      %lt3A_44 = vector.broadcast %lt3A_43 : i32 to vector<16xi32>
      %lt3A_45 = arith.cmpi slt, %rem3A_40, %lt3A_44 : vector<16xi32>
      %lt3A_46 = arith.constant 0 : i32
      %lt3A_47 = arith.cmpi slt, %select_n3A, %lt3A_46 : i32
      %ne3A_48 = vector.broadcast %lt3A_47 : i1 to vector<16xi1>
      %ne3A_49 = vector.broadcast %ne3A_48 : vector<16xi1> to vector<16xi1>
      %ne3A_50 = arith.xori %lt3A_45, %ne3A_49 : vector<16xi1>
      %and3A = arith.andi %ne3A_50, %ne3A_42 : vector<16xi1>
      %add3A_51 = vector.broadcast %select_n3A : i32 to vector<16xi32>
      %add3A_52 = arith.addi %rem3A_40, %add3A_51 : vector<16xi32>
      %select_n3A_53 = arith.select %and3A, %add3A_52, %rem3A_40 : vector<16xi1>, vector<16xi32>
      %mul3A_54 = arith.constant 100000 : i32
      %mul3A_55 = vector.broadcast %mul3A_54 : i32 to vector<16xi32>
      %mul3A_56 = arith.muli %select_n3A_53, %mul3A_55 : vector<16xi32>
      %mul3A_57 = arith.constant 128 : i32
      %mul3A_58 = arith.muli %scan3A_31, %mul3A_57 : i32
      %add3A_59 = arith.constant 0 : i32
      %add3A_60 = arith.addi %mul3A_58, %add3A_59 : i32
      %get3A_61 = arith.index_cast %add3A_60 : i32 to index
      %get3A_62 = tpu.vector_load %arg7[%get3A_61] {strides = array<i32>} : memref<3328xi32, #tpu.memory_space<vmem>>, vector<16xi32>,
      %add3A_63 = arith.addi %get3A_62, %mul3A_56 : vector<16xi32>
      %swap3A = arith.index_cast %scan3A_31 : i32 to index
      %swap3A_64 = arith.constant 0 : index
      %swap3A_65 = tpu.vector_load %arg8[%swap3A, %swap3A_64] {strides = array<i32>} : memref<26x128xi32, #tpu.memory_space<vmem>>, vector<16xi32>,
      tpu.vector_store %arg8[%swap3A, %swap3A_64], %add3A_63 {strides = array<i32>} : memref<26x128xi32, #tpu.memory_space<vmem>>, vector<16xi32>,
      %mul3A_66 = arith.constant 128 : i32
      %mul3A_67 = arith.muli %scan3A_31, %mul3A_66 : i32
      %add3A_68 = arith.constant 16 : i32
      %add3A_69 = arith.addi %mul3A_67, %add3A_68 : i32
      %add3A_70 = vector.broadcast %add3A_69 : i32 to vector<16xi32>
      %add3A_71 = arith.addi %iota3A, %add3A_70 : vector<16xi32>
      %jit3A_72 = arith.constant 26 : i32
      %eq3A_73 = arith.constant 0 : i32
      %eq3A_74 = arith.cmpi eq, %jit3A_72, %eq3A_73 : i32
      %jit3A_75 = arith.constant 1 : i32
      %select_n3A_76 = arith.select %eq3A_74, %jit3A_75, %jit3A_72 : i32
      %rem3A_77 = vector.broadcast %select_n3A_76 : i32 to vector<16xi32>
      %rem3A_78 = arith.remsi %add3A_71, %rem3A_77 : vector<16xi32>
      %ne3A_79 = arith.constant 0 : i32
      %ne3A_80 = vector.broadcast %ne3A_79 : i32 to vector<16xi32>
      %ne3A_81 = arith.cmpi ne, %rem3A_78, %ne3A_80 : vector<16xi32>
      %lt3A_82 = arith.constant 0 : i32
      %lt3A_83 = vector.broadcast %lt3A_82 : i32 to vector<16xi32>
      %lt3A_84 = arith.cmpi slt, %rem3A_78, %lt3A_83 : vector<16xi32>
      %lt3A_85 = arith.constant 0 : i32
      %lt3A_86 = arith.cmpi slt, %select_n3A_76, %lt3A_85 : i32
      %ne3A_87 = vector.broadcast %lt3A_86 : i1 to vector<16xi1>
      %ne3A_88 = vector.broadcast %ne3A_87 : vector<16xi1> to vector<16xi1>
      %ne3A_89 = arith.xori %lt3A_84, %ne3A_88 : vector<16xi1>
      %and3A_90 = arith.andi %ne3A_89, %ne3A_81 : vector<16xi1>
      %add3A_91 = vector.broadcast %select_n3A_76 : i32 to vector<16xi32>
      %add3A_92 = arith.addi %rem3A_78, %add3A_91 : vector<16xi32>
      %select_n3A_93 = arith.select %and3A_90, %add3A_92, %rem3A_78 : vector<16xi1>, vector<16xi32>
      %mul3A_94 = arith.constant 100000 : i32
      %mul3A_95 = vector.broadcast %mul3A_94 : i32 to vector<16xi32>
      %mul3A_96 = arith.muli %select_n3A_93, %mul3A_95 : vector<16xi32>
      %mul3A_97 = arith.constant 128 : i32
      %mul3A_98 = arith.muli %scan3A_31, %mul3A_97 : i32
      %add3A_99 = arith.constant 16 : i32
      %add3A_100 = arith.addi %mul3A_98, %add3A_99 : i32
      %get3A_101 = arith.index_cast %add3A_100 : i32 to index
      %get3A_102 = tpu.vector_load %arg7[%get3A_101] {strides = array<i32>} : memref<3328xi32, #tpu.memory_space<vmem>>, vector<16xi32>,
      %add3A_103 = arith.addi %get3A_102, %mul3A_96 : vector<16xi32>
      %swap3A_104 = arith.index_cast %scan3A_31 : i32 to index
      %swap3A_105 = arith.constant 16 : index
      %swap3A_106 = tpu.vector_load %arg8[%swap3A_104, %swap3A_105] {strides = array<i32>} : memref<26x128xi32, #tpu.memory_space<vmem>>, vector<16xi32>,
      tpu.vector_store %arg8[%swap3A_104, %swap3A_105], %add3A_103 {strides = array<i32>} : memref<26x128xi32, #tpu.memory_space<vmem>>, vector<16xi32>,
      %mul3A_107 = arith.constant 128 : i32
      %mul3A_108 = arith.muli %scan3A_31, %mul3A_107 : i32
      %add3A_109 = arith.constant 32 : i32
      %add3A_110 = arith.addi %mul3A_108, %add3A_109 : i32
      %add3A_111 = vector.broadcast %add3A_110 : i32 to vector<16xi32>
      %add3A_112 = arith.addi %iota3A, %add3A_111 : vector<16xi32>
      %jit3A_113 = arith.constant 26 : i32
      %eq3A_114 = arith.constant 0 : i32
      %eq3A_115 = arith.cmpi eq, %jit3A_113, %eq3A_114 : i32
      %jit3A_116 = arith.constant 1 : i32
      %select_n3A_117 = arith.select %eq3A_115, %jit3A_116, %jit3A_113 : i32
      %rem3A_118 = vector.broadcast %select_n3A_117 : i32 to vector<16xi32>
      %rem3A_119 = arith.remsi %add3A_112, %rem3A_118 : vector<16xi32>
      %ne3A_120 = arith.constant 0 : i32
      %ne3A_121 = vector.broadcast %ne3A_120 : i32 to vector<16xi32>
      %ne3A_122 = arith.cmpi ne, %rem3A_119, %ne3A_121 : vector<16xi32>
      %lt3A_123 = arith.constant 0 : i32
      %lt3A_124 = vector.broadcast %lt3A_123 : i32 to vector<16xi32>
      %lt3A_125 = arith.cmpi slt, %rem3A_119, %lt3A_124 : vector<16xi32>
      %lt3A_126 = arith.constant 0 : i32
      %lt3A_127 = arith.cmpi slt, %select_n3A_117, %lt3A_126 : i32
      %ne3A_128 = vector.broadcast %lt3A_127 : i1 to vector<16xi1>
      %ne3A_129 = vector.broadcast %ne3A_128 : vector<16xi1> to vector<16xi1>
      %ne3A_130 = arith.xori %lt3A_125, %ne3A_129 : vector<16xi1>
      %and3A_131 = arith.andi %ne3A_130, %ne3A_122 : vector<16xi1>
      %add3A_132 = vector.broadcast %select_n3A_117 : i32 to vector<16xi32>
      %add3A_133 = arith.addi %rem3A_119, %add3A_132 : vector<16xi32>
      %select_n3A_134 = arith.select %and3A_131, %add3A_133, %rem3A_119 : vector<16xi1>, vector<16xi32>
      %mul3A_135 = arith.constant 100000 : i32
      %mul3A_136 = vector.broadcast %mul3A_135 : i32 to vector<16xi32>
      %mul3A_137 = arith.muli %select_n3A_134, %mul3A_136 : vector<16xi32>
      %mul3A_138 = arith.constant 128 : i32
      %mul3A_139 = arith.muli %scan3A_31, %mul3A_138 : i32
      %add3A_140 = arith.constant 32 : i32
      %add3A_141 = arith.addi %mul3A_139, %add3A_140 : i32
      %get3A_142 = arith.index_cast %add3A_141 : i32 to index
      %get3A_143 = tpu.vector_load %arg7[%get3A_142] {strides = array<i32>} : memref<3328xi32, #tpu.memory_space<vmem>>, vector<16xi32>,
      %add3A_144 = arith.addi %get3A_143, %mul3A_137 : vector<16xi32>
      %swap3A_145 = arith.index_cast %scan3A_31 : i32 to index
      %swap3A_146 = arith.constant 32 : index
      %swap3A_147 = tpu.vector_load %arg8[%swap3A_145, %swap3A_146] {strides = array<i32>} : memref<26x128xi32, #tpu.memory_space<vmem>>, vector<16xi32>,
      tpu.vector_store %arg8[%swap3A_145, %swap3A_146], %add3A_144 {strides = array<i32>} : memref<26x128xi32, #tpu.memory_space<vmem>>, vector<16xi32>,
      %mul3A_148 = arith.constant 128 : i32
      %mul3A_149 = arith.muli %scan3A_31, %mul3A_148 : i32
      %add3A_150 = arith.constant 48 : i32
      %add3A_151 = arith.addi %mul3A_149, %add3A_150 : i32
      %add3A_152 = vector.broadcast %add3A_151 : i32 to vector<16xi32>
      %add3A_153 = arith.addi %iota3A, %add3A_152 : vector<16xi32>
      %jit3A_154 = arith.constant 26 : i32
      %eq3A_155 = arith.constant 0 : i32
      %eq3A_156 = arith.cmpi eq, %jit3A_154, %eq3A_155 : i32
      %jit3A_157 = arith.constant 1 : i32
      %select_n3A_158 = arith.select %eq3A_156, %jit3A_157, %jit3A_154 : i32
      %rem3A_159 = vector.broadcast %select_n3A_158 : i32 to vector<16xi32>
      %rem3A_160 = arith.remsi %add3A_153, %rem3A_159 : vector<16xi32>
      %ne3A_161 = arith.constant 0 : i32
      %ne3A_162 = vector.broadcast %ne3A_161 : i32 to vector<16xi32>
      %ne3A_163 = arith.cmpi ne, %rem3A_160, %ne3A_162 : vector<16xi32>
      %lt3A_164 = arith.constant 0 : i32
      %lt3A_165 = vector.broadcast %lt3A_164 : i32 to vector<16xi32>
      %lt3A_166 = arith.cmpi slt, %rem3A_160, %lt3A_165 : vector<16xi32>
      %lt3A_167 = arith.constant 0 : i32
      %lt3A_168 = arith.cmpi slt, %select_n3A_158, %lt3A_167 : i32
      %ne3A_169 = vector.broadcast %lt3A_168 : i1 to vector<16xi1>
      %ne3A_170 = vector.broadcast %ne3A_169 : vector<16xi1> to vector<16xi1>
      %ne3A_171 = arith.xori %lt3A_166, %ne3A_170 : vector<16xi1>
      %and3A_172 = arith.andi %ne3A_171, %ne3A_163 : vector<16xi1>
      %add3A_173 = vector.broadcast %select_n3A_158 : i32 to vector<16xi32>
      %add3A_174 = arith.addi %rem3A_160, %add3A_173 : vector<16xi32>
      %select_n3A_175 = arith.select %and3A_172, %add3A_174, %rem3A_160 : vector<16xi1>, vector<16xi32>
      %mul3A_176 = arith.constant 100000 : i32
      %mul3A_177 = vector.broadcast %mul3A_176 : i32 to vector<16xi32>
      %mul3A_178 = arith.muli %select_n3A_175, %mul3A_177 : vector<16xi32>
      %mul3A_179 = arith.constant 128 : i32
      %mul3A_180 = arith.muli %scan3A_31, %mul3A_179 : i32
      %add3A_181 = arith.constant 48 : i32
      %add3A_182 = arith.addi %mul3A_180, %add3A_181 : i32
      %get3A_183 = arith.index_cast %add3A_182 : i32 to index
      %get3A_184 = tpu.vector_load %arg7[%get3A_183] {strides = array<i32>} : memref<3328xi32, #tpu.memory_space<vmem>>, vector<16xi32>,
      %add3A_185 = arith.addi %get3A_184, %mul3A_178 : vector<16xi32>
      %swap3A_186 = arith.index_cast %scan3A_31 : i32 to index
      %swap3A_187 = arith.constant 48 : index
      %swap3A_188 = tpu.vector_load %arg8[%swap3A_186, %swap3A_187] {strides = array<i32>} : memref<26x128xi32, #tpu.memory_space<vmem>>, vector<16xi32>,
      tpu.vector_store %arg8[%swap3A_186, %swap3A_187], %add3A_185 {strides = array<i32>} : memref<26x128xi32, #tpu.memory_space<vmem>>, vector<16xi32>,
      %mul3A_189 = arith.constant 128 : i32
      %mul3A_190 = arith.muli %scan3A_31, %mul3A_189 : i32
      %add3A_191 = arith.constant 64 : i32
      %add3A_192 = arith.addi %mul3A_190, %add3A_191 : i32
      %add3A_193 = vector.broadcast %add3A_192 : i32 to vector<16xi32>
      %add3A_194 = arith.addi %iota3A, %add3A_193 : vector<16xi32>
      %jit3A_195 = arith.constant 26 : i32
      %eq3A_196 = arith.constant 0 : i32
      %eq3A_197 = arith.cmpi eq, %jit3A_195, %eq3A_196 : i32
      %jit3A_198 = arith.constant 1 : i32
      %select_n3A_199 = arith.select %eq3A_197, %jit3A_198, %jit3A_195 : i32
      %rem3A_200 = vector.broadcast %select_n3A_199 : i32 to vector<16xi32>
      %rem3A_201 = arith.remsi %add3A_194, %rem3A_200 : vector<16xi32>
      %ne3A_202 = arith.constant 0 : i32
      %ne3A_203 = vector.broadcast %ne3A_202 : i32 to vector<16xi32>
      %ne3A_204 = arith.cmpi ne, %rem3A_201, %ne3A_203 : vector<16xi32>
      %lt3A_205 = arith.constant 0 : i32
      %lt3A_206 = vector.broadcast %lt3A_205 : i32 to vector<16xi32>
      %lt3A_207 = arith.cmpi slt, %rem3A_201, %lt3A_206 : vector<16xi32>
      %lt3A_208 = arith.constant 0 : i32
      %lt3A_209 = arith.cmpi slt, %select_n3A_199, %lt3A_208 : i32
      %ne3A_210 = vector.broadcast %lt3A_209 : i1 to vector<16xi1>
      %ne3A_211 = vector.broadcast %ne3A_210 : vector<16xi1> to vector<16xi1>
      %ne3A_212 = arith.xori %lt3A_207, %ne3A_211 : vector<16xi1>
      %and3A_213 = arith.andi %ne3A_212, %ne3A_204 : vector<16xi1>
      %add3A_214 = vector.broadcast %select_n3A_199 : i32 to vector<16xi32>
      %add3A_215 = arith.addi %rem3A_201, %add3A_214 : vector<16xi32>
      %select_n3A_216 = arith.select %and3A_213, %add3A_215, %rem3A_201 : vector<16xi1>, vector<16xi32>
      %mul3A_217 = arith.constant 100000 : i32
      %mul3A_218 = vector.broadcast %mul3A_217 : i32 to vector<16xi32>
      %mul3A_219 = arith.muli %select_n3A_216, %mul3A_218 : vector<16xi32>
      %mul3A_220 = arith.constant 128 : i32
      %mul3A_221 = arith.muli %scan3A_31, %mul3A_220 : i32
      %add3A_222 = arith.constant 64 : i32
      %add3A_223 = arith.addi %mul3A_221, %add3A_222 : i32
      %get3A_224 = arith.index_cast %add3A_223 : i32 to index
      %get3A_225 = tpu.vector_load %arg7[%get3A_224] {strides = array<i32>} : memref<3328xi32, #tpu.memory_space<vmem>>, vector<16xi32>,
      %add3A_226 = arith.addi %get3A_225, %mul3A_219 : vector<16xi32>
      %swap3A_227 = arith.index_cast %scan3A_31 : i32 to index
      %swap3A_228 = arith.constant 64 : index
      %swap3A_229 = tpu.vector_load %arg8[%swap3A_227, %swap3A_228] {strides = array<i32>} : memref<26x128xi32, #tpu.memory_space<vmem>>, vector<16xi32>,
      tpu.vector_store %arg8[%swap3A_227, %swap3A_228], %add3A_226 {strides = array<i32>} : memref<26x128xi32, #tpu.memory_space<vmem>>, vector<16xi32>,
      %mul3A_230 = arith.constant 128 : i32
      %mul3A_231 = arith.muli %scan3A_31, %mul3A_230 : i32
      %add3A_232 = arith.constant 80 : i32
      %add3A_233 = arith.addi %mul3A_231, %add3A_232 : i32
      %add3A_234 = vector.broadcast %add3A_233 : i32 to vector<16xi32>
      %add3A_235 = arith.addi %iota3A, %add3A_234 : vector<16xi32>
      %jit3A_236 = arith.constant 26 : i32
      %eq3A_237 = arith.constant 0 : i32
      %eq3A_238 = arith.cmpi eq, %jit3A_236, %eq3A_237 : i32
      %jit3A_239 = arith.constant 1 : i32
      %select_n3A_240 = arith.select %eq3A_238, %jit3A_239, %jit3A_236 : i32
      %rem3A_241 = vector.broadcast %select_n3A_240 : i32 to vector<16xi32>
      %rem3A_242 = arith.remsi %add3A_235, %rem3A_241 : vector<16xi32>
      %ne3A_243 = arith.constant 0 : i32
      %ne3A_244 = vector.broadcast %ne3A_243 : i32 to vector<16xi32>
      %ne3A_245 = arith.cmpi ne, %rem3A_242, %ne3A_244 : vector<16xi32>
      %lt3A_246 = arith.constant 0 : i32
      %lt3A_247 = vector.broadcast %lt3A_246 : i32 to vector<16xi32>
      %lt3A_248 = arith.cmpi slt, %rem3A_242, %lt3A_247 : vector<16xi32>
      %lt3A_249 = arith.constant 0 : i32
      %lt3A_250 = arith.cmpi slt, %select_n3A_240, %lt3A_249 : i32
      %ne3A_251 = vector.broadcast %lt3A_250 : i1 to vector<16xi1>
      %ne3A_252 = vector.broadcast %ne3A_251 : vector<16xi1> to vector<16xi1>
      %ne3A_253 = arith.xori %lt3A_248, %ne3A_252 : vector<16xi1>
      %and3A_254 = arith.andi %ne3A_253, %ne3A_245 : vector<16xi1>
      %add3A_255 = vector.broadcast %select_n3A_240 : i32 to vector<16xi32>
      %add3A_256 = arith.addi %rem3A_242, %add3A_255 : vector<16xi32>
      %select_n3A_257 = arith.select %and3A_254, %add3A_256, %rem3A_242 : vector<16xi1>, vector<16xi32>
      %mul3A_258 = arith.constant 100000 : i32
      %mul3A_259 = vector.broadcast %mul3A_258 : i32 to vector<16xi32>
      %mul3A_260 = arith.muli %select_n3A_257, %mul3A_259 : vector<16xi32>
      %mul3A_261 = arith.constant 128 : i32
      %mul3A_262 = arith.muli %scan3A_31, %mul3A_261 : i32
      %add3A_263 = arith.constant 80 : i32
      %add3A_264 = arith.addi %mul3A_262, %add3A_263 : i32
      %get3A_265 = arith.index_cast %add3A_264 : i32 to index
      %get3A_266 = tpu.vector_load %arg7[%get3A_265] {strides = array<i32>} : memref<3328xi32, #tpu.memory_space<vmem>>, vector<16xi32>,
      %add3A_267 = arith.addi %get3A_266, %mul3A_260 : vector<16xi32>
      %swap3A_268 = arith.index_cast %scan3A_31 : i32 to index
      %swap3A_269 = arith.constant 80 : index
      %swap3A_270 = tpu.vector_load %arg8[%swap3A_268, %swap3A_269] {strides = array<i32>} : memref<26x128xi32, #tpu.memory_space<vmem>>, vector<16xi32>,
      tpu.vector_store %arg8[%swap3A_268, %swap3A_269], %add3A_267 {strides = array<i32>} : memref<26x128xi32, #tpu.memory_space<vmem>>, vector<16xi32>,
      %mul3A_271 = arith.constant 128 : i32
      %mul3A_272 = arith.muli %scan3A_31, %mul3A_271 : i32
      %add3A_273 = arith.constant 96 : i32
      %add3A_274 = arith.addi %mul3A_272, %add3A_273 : i32
      %add3A_275 = vector.broadcast %add3A_274 : i32 to vector<16xi32>
      %add3A_276 = arith.addi %iota3A, %add3A_275 : vector<16xi32>
      %jit3A_277 = arith.constant 26 : i32
      %eq3A_278 = arith.constant 0 : i32
      %eq3A_279 = arith.cmpi eq, %jit3A_277, %eq3A_278 : i32
      %jit3A_280 = arith.constant 1 : i32
      %select_n3A_281 = arith.select %eq3A_279, %jit3A_280, %jit3A_277 : i32
      %rem3A_282 = vector.broadcast %select_n3A_281 : i32 to vector<16xi32>
      %rem3A_283 = arith.remsi %add3A_276, %rem3A_282 : vector<16xi32>
      %ne3A_284 = arith.constant 0 : i32
      %ne3A_285 = vector.broadcast %ne3A_284 : i32 to vector<16xi32>
      %ne3A_286 = arith.cmpi ne, %rem3A_283, %ne3A_285 : vector<16xi32>
      %lt3A_287 = arith.constant 0 : i32
      %lt3A_288 = vector.broadcast %lt3A_287 : i32 to vector<16xi32>
      %lt3A_289 = arith.cmpi slt, %rem3A_283, %lt3A_288 : vector<16xi32>
      %lt3A_290 = arith.constant 0 : i32
      %lt3A_291 = arith.cmpi slt, %select_n3A_281, %lt3A_290 : i32
      %ne3A_292 = vector.broadcast %lt3A_291 : i1 to vector<16xi1>
      %ne3A_293 = vector.broadcast %ne3A_292 : vector<16xi1> to vector<16xi1>
      %ne3A_294 = arith.xori %lt3A_289, %ne3A_293 : vector<16xi1>
      %and3A_295 = arith.andi %ne3A_294, %ne3A_286 : vector<16xi1>
      %add3A_296 = vector.broadcast %select_n3A_281 : i32 to vector<16xi32>
      %add3A_297 = arith.addi %rem3A_283, %add3A_296 : vector<16xi32>
      %select_n3A_298 = arith.select %and3A_295, %add3A_297, %rem3A_283 : vector<16xi1>, vector<16xi32>
      %mul3A_299 = arith.constant 100000 : i32
      %mul3A_300 = vector.broadcast %mul3A_299 : i32 to vector<16xi32>
      %mul3A_301 = arith.muli %select_n3A_298, %mul3A_300 : vector<16xi32>
      %mul3A_302 = arith.constant 128 : i32
      %mul3A_303 = arith.muli %scan3A_31, %mul3A_302 : i32
      %add3A_304 = arith.constant 96 : i32
      %add3A_305 = arith.addi %mul3A_303, %add3A_304 : i32
      %get3A_306 = arith.index_cast %add3A_305 : i32 to index
      %get3A_307 = tpu.vector_load %arg7[%get3A_306] {strides = array<i32>} : memref<3328xi32, #tpu.memory_space<vmem>>, vector<16xi32>,
      %add3A_308 = arith.addi %get3A_307, %mul3A_301 : vector<16xi32>
      %swap3A_309 = arith.index_cast %scan3A_31 : i32 to index
      %swap3A_310 = arith.constant 96 : index
      %swap3A_311 = tpu.vector_load %arg8[%swap3A_309, %swap3A_310] {strides = array<i32>} : memref<26x128xi32, #tpu.memory_space<vmem>>, vector<16xi32>,
      tpu.vector_store %arg8[%swap3A_309, %swap3A_310], %add3A_308 {strides = array<i32>} : memref<26x128xi32, #tpu.memory_space<vmem>>, vector<16xi32>,
      %mul3A_312 = arith.constant 128 : i32
      %mul3A_313 = arith.muli %scan3A_31, %mul3A_312 : i32
      %add3A_314 = arith.constant 112 : i32
      %add3A_315 = arith.addi %mul3A_313, %add3A_314 : i32
      %add3A_316 = vector.broadcast %add3A_315 : i32 to vector<16xi32>
      %add3A_317 = arith.addi %iota3A, %add3A_316 : vector<16xi32>
      %jit3A_318 = arith.constant 26 : i32
      %eq3A_319 = arith.constant 0 : i32
      %eq3A_320 = arith.cmpi eq, %jit3A_318, %eq3A_319 : i32
      %jit3A_321 = arith.constant 1 : i32
      %select_n3A_322 = arith.select %eq3A_320, %jit3A_321, %jit3A_318 : i32
      %rem3A_323 = vector.broadcast %select_n3A_322 : i32 to vector<16xi32>
      %rem3A_324 = arith.remsi %add3A_317, %rem3A_323 : vector<16xi32>
      %ne3A_325 = arith.constant 0 : i32
      %ne3A_326 = vector.broadcast %ne3A_325 : i32 to vector<16xi32>
      %ne3A_327 = arith.cmpi ne, %rem3A_324, %ne3A_326 : vector<16xi32>
      %lt3A_328 = arith.constant 0 : i32
      %lt3A_329 = vector.broadcast %lt3A_328 : i32 to vector<16xi32>
      %lt3A_330 = arith.cmpi slt, %rem3A_324, %lt3A_329 : vector<16xi32>
      %lt3A_331 = arith.constant 0 : i32
      %lt3A_332 = arith.cmpi slt, %select_n3A_322, %lt3A_331 : i32
      %ne3A_333 = vector.broadcast %lt3A_332 : i1 to vector<16xi1>
      %ne3A_334 = vector.broadcast %ne3A_333 : vector<16xi1> to vector<16xi1>
      %ne3A_335 = arith.xori %lt3A_330, %ne3A_334 : vector<16xi1>
      %and3A_336 = arith.andi %ne3A_335, %ne3A_327 : vector<16xi1>
      %add3A_337 = vector.broadcast %select_n3A_322 : i32 to vector<16xi32>
      %add3A_338 = arith.addi %rem3A_324, %add3A_337 : vector<16xi32>
      %select_n3A_339 = arith.select %and3A_336, %add3A_338, %rem3A_324 : vector<16xi1>, vector<16xi32>
      %mul3A_340 = arith.constant 100000 : i32
      %mul3A_341 = vector.broadcast %mul3A_340 : i32 to vector<16xi32>
      %mul3A_342 = arith.muli %select_n3A_339, %mul3A_341 : vector<16xi32>
      %mul3A_343 = arith.constant 128 : i32
      %mul3A_344 = arith.muli %scan3A_31, %mul3A_343 : i32
      %add3A_345 = arith.constant 112 : i32
      %add3A_346 = arith.addi %mul3A_344, %add3A_345 : i32
      %get3A_347 = arith.index_cast %add3A_346 : i32 to index
      %get3A_348 = tpu.vector_load %arg7[%get3A_347] {strides = array<i32>} : memref<3328xi32, #tpu.memory_space<vmem>>, vector<16xi32>,
      %add3A_349 = arith.addi %get3A_348, %mul3A_342 : vector<16xi32>
      %swap3A_350 = arith.index_cast %scan3A_31 : i32 to index
      %swap3A_351 = arith.constant 112 : index
      %swap3A_352 = tpu.vector_load %arg8[%swap3A_350, %swap3A_351] {strides = array<i32>} : memref<26x128xi32, #tpu.memory_space<vmem>>, vector<16xi32>,
      tpu.vector_store %arg8[%swap3A_350, %swap3A_351], %add3A_349 {strides = array<i32>} : memref<26x128xi32, #tpu.memory_space<vmem>>, vector<16xi32>,
    }
    %scan3A_7 = arith.constant 26 : i32
    %scan3A_8 = arith.constant 0 : i32
    %scan3A_9 = arith.constant 0 : i32
    %scan3A_10 = arith.constant 26 : i32
    %scan3A_11 = arith.addi %scan3A_9, %scan3A_10 : i32
    %scan3A_12 = arith.constant 1 : i32
    scf.for %scan3A_31 = %scan3A_9 to %scan3A_11 step %scan3A_12  : i32 {
      %mul3A_32 = arith.constant 128 : i32
      %mul3A_33 = arith.muli %scan3A_31, %mul3A_32 : i32
      %dma_start3A = arith.constant 0 : i32
      %dma_start3A_34 = tpu.memref_slice %arg9[%mul3A_33, %dma_start3A] : memref<3328x16xf32, #tpu.memory_space<vmem>> -> memref<128x16xf32, #tpu.memory_space<vmem>>
      %dma_start3A_35 = arith.constant 0 : i32
      %dma_start3A_36 = tpu.memref_slice %arg8[%scan3A_31, %dma_start3A_35] : memref<26x128xi32, #tpu.memory_space<vmem>> -> memref<1x128xi32, #tpu.memory_space<vmem>>
      %dma_start3A_37 = tpu.memref_squeeze %dma_start3A_36 : memref<1x128xi32, #tpu.memory_space<vmem>> -> memref<128xi32, #tpu.memory_space<vmem>>
      %dma_start3A_38 = arith.constant 0 : i32
      %dma_start3A_39 = arith.constant 0 : i32
      %dma_start3A_40 = tpu.memref_slice %arg3[%dma_start3A_38, %dma_start3A_39] : memref<2600000x16xf32, #tpu.memory_space<hbm>> -> memref<2600000x16xf32, #tpu.memory_space<hbm>>
      tpu.enqueue_indirect_dma source(%dma_start3A_40 : memref<2600000x16xf32, #tpu.memory_space<hbm>>) target(%dma_start3A_34 : memref<128x16xf32, #tpu.memory_space<vmem>>) offsets(%dma_start3A_37 : memref<128xi32, #tpu.memory_space<vmem>>) semaphore(%arg13 : memref<!tpu.dma_semaphore, #tpu.memory_space<semaphore_mem>>)
      %mul3A_41 = arith.constant 128 : i32
      %mul3A_42 = arith.muli %scan3A_31, %mul3A_41 : i32
      %dma_start3A_43 = tpu.memref_slice %arg10[%mul3A_42] : memref<3344xf32, #tpu.memory_space<vmem>> -> memref<128xf32, #tpu.memory_space<vmem>>
      %dma_start3A_44 = arith.constant 0 : i32
      %dma_start3A_45 = tpu.memref_slice %arg8[%scan3A_31, %dma_start3A_44] : memref<26x128xi32, #tpu.memory_space<vmem>> -> memref<1x128xi32, #tpu.memory_space<vmem>>
      %dma_start3A_46 = tpu.memref_squeeze %dma_start3A_45 : memref<1x128xi32, #tpu.memory_space<vmem>> -> memref<128xi32, #tpu.memory_space<vmem>>
      %dma_start3A_47 = arith.constant 0 : i32
      %dma_start3A_48 = tpu.memref_slice %arg4[%dma_start3A_47] : memref<2600000xf32, #tpu.memory_space<hbm>> -> memref<2600000xf32, #tpu.memory_space<hbm>>
      tpu.enqueue_indirect_dma source(%dma_start3A_48 : memref<2600000xf32, #tpu.memory_space<hbm>>) target(%dma_start3A_43 : memref<128xf32, #tpu.memory_space<vmem>>) offsets(%dma_start3A_46 : memref<128xi32, #tpu.memory_space<vmem>>) semaphore(%arg14 : memref<!tpu.dma_semaphore, #tpu.memory_space<semaphore_mem>>)
    }
    %scan3A_13 = arith.constant 26 : i32
    %scan3A_14 = arith.constant 0 : i32
    %scan3A_15 = arith.constant 0 : i32
    %scan3A_16 = arith.constant 26 : i32
    %scan3A_17 = arith.addi %scan3A_15, %scan3A_16 : i32
    %scan3A_18 = arith.constant 1 : i32
    scf.for %scan3A_31 = %scan3A_15 to %scan3A_17 step %scan3A_18  : i32 {
      %mul3A_32 = arith.constant 128 : i32
      %mul3A_33 = arith.muli %scan3A_31, %mul3A_32 : i32
      %dma_wait3A = arith.constant 0 : i32
      %dma_wait3A_34 = tpu.memref_slice %arg9[%mul3A_33, %dma_wait3A] : memref<3328x16xf32, #tpu.memory_space<vmem>> -> memref<128x16xf32, #tpu.memory_space<vmem>>
      %dma_wait3A_35 = arith.constant 0 : i32
      %dma_wait3A_36 = tpu.memref_slice %arg8[%scan3A_31, %dma_wait3A_35] : memref<26x128xi32, #tpu.memory_space<vmem>> -> memref<1x128xi32, #tpu.memory_space<vmem>>
      %dma_wait3A_37 = tpu.memref_squeeze %dma_wait3A_36 : memref<1x128xi32, #tpu.memory_space<vmem>> -> memref<128xi32, #tpu.memory_space<vmem>>
      %dma_wait3A_38 = arith.constant 0 : i32
      %dma_wait3A_39 = arith.constant 0 : i32
      %dma_wait3A_40 = tpu.memref_slice %arg3[%dma_wait3A_38, %dma_wait3A_39] : memref<2600000x16xf32, #tpu.memory_space<hbm>> -> memref<2600000x16xf32, #tpu.memory_space<hbm>>
      tpu.wait_indirect_dma semaphore(%arg13 : memref<!tpu.dma_semaphore, #tpu.memory_space<semaphore_mem>>) src(%dma_wait3A_40 : memref<2600000x16xf32, #tpu.memory_space<hbm>>) dst(%dma_wait3A_34 : memref<128x16xf32, #tpu.memory_space<vmem>>)
      %mul3A_41 = arith.constant 128 : i32
      %mul3A_42 = arith.muli %scan3A_31, %mul3A_41 : i32
      %dma_wait3A_43 = tpu.memref_slice %arg10[%mul3A_42] : memref<3344xf32, #tpu.memory_space<vmem>> -> memref<128xf32, #tpu.memory_space<vmem>>
      %dma_wait3A_44 = arith.constant 0 : i32
      %dma_wait3A_45 = tpu.memref_slice %arg8[%scan3A_31, %dma_wait3A_44] : memref<26x128xi32, #tpu.memory_space<vmem>> -> memref<1x128xi32, #tpu.memory_space<vmem>>
      %dma_wait3A_46 = tpu.memref_squeeze %dma_wait3A_45 : memref<1x128xi32, #tpu.memory_space<vmem>> -> memref<128xi32, #tpu.memory_space<vmem>>
      %dma_wait3A_47 = arith.constant 0 : i32
      %dma_wait3A_48 = tpu.memref_slice %arg4[%dma_wait3A_47] : memref<2600000xf32, #tpu.memory_space<hbm>> -> memref<2600000xf32, #tpu.memory_space<hbm>>
      tpu.wait_indirect_dma semaphore(%arg14 : memref<!tpu.dma_semaphore, #tpu.memory_space<semaphore_mem>>) src(%dma_wait3A_48 : memref<2600000xf32, #tpu.memory_space<hbm>>) dst(%dma_wait3A_43 : memref<128xf32, #tpu.memory_space<vmem>>)
    }
    %scan3A_19 = arith.constant 26 : i32
    %get3A = arith.constant 0 : index
    %get3A_20 = tpu.vector_load %arg12[%get3A] {strides = array<i32>} : memref<16xf32, #tpu.memory_space<vmem>>, vector<16xf32>,
    %lt3A = arith.constant 10 : i32
    %lt3A_21 = vector.broadcast %lt3A : i32 to vector<16xi32>
    %lt3A_22 = arith.cmpi slt, %iota3A, %lt3A_21 : vector<16xi32>
    %scan3A_23 = arith.constant 0 : i32
    %scan3A_24 = arith.constant 0 : i32
    %scan3A_25 = arith.constant 8 : i32
    %scan3A_26 = arith.addi %scan3A_24, %scan3A_25 : i32
    %scan3A_27 = arith.constant 1 : i32
    scf.for %scan3A_31 = %scan3A_24 to %scan3A_26 step %scan3A_27  : i32 {
      %broadcast_in_dim3A = arith.constant 0.000000e+00 : f32
      %broadcast_in_dim3A_32 = vector.broadcast %broadcast_in_dim3A : f32 to vector<16xf32>
      %mul3A_33 = arith.constant 16 : i32
      %mul3A_34 = arith.muli %scan3A_31, %mul3A_33 : i32
      %add3A_35 = arith.constant 0 : i32
      %add3A_36 = arith.addi %mul3A_34, %add3A_35 : i32
      %mul3A_37 = arith.constant 26 : i32
      %mul3A_38 = arith.muli %add3A_36, %mul3A_37 : i32
      %broadcast_in_dim3A_39 = arith.constant 0.000000e+00 : f32
      %broadcast_in_dim3A_40 = vector.broadcast %broadcast_in_dim3A_39 : f32 to vector<16xf32>
      %broadcast_in_dim3A_41 = arith.constant 0.000000e+00 : f32
      %broadcast_in_dim3A_42 = vector.broadcast %broadcast_in_dim3A_41 : f32 to vector<16xf32>
      %add3A_43 = arith.constant 0 : i32
      %add3A_44 = arith.addi %mul3A_38, %add3A_43 : i32
      %get3A_45 = arith.index_cast %add3A_44 : i32 to index
      %get3A_46 = arith.constant 0 : index
      %get3A_47 = tpu.vector_load %arg9[%get3A_45, %get3A_46] {strides = array<i32>} : memref<3328x16xf32, #tpu.memory_space<vmem>>, vector<16xf32>,
      %add3A_48 = arith.addf %broadcast_in_dim3A_40, %get3A_47 : vector<16xf32>
      %mul3A_49 = arith.mulf %get3A_47, %get3A_47 : vector<16xf32>
      %add3A_50 = arith.addf %broadcast_in_dim3A_42, %mul3A_49 : vector<16xf32>
      %add3A_51 = arith.constant 1 : i32
      %add3A_52 = arith.addi %mul3A_38, %add3A_51 : i32
      %get3A_53 = arith.index_cast %add3A_52 : i32 to index
      %get3A_54 = arith.constant 0 : index
      %get3A_55 = tpu.vector_load %arg9[%get3A_53, %get3A_54] {strides = array<i32>} : memref<3328x16xf32, #tpu.memory_space<vmem>>, vector<16xf32>,
      %add3A_56 = arith.addf %add3A_48, %get3A_55 : vector<16xf32>
      %mul3A_57 = arith.mulf %get3A_55, %get3A_55 : vector<16xf32>
      %add3A_58 = arith.addf %add3A_50, %mul3A_57 : vector<16xf32>
      %add3A_59 = arith.constant 2 : i32
      %add3A_60 = arith.addi %mul3A_38, %add3A_59 : i32
      %get3A_61 = arith.index_cast %add3A_60 : i32 to index
      %get3A_62 = arith.constant 0 : index
      %get3A_63 = tpu.vector_load %arg9[%get3A_61, %get3A_62] {strides = array<i32>} : memref<3328x16xf32, #tpu.memory_space<vmem>>, vector<16xf32>,
      %add3A_64 = arith.addf %add3A_56, %get3A_63 : vector<16xf32>
      %mul3A_65 = arith.mulf %get3A_63, %get3A_63 : vector<16xf32>
      %add3A_66 = arith.addf %add3A_58, %mul3A_65 : vector<16xf32>
      %add3A_67 = arith.constant 3 : i32
      %add3A_68 = arith.addi %mul3A_38, %add3A_67 : i32
      %get3A_69 = arith.index_cast %add3A_68 : i32 to index
      %get3A_70 = arith.constant 0 : index
      %get3A_71 = tpu.vector_load %arg9[%get3A_69, %get3A_70] {strides = array<i32>} : memref<3328x16xf32, #tpu.memory_space<vmem>>, vector<16xf32>,
      %add3A_72 = arith.addf %add3A_64, %get3A_71 : vector<16xf32>
      %mul3A_73 = arith.mulf %get3A_71, %get3A_71 : vector<16xf32>
      %add3A_74 = arith.addf %add3A_66, %mul3A_73 : vector<16xf32>
      %add3A_75 = arith.constant 4 : i32
      %add3A_76 = arith.addi %mul3A_38, %add3A_75 : i32
      %get3A_77 = arith.index_cast %add3A_76 : i32 to index
      %get3A_78 = arith.constant 0 : index
      %get3A_79 = tpu.vector_load %arg9[%get3A_77, %get3A_78] {strides = array<i32>} : memref<3328x16xf32, #tpu.memory_space<vmem>>, vector<16xf32>,
      %add3A_80 = arith.addf %add3A_72, %get3A_79 : vector<16xf32>
      %mul3A_81 = arith.mulf %get3A_79, %get3A_79 : vector<16xf32>
      %add3A_82 = arith.addf %add3A_74, %mul3A_81 : vector<16xf32>
      %add3A_83 = arith.constant 5 : i32
      %add3A_84 = arith.addi %mul3A_38, %add3A_83 : i32
      %get3A_85 = arith.index_cast %add3A_84 : i32 to index
      %get3A_86 = arith.constant 0 : index
      %get3A_87 = tpu.vector_load %arg9[%get3A_85, %get3A_86] {strides = array<i32>} : memref<3328x16xf32, #tpu.memory_space<vmem>>, vector<16xf32>,
      %add3A_88 = arith.addf %add3A_80, %get3A_87 : vector<16xf32>
      %mul3A_89 = arith.mulf %get3A_87, %get3A_87 : vector<16xf32>
      %add3A_90 = arith.addf %add3A_82, %mul3A_89 : vector<16xf32>
      %add3A_91 = arith.constant 6 : i32
      %add3A_92 = arith.addi %mul3A_38, %add3A_91 : i32
      %get3A_93 = arith.index_cast %add3A_92 : i32 to index
      %get3A_94 = arith.constant 0 : index
      %get3A_95 = tpu.vector_load %arg9[%get3A_93, %get3A_94] {strides = array<i32>} : memref<3328x16xf32, #tpu.memory_space<vmem>>, vector<16xf32>,
      %add3A_96 = arith.addf %add3A_88, %get3A_95 : vector<16xf32>
      %mul3A_97 = arith.mulf %get3A_95, %get3A_95 : vector<16xf32>
      %add3A_98 = arith.addf %add3A_90, %mul3A_97 : vector<16xf32>
      %add3A_99 = arith.constant 7 : i32
      %add3A_100 = arith.addi %mul3A_38, %add3A_99 : i32
      %get3A_101 = arith.index_cast %add3A_100 : i32 to index
      %get3A_102 = arith.constant 0 : index
      %get3A_103 = tpu.vector_load %arg9[%get3A_101, %get3A_102] {strides = array<i32>} : memref<3328x16xf32, #tpu.memory_space<vmem>>, vector<16xf32>,
      %add3A_104 = arith.addf %add3A_96, %get3A_103 : vector<16xf32>
      %mul3A_105 = arith.mulf %get3A_103, %get3A_103 : vector<16xf32>
      %add3A_106 = arith.addf %add3A_98, %mul3A_105 : vector<16xf32>
      %add3A_107 = arith.constant 8 : i32
      %add3A_108 = arith.addi %mul3A_38, %add3A_107 : i32
      %get3A_109 = arith.index_cast %add3A_108 : i32 to index
      %get3A_110 = arith.constant 0 : index
      %get3A_111 = tpu.vector_load %arg9[%get3A_109, %get3A_110] {strides = array<i32>} : memref<3328x16xf32, #tpu.memory_space<vmem>>, vector<16xf32>,
      %add3A_112 = arith.addf %add3A_104, %get3A_111 : vector<16xf32>
      %mul3A_113 = arith.mulf %get3A_111, %get3A_111 : vector<16xf32>
      %add3A_114 = arith.addf %add3A_106, %mul3A_113 : vector<16xf32>
      %add3A_115 = arith.constant 9 : i32
      %add3A_116 = arith.addi %mul3A_38, %add3A_115 : i32
      %get3A_117 = arith.index_cast %add3A_116 : i32 to index
      %get3A_118 = arith.constant 0 : index
      %get3A_119 = tpu.vector_load %arg9[%get3A_117, %get3A_118] {strides = array<i32>} : memref<3328x16xf32, #tpu.memory_space<vmem>>, vector<16xf32>,
      %add3A_120 = arith.addf %add3A_112, %get3A_119 : vector<16xf32>
      %mul3A_121 = arith.mulf %get3A_119, %get3A_119 : vector<16xf32>
      %add3A_122 = arith.addf %add3A_114, %mul3A_121 : vector<16xf32>
      %add3A_123 = arith.constant 10 : i32
      %add3A_124 = arith.addi %mul3A_38, %add3A_123 : i32
      %get3A_125 = arith.index_cast %add3A_124 : i32 to index
      %get3A_126 = arith.constant 0 : index
      %get3A_127 = tpu.vector_load %arg9[%get3A_125, %get3A_126] {strides = array<i32>} : memref<3328x16xf32, #tpu.memory_space<vmem>>, vector<16xf32>,
      %add3A_128 = arith.addf %add3A_120, %get3A_127 : vector<16xf32>
      %mul3A_129 = arith.mulf %get3A_127, %get3A_127 : vector<16xf32>
      %add3A_130 = arith.addf %add3A_122, %mul3A_129 : vector<16xf32>
      %add3A_131 = arith.constant 11 : i32
      %add3A_132 = arith.addi %mul3A_38, %add3A_131 : i32
      %get3A_133 = arith.index_cast %add3A_132 : i32 to index
      %get3A_134 = arith.constant 0 : index
      %get3A_135 = tpu.vector_load %arg9[%get3A_133, %get3A_134] {strides = array<i32>} : memref<3328x16xf32, #tpu.memory_space<vmem>>, vector<16xf32>,
      %add3A_136 = arith.addf %add3A_128, %get3A_135 : vector<16xf32>
      %mul3A_137 = arith.mulf %get3A_135, %get3A_135 : vector<16xf32>
      %add3A_138 = arith.addf %add3A_130, %mul3A_137 : vector<16xf32>
      %add3A_139 = arith.constant 12 : i32
      %add3A_140 = arith.addi %mul3A_38, %add3A_139 : i32
      %get3A_141 = arith.index_cast %add3A_140 : i32 to index
      %get3A_142 = arith.constant 0 : index
      %get3A_143 = tpu.vector_load %arg9[%get3A_141, %get3A_142] {strides = array<i32>} : memref<3328x16xf32, #tpu.memory_space<vmem>>, vector<16xf32>,
      %add3A_144 = arith.addf %add3A_136, %get3A_143 : vector<16xf32>
      %mul3A_145 = arith.mulf %get3A_143, %get3A_143 : vector<16xf32>
      %add3A_146 = arith.addf %add3A_138, %mul3A_145 : vector<16xf32>
      %add3A_147 = arith.constant 13 : i32
      %add3A_148 = arith.addi %mul3A_38, %add3A_147 : i32
      %get3A_149 = arith.index_cast %add3A_148 : i32 to index
      %get3A_150 = arith.constant 0 : index
      %get3A_151 = tpu.vector_load %arg9[%get3A_149, %get3A_150] {strides = array<i32>} : memref<3328x16xf32, #tpu.memory_space<vmem>>, vector<16xf32>,
      %add3A_152 = arith.addf %add3A_144, %get3A_151 : vector<16xf32>
      %mul3A_153 = arith.mulf %get3A_151, %get3A_151 : vector<16xf32>
      %add3A_154 = arith.addf %add3A_146, %mul3A_153 : vector<16xf32>
      %add3A_155 = arith.constant 14 : i32
      %add3A_156 = arith.addi %mul3A_38, %add3A_155 : i32
      %get3A_157 = arith.index_cast %add3A_156 : i32 to index
      %get3A_158 = arith.constant 0 : index
      %get3A_159 = tpu.vector_load %arg9[%get3A_157, %get3A_158] {strides = array<i32>} : memref<3328x16xf32, #tpu.memory_space<vmem>>, vector<16xf32>,
      %add3A_160 = arith.addf %add3A_152, %get3A_159 : vector<16xf32>
      %mul3A_161 = arith.mulf %get3A_159, %get3A_159 : vector<16xf32>
      %add3A_162 = arith.addf %add3A_154, %mul3A_161 : vector<16xf32>
      %add3A_163 = arith.constant 15 : i32
      %add3A_164 = arith.addi %mul3A_38, %add3A_163 : i32
      %get3A_165 = arith.index_cast %add3A_164 : i32 to index
      %get3A_166 = arith.constant 0 : index
      %get3A_167 = tpu.vector_load %arg9[%get3A_165, %get3A_166] {strides = array<i32>} : memref<3328x16xf32, #tpu.memory_space<vmem>>, vector<16xf32>,
      %add3A_168 = arith.addf %add3A_160, %get3A_167 : vector<16xf32>
      %mul3A_169 = arith.mulf %get3A_167, %get3A_167 : vector<16xf32>
      %add3A_170 = arith.addf %add3A_162, %mul3A_169 : vector<16xf32>
      %add3A_171 = arith.constant 16 : i32
      %add3A_172 = arith.addi %mul3A_38, %add3A_171 : i32
      %get3A_173 = arith.index_cast %add3A_172 : i32 to index
      %get3A_174 = arith.constant 0 : index
      %get3A_175 = tpu.vector_load %arg9[%get3A_173, %get3A_174] {strides = array<i32>} : memref<3328x16xf32, #tpu.memory_space<vmem>>, vector<16xf32>,
      %add3A_176 = arith.addf %add3A_168, %get3A_175 : vector<16xf32>
      %mul3A_177 = arith.mulf %get3A_175, %get3A_175 : vector<16xf32>
      %add3A_178 = arith.addf %add3A_170, %mul3A_177 : vector<16xf32>
      %add3A_179 = arith.constant 17 : i32
      %add3A_180 = arith.addi %mul3A_38, %add3A_179 : i32
      %get3A_181 = arith.index_cast %add3A_180 : i32 to index
      %get3A_182 = arith.constant 0 : index
      %get3A_183 = tpu.vector_load %arg9[%get3A_181, %get3A_182] {strides = array<i32>} : memref<3328x16xf32, #tpu.memory_space<vmem>>, vector<16xf32>,
      %add3A_184 = arith.addf %add3A_176, %get3A_183 : vector<16xf32>
      %mul3A_185 = arith.mulf %get3A_183, %get3A_183 : vector<16xf32>
      %add3A_186 = arith.addf %add3A_178, %mul3A_185 : vector<16xf32>
      %add3A_187 = arith.constant 18 : i32
      %add3A_188 = arith.addi %mul3A_38, %add3A_187 : i32
      %get3A_189 = arith.index_cast %add3A_188 : i32 to index
      %get3A_190 = arith.constant 0 : index
      %get3A_191 = tpu.vector_load %arg9[%get3A_189, %get3A_190] {strides = array<i32>} : memref<3328x16xf32, #tpu.memory_space<vmem>>, vector<16xf32>,
      %add3A_192 = arith.addf %add3A_184, %get3A_191 : vector<16xf32>
      %mul3A_193 = arith.mulf %get3A_191, %get3A_191 : vector<16xf32>
      %add3A_194 = arith.addf %add3A_186, %mul3A_193 : vector<16xf32>
      %add3A_195 = arith.constant 19 : i32
      %add3A_196 = arith.addi %mul3A_38, %add3A_195 : i32
      %get3A_197 = arith.index_cast %add3A_196 : i32 to index
      %get3A_198 = arith.constant 0 : index
      %get3A_199 = tpu.vector_load %arg9[%get3A_197, %get3A_198] {strides = array<i32>} : memref<3328x16xf32, #tpu.memory_space<vmem>>, vector<16xf32>,
      %add3A_200 = arith.addf %add3A_192, %get3A_199 : vector<16xf32>
      %mul3A_201 = arith.mulf %get3A_199, %get3A_199 : vector<16xf32>
      %add3A_202 = arith.addf %add3A_194, %mul3A_201 : vector<16xf32>
      %add3A_203 = arith.constant 20 : i32
      %add3A_204 = arith.addi %mul3A_38, %add3A_203 : i32
      %get3A_205 = arith.index_cast %add3A_204 : i32 to index
      %get3A_206 = arith.constant 0 : index
      %get3A_207 = tpu.vector_load %arg9[%get3A_205, %get3A_206] {strides = array<i32>} : memref<3328x16xf32, #tpu.memory_space<vmem>>, vector<16xf32>,
      %add3A_208 = arith.addf %add3A_200, %get3A_207 : vector<16xf32>
      %mul3A_209 = arith.mulf %get3A_207, %get3A_207 : vector<16xf32>
      %add3A_210 = arith.addf %add3A_202, %mul3A_209 : vector<16xf32>
      %add3A_211 = arith.constant 21 : i32
      %add3A_212 = arith.addi %mul3A_38, %add3A_211 : i32
      %get3A_213 = arith.index_cast %add3A_212 : i32 to index
      %get3A_214 = arith.constant 0 : index
      %get3A_215 = tpu.vector_load %arg9[%get3A_213, %get3A_214] {strides = array<i32>} : memref<3328x16xf32, #tpu.memory_space<vmem>>, vector<16xf32>,
      %add3A_216 = arith.addf %add3A_208, %get3A_215 : vector<16xf32>
      %mul3A_217 = arith.mulf %get3A_215, %get3A_215 : vector<16xf32>
      %add3A_218 = arith.addf %add3A_210, %mul3A_217 : vector<16xf32>
      %add3A_219 = arith.constant 22 : i32
      %add3A_220 = arith.addi %mul3A_38, %add3A_219 : i32
      %get3A_221 = arith.index_cast %add3A_220 : i32 to index
      %get3A_222 = arith.constant 0 : index
      %get3A_223 = tpu.vector_load %arg9[%get3A_221, %get3A_222] {strides = array<i32>} : memref<3328x16xf32, #tpu.memory_space<vmem>>, vector<16xf32>,
      %add3A_224 = arith.addf %add3A_216, %get3A_223 : vector<16xf32>
      %mul3A_225 = arith.mulf %get3A_223, %get3A_223 : vector<16xf32>
      %add3A_226 = arith.addf %add3A_218, %mul3A_225 : vector<16xf32>
      %add3A_227 = arith.constant 23 : i32
      %add3A_228 = arith.addi %mul3A_38, %add3A_227 : i32
      %get3A_229 = arith.index_cast %add3A_228 : i32 to index
      %get3A_230 = arith.constant 0 : index
      %get3A_231 = tpu.vector_load %arg9[%get3A_229, %get3A_230] {strides = array<i32>} : memref<3328x16xf32, #tpu.memory_space<vmem>>, vector<16xf32>,
      %add3A_232 = arith.addf %add3A_224, %get3A_231 : vector<16xf32>
      %mul3A_233 = arith.mulf %get3A_231, %get3A_231 : vector<16xf32>
      %add3A_234 = arith.addf %add3A_226, %mul3A_233 : vector<16xf32>
      %add3A_235 = arith.constant 24 : i32
      %add3A_236 = arith.addi %mul3A_38, %add3A_235 : i32
      %get3A_237 = arith.index_cast %add3A_236 : i32 to index
      %get3A_238 = arith.constant 0 : index
      %get3A_239 = tpu.vector_load %arg9[%get3A_237, %get3A_238] {strides = array<i32>} : memref<3328x16xf32, #tpu.memory_space<vmem>>, vector<16xf32>,
      %add3A_240 = arith.addf %add3A_232, %get3A_239 : vector<16xf32>
      %mul3A_241 = arith.mulf %get3A_239, %get3A_239 : vector<16xf32>
      %add3A_242 = arith.addf %add3A_234, %mul3A_241 : vector<16xf32>
      %add3A_243 = arith.constant 25 : i32
      %add3A_244 = arith.addi %mul3A_38, %add3A_243 : i32
      %get3A_245 = arith.index_cast %add3A_244 : i32 to index
      %get3A_246 = arith.constant 0 : index
      %get3A_247 = tpu.vector_load %arg9[%get3A_245, %get3A_246] {strides = array<i32>} : memref<3328x16xf32, #tpu.memory_space<vmem>>, vector<16xf32>,
      %add3A_248 = arith.addf %add3A_240, %get3A_247 : vector<16xf32>
      %mul3A_249 = arith.mulf %get3A_247, %get3A_247 : vector<16xf32>
      %add3A_250 = arith.addf %add3A_242, %mul3A_249 : vector<16xf32>
      %get3A_251 = arith.index_cast %mul3A_38 : i32 to index
      %get3A_252 = tpu.vector_load %arg10[%get3A_251] {strides = array<i32>} : memref<3344xf32, #tpu.memory_space<vmem>>, vector<16xf32>,
      %add3A_253 = arith.constant 16 : i32
      %add3A_254 = arith.addi %mul3A_38, %add3A_253 : i32
      %get3A_255 = arith.index_cast %add3A_254 : i32 to index
      %get3A_256 = tpu.vector_load %arg10[%get3A_255] {strides = array<i32>} : memref<3344xf32, #tpu.memory_space<vmem>>, vector<16xf32>,
      %mul3A_257 = arith.mulf %add3A_248, %add3A_248 : vector<16xf32>
      %sub3A = arith.subf %mul3A_257, %add3A_250 : vector<16xf32>
      %mul3A_258 = arith.constant 5.000000e-01 : f32
      %mul3A_259 = vector.broadcast %mul3A_258 : f32 to vector<16xf32>
      %mul3A_260 = arith.mulf %mul3A_259, %sub3A : vector<16xf32>
      %add3A_261 = arith.addf %mul3A_260, %get3A_252 : vector<16xf32>
      %jit3A = arith.constant 0.000000e+00 : f32
      %broadcast_in_dim3A_262 = vector.broadcast %jit3A : f32 to vector<16xf32>
      %select_n3A = arith.select %lt3A_22, %get3A_256, %broadcast_in_dim3A_262 : vector<16xi1>, vector<16xf32>
      %add3A_263 = arith.addf %add3A_261, %select_n3A : vector<16xf32>
      %eq3A = arith.constant 0 : i32
      %eq3A_264 = vector.broadcast %eq3A : i32 to vector<16xi32>
      %eq3A_265 = arith.cmpi eq, %iota3A, %eq3A_264 : vector<16xi32>
      %reduce_sum3A = arith.constant true
      %reduce_sum3A_266 = vector.broadcast %reduce_sum3A : i1 to vector<16xi1>
      %reduce_sum3A_267 = tpu.scan <sum>, %add3A_263 masked %reduce_sum3A_266 : vector<16xf32>, vector<16xi1> -> vector<16xf32>
      %reduce_sum3A_268 = vector.extract %reduce_sum3A_267[15] : f32 from vector<16xf32>
      %broadcast_in_dim3A_269 = vector.broadcast %reduce_sum3A_268 : f32 to vector<16xf32>
      %select_n3A_270 = arith.select %eq3A_265, %broadcast_in_dim3A_269, %broadcast_in_dim3A_32 : vector<16xi1>, vector<16xf32>
      %mul3A_271 = arith.constant 16 : i32
      %mul3A_272 = arith.muli %scan3A_31, %mul3A_271 : i32
      %add3A_273 = arith.constant 1 : i32
      %add3A_274 = arith.addi %mul3A_272, %add3A_273 : i32
      %mul3A_275 = arith.constant 26 : i32
      %mul3A_276 = arith.muli %add3A_274, %mul3A_275 : i32
      %broadcast_in_dim3A_277 = arith.constant 0.000000e+00 : f32
      %broadcast_in_dim3A_278 = vector.broadcast %broadcast_in_dim3A_277 : f32 to vector<16xf32>
      %broadcast_in_dim3A_279 = arith.constant 0.000000e+00 : f32
      %broadcast_in_dim3A_280 = vector.broadcast %broadcast_in_dim3A_279 : f32 to vector<16xf32>
      %add3A_281 = arith.constant 0 : i32
      %add3A_282 = arith.addi %mul3A_276, %add3A_281 : i32
      %get3A_283 = arith.index_cast %add3A_282 : i32 to index
      %get3A_284 = arith.constant 0 : index
      %get3A_285 = tpu.vector_load %arg9[%get3A_283, %get3A_284] {strides = array<i32>} : memref<3328x16xf32, #tpu.memory_space<vmem>>, vector<16xf32>,
      %add3A_286 = arith.addf %broadcast_in_dim3A_278, %get3A_285 : vector<16xf32>
      %mul3A_287 = arith.mulf %get3A_285, %get3A_285 : vector<16xf32>
      %add3A_288 = arith.addf %broadcast_in_dim3A_280, %mul3A_287 : vector<16xf32>
      %add3A_289 = arith.constant 1 : i32
      %add3A_290 = arith.addi %mul3A_276, %add3A_289 : i32
      %get3A_291 = arith.index_cast %add3A_290 : i32 to index
      %get3A_292 = arith.constant 0 : index
      %get3A_293 = tpu.vector_load %arg9[%get3A_291, %get3A_292] {strides = array<i32>} : memref<3328x16xf32, #tpu.memory_space<vmem>>, vector<16xf32>,
      %add3A_294 = arith.addf %add3A_286, %get3A_293 : vector<16xf32>
      %mul3A_295 = arith.mulf %get3A_293, %get3A_293 : vector<16xf32>
      %add3A_296 = arith.addf %add3A_288, %mul3A_295 : vector<16xf32>
      %add3A_297 = arith.constant 2 : i32
      %add3A_298 = arith.addi %mul3A_276, %add3A_297 : i32
      %get3A_299 = arith.index_cast %add3A_298 : i32 to index
      %get3A_300 = arith.constant 0 : index
      %get3A_301 = tpu.vector_load %arg9[%get3A_299, %get3A_300] {strides = array<i32>} : memref<3328x16xf32, #tpu.memory_space<vmem>>, vector<16xf32>,
      %add3A_302 = arith.addf %add3A_294, %get3A_301 : vector<16xf32>
      %mul3A_303 = arith.mulf %get3A_301, %get3A_301 : vector<16xf32>
      %add3A_304 = arith.addf %add3A_296, %mul3A_303 : vector<16xf32>
      %add3A_305 = arith.constant 3 : i32
      %add3A_306 = arith.addi %mul3A_276, %add3A_305 : i32
      %get3A_307 = arith.index_cast %add3A_306 : i32 to index
      %get3A_308 = arith.constant 0 : index
      %get3A_309 = tpu.vector_load %arg9[%get3A_307, %get3A_308] {strides = array<i32>} : memref<3328x16xf32, #tpu.memory_space<vmem>>, vector<16xf32>,
      %add3A_310 = arith.addf %add3A_302, %get3A_309 : vector<16xf32>
      %mul3A_311 = arith.mulf %get3A_309, %get3A_309 : vector<16xf32>
      %add3A_312 = arith.addf %add3A_304, %mul3A_311 : vector<16xf32>
      %add3A_313 = arith.constant 4 : i32
      %add3A_314 = arith.addi %mul3A_276, %add3A_313 : i32
      %get3A_315 = arith.index_cast %add3A_314 : i32 to index
      %get3A_316 = arith.constant 0 : index
      %get3A_317 = tpu.vector_load %arg9[%get3A_315, %get3A_316] {strides = array<i32>} : memref<3328x16xf32, #tpu.memory_space<vmem>>, vector<16xf32>,
      %add3A_318 = arith.addf %add3A_310, %get3A_317 : vector<16xf32>
      %mul3A_319 = arith.mulf %get3A_317, %get3A_317 : vector<16xf32>
      %add3A_320 = arith.addf %add3A_312, %mul3A_319 : vector<16xf32>
      %add3A_321 = arith.constant 5 : i32
      %add3A_322 = arith.addi %mul3A_276, %add3A_321 : i32
      %get3A_323 = arith.index_cast %add3A_322 : i32 to index
      %get3A_324 = arith.constant 0 : index
      %get3A_325 = tpu.vector_load %arg9[%get3A_323, %get3A_324] {strides = array<i32>} : memref<3328x16xf32, #tpu.memory_space<vmem>>, vector<16xf32>,
      %add3A_326 = arith.addf %add3A_318, %get3A_325 : vector<16xf32>
      %mul3A_327 = arith.mulf %get3A_325, %get3A_325 : vector<16xf32>
      %add3A_328 = arith.addf %add3A_320, %mul3A_327 : vector<16xf32>
      %add3A_329 = arith.constant 6 : i32
      %add3A_330 = arith.addi %mul3A_276, %add3A_329 : i32
      %get3A_331 = arith.index_cast %add3A_330 : i32 to index
      %get3A_332 = arith.constant 0 : index
      %get3A_333 = tpu.vector_load %arg9[%get3A_331, %get3A_332] {strides = array<i32>} : memref<3328x16xf32, #tpu.memory_space<vmem>>, vector<16xf32>,
      %add3A_334 = arith.addf %add3A_326, %get3A_333 : vector<16xf32>
      %mul3A_335 = arith.mulf %get3A_333, %get3A_333 : vector<16xf32>
      %add3A_336 = arith.addf %add3A_328, %mul3A_335 : vector<16xf32>
      %add3A_337 = arith.constant 7 : i32
      %add3A_338 = arith.addi %mul3A_276, %add3A_337 : i32
      %get3A_339 = arith.index_cast %add3A_338 : i32 to index
      %get3A_340 = arith.constant 0 : index
      %get3A_341 = tpu.vector_load %arg9[%get3A_339, %get3A_340] {strides = array<i32>} : memref<3328x16xf32, #tpu.memory_space<vmem>>, vector<16xf32>,
      %add3A_342 = arith.addf %add3A_334, %get3A_341 : vector<16xf32>
      %mul3A_343 = arith.mulf %get3A_341, %get3A_341 : vector<16xf32>
      %add3A_344 = arith.addf %add3A_336, %mul3A_343 : vector<16xf32>
      %add3A_345 = arith.constant 8 : i32
      %add3A_346 = arith.addi %mul3A_276, %add3A_345 : i32
      %get3A_347 = arith.index_cast %add3A_346 : i32 to index
      %get3A_348 = arith.constant 0 : index
      %get3A_349 = tpu.vector_load %arg9[%get3A_347, %get3A_348] {strides = array<i32>} : memref<3328x16xf32, #tpu.memory_space<vmem>>, vector<16xf32>,
      %add3A_350 = arith.addf %add3A_342, %get3A_349 : vector<16xf32>
      %mul3A_351 = arith.mulf %get3A_349, %get3A_349 : vector<16xf32>
      %add3A_352 = arith.addf %add3A_344, %mul3A_351 : vector<16xf32>
      %add3A_353 = arith.constant 9 : i32
      %add3A_354 = arith.addi %mul3A_276, %add3A_353 : i32
      %get3A_355 = arith.index_cast %add3A_354 : i32 to index
      %get3A_356 = arith.constant 0 : index
      %get3A_357 = tpu.vector_load %arg9[%get3A_355, %get3A_356] {strides = array<i32>} : memref<3328x16xf32, #tpu.memory_space<vmem>>, vector<16xf32>,
      %add3A_358 = arith.addf %add3A_350, %get3A_357 : vector<16xf32>
      %mul3A_359 = arith.mulf %get3A_357, %get3A_357 : vector<16xf32>
      %add3A_360 = arith.addf %add3A_352, %mul3A_359 : vector<16xf32>
      %add3A_361 = arith.constant 10 : i32
      %add3A_362 = arith.addi %mul3A_276, %add3A_361 : i32
      %get3A_363 = arith.index_cast %add3A_362 : i32 to index
      %get3A_364 = arith.constant 0 : index
      %get3A_365 = tpu.vector_load %arg9[%get3A_363, %get3A_364] {strides = array<i32>} : memref<3328x16xf32, #tpu.memory_space<vmem>>, vector<16xf32>,
      %add3A_366 = arith.addf %add3A_358, %get3A_365 : vector<16xf32>
      %mul3A_367 = arith.mulf %get3A_365, %get3A_365 : vector<16xf32>
      %add3A_368 = arith.addf %add3A_360, %mul3A_367 : vector<16xf32>
      %add3A_369 = arith.constant 11 : i32
      %add3A_370 = arith.addi %mul3A_276, %add3A_369 : i32
      %get3A_371 = arith.index_cast %add3A_370 : i32 to index
      %get3A_372 = arith.constant 0 : index
      %get3A_373 = tpu.vector_load %arg9[%get3A_371, %get3A_372] {strides = array<i32>} : memref<3328x16xf32, #tpu.memory_space<vmem>>, vector<16xf32>,
      %add3A_374 = arith.addf %add3A_366, %get3A_373 : vector<16xf32>
      %mul3A_375 = arith.mulf %get3A_373, %get3A_373 : vector<16xf32>
      %add3A_376 = arith.addf %add3A_368, %mul3A_375 : vector<16xf32>
      %add3A_377 = arith.constant 12 : i32
      %add3A_378 = arith.addi %mul3A_276, %add3A_377 : i32
      %get3A_379 = arith.index_cast %add3A_378 : i32 to index
      %get3A_380 = arith.constant 0 : index
      %get3A_381 = tpu.vector_load %arg9[%get3A_379, %get3A_380] {strides = array<i32>} : memref<3328x16xf32, #tpu.memory_space<vmem>>, vector<16xf32>,
      %add3A_382 = arith.addf %add3A_374, %get3A_381 : vector<16xf32>
      %mul3A_383 = arith.mulf %get3A_381, %get3A_381 : vector<16xf32>
      %add3A_384 = arith.addf %add3A_376, %mul3A_383 : vector<16xf32>
      %add3A_385 = arith.constant 13 : i32
      %add3A_386 = arith.addi %mul3A_276, %add3A_385 : i32
      %get3A_387 = arith.index_cast %add3A_386 : i32 to index
      %get3A_388 = arith.constant 0 : index
      %get3A_389 = tpu.vector_load %arg9[%get3A_387, %get3A_388] {strides = array<i32>} : memref<3328x16xf32, #tpu.memory_space<vmem>>, vector<16xf32>,
      %add3A_390 = arith.addf %add3A_382, %get3A_389 : vector<16xf32>
      %mul3A_391 = arith.mulf %get3A_389, %get3A_389 : vector<16xf32>
      %add3A_392 = arith.addf %add3A_384, %mul3A_391 : vector<16xf32>
      %add3A_393 = arith.constant 14 : i32
      %add3A_394 = arith.addi %mul3A_276, %add3A_393 : i32
      %get3A_395 = arith.index_cast %add3A_394 : i32 to index
      %get3A_396 = arith.constant 0 : index
      %get3A_397 = tpu.vector_load %arg9[%get3A_395, %get3A_396] {strides = array<i32>} : memref<3328x16xf32, #tpu.memory_space<vmem>>, vector<16xf32>,
      %add3A_398 = arith.addf %add3A_390, %get3A_397 : vector<16xf32>
      %mul3A_399 = arith.mulf %get3A_397, %get3A_397 : vector<16xf32>
      %add3A_400 = arith.addf %add3A_392, %mul3A_399 : vector<16xf32>
      %add3A_401 = arith.constant 15 : i32
      %add3A_402 = arith.addi %mul3A_276, %add3A_401 : i32
      %get3A_403 = arith.index_cast %add3A_402 : i32 to index
      %get3A_404 = arith.constant 0 : index
      %get3A_405 = tpu.vector_load %arg9[%get3A_403, %get3A_404] {strides = array<i32>} : memref<3328x16xf32, #tpu.memory_space<vmem>>, vector<16xf32>,
      %add3A_406 = arith.addf %add3A_398, %get3A_405 : vector<16xf32>
      %mul3A_407 = arith.mulf %get3A_405, %get3A_405 : vector<16xf32>
      %add3A_408 = arith.addf %add3A_400, %mul3A_407 : vector<16xf32>
      %add3A_409 = arith.constant 16 : i32
      %add3A_410 = arith.addi %mul3A_276, %add3A_409 : i32
      %get3A_411 = arith.index_cast %add3A_410 : i32 to index
      %get3A_412 = arith.constant 0 : index
      %get3A_413 = tpu.vector_load %arg9[%get3A_411, %get3A_412] {strides = array<i32>} : memref<3328x16xf32, #tpu.memory_space<vmem>>, vector<16xf32>,
      %add3A_414 = arith.addf %add3A_406, %get3A_413 : vector<16xf32>
      %mul3A_415 = arith.mulf %get3A_413, %get3A_413 : vector<16xf32>
      %add3A_416 = arith.addf %add3A_408, %mul3A_415 : vector<16xf32>
      %add3A_417 = arith.constant 17 : i32
      %add3A_418 = arith.addi %mul3A_276, %add3A_417 : i32
      %get3A_419 = arith.index_cast %add3A_418 : i32 to index
      %get3A_420 = arith.constant 0 : index
      %get3A_421 = tpu.vector_load %arg9[%get3A_419, %get3A_420] {strides = array<i32>} : memref<3328x16xf32, #tpu.memory_space<vmem>>, vector<16xf32>,
      %add3A_422 = arith.addf %add3A_414, %get3A_421 : vector<16xf32>
      %mul3A_423 = arith.mulf %get3A_421, %get3A_421 : vector<16xf32>
      %add3A_424 = arith.addf %add3A_416, %mul3A_423 : vector<16xf32>
      %add3A_425 = arith.constant 18 : i32
      %add3A_426 = arith.addi %mul3A_276, %add3A_425 : i32
      %get3A_427 = arith.index_cast %add3A_426 : i32 to index
      %get3A_428 = arith.constant 0 : index
      %get3A_429 = tpu.vector_load %arg9[%get3A_427, %get3A_428] {strides = array<i32>} : memref<3328x16xf32, #tpu.memory_space<vmem>>, vector<16xf32>,
      %add3A_430 = arith.addf %add3A_422, %get3A_429 : vector<16xf32>
      %mul3A_431 = arith.mulf %get3A_429, %get3A_429 : vector<16xf32>
      %add3A_432 = arith.addf %add3A_424, %mul3A_431 : vector<16xf32>
      %add3A_433 = arith.constant 19 : i32
      %add3A_434 = arith.addi %mul3A_276, %add3A_433 : i32
      %get3A_435 = arith.index_cast %add3A_434 : i32 to index
      %get3A_436 = arith.constant 0 : index
      %get3A_437 = tpu.vector_load %arg9[%get3A_435, %get3A_436] {strides = array<i32>} : memref<3328x16xf32, #tpu.memory_space<vmem>>, vector<16xf32>,
      %add3A_438 = arith.addf %add3A_430, %get3A_437 : vector<16xf32>
      %mul3A_439 = arith.mulf %get3A_437, %get3A_437 : vector<16xf32>
      %add3A_440 = arith.addf %add3A_432, %mul3A_439 : vector<16xf32>
      %add3A_441 = arith.constant 20 : i32
      %add3A_442 = arith.addi %mul3A_276, %add3A_441 : i32
      %get3A_443 = arith.index_cast %add3A_442 : i32 to index
      %get3A_444 = arith.constant 0 : index
      %get3A_445 = tpu.vector_load %arg9[%get3A_443, %get3A_444] {strides = array<i32>} : memref<3328x16xf32, #tpu.memory_space<vmem>>, vector<16xf32>,
      %add3A_446 = arith.addf %add3A_438, %get3A_445 : vector<16xf32>
      %mul3A_447 = arith.mulf %get3A_445, %get3A_445 : vector<16xf32>
      %add3A_448 = arith.addf %add3A_440, %mul3A_447 : vector<16xf32>
      %add3A_449 = arith.constant 21 : i32
      %add3A_450 = arith.addi %mul3A_276, %add3A_449 : i32
      %get3A_451 = arith.index_cast %add3A_450 : i32 to index
      %get3A_452 = arith.constant 0 : index
      %get3A_453 = tpu.vector_load %arg9[%get3A_451, %get3A_452] {strides = array<i32>} : memref<3328x16xf32, #tpu.memory_space<vmem>>, vector<16xf32>,
      %add3A_454 = arith.addf %add3A_446, %get3A_453 : vector<16xf32>
      %mul3A_455 = arith.mulf %get3A_453, %get3A_453 : vector<16xf32>
      %add3A_456 = arith.addf %add3A_448, %mul3A_455 : vector<16xf32>
      %add3A_457 = arith.constant 22 : i32
      %add3A_458 = arith.addi %mul3A_276, %add3A_457 : i32
      %get3A_459 = arith.index_cast %add3A_458 : i32 to index
      %get3A_460 = arith.constant 0 : index
      %get3A_461 = tpu.vector_load %arg9[%get3A_459, %get3A_460] {strides = array<i32>} : memref<3328x16xf32, #tpu.memory_space<vmem>>, vector<16xf32>,
      %add3A_462 = arith.addf %add3A_454, %get3A_461 : vector<16xf32>
      %mul3A_463 = arith.mulf %get3A_461, %get3A_461 : vector<16xf32>
      %add3A_464 = arith.addf %add3A_456, %mul3A_463 : vector<16xf32>
      %add3A_465 = arith.constant 23 : i32
      %add3A_466 = arith.addi %mul3A_276, %add3A_465 : i32
      %get3A_467 = arith.index_cast %add3A_466 : i32 to index
      %get3A_468 = arith.constant 0 : index
      %get3A_469 = tpu.vector_load %arg9[%get3A_467, %get3A_468] {strides = array<i32>} : memref<3328x16xf32, #tpu.memory_space<vmem>>, vector<16xf32>,
      %add3A_470 = arith.addf %add3A_462, %get3A_469 : vector<16xf32>
      %mul3A_471 = arith.mulf %get3A_469, %get3A_469 : vector<16xf32>
      %add3A_472 = arith.addf %add3A_464, %mul3A_471 : vector<16xf32>
      %add3A_473 = arith.constant 24 : i32
      %add3A_474 = arith.addi %mul3A_276, %add3A_473 : i32
      %get3A_475 = arith.index_cast %add3A_474 : i32 to index
      %get3A_476 = arith.constant 0 : index
      %get3A_477 = tpu.vector_load %arg9[%get3A_475, %get3A_476] {strides = array<i32>} : memref<3328x16xf32, #tpu.memory_space<vmem>>, vector<16xf32>,
      %add3A_478 = arith.addf %add3A_470, %get3A_477 : vector<16xf32>
      %mul3A_479 = arith.mulf %get3A_477, %get3A_477 : vector<16xf32>
      %add3A_480 = arith.addf %add3A_472, %mul3A_479 : vector<16xf32>
      %add3A_481 = arith.constant 25 : i32
      %add3A_482 = arith.addi %mul3A_276, %add3A_481 : i32
      %get3A_483 = arith.index_cast %add3A_482 : i32 to index
      %get3A_484 = arith.constant 0 : index
      %get3A_485 = tpu.vector_load %arg9[%get3A_483, %get3A_484] {strides = array<i32>} : memref<3328x16xf32, #tpu.memory_space<vmem>>, vector<16xf32>,
      %add3A_486 = arith.addf %add3A_478, %get3A_485 : vector<16xf32>
      %mul3A_487 = arith.mulf %get3A_485, %get3A_485 : vector<16xf32>
      %add3A_488 = arith.addf %add3A_480, %mul3A_487 : vector<16xf32>
      %get3A_489 = arith.index_cast %mul3A_276 : i32 to index
      %get3A_490 = tpu.vector_load %arg10[%get3A_489] {strides = array<i32>} : memref<3344xf32, #tpu.memory_space<vmem>>, vector<16xf32>,
      %add3A_491 = arith.constant 16 : i32
      %add3A_492 = arith.addi %mul3A_276, %add3A_491 : i32
      %get3A_493 = arith.index_cast %add3A_492 : i32 to index
      %get3A_494 = tpu.vector_load %arg10[%get3A_493] {strides = array<i32>} : memref<3344xf32, #tpu.memory_space<vmem>>, vector<16xf32>,
      %mul3A_495 = arith.mulf %add3A_486, %add3A_486 : vector<16xf32>
      %sub3A_496 = arith.subf %mul3A_495, %add3A_488 : vector<16xf32>
      %mul3A_497 = arith.constant 5.000000e-01 : f32
      %mul3A_498 = vector.broadcast %mul3A_497 : f32 to vector<16xf32>
      %mul3A_499 = arith.mulf %mul3A_498, %sub3A_496 : vector<16xf32>
      %add3A_500 = arith.addf %mul3A_499, %get3A_490 : vector<16xf32>
      %jit3A_501 = arith.constant 0.000000e+00 : f32
      %broadcast_in_dim3A_502 = vector.broadcast %jit3A_501 : f32 to vector<16xf32>
      %select_n3A_503 = arith.select %lt3A_22, %get3A_494, %broadcast_in_dim3A_502 : vector<16xi1>, vector<16xf32>
      %add3A_504 = arith.addf %add3A_500, %select_n3A_503 : vector<16xf32>
      %eq3A_505 = arith.constant 1 : i32
      %eq3A_506 = vector.broadcast %eq3A_505 : i32 to vector<16xi32>
      %eq3A_507 = arith.cmpi eq, %iota3A, %eq3A_506 : vector<16xi32>
      %reduce_sum3A_508 = arith.constant true
      %reduce_sum3A_509 = vector.broadcast %reduce_sum3A_508 : i1 to vector<16xi1>
      %reduce_sum3A_510 = tpu.scan <sum>, %add3A_504 masked %reduce_sum3A_509 : vector<16xf32>, vector<16xi1> -> vector<16xf32>
      %reduce_sum3A_511 = vector.extract %reduce_sum3A_510[15] : f32 from vector<16xf32>
      %broadcast_in_dim3A_512 = vector.broadcast %reduce_sum3A_511 : f32 to vector<16xf32>
      %select_n3A_513 = arith.select %eq3A_507, %broadcast_in_dim3A_512, %select_n3A_270 : vector<16xi1>, vector<16xf32>
      %mul3A_514 = arith.constant 16 : i32
      %mul3A_515 = arith.muli %scan3A_31, %mul3A_514 : i32
      %add3A_516 = arith.constant 2 : i32
      %add3A_517 = arith.addi %mul3A_515, %add3A_516 : i32
      %mul3A_518 = arith.constant 26 : i32
      %mul3A_519 = arith.muli %add3A_517, %mul3A_518 : i32
      %broadcast_in_dim3A_520 = arith.constant 0.000000e+00 : f32
      %broadcast_in_dim3A_521 = vector.broadcast %broadcast_in_dim3A_520 : f32 to vector<16xf32>
      %broadcast_in_dim3A_522 = arith.constant 0.000000e+00 : f32
      %broadcast_in_dim3A_523 = vector.broadcast %broadcast_in_dim3A_522 : f32 to vector<16xf32>
      %add3A_524 = arith.constant 0 : i32
      %add3A_525 = arith.addi %mul3A_519, %add3A_524 : i32
      %get3A_526 = arith.index_cast %add3A_525 : i32 to index
      %get3A_527 = arith.constant 0 : index
      %get3A_528 = tpu.vector_load %arg9[%get3A_526, %get3A_527] {strides = array<i32>} : memref<3328x16xf32, #tpu.memory_space<vmem>>, vector<16xf32>,
      %add3A_529 = arith.addf %broadcast_in_dim3A_521, %get3A_528 : vector<16xf32>
      %mul3A_530 = arith.mulf %get3A_528, %get3A_528 : vector<16xf32>
      %add3A_531 = arith.addf %broadcast_in_dim3A_523, %mul3A_530 : vector<16xf32>
      %add3A_532 = arith.constant 1 : i32
      %add3A_533 = arith.addi %mul3A_519, %add3A_532 : i32
      %get3A_534 = arith.index_cast %add3A_533 : i32 to index
      %get3A_535 = arith.constant 0 : index
      %get3A_536 = tpu.vector_load %arg9[%get3A_534, %get3A_535] {strides = array<i32>} : memref<3328x16xf32, #tpu.memory_space<vmem>>, vector<16xf32>,
      %add3A_537 = arith.addf %add3A_529, %get3A_536 : vector<16xf32>
      %mul3A_538 = arith.mulf %get3A_536, %get3A_536 : vector<16xf32>
      %add3A_539 = arith.addf %add3A_531, %mul3A_538 : vector<16xf32>
      %add3A_540 = arith.constant 2 : i32
      %add3A_541 = arith.addi %mul3A_519, %add3A_540 : i32
      %get3A_542 = arith.index_cast %add3A_541 : i32 to index
      %get3A_543 = arith.constant 0 : index
      %get3A_544 = tpu.vector_load %arg9[%get3A_542, %get3A_543] {strides = array<i32>} : memref<3328x16xf32, #tpu.memory_space<vmem>>, vector<16xf32>,
      %add3A_545 = arith.addf %add3A_537, %get3A_544 : vector<16xf32>
      %mul3A_546 = arith.mulf %get3A_544, %get3A_544 : vector<16xf32>
      %add3A_547 = arith.addf %add3A_539, %mul3A_546 : vector<16xf32>
      %add3A_548 = arith.constant 3 : i32
      %add3A_549 = arith.addi %mul3A_519, %add3A_548 : i32
      %get3A_550 = arith.index_cast %add3A_549 : i32 to index
      %get3A_551 = arith.constant 0 : index
      %get3A_552 = tpu.vector_load %arg9[%get3A_550, %get3A_551] {strides = array<i32>} : memref<3328x16xf32, #tpu.memory_space<vmem>>, vector<16xf32>,
      %add3A_553 = arith.addf %add3A_545, %get3A_552 : vector<16xf32>
      %mul3A_554 = arith.mulf %get3A_552, %get3A_552 : vector<16xf32>
      %add3A_555 = arith.addf %add3A_547, %mul3A_554 : vector<16xf32>
      %add3A_556 = arith.constant 4 : i32
      %add3A_557 = arith.addi %mul3A_519, %add3A_556 : i32
      %get3A_558 = arith.index_cast %add3A_557 : i32 to index
      %get3A_559 = arith.constant 0 : index
      %get3A_560 = tpu.vector_load %arg9[%get3A_558, %get3A_559] {strides = array<i32>} : memref<3328x16xf32, #tpu.memory_space<vmem>>, vector<16xf32>,
      %add3A_561 = arith.addf %add3A_553, %get3A_560 : vector<16xf32>
      %mul3A_562 = arith.mulf %get3A_560, %get3A_560 : vector<16xf32>
      %add3A_563 = arith.addf %add3A_555, %mul3A_562 : vector<16xf32>
      %add3A_564 = arith.constant 5 : i32
      %add3A_565 = arith.addi %mul3A_519, %add3A_564 : i32
      %get3A_566 = arith.index_cast %add3A_565 : i32 to index
      %get3A_567 = arith.constant 0 : index
      %get3A_568 = tpu.vector_load %arg9[%get3A_566, %get3A_567] {strides = array<i32>} : memref<3328x16xf32, #tpu.memory_space<vmem>>, vector<16xf32>,
      %add3A_569 = arith.addf %add3A_561, %get3A_568 : vector<16xf32>
      %mul3A_570 = arith.mulf %get3A_568, %get3A_568 : vector<16xf32>
      %add3A_571 = arith.addf %add3A_563, %mul3A_570 : vector<16xf32>
      %add3A_572 = arith.constant 6 : i32
      %add3A_573 = arith.addi %mul3A_519, %add3A_572 : i32
      %get3A_574 = arith.index_cast %add3A_573 : i32 to index
      %get3A_575 = arith.constant 0 : index
      %get3A_576 = tpu.vector_load %arg9[%get3A_574, %get3A_575] {strides = array<i32>} : memref<3328x16xf32, #tpu.memory_space<vmem>>, vector<16xf32>,
      %add3A_577 = arith.addf %add3A_569, %get3A_576 : vector<16xf32>
      %mul3A_578 = arith.mulf %get3A_576, %get3A_576 : vector<16xf32>
      %add3A_579 = arith.addf %add3A_571, %mul3A_578 : vector<16xf32>
      %add3A_580 = arith.constant 7 : i32
      %add3A_581 = arith.addi %mul3A_519, %add3A_580 : i32
      %get3A_582 = arith.index_cast %add3A_581 : i32 to index
      %get3A_583 = arith.constant 0 : index
      %get3A_584 = tpu.vector_load %arg9[%get3A_582, %get3A_583] {strides = array<i32>} : memref<3328x16xf32, #tpu.memory_space<vmem>>, vector<16xf32>,
      %add3A_585 = arith.addf %add3A_577, %get3A_584 : vector<16xf32>
      %mul3A_586 = arith.mulf %get3A_584, %get3A_584 : vector<16xf32>
      %add3A_587 = arith.addf %add3A_579, %mul3A_586 : vector<16xf32>
      %add3A_588 = arith.constant 8 : i32
      %add3A_589 = arith.addi %mul3A_519, %add3A_588 : i32
      %get3A_590 = arith.index_cast %add3A_589 : i32 to index
      %get3A_591 = arith.constant 0 : index
      %get3A_592 = tpu.vector_load %arg9[%get3A_590, %get3A_591] {strides = array<i32>} : memref<3328x16xf32, #tpu.memory_space<vmem>>, vector<16xf32>,
      %add3A_593 = arith.addf %add3A_585, %get3A_592 : vector<16xf32>
      %mul3A_594 = arith.mulf %get3A_592, %get3A_592 : vector<16xf32>
      %add3A_595 = arith.addf %add3A_587, %mul3A_594 : vector<16xf32>
      %add3A_596 = arith.constant 9 : i32
      %add3A_597 = arith.addi %mul3A_519, %add3A_596 : i32
      %get3A_598 = arith.index_cast %add3A_597 : i32 to index
      %get3A_599 = arith.constant 0 : index
      %get3A_600 = tpu.vector_load %arg9[%get3A_598, %get3A_599] {strides = array<i32>} : memref<3328x16xf32, #tpu.memory_space<vmem>>, vector<16xf32>,
      %add3A_601 = arith.addf %add3A_593, %get3A_600 : vector<16xf32>
      %mul3A_602 = arith.mulf %get3A_600, %get3A_600 : vector<16xf32>
      %add3A_603 = arith.addf %add3A_595, %mul3A_602 : vector<16xf32>
      %add3A_604 = arith.constant 10 : i32
      %add3A_605 = arith.addi %mul3A_519, %add3A_604 : i32
      %get3A_606 = arith.index_cast %add3A_605 : i32 to index
      %get3A_607 = arith.constant 0 : index
      %get3A_608 = tpu.vector_load %arg9[%get3A_606, %get3A_607] {strides = array<i32>} : memref<3328x16xf32, #tpu.memory_space<vmem>>, vector<16xf32>,
      %add3A_609 = arith.addf %add3A_601, %get3A_608 : vector<16xf32>
      %mul3A_610 = arith.mulf %get3A_608, %get3A_608 : vector<16xf32>
      %add3A_611 = arith.addf %add3A_603, %mul3A_610 : vector<16xf32>
      %add3A_612 = arith.constant 11 : i32
      %add3A_613 = arith.addi %mul3A_519, %add3A_612 : i32
      %get3A_614 = arith.index_cast %add3A_613 : i32 to index
      %get3A_615 = arith.constant 0 : index
      %get3A_616 = tpu.vector_load %arg9[%get3A_614, %get3A_615] {strides = array<i32>} : memref<3328x16xf32, #tpu.memory_space<vmem>>, vector<16xf32>,
      %add3A_617 = arith.addf %add3A_609, %get3A_616 : vector<16xf32>
      %mul3A_618 = arith.mulf %get3A_616, %get3A_616 : vector<16xf32>
      %add3A_619 = arith.addf %add3A_611, %mul3A_618 : vector<16xf32>
      %add3A_620 = arith.constant 12 : i32
      %add3A_621 = arith.addi %mul3A_519, %add3A_620 : i32
      %get3A_622 = arith.index_cast %add3A_621 : i32 to index
      %get3A_623 = arith.constant 0 : index
      %get3A_624 = tpu.vector_load %arg9[%get3A_622, %get3A_623] {strides = array<i32>} : memref<3328x16xf32, #tpu.memory_space<vmem>>, vector<16xf32>,
      %add3A_625 = arith.addf %add3A_617, %get3A_624 : vector<16xf32>
      %mul3A_626 = arith.mulf %get3A_624, %get3A_624 : vector<16xf32>
      %add3A_627 = arith.addf %add3A_619, %mul3A_626 : vector<16xf32>
      %add3A_628 = arith.constant 13 : i32
      %add3A_629 = arith.addi %mul3A_519, %add3A_628 : i32
      %get3A_630 = arith.index_cast %add3A_629 : i32 to index
      %get3A_631 = arith.constant 0 : index
      %get3A_632 = tpu.vector_load %arg9[%get3A_630, %get3A_631] {strides = array<i32>} : memref<3328x16xf32, #tpu.memory_space<vmem>>, vector<16xf32>,
      %add3A_633 = arith.addf %add3A_625, %get3A_632 : vector<16xf32>
      %mul3A_634 = arith.mulf %get3A_632, %get3A_632 : vector<16xf32>
      %add3A_635 = arith.addf %add3A_627, %mul3A_634 : vector<16xf32>
      %add3A_636 = arith.constant 14 : i32
      %add3A_637 = arith.addi %mul3A_519, %add3A_636 : i32
      %get3A_638 = arith.index_cast %add3A_637 : i32 to index
      %get3A_639 = arith.constant 0 : index
      %get3A_640 = tpu.vector_load %arg9[%get3A_638, %get3A_639] {strides = array<i32>} : memref<3328x16xf32, #tpu.memory_space<vmem>>, vector<16xf32>,
      %add3A_641 = arith.addf %add3A_633, %get3A_640 : vector<16xf32>
      %mul3A_642 = arith.mulf %get3A_640, %get3A_640 : vector<16xf32>
      %add3A_643 = arith.addf %add3A_635, %mul3A_642 : vector<16xf32>
      %add3A_644 = arith.constant 15 : i32
      %add3A_645 = arith.addi %mul3A_519, %add3A_644 : i32
      %get3A_646 = arith.index_cast %add3A_645 : i32 to index
      %get3A_647 = arith.constant 0 : index
      %get3A_648 = tpu.vector_load %arg9[%get3A_646, %get3A_647] {strides = array<i32>} : memref<3328x16xf32, #tpu.memory_space<vmem>>, vector<16xf32>,
      %add3A_649 = arith.addf %add3A_641, %get3A_648 : vector<16xf32>
      %mul3A_650 = arith.mulf %get3A_648, %get3A_648 : vector<16xf32>
      %add3A_651 = arith.addf %add3A_643, %mul3A_650 : vector<16xf32>
      %add3A_652 = arith.constant 16 : i32
      %add3A_653 = arith.addi %mul3A_519, %add3A_652 : i32
      %get3A_654 = arith.index_cast %add3A_653 : i32 to index
      %get3A_655 = arith.constant 0 : index
      %get3A_656 = tpu.vector_load %arg9[%get3A_654, %get3A_655] {strides = array<i32>} : memref<3328x16xf32, #tpu.memory_space<vmem>>, vector<16xf32>,
      %add3A_657 = arith.addf %add3A_649, %get3A_656 : vector<16xf32>
      %mul3A_658 = arith.mulf %get3A_656, %get3A_656 : vector<16xf32>
      %add3A_659 = arith.addf %add3A_651, %mul3A_658 : vector<16xf32>
      %add3A_660 = arith.constant 17 : i32
      %add3A_661 = arith.addi %mul3A_519, %add3A_660 : i32
      %get3A_662 = arith.index_cast %add3A_661 : i32 to index
      %get3A_663 = arith.constant 0 : index
      %get3A_664 = tpu.vector_load %arg9[%get3A_662, %get3A_663] {strides = array<i32>} : memref<3328x16xf32, #tpu.memory_space<vmem>>, vector<16xf32>,
      %add3A_665 = arith.addf %add3A_657, %get3A_664 : vector<16xf32>
      %mul3A_666 = arith.mulf %get3A_664, %get3A_664 : vector<16xf32>
      %add3A_667 = arith.addf %add3A_659, %mul3A_666 : vector<16xf32>
      %add3A_668 = arith.constant 18 : i32
      %add3A_669 = arith.addi %mul3A_519, %add3A_668 : i32
      %get3A_670 = arith.index_cast %add3A_669 : i32 to index
      %get3A_671 = arith.constant 0 : index
      %get3A_672 = tpu.vector_load %arg9[%get3A_670, %get3A_671] {strides = array<i32>} : memref<3328x16xf32, #tpu.memory_space<vmem>>, vector<16xf32>,
      %add3A_673 = arith.addf %add3A_665, %get3A_672 : vector<16xf32>
      %mul3A_674 = arith.mulf %get3A_672, %get3A_672 : vector<16xf32>
      %add3A_675 = arith.addf %add3A_667, %mul3A_674 : vector<16xf32>
      %add3A_676 = arith.constant 19 : i32
      %add3A_677 = arith.addi %mul3A_519, %add3A_676 : i32
      %get3A_678 = arith.index_cast %add3A_677 : i32 to index
      %get3A_679 = arith.constant 0 : index
      %get3A_680 = tpu.vector_load %arg9[%get3A_678, %get3A_679] {strides = array<i32>} : memref<3328x16xf32, #tpu.memory_space<vmem>>, vector<16xf32>,
      %add3A_681 = arith.addf %add3A_673, %get3A_680 : vector<16xf32>
      %mul3A_682 = arith.mulf %get3A_680, %get3A_680 : vector<16xf32>
      %add3A_683 = arith.addf %add3A_675, %mul3A_682 : vector<16xf32>
      %add3A_684 = arith.constant 20 : i32
      %add3A_685 = arith.addi %mul3A_519, %add3A_684 : i32
      %get3A_686 = arith.index_cast %add3A_685 : i32 to index
      %get3A_687 = arith.constant 0 : index
      %get3A_688 = tpu.vector_load %arg9[%get3A_686, %get3A_687] {strides = array<i32>} : memref<3328x16xf32, #tpu.memory_space<vmem>>, vector<16xf32>,
      %add3A_689 = arith.addf %add3A_681, %get3A_688 : vector<16xf32>
      %mul3A_690 = arith.mulf %get3A_688, %get3A_688 : vector<16xf32>
      %add3A_691 = arith.addf %add3A_683, %mul3A_690 : vector<16xf32>
      %add3A_692 = arith.constant 21 : i32
      %add3A_693 = arith.addi %mul3A_519, %add3A_692 : i32
      %get3A_694 = arith.index_cast %add3A_693 : i32 to index
      %get3A_695 = arith.constant 0 : index
      %get3A_696 = tpu.vector_load %arg9[%get3A_694, %get3A_695] {strides = array<i32>} : memref<3328x16xf32, #tpu.memory_space<vmem>>, vector<16xf32>,
      %add3A_697 = arith.addf %add3A_689, %get3A_696 : vector<16xf32>
      %mul3A_698 = arith.mulf %get3A_696, %get3A_696 : vector<16xf32>
      %add3A_699 = arith.addf %add3A_691, %mul3A_698 : vector<16xf32>
      %add3A_700 = arith.constant 22 : i32
      %add3A_701 = arith.addi %mul3A_519, %add3A_700 : i32
      %get3A_702 = arith.index_cast %add3A_701 : i32 to index
      %get3A_703 = arith.constant 0 : index
      %get3A_704 = tpu.vector_load %arg9[%get3A_702, %get3A_703] {strides = array<i32>} : memref<3328x16xf32, #tpu.memory_space<vmem>>, vector<16xf32>,
      %add3A_705 = arith.addf %add3A_697, %get3A_704 : vector<16xf32>
      %mul3A_706 = arith.mulf %get3A_704, %get3A_704 : vector<16xf32>
      %add3A_707 = arith.addf %add3A_699, %mul3A_706 : vector<16xf32>
      %add3A_708 = arith.constant 23 : i32
      %add3A_709 = arith.addi %mul3A_519, %add3A_708 : i32
      %get3A_710 = arith.index_cast %add3A_709 : i32 to index
      %get3A_711 = arith.constant 0 : index
      %get3A_712 = tpu.vector_load %arg9[%get3A_710, %get3A_711] {strides = array<i32>} : memref<3328x16xf32, #tpu.memory_space<vmem>>, vector<16xf32>,
      %add3A_713 = arith.addf %add3A_705, %get3A_712 : vector<16xf32>
      %mul3A_714 = arith.mulf %get3A_712, %get3A_712 : vector<16xf32>
      %add3A_715 = arith.addf %add3A_707, %mul3A_714 : vector<16xf32>
      %add3A_716 = arith.constant 24 : i32
      %add3A_717 = arith.addi %mul3A_519, %add3A_716 : i32
      %get3A_718 = arith.index_cast %add3A_717 : i32 to index
      %get3A_719 = arith.constant 0 : index
      %get3A_720 = tpu.vector_load %arg9[%get3A_718, %get3A_719] {strides = array<i32>} : memref<3328x16xf32, #tpu.memory_space<vmem>>, vector<16xf32>,
      %add3A_721 = arith.addf %add3A_713, %get3A_720 : vector<16xf32>
      %mul3A_722 = arith.mulf %get3A_720, %get3A_720 : vector<16xf32>
      %add3A_723 = arith.addf %add3A_715, %mul3A_722 : vector<16xf32>
      %add3A_724 = arith.constant 25 : i32
      %add3A_725 = arith.addi %mul3A_519, %add3A_724 : i32
      %get3A_726 = arith.index_cast %add3A_725 : i32 to index
      %get3A_727 = arith.constant 0 : index
      %get3A_728 = tpu.vector_load %arg9[%get3A_726, %get3A_727] {strides = array<i32>} : memref<3328x16xf32, #tpu.memory_space<vmem>>, vector<16xf32>,
      %add3A_729 = arith.addf %add3A_721, %get3A_728 : vector<16xf32>
      %mul3A_730 = arith.mulf %get3A_728, %get3A_728 : vector<16xf32>
      %add3A_731 = arith.addf %add3A_723, %mul3A_730 : vector<16xf32>
      %get3A_732 = arith.index_cast %mul3A_519 : i32 to index
      %get3A_733 = tpu.vector_load %arg10[%get3A_732] {strides = array<i32>} : memref<3344xf32, #tpu.memory_space<vmem>>, vector<16xf32>,
      %add3A_734 = arith.constant 16 : i32
      %add3A_735 = arith.addi %mul3A_519, %add3A_734 : i32
      %get3A_736 = arith.index_cast %add3A_735 : i32 to index
      %get3A_737 = tpu.vector_load %arg10[%get3A_736] {strides = array<i32>} : memref<3344xf32, #tpu.memory_space<vmem>>, vector<16xf32>,
      %mul3A_738 = arith.mulf %add3A_729, %add3A_729 : vector<16xf32>
      %sub3A_739 = arith.subf %mul3A_738, %add3A_731 : vector<16xf32>
      %mul3A_740 = arith.constant 5.000000e-01 : f32
      %mul3A_741 = vector.broadcast %mul3A_740 : f32 to vector<16xf32>
      %mul3A_742 = arith.mulf %mul3A_741, %sub3A_739 : vector<16xf32>
      %add3A_743 = arith.addf %mul3A_742, %get3A_733 : vector<16xf32>
      %jit3A_744 = arith.constant 0.000000e+00 : f32
      %broadcast_in_dim3A_745 = vector.broadcast %jit3A_744 : f32 to vector<16xf32>
      %select_n3A_746 = arith.select %lt3A_22, %get3A_737, %broadcast_in_dim3A_745 : vector<16xi1>, vector<16xf32>
      %add3A_747 = arith.addf %add3A_743, %select_n3A_746 : vector<16xf32>
      %eq3A_748 = arith.constant 2 : i32
      %eq3A_749 = vector.broadcast %eq3A_748 : i32 to vector<16xi32>
      %eq3A_750 = arith.cmpi eq, %iota3A, %eq3A_749 : vector<16xi32>
      %reduce_sum3A_751 = arith.constant true
      %reduce_sum3A_752 = vector.broadcast %reduce_sum3A_751 : i1 to vector<16xi1>
      %reduce_sum3A_753 = tpu.scan <sum>, %add3A_747 masked %reduce_sum3A_752 : vector<16xf32>, vector<16xi1> -> vector<16xf32>
      %reduce_sum3A_754 = vector.extract %reduce_sum3A_753[15] : f32 from vector<16xf32>
      %broadcast_in_dim3A_755 = vector.broadcast %reduce_sum3A_754 : f32 to vector<16xf32>
      %select_n3A_756 = arith.select %eq3A_750, %broadcast_in_dim3A_755, %select_n3A_513 : vector<16xi1>, vector<16xf32>
      %mul3A_757 = arith.constant 16 : i32
      %mul3A_758 = arith.muli %scan3A_31, %mul3A_757 : i32
      %add3A_759 = arith.constant 3 : i32
      %add3A_760 = arith.addi %mul3A_758, %add3A_759 : i32
      %mul3A_761 = arith.constant 26 : i32
      %mul3A_762 = arith.muli %add3A_760, %mul3A_761 : i32
      %broadcast_in_dim3A_763 = arith.constant 0.000000e+00 : f32
      %broadcast_in_dim3A_764 = vector.broadcast %broadcast_in_dim3A_763 : f32 to vector<16xf32>
      %broadcast_in_dim3A_765 = arith.constant 0.000000e+00 : f32
      %broadcast_in_dim3A_766 = vector.broadcast %broadcast_in_dim3A_765 : f32 to vector<16xf32>
      %add3A_767 = arith.constant 0 : i32
      %add3A_768 = arith.addi %mul3A_762, %add3A_767 : i32
      %get3A_769 = arith.index_cast %add3A_768 : i32 to index
      %get3A_770 = arith.constant 0 : index
      %get3A_771 = tpu.vector_load %arg9[%get3A_769, %get3A_770] {strides = array<i32>} : memref<3328x16xf32, #tpu.memory_space<vmem>>, vector<16xf32>,
      %add3A_772 = arith.addf %broadcast_in_dim3A_764, %get3A_771 : vector<16xf32>
      %mul3A_773 = arith.mulf %get3A_771, %get3A_771 : vector<16xf32>
      %add3A_774 = arith.addf %broadcast_in_dim3A_766, %mul3A_773 : vector<16xf32>
      %add3A_775 = arith.constant 1 : i32
      %add3A_776 = arith.addi %mul3A_762, %add3A_775 : i32
      %get3A_777 = arith.index_cast %add3A_776 : i32 to index
      %get3A_778 = arith.constant 0 : index
      %get3A_779 = tpu.vector_load %arg9[%get3A_777, %get3A_778] {strides = array<i32>} : memref<3328x16xf32, #tpu.memory_space<vmem>>, vector<16xf32>,
      %add3A_780 = arith.addf %add3A_772, %get3A_779 : vector<16xf32>
      %mul3A_781 = arith.mulf %get3A_779, %get3A_779 : vector<16xf32>
      %add3A_782 = arith.addf %add3A_774, %mul3A_781 : vector<16xf32>
      %add3A_783 = arith.constant 2 : i32
      %add3A_784 = arith.addi %mul3A_762, %add3A_783 : i32
      %get3A_785 = arith.index_cast %add3A_784 : i32 to index
      %get3A_786 = arith.constant 0 : index
      %get3A_787 = tpu.vector_load %arg9[%get3A_785, %get3A_786] {strides = array<i32>} : memref<3328x16xf32, #tpu.memory_space<vmem>>, vector<16xf32>,
      %add3A_788 = arith.addf %add3A_780, %get3A_787 : vector<16xf32>
      %mul3A_789 = arith.mulf %get3A_787, %get3A_787 : vector<16xf32>
      %add3A_790 = arith.addf %add3A_782, %mul3A_789 : vector<16xf32>
      %add3A_791 = arith.constant 3 : i32
      %add3A_792 = arith.addi %mul3A_762, %add3A_791 : i32
      %get3A_793 = arith.index_cast %add3A_792 : i32 to index
      %get3A_794 = arith.constant 0 : index
      %get3A_795 = tpu.vector_load %arg9[%get3A_793, %get3A_794] {strides = array<i32>} : memref<3328x16xf32, #tpu.memory_space<vmem>>, vector<16xf32>,
      %add3A_796 = arith.addf %add3A_788, %get3A_795 : vector<16xf32>
      %mul3A_797 = arith.mulf %get3A_795, %get3A_795 : vector<16xf32>
      %add3A_798 = arith.addf %add3A_790, %mul3A_797 : vector<16xf32>
      %add3A_799 = arith.constant 4 : i32
      %add3A_800 = arith.addi %mul3A_762, %add3A_799 : i32
      %get3A_801 = arith.index_cast %add3A_800 : i32 to index
      %get3A_802 = arith.constant 0 : index
      %get3A_803 = tpu.vector_load %arg9[%get3A_801, %get3A_802] {strides = array<i32>} : memref<3328x16xf32, #tpu.memory_space<vmem>>, vector<16xf32>,
      %add3A_804 = arith.addf %add3A_796, %get3A_803 : vector<16xf32>
      %mul3A_805 = arith.mulf %get3A_803, %get3A_803 : vector<16xf32>
      %add3A_806 = arith.addf %add3A_798, %mul3A_805 : vector<16xf32>
      %add3A_807 = arith.constant 5 : i32
      %add3A_808 = arith.addi %mul3A_762, %add3A_807 : i32
      %get3A_809 = arith.index_cast %add3A_808 : i32 to index
      %get3A_810 = arith.constant 0 : index
      %get3A_811 = tpu.vector_load %arg9[%get3A_809, %get3A_810] {strides = array<i32>} : memref<3328x16xf32, #tpu.memory_space<vmem>>, vector<16xf32>,
      %add3A_812 = arith.addf %add3A_804, %get3A_811 : vector<16xf32>
      %mul3A_813 = arith.mulf %get3A_811, %get3A_811 : vector<16xf32>
      %add3A_814 = arith.addf %add3A_806, %mul3A_813 : vector<16xf32>
      %add3A_815 = arith.constant 6 : i32
      %add3A_816 = arith.addi %mul3A_762, %add3A_815 : i32
      %get3A_817 = arith.index_cast %add3A_816 : i32 to index
      %get3A_818 = arith.constant 0 : index
      %get3A_819 = tpu.vector_load %arg9[%get3A_817, %get3A_818] {strides = array<i32>} : memref<3328x16xf32, #tpu.memory_space<vmem>>, vector<16xf32>,
      %add3A_820 = arith.addf %add3A_812, %get3A_819 : vector<16xf32>
      %mul3A_821 = arith.mulf %get3A_819, %get3A_819 : vector<16xf32>
      %add3A_822 = arith.addf %add3A_814, %mul3A_821 : vector<16xf32>
      %add3A_823 = arith.constant 7 : i32
      %add3A_824 = arith.addi %mul3A_762, %add3A_823 : i32
      %get3A_825 = arith.index_cast %add3A_824 : i32 to index
      %get3A_826 = arith.constant 0 : index
      %get3A_827 = tpu.vector_load %arg9[%get3A_825, %get3A_826] {strides = array<i32>} : memref<3328x16xf32, #tpu.memory_space<vmem>>, vector<16xf32>,
      %add3A_828 = arith.addf %add3A_820, %get3A_827 : vector<16xf32>
      %mul3A_829 = arith.mulf %get3A_827, %get3A_827 : vector<16xf32>
      %add3A_830 = arith.addf %add3A_822, %mul3A_829 : vector<16xf32>
      %add3A_831 = arith.constant 8 : i32
      %add3A_832 = arith.addi %mul3A_762, %add3A_831 : i32
      %get3A_833 = arith.index_cast %add3A_832 : i32 to index
      %get3A_834 = arith.constant 0 : index
      %get3A_835 = tpu.vector_load %arg9[%get3A_833, %get3A_834] {strides = array<i32>} : memref<3328x16xf32, #tpu.memory_space<vmem>>, vector<16xf32>,
      %add3A_836 = arith.addf %add3A_828, %get3A_835 : vector<16xf32>
      %mul3A_837 = arith.mulf %get3A_835, %get3A_835 : vector<16xf32>
      %add3A_838 = arith.addf %add3A_830, %mul3A_837 : vector<16xf32>
      %add3A_839 = arith.constant 9 : i32
      %add3A_840 = arith.addi %mul3A_762, %add3A_839 : i32
      %get3A_841 = arith.index_cast %add3A_840 : i32 to index
      %get3A_842 = arith.constant 0 : index
      %get3A_843 = tpu.vector_load %arg9[%get3A_841, %get3A_842] {strides = array<i32>} : memref<3328x16xf32, #tpu.memory_space<vmem>>, vector<16xf32>,
      %add3A_844 = arith.addf %add3A_836, %get3A_843 : vector<16xf32>
      %mul3A_845 = arith.mulf %get3A_843, %get3A_843 : vector<16xf32>
      %add3A_846 = arith.addf %add3A_838, %mul3A_845 : vector<16xf32>
      %add3A_847 = arith.constant 10 : i32
      %add3A_848 = arith.addi %mul3A_762, %add3A_847 : i32
      %get3A_849 = arith.index_cast %add3A_848 : i32 to index
      %get3A_850 = arith.constant 0 : index
      %get3A_851 = tpu.vector_load %arg9[%get3A_849, %get3A_850] {strides = array<i32>} : memref<3328x16xf32, #tpu.memory_space<vmem>>, vector<16xf32>,
      %add3A_852 = arith.addf %add3A_844, %get3A_851 : vector<16xf32>
      %mul3A_853 = arith.mulf %get3A_851, %get3A_851 : vector<16xf32>
      %add3A_854 = arith.addf %add3A_846, %mul3A_853 : vector<16xf32>
      %add3A_855 = arith.constant 11 : i32
      %add3A_856 = arith.addi %mul3A_762, %add3A_855 : i32
      %get3A_857 = arith.index_cast %add3A_856 : i32 to index
      %get3A_858 = arith.constant 0 : index
      %get3A_859 = tpu.vector_load %arg9[%get3A_857, %get3A_858] {strides = array<i32>} : memref<3328x16xf32, #tpu.memory_space<vmem>>, vector<16xf32>,
      %add3A_860 = arith.addf %add3A_852, %get3A_859 : vector<16xf32>
      %mul3A_861 = arith.mulf %get3A_859, %get3A_859 : vector<16xf32>
      %add3A_862 = arith.addf %add3A_854, %mul3A_861 : vector<16xf32>
      %add3A_863 = arith.constant 12 : i32
      %add3A_864 = arith.addi %mul3A_762, %add3A_863 : i32
      %get3A_865 = arith.index_cast %add3A_864 : i32 to index
      %get3A_866 = arith.constant 0 : index
      %get3A_867 = tpu.vector_load %arg9[%get3A_865, %get3A_866] {strides = array<i32>} : memref<3328x16xf32, #tpu.memory_space<vmem>>, vector<16xf32>,
      %add3A_868 = arith.addf %add3A_860, %get3A_867 : vector<16xf32>
      %mul3A_869 = arith.mulf %get3A_867, %get3A_867 : vector<16xf32>
      %add3A_870 = arith.addf %add3A_862, %mul3A_869 : vector<16xf32>
      %add3A_871 = arith.constant 13 : i32
      %add3A_872 = arith.addi %mul3A_762, %add3A_871 : i32
      %get3A_873 = arith.index_cast %add3A_872 : i32 to index
      %get3A_874 = arith.constant 0 : index
      %get3A_875 = tpu.vector_load %arg9[%get3A_873, %get3A_874] {strides = array<i32>} : memref<3328x16xf32, #tpu.memory_space<vmem>>, vector<16xf32>,
      %add3A_876 = arith.addf %add3A_868, %get3A_875 : vector<16xf32>
      %mul3A_877 = arith.mulf %get3A_875, %get3A_875 : vector<16xf32>
      %add3A_878 = arith.addf %add3A_870, %mul3A_877 : vector<16xf32>
      %add3A_879 = arith.constant 14 : i32
      %add3A_880 = arith.addi %mul3A_762, %add3A_879 : i32
      %get3A_881 = arith.index_cast %add3A_880 : i32 to index
      %get3A_882 = arith.constant 0 : index
      %get3A_883 = tpu.vector_load %arg9[%get3A_881, %get3A_882] {strides = array<i32>} : memref<3328x16xf32, #tpu.memory_space<vmem>>, vector<16xf32>,
      %add3A_884 = arith.addf %add3A_876, %get3A_883 : vector<16xf32>
      %mul3A_885 = arith.mulf %get3A_883, %get3A_883 : vector<16xf32>
      %add3A_886 = arith.addf %add3A_878, %mul3A_885 : vector<16xf32>
      %add3A_887 = arith.constant 15 : i32
      %add3A_888 = arith.addi %mul3A_762, %add3A_887 : i32
      %get3A_889 = arith.index_cast %add3A_888 : i32 to index
      %get3A_890 = arith.constant 0 : index
      %get3A_891 = tpu.vector_load %arg9[%get3A_889, %get3A_890] {strides = array<i32>} : memref<3328x16xf32, #tpu.memory_space<vmem>>, vector<16xf32>,
      %add3A_892 = arith.addf %add3A_884, %get3A_891 : vector<16xf32>
      %mul3A_893 = arith.mulf %get3A_891, %get3A_891 : vector<16xf32>
      %add3A_894 = arith.addf %add3A_886, %mul3A_893 : vector<16xf32>
      %add3A_895 = arith.constant 16 : i32
      %add3A_896 = arith.addi %mul3A_762, %add3A_895 : i32
      %get3A_897 = arith.index_cast %add3A_896 : i32 to index
      %get3A_898 = arith.constant 0 : index
      %get3A_899 = tpu.vector_load %arg9[%get3A_897, %get3A_898] {strides = array<i32>} : memref<3328x16xf32, #tpu.memory_space<vmem>>, vector<16xf32>,
      %add3A_900 = arith.addf %add3A_892, %get3A_899 : vector<16xf32>
      %mul3A_901 = arith.mulf %get3A_899, %get3A_899 : vector<16xf32>
      %add3A_902 = arith.addf %add3A_894, %mul3A_901 : vector<16xf32>
      %add3A_903 = arith.constant 17 : i32
      %add3A_904 = arith.addi %mul3A_762, %add3A_903 : i32
      %get3A_905 = arith.index_cast %add3A_904 : i32 to index
      %get3A_906 = arith.constant 0 : index
      %get3A_907 = tpu.vector_load %arg9[%get3A_905, %get3A_906] {strides = array<i32>} : memref<3328x16xf32, #tpu.memory_space<vmem>>, vector<16xf32>,
      %add3A_908 = arith.addf %add3A_900, %get3A_907 : vector<16xf32>
      %mul3A_909 = arith.mulf %get3A_907, %get3A_907 : vector<16xf32>
      %add3A_910 = arith.addf %add3A_902, %mul3A_909 : vector<16xf32>
      %add3A_911 = arith.constant 18 : i32
      %add3A_912 = arith.addi %mul3A_762, %add3A_911 : i32
      %get3A_913 = arith.index_cast %add3A_912 : i32 to index
      %get3A_914 = arith.constant 0 : index
      %get3A_915 = tpu.vector_load %arg9[%get3A_913, %get3A_914] {strides = array<i32>} : memref<3328x16xf32, #tpu.memory_space<vmem>>, vector<16xf32>,
      %add3A_916 = arith.addf %add3A_908, %get3A_915 : vector<16xf32>
      %mul3A_917 = arith.mulf %get3A_915, %get3A_915 : vector<16xf32>
      %add3A_918 = arith.addf %add3A_910, %mul3A_917 : vector<16xf32>
      %add3A_919 = arith.constant 19 : i32
      %add3A_920 = arith.addi %mul3A_762, %add3A_919 : i32
      %get3A_921 = arith.index_cast %add3A_920 : i32 to index
      %get3A_922 = arith.constant 0 : index
      %get3A_923 = tpu.vector_load %arg9[%get3A_921, %get3A_922] {strides = array<i32>} : memref<3328x16xf32, #tpu.memory_space<vmem>>, vector<16xf32>,
      %add3A_924 = arith.addf %add3A_916, %get3A_923 : vector<16xf32>
      %mul3A_925 = arith.mulf %get3A_923, %get3A_923 : vector<16xf32>
      %add3A_926 = arith.addf %add3A_918, %mul3A_925 : vector<16xf32>
      %add3A_927 = arith.constant 20 : i32
      %add3A_928 = arith.addi %mul3A_762, %add3A_927 : i32
      %get3A_929 = arith.index_cast %add3A_928 : i32 to index
      %get3A_930 = arith.constant 0 : index
      %get3A_931 = tpu.vector_load %arg9[%get3A_929, %get3A_930] {strides = array<i32>} : memref<3328x16xf32, #tpu.memory_space<vmem>>, vector<16xf32>,
      %add3A_932 = arith.addf %add3A_924, %get3A_931 : vector<16xf32>
      %mul3A_933 = arith.mulf %get3A_931, %get3A_931 : vector<16xf32>
      %add3A_934 = arith.addf %add3A_926, %mul3A_933 : vector<16xf32>
      %add3A_935 = arith.constant 21 : i32
      %add3A_936 = arith.addi %mul3A_762, %add3A_935 : i32
      %get3A_937 = arith.index_cast %add3A_936 : i32 to index
      %get3A_938 = arith.constant 0 : index
      %get3A_939 = tpu.vector_load %arg9[%get3A_937, %get3A_938] {strides = array<i32>} : memref<3328x16xf32, #tpu.memory_space<vmem>>, vector<16xf32>,
      %add3A_940 = arith.addf %add3A_932, %get3A_939 : vector<16xf32>
      %mul3A_941 = arith.mulf %get3A_939, %get3A_939 : vector<16xf32>
      %add3A_942 = arith.addf %add3A_934, %mul3A_941 : vector<16xf32>
      %add3A_943 = arith.constant 22 : i32
      %add3A_944 = arith.addi %mul3A_762, %add3A_943 : i32
      %get3A_945 = arith.index_cast %add3A_944 : i32 to index
      %get3A_946 = arith.constant 0 : index
      %get3A_947 = tpu.vector_load %arg9[%get3A_945, %get3A_946] {strides = array<i32>} : memref<3328x16xf32, #tpu.memory_space<vmem>>, vector<16xf32>,
      %add3A_948 = arith.addf %add3A_940, %get3A_947 : vector<16xf32>
      %mul3A_949 = arith.mulf %get3A_947, %get3A_947 : vector<16xf32>
      %add3A_950 = arith.addf %add3A_942, %mul3A_949 : vector<16xf32>
      %add3A_951 = arith.constant 23 : i32
      %add3A_952 = arith.addi %mul3A_762, %add3A_951 : i32
      %get3A_953 = arith.index_cast %add3A_952 : i32 to index
      %get3A_954 = arith.constant 0 : index
      %get3A_955 = tpu.vector_load %arg9[%get3A_953, %get3A_954] {strides = array<i32>} : memref<3328x16xf32, #tpu.memory_space<vmem>>, vector<16xf32>,
      %add3A_956 = arith.addf %add3A_948, %get3A_955 : vector<16xf32>
      %mul3A_957 = arith.mulf %get3A_955, %get3A_955 : vector<16xf32>
      %add3A_958 = arith.addf %add3A_950, %mul3A_957 : vector<16xf32>
      %add3A_959 = arith.constant 24 : i32
      %add3A_960 = arith.addi %mul3A_762, %add3A_959 : i32
      %get3A_961 = arith.index_cast %add3A_960 : i32 to index
      %get3A_962 = arith.constant 0 : index
      %get3A_963 = tpu.vector_load %arg9[%get3A_961, %get3A_962] {strides = array<i32>} : memref<3328x16xf32, #tpu.memory_space<vmem>>, vector<16xf32>,
      %add3A_964 = arith.addf %add3A_956, %get3A_963 : vector<16xf32>
      %mul3A_965 = arith.mulf %get3A_963, %get3A_963 : vector<16xf32>
      %add3A_966 = arith.addf %add3A_958, %mul3A_965 : vector<16xf32>
      %add3A_967 = arith.constant 25 : i32
      %add3A_968 = arith.addi %mul3A_762, %add3A_967 : i32
      %get3A_969 = arith.index_cast %add3A_968 : i32 to index
      %get3A_970 = arith.constant 0 : index
      %get3A_971 = tpu.vector_load %arg9[%get3A_969, %get3A_970] {strides = array<i32>} : memref<3328x16xf32, #tpu.memory_space<vmem>>, vector<16xf32>,
      %add3A_972 = arith.addf %add3A_964, %get3A_971 : vector<16xf32>
      %mul3A_973 = arith.mulf %get3A_971, %get3A_971 : vector<16xf32>
      %add3A_974 = arith.addf %add3A_966, %mul3A_973 : vector<16xf32>
      %get3A_975 = arith.index_cast %mul3A_762 : i32 to index
      %get3A_976 = tpu.vector_load %arg10[%get3A_975] {strides = array<i32>} : memref<3344xf32, #tpu.memory_space<vmem>>, vector<16xf32>,
      %add3A_977 = arith.constant 16 : i32
      %add3A_978 = arith.addi %mul3A_762, %add3A_977 : i32
      %get3A_979 = arith.index_cast %add3A_978 : i32 to index
      %get3A_980 = tpu.vector_load %arg10[%get3A_979] {strides = array<i32>} : memref<3344xf32, #tpu.memory_space<vmem>>, vector<16xf32>,
      %mul3A_981 = arith.mulf %add3A_972, %add3A_972 : vector<16xf32>
      %sub3A_982 = arith.subf %mul3A_981, %add3A_974 : vector<16xf32>
      %mul3A_983 = arith.constant 5.000000e-01 : f32
      %mul3A_984 = vector.broadcast %mul3A_983 : f32 to vector<16xf32>
      %mul3A_985 = arith.mulf %mul3A_984, %sub3A_982 : vector<16xf32>
      %add3A_986 = arith.addf %mul3A_985, %get3A_976 : vector<16xf32>
      %jit3A_987 = arith.constant 0.000000e+00 : f32
      %broadcast_in_dim3A_988 = vector.broadcast %jit3A_987 : f32 to vector<16xf32>
      %select_n3A_989 = arith.select %lt3A_22, %get3A_980, %broadcast_in_dim3A_988 : vector<16xi1>, vector<16xf32>
      %add3A_990 = arith.addf %add3A_986, %select_n3A_989 : vector<16xf32>
      %eq3A_991 = arith.constant 3 : i32
      %eq3A_992 = vector.broadcast %eq3A_991 : i32 to vector<16xi32>
      %eq3A_993 = arith.cmpi eq, %iota3A, %eq3A_992 : vector<16xi32>
      %reduce_sum3A_994 = arith.constant true
      %reduce_sum3A_995 = vector.broadcast %reduce_sum3A_994 : i1 to vector<16xi1>
      %reduce_sum3A_996 = tpu.scan <sum>, %add3A_990 masked %reduce_sum3A_995 : vector<16xf32>, vector<16xi1> -> vector<16xf32>
      %reduce_sum3A_997 = vector.extract %reduce_sum3A_996[15] : f32 from vector<16xf32>
      %broadcast_in_dim3A_998 = vector.broadcast %reduce_sum3A_997 : f32 to vector<16xf32>
      %select_n3A_999 = arith.select %eq3A_993, %broadcast_in_dim3A_998, %select_n3A_756 : vector<16xi1>, vector<16xf32>
      %mul3A_1000 = arith.constant 16 : i32
      %mul3A_1001 = arith.muli %scan3A_31, %mul3A_1000 : i32
      %add3A_1002 = arith.constant 4 : i32
      %add3A_1003 = arith.addi %mul3A_1001, %add3A_1002 : i32
      %mul3A_1004 = arith.constant 26 : i32
      %mul3A_1005 = arith.muli %add3A_1003, %mul3A_1004 : i32
      %broadcast_in_dim3A_1006 = arith.constant 0.000000e+00 : f32
      %broadcast_in_dim3A_1007 = vector.broadcast %broadcast_in_dim3A_1006 : f32 to vector<16xf32>
      %broadcast_in_dim3A_1008 = arith.constant 0.000000e+00 : f32
      %broadcast_in_dim3A_1009 = vector.broadcast %broadcast_in_dim3A_1008 : f32 to vector<16xf32>
      %add3A_1010 = arith.constant 0 : i32
      %add3A_1011 = arith.addi %mul3A_1005, %add3A_1010 : i32
      %get3A_1012 = arith.index_cast %add3A_1011 : i32 to index
      %get3A_1013 = arith.constant 0 : index
      %get3A_1014 = tpu.vector_load %arg9[%get3A_1012, %get3A_1013] {strides = array<i32>} : memref<3328x16xf32, #tpu.memory_space<vmem>>, vector<16xf32>,
      %add3A_1015 = arith.addf %broadcast_in_dim3A_1007, %get3A_1014 : vector<16xf32>
      %mul3A_1016 = arith.mulf %get3A_1014, %get3A_1014 : vector<16xf32>
      %add3A_1017 = arith.addf %broadcast_in_dim3A_1009, %mul3A_1016 : vector<16xf32>
      %add3A_1018 = arith.constant 1 : i32
      %add3A_1019 = arith.addi %mul3A_1005, %add3A_1018 : i32
      %get3A_1020 = arith.index_cast %add3A_1019 : i32 to index
      %get3A_1021 = arith.constant 0 : index
      %get3A_1022 = tpu.vector_load %arg9[%get3A_1020, %get3A_1021] {strides = array<i32>} : memref<3328x16xf32, #tpu.memory_space<vmem>>, vector<16xf32>,
      %add3A_1023 = arith.addf %add3A_1015, %get3A_1022 : vector<16xf32>
      %mul3A_1024 = arith.mulf %get3A_1022, %get3A_1022 : vector<16xf32>
      %add3A_1025 = arith.addf %add3A_1017, %mul3A_1024 : vector<16xf32>
      %add3A_1026 = arith.constant 2 : i32
      %add3A_1027 = arith.addi %mul3A_1005, %add3A_1026 : i32
      %get3A_1028 = arith.index_cast %add3A_1027 : i32 to index
      %get3A_1029 = arith.constant 0 : index
      %get3A_1030 = tpu.vector_load %arg9[%get3A_1028, %get3A_1029] {strides = array<i32>} : memref<3328x16xf32, #tpu.memory_space<vmem>>, vector<16xf32>,
      %add3A_1031 = arith.addf %add3A_1023, %get3A_1030 : vector<16xf32>
      %mul3A_1032 = arith.mulf %get3A_1030, %get3A_1030 : vector<16xf32>
      %add3A_1033 = arith.addf %add3A_1025, %mul3A_1032 : vector<16xf32>
      %add3A_1034 = arith.constant 3 : i32
      %add3A_1035 = arith.addi %mul3A_1005, %add3A_1034 : i32
      %get3A_1036 = arith.index_cast %add3A_1035 : i32 to index
      %get3A_1037 = arith.constant 0 : index
      %get3A_1038 = tpu.vector_load %arg9[%get3A_1036, %get3A_1037] {strides = array<i32>} : memref<3328x16xf32, #tpu.memory_space<vmem>>, vector<16xf32>,
      %add3A_1039 = arith.addf %add3A_1031, %get3A_1038 : vector<16xf32>
      %mul3A_1040 = arith.mulf %get3A_1038, %get3A_1038 : vector<16xf32>
      %add3A_1041 = arith.addf %add3A_1033, %mul3A_1040 : vector<16xf32>
      %add3A_1042 = arith.constant 4 : i32
      %add3A_1043 = arith.addi %mul3A_1005, %add3A_1042 : i32
      %get3A_1044 = arith.index_cast %add3A_1043 : i32 to index
      %get3A_1045 = arith.constant 0 : index
      %get3A_1046 = tpu.vector_load %arg9[%get3A_1044, %get3A_1045] {strides = array<i32>} : memref<3328x16xf32, #tpu.memory_space<vmem>>, vector<16xf32>,
      %add3A_1047 = arith.addf %add3A_1039, %get3A_1046 : vector<16xf32>
      %mul3A_1048 = arith.mulf %get3A_1046, %get3A_1046 : vector<16xf32>
      %add3A_1049 = arith.addf %add3A_1041, %mul3A_1048 : vector<16xf32>
      %add3A_1050 = arith.constant 5 : i32
      %add3A_1051 = arith.addi %mul3A_1005, %add3A_1050 : i32
      %get3A_1052 = arith.index_cast %add3A_1051 : i32 to index
      %get3A_1053 = arith.constant 0 : index
      %get3A_1054 = tpu.vector_load %arg9[%get3A_1052, %get3A_1053] {strides = array<i32>} : memref<3328x16xf32, #tpu.memory_space<vmem>>, vector<16xf32>,
      %add3A_1055 = arith.addf %add3A_1047, %get3A_1054 : vector<16xf32>
      %mul3A_1056 = arith.mulf %get3A_1054, %get3A_1054 : vector<16xf32>
      %add3A_1057 = arith.addf %add3A_1049, %mul3A_1056 : vector<16xf32>
      %add3A_1058 = arith.constant 6 : i32
      %add3A_1059 = arith.addi %mul3A_1005, %add3A_1058 : i32
      %get3A_1060 = arith.index_cast %add3A_1059 : i32 to index
      %get3A_1061 = arith.constant 0 : index
      %get3A_1062 = tpu.vector_load %arg9[%get3A_1060, %get3A_1061] {strides = array<i32>} : memref<3328x16xf32, #tpu.memory_space<vmem>>, vector<16xf32>,
      %add3A_1063 = arith.addf %add3A_1055, %get3A_1062 : vector<16xf32>
      %mul3A_1064 = arith.mulf %get3A_1062, %get3A_1062 : vector<16xf32>
      %add3A_1065 = arith.addf %add3A_1057, %mul3A_1064 : vector<16xf32>
      %add3A_1066 = arith.constant 7 : i32
      %add3A_1067 = arith.addi %mul3A_1005, %add3A_1066 : i32
      %get3A_1068 = arith.index_cast %add3A_1067 : i32 to index
      %get3A_1069 = arith.constant 0 : index
      %get3A_1070 = tpu.vector_load %arg9[%get3A_1068, %get3A_1069] {strides = array<i32>} : memref<3328x16xf32, #tpu.memory_space<vmem>>, vector<16xf32>,
      %add3A_1071 = arith.addf %add3A_1063, %get3A_1070 : vector<16xf32>
      %mul3A_1072 = arith.mulf %get3A_1070, %get3A_1070 : vector<16xf32>
      %add3A_1073 = arith.addf %add3A_1065, %mul3A_1072 : vector<16xf32>
      %add3A_1074 = arith.constant 8 : i32
      %add3A_1075 = arith.addi %mul3A_1005, %add3A_1074 : i32
      %get3A_1076 = arith.index_cast %add3A_1075 : i32 to index
      %get3A_1077 = arith.constant 0 : index
      %get3A_1078 = tpu.vector_load %arg9[%get3A_1076, %get3A_1077] {strides = array<i32>} : memref<3328x16xf32, #tpu.memory_space<vmem>>, vector<16xf32>,
      %add3A_1079 = arith.addf %add3A_1071, %get3A_1078 : vector<16xf32>
      %mul3A_1080 = arith.mulf %get3A_1078, %get3A_1078 : vector<16xf32>
      %add3A_1081 = arith.addf %add3A_1073, %mul3A_1080 : vector<16xf32>
      %add3A_1082 = arith.constant 9 : i32
      %add3A_1083 = arith.addi %mul3A_1005, %add3A_1082 : i32
      %get3A_1084 = arith.index_cast %add3A_1083 : i32 to index
      %get3A_1085 = arith.constant 0 : index
      %get3A_1086 = tpu.vector_load %arg9[%get3A_1084, %get3A_1085] {strides = array<i32>} : memref<3328x16xf32, #tpu.memory_space<vmem>>, vector<16xf32>,
      %add3A_1087 = arith.addf %add3A_1079, %get3A_1086 : vector<16xf32>
      %mul3A_1088 = arith.mulf %get3A_1086, %get3A_1086 : vector<16xf32>
      %add3A_1089 = arith.addf %add3A_1081, %mul3A_1088 : vector<16xf32>
      %add3A_1090 = arith.constant 10 : i32
      %add3A_1091 = arith.addi %mul3A_1005, %add3A_1090 : i32
      %get3A_1092 = arith.index_cast %add3A_1091 : i32 to index
      %get3A_1093 = arith.constant 0 : index
      %get3A_1094 = tpu.vector_load %arg9[%get3A_1092, %get3A_1093] {strides = array<i32>} : memref<3328x16xf32, #tpu.memory_space<vmem>>, vector<16xf32>,
      %add3A_1095 = arith.addf %add3A_1087, %get3A_1094 : vector<16xf32>
      %mul3A_1096 = arith.mulf %get3A_1094, %get3A_1094 : vector<16xf32>
      %add3A_1097 = arith.addf %add3A_1089, %mul3A_1096 : vector<16xf32>
      %add3A_1098 = arith.constant 11 : i32
      %add3A_1099 = arith.addi %mul3A_1005, %add3A_1098 : i32
      %get3A_1100 = arith.index_cast %add3A_1099 : i32 to index
      %get3A_1101 = arith.constant 0 : index
      %get3A_1102 = tpu.vector_load %arg9[%get3A_1100, %get3A_1101] {strides = array<i32>} : memref<3328x16xf32, #tpu.memory_space<vmem>>, vector<16xf32>,
      %add3A_1103 = arith.addf %add3A_1095, %get3A_1102 : vector<16xf32>
      %mul3A_1104 = arith.mulf %get3A_1102, %get3A_1102 : vector<16xf32>
      %add3A_1105 = arith.addf %add3A_1097, %mul3A_1104 : vector<16xf32>
      %add3A_1106 = arith.constant 12 : i32
      %add3A_1107 = arith.addi %mul3A_1005, %add3A_1106 : i32
      %get3A_1108 = arith.index_cast %add3A_1107 : i32 to index
      %get3A_1109 = arith.constant 0 : index
      %get3A_1110 = tpu.vector_load %arg9[%get3A_1108, %get3A_1109] {strides = array<i32>} : memref<3328x16xf32, #tpu.memory_space<vmem>>, vector<16xf32>,
      %add3A_1111 = arith.addf %add3A_1103, %get3A_1110 : vector<16xf32>
      %mul3A_1112 = arith.mulf %get3A_1110, %get3A_1110 : vector<16xf32>
      %add3A_1113 = arith.addf %add3A_1105, %mul3A_1112 : vector<16xf32>
      %add3A_1114 = arith.constant 13 : i32
      %add3A_1115 = arith.addi %mul3A_1005, %add3A_1114 : i32
      %get3A_1116 = arith.index_cast %add3A_1115 : i32 to index
      %get3A_1117 = arith.constant 0 : index
      %get3A_1118 = tpu.vector_load %arg9[%get3A_1116, %get3A_1117] {strides = array<i32>} : memref<3328x16xf32, #tpu.memory_space<vmem>>, vector<16xf32>,
      %add3A_1119 = arith.addf %add3A_1111, %get3A_1118 : vector<16xf32>
      %mul3A_1120 = arith.mulf %get3A_1118, %get3A_1118 : vector<16xf32>
      %add3A_1121 = arith.addf %add3A_1113, %mul3A_1120 : vector<16xf32>
      %add3A_1122 = arith.constant 14 : i32
      %add3A_1123 = arith.addi %mul3A_1005, %add3A_1122 : i32
      %get3A_1124 = arith.index_cast %add3A_1123 : i32 to index
      %get3A_1125 = arith.constant 0 : index
      %get3A_1126 = tpu.vector_load %arg9[%get3A_1124, %get3A_1125] {strides = array<i32>} : memref<3328x16xf32, #tpu.memory_space<vmem>>, vector<16xf32>,
      %add3A_1127 = arith.addf %add3A_1119, %get3A_1126 : vector<16xf32>
      %mul3A_1128 = arith.mulf %get3A_1126, %get3A_1126 : vector<16xf32>
      %add3A_1129 = arith.addf %add3A_1121, %mul3A_1128 : vector<16xf32>
      %add3A_1130 = arith.constant 15 : i32
      %add3A_1131 = arith.addi %mul3A_1005, %add3A_1130 : i32
      %get3A_1132 = arith.index_cast %add3A_1131 : i32 to index
      %get3A_1133 = arith.constant 0 : index
      %get3A_1134 = tpu.vector_load %arg9[%get3A_1132, %get3A_1133] {strides = array<i32>} : memref<3328x16xf32, #tpu.memory_space<vmem>>, vector<16xf32>,
      %add3A_1135 = arith.addf %add3A_1127, %get3A_1134 : vector<16xf32>
      %mul3A_1136 = arith.mulf %get3A_1134, %get3A_1134 : vector<16xf32>
      %add3A_1137 = arith.addf %add3A_1129, %mul3A_1136 : vector<16xf32>
      %add3A_1138 = arith.constant 16 : i32
      %add3A_1139 = arith.addi %mul3A_1005, %add3A_1138 : i32
      %get3A_1140 = arith.index_cast %add3A_1139 : i32 to index
      %get3A_1141 = arith.constant 0 : index
      %get3A_1142 = tpu.vector_load %arg9[%get3A_1140, %get3A_1141] {strides = array<i32>} : memref<3328x16xf32, #tpu.memory_space<vmem>>, vector<16xf32>,
      %add3A_1143 = arith.addf %add3A_1135, %get3A_1142 : vector<16xf32>
      %mul3A_1144 = arith.mulf %get3A_1142, %get3A_1142 : vector<16xf32>
      %add3A_1145 = arith.addf %add3A_1137, %mul3A_1144 : vector<16xf32>
      %add3A_1146 = arith.constant 17 : i32
      %add3A_1147 = arith.addi %mul3A_1005, %add3A_1146 : i32
      %get3A_1148 = arith.index_cast %add3A_1147 : i32 to index
      %get3A_1149 = arith.constant 0 : index
      %get3A_1150 = tpu.vector_load %arg9[%get3A_1148, %get3A_1149] {strides = array<i32>} : memref<3328x16xf32, #tpu.memory_space<vmem>>, vector<16xf32>,
      %add3A_1151 = arith.addf %add3A_1143, %get3A_1150 : vector<16xf32>
      %mul3A_1152 = arith.mulf %get3A_1150, %get3A_1150 : vector<16xf32>
      %add3A_1153 = arith.addf %add3A_1145, %mul3A_1152 : vector<16xf32>
      %add3A_1154 = arith.constant 18 : i32
      %add3A_1155 = arith.addi %mul3A_1005, %add3A_1154 : i32
      %get3A_1156 = arith.index_cast %add3A_1155 : i32 to index
      %get3A_1157 = arith.constant 0 : index
      %get3A_1158 = tpu.vector_load %arg9[%get3A_1156, %get3A_1157] {strides = array<i32>} : memref<3328x16xf32, #tpu.memory_space<vmem>>, vector<16xf32>,
      %add3A_1159 = arith.addf %add3A_1151, %get3A_1158 : vector<16xf32>
      %mul3A_1160 = arith.mulf %get3A_1158, %get3A_1158 : vector<16xf32>
      %add3A_1161 = arith.addf %add3A_1153, %mul3A_1160 : vector<16xf32>
      %add3A_1162 = arith.constant 19 : i32
      %add3A_1163 = arith.addi %mul3A_1005, %add3A_1162 : i32
      %get3A_1164 = arith.index_cast %add3A_1163 : i32 to index
      %get3A_1165 = arith.constant 0 : index
      %get3A_1166 = tpu.vector_load %arg9[%get3A_1164, %get3A_1165] {strides = array<i32>} : memref<3328x16xf32, #tpu.memory_space<vmem>>, vector<16xf32>,
      %add3A_1167 = arith.addf %add3A_1159, %get3A_1166 : vector<16xf32>
      %mul3A_1168 = arith.mulf %get3A_1166, %get3A_1166 : vector<16xf32>
      %add3A_1169 = arith.addf %add3A_1161, %mul3A_1168 : vector<16xf32>
      %add3A_1170 = arith.constant 20 : i32
      %add3A_1171 = arith.addi %mul3A_1005, %add3A_1170 : i32
      %get3A_1172 = arith.index_cast %add3A_1171 : i32 to index
      %get3A_1173 = arith.constant 0 : index
      %get3A_1174 = tpu.vector_load %arg9[%get3A_1172, %get3A_1173] {strides = array<i32>} : memref<3328x16xf32, #tpu.memory_space<vmem>>, vector<16xf32>,
      %add3A_1175 = arith.addf %add3A_1167, %get3A_1174 : vector<16xf32>
      %mul3A_1176 = arith.mulf %get3A_1174, %get3A_1174 : vector<16xf32>
      %add3A_1177 = arith.addf %add3A_1169, %mul3A_1176 : vector<16xf32>
      %add3A_1178 = arith.constant 21 : i32
      %add3A_1179 = arith.addi %mul3A_1005, %add3A_1178 : i32
      %get3A_1180 = arith.index_cast %add3A_1179 : i32 to index
      %get3A_1181 = arith.constant 0 : index
      %get3A_1182 = tpu.vector_load %arg9[%get3A_1180, %get3A_1181] {strides = array<i32>} : memref<3328x16xf32, #tpu.memory_space<vmem>>, vector<16xf32>,
      %add3A_1183 = arith.addf %add3A_1175, %get3A_1182 : vector<16xf32>
      %mul3A_1184 = arith.mulf %get3A_1182, %get3A_1182 : vector<16xf32>
      %add3A_1185 = arith.addf %add3A_1177, %mul3A_1184 : vector<16xf32>
      %add3A_1186 = arith.constant 22 : i32
      %add3A_1187 = arith.addi %mul3A_1005, %add3A_1186 : i32
      %get3A_1188 = arith.index_cast %add3A_1187 : i32 to index
      %get3A_1189 = arith.constant 0 : index
      %get3A_1190 = tpu.vector_load %arg9[%get3A_1188, %get3A_1189] {strides = array<i32>} : memref<3328x16xf32, #tpu.memory_space<vmem>>, vector<16xf32>,
      %add3A_1191 = arith.addf %add3A_1183, %get3A_1190 : vector<16xf32>
      %mul3A_1192 = arith.mulf %get3A_1190, %get3A_1190 : vector<16xf32>
      %add3A_1193 = arith.addf %add3A_1185, %mul3A_1192 : vector<16xf32>
      %add3A_1194 = arith.constant 23 : i32
      %add3A_1195 = arith.addi %mul3A_1005, %add3A_1194 : i32
      %get3A_1196 = arith.index_cast %add3A_1195 : i32 to index
      %get3A_1197 = arith.constant 0 : index
      %get3A_1198 = tpu.vector_load %arg9[%get3A_1196, %get3A_1197] {strides = array<i32>} : memref<3328x16xf32, #tpu.memory_space<vmem>>, vector<16xf32>,
      %add3A_1199 = arith.addf %add3A_1191, %get3A_1198 : vector<16xf32>
      %mul3A_1200 = arith.mulf %get3A_1198, %get3A_1198 : vector<16xf32>
      %add3A_1201 = arith.addf %add3A_1193, %mul3A_1200 : vector<16xf32>
      %add3A_1202 = arith.constant 24 : i32
      %add3A_1203 = arith.addi %mul3A_1005, %add3A_1202 : i32
      %get3A_1204 = arith.index_cast %add3A_1203 : i32 to index
      %get3A_1205 = arith.constant 0 : index
      %get3A_1206 = tpu.vector_load %arg9[%get3A_1204, %get3A_1205] {strides = array<i32>} : memref<3328x16xf32, #tpu.memory_space<vmem>>, vector<16xf32>,
      %add3A_1207 = arith.addf %add3A_1199, %get3A_1206 : vector<16xf32>
      %mul3A_1208 = arith.mulf %get3A_1206, %get3A_1206 : vector<16xf32>
      %add3A_1209 = arith.addf %add3A_1201, %mul3A_1208 : vector<16xf32>
      %add3A_1210 = arith.constant 25 : i32
      %add3A_1211 = arith.addi %mul3A_1005, %add3A_1210 : i32
      %get3A_1212 = arith.index_cast %add3A_1211 : i32 to index
      %get3A_1213 = arith.constant 0 : index
      %get3A_1214 = tpu.vector_load %arg9[%get3A_1212, %get3A_1213] {strides = array<i32>} : memref<3328x16xf32, #tpu.memory_space<vmem>>, vector<16xf32>,
      %add3A_1215 = arith.addf %add3A_1207, %get3A_1214 : vector<16xf32>
      %mul3A_1216 = arith.mulf %get3A_1214, %get3A_1214 : vector<16xf32>
      %add3A_1217 = arith.addf %add3A_1209, %mul3A_1216 : vector<16xf32>
      %get3A_1218 = arith.index_cast %mul3A_1005 : i32 to index
      %get3A_1219 = tpu.vector_load %arg10[%get3A_1218] {strides = array<i32>} : memref<3344xf32, #tpu.memory_space<vmem>>, vector<16xf32>,
      %add3A_1220 = arith.constant 16 : i32
      %add3A_1221 = arith.addi %mul3A_1005, %add3A_1220 : i32
      %get3A_1222 = arith.index_cast %add3A_1221 : i32 to index
      %get3A_1223 = tpu.vector_load %arg10[%get3A_1222] {strides = array<i32>} : memref<3344xf32, #tpu.memory_space<vmem>>, vector<16xf32>,
      %mul3A_1224 = arith.mulf %add3A_1215, %add3A_1215 : vector<16xf32>
      %sub3A_1225 = arith.subf %mul3A_1224, %add3A_1217 : vector<16xf32>
      %mul3A_1226 = arith.constant 5.000000e-01 : f32
      %mul3A_1227 = vector.broadcast %mul3A_1226 : f32 to vector<16xf32>
      %mul3A_1228 = arith.mulf %mul3A_1227, %sub3A_1225 : vector<16xf32>
      %add3A_1229 = arith.addf %mul3A_1228, %get3A_1219 : vector<16xf32>
      %jit3A_1230 = arith.constant 0.000000e+00 : f32
      %broadcast_in_dim3A_1231 = vector.broadcast %jit3A_1230 : f32 to vector<16xf32>
      %select_n3A_1232 = arith.select %lt3A_22, %get3A_1223, %broadcast_in_dim3A_1231 : vector<16xi1>, vector<16xf32>
      %add3A_1233 = arith.addf %add3A_1229, %select_n3A_1232 : vector<16xf32>
      %eq3A_1234 = arith.constant 4 : i32
      %eq3A_1235 = vector.broadcast %eq3A_1234 : i32 to vector<16xi32>
      %eq3A_1236 = arith.cmpi eq, %iota3A, %eq3A_1235 : vector<16xi32>
      %reduce_sum3A_1237 = arith.constant true
      %reduce_sum3A_1238 = vector.broadcast %reduce_sum3A_1237 : i1 to vector<16xi1>
      %reduce_sum3A_1239 = tpu.scan <sum>, %add3A_1233 masked %reduce_sum3A_1238 : vector<16xf32>, vector<16xi1> -> vector<16xf32>
      %reduce_sum3A_1240 = vector.extract %reduce_sum3A_1239[15] : f32 from vector<16xf32>
      %broadcast_in_dim3A_1241 = vector.broadcast %reduce_sum3A_1240 : f32 to vector<16xf32>
      %select_n3A_1242 = arith.select %eq3A_1236, %broadcast_in_dim3A_1241, %select_n3A_999 : vector<16xi1>, vector<16xf32>
      %mul3A_1243 = arith.constant 16 : i32
      %mul3A_1244 = arith.muli %scan3A_31, %mul3A_1243 : i32
      %add3A_1245 = arith.constant 5 : i32
      %add3A_1246 = arith.addi %mul3A_1244, %add3A_1245 : i32
      %mul3A_1247 = arith.constant 26 : i32
      %mul3A_1248 = arith.muli %add3A_1246, %mul3A_1247 : i32
      %broadcast_in_dim3A_1249 = arith.constant 0.000000e+00 : f32
      %broadcast_in_dim3A_1250 = vector.broadcast %broadcast_in_dim3A_1249 : f32 to vector<16xf32>
      %broadcast_in_dim3A_1251 = arith.constant 0.000000e+00 : f32
      %broadcast_in_dim3A_1252 = vector.broadcast %broadcast_in_dim3A_1251 : f32 to vector<16xf32>
      %add3A_1253 = arith.constant 0 : i32
      %add3A_1254 = arith.addi %mul3A_1248, %add3A_1253 : i32
      %get3A_1255 = arith.index_cast %add3A_1254 : i32 to index
      %get3A_1256 = arith.constant 0 : index
      %get3A_1257 = tpu.vector_load %arg9[%get3A_1255, %get3A_1256] {strides = array<i32>} : memref<3328x16xf32, #tpu.memory_space<vmem>>, vector<16xf32>,
      %add3A_1258 = arith.addf %broadcast_in_dim3A_1250, %get3A_1257 : vector<16xf32>
      %mul3A_1259 = arith.mulf %get3A_1257, %get3A_1257 : vector<16xf32>
      %add3A_1260 = arith.addf %broadcast_in_dim3A_1252, %mul3A_1259 : vector<16xf32>
      %add3A_1261 = arith.constant 1 : i32
      %add3A_1262 = arith.addi %mul3A_1248, %add3A_1261 : i32
      %get3A_1263 = arith.index_cast %add3A_1262 : i32 to index
      %get3A_1264 = arith.constant 0 : index
      %get3A_1265 = tpu.vector_load %arg9[%get3A_1263, %get3A_1264] {strides = array<i32>} : memref<3328x16xf32, #tpu.memory_space<vmem>>, vector<16xf32>,
      %add3A_1266 = arith.addf %add3A_1258, %get3A_1265 : vector<16xf32>
      %mul3A_1267 = arith.mulf %get3A_1265, %get3A_1265 : vector<16xf32>
      %add3A_1268 = arith.addf %add3A_1260, %mul3A_1267 : vector<16xf32>
      %add3A_1269 = arith.constant 2 : i32
      %add3A_1270 = arith.addi %mul3A_1248, %add3A_1269 : i32
      %get3A_1271 = arith.index_cast %add3A_1270 : i32 to index
      %get3A_1272 = arith.constant 0 : index
      %get3A_1273 = tpu.vector_load %arg9[%get3A_1271, %get3A_1272] {strides = array<i32>} : memref<3328x16xf32, #tpu.memory_space<vmem>>, vector<16xf32>,
      %add3A_1274 = arith.addf %add3A_1266, %get3A_1273 : vector<16xf32>
      %mul3A_1275 = arith.mulf %get3A_1273, %get3A_1273 : vector<16xf32>
      %add3A_1276 = arith.addf %add3A_1268, %mul3A_1275 : vector<16xf32>
      %add3A_1277 = arith.constant 3 : i32
      %add3A_1278 = arith.addi %mul3A_1248, %add3A_1277 : i32
      %get3A_1279 = arith.index_cast %add3A_1278 : i32 to index
      %get3A_1280 = arith.constant 0 : index
      %get3A_1281 = tpu.vector_load %arg9[%get3A_1279, %get3A_1280] {strides = array<i32>} : memref<3328x16xf32, #tpu.memory_space<vmem>>, vector<16xf32>,
      %add3A_1282 = arith.addf %add3A_1274, %get3A_1281 : vector<16xf32>
      %mul3A_1283 = arith.mulf %get3A_1281, %get3A_1281 : vector<16xf32>
      %add3A_1284 = arith.addf %add3A_1276, %mul3A_1283 : vector<16xf32>
      %add3A_1285 = arith.constant 4 : i32
      %add3A_1286 = arith.addi %mul3A_1248, %add3A_1285 : i32
      %get3A_1287 = arith.index_cast %add3A_1286 : i32 to index
      %get3A_1288 = arith.constant 0 : index
      %get3A_1289 = tpu.vector_load %arg9[%get3A_1287, %get3A_1288] {strides = array<i32>} : memref<3328x16xf32, #tpu.memory_space<vmem>>, vector<16xf32>,
      %add3A_1290 = arith.addf %add3A_1282, %get3A_1289 : vector<16xf32>
      %mul3A_1291 = arith.mulf %get3A_1289, %get3A_1289 : vector<16xf32>
      %add3A_1292 = arith.addf %add3A_1284, %mul3A_1291 : vector<16xf32>
      %add3A_1293 = arith.constant 5 : i32
      %add3A_1294 = arith.addi %mul3A_1248, %add3A_1293 : i32
      %get3A_1295 = arith.index_cast %add3A_1294 : i32 to index
      %get3A_1296 = arith.constant 0 : index
      %get3A_1297 = tpu.vector_load %arg9[%get3A_1295, %get3A_1296] {strides = array<i32>} : memref<3328x16xf32, #tpu.memory_space<vmem>>, vector<16xf32>,
      %add3A_1298 = arith.addf %add3A_1290, %get3A_1297 : vector<16xf32>
      %mul3A_1299 = arith.mulf %get3A_1297, %get3A_1297 : vector<16xf32>
      %add3A_1300 = arith.addf %add3A_1292, %mul3A_1299 : vector<16xf32>
      %add3A_1301 = arith.constant 6 : i32
      %add3A_1302 = arith.addi %mul3A_1248, %add3A_1301 : i32
      %get3A_1303 = arith.index_cast %add3A_1302 : i32 to index
      %get3A_1304 = arith.constant 0 : index
      %get3A_1305 = tpu.vector_load %arg9[%get3A_1303, %get3A_1304] {strides = array<i32>} : memref<3328x16xf32, #tpu.memory_space<vmem>>, vector<16xf32>,
      %add3A_1306 = arith.addf %add3A_1298, %get3A_1305 : vector<16xf32>
      %mul3A_1307 = arith.mulf %get3A_1305, %get3A_1305 : vector<16xf32>
      %add3A_1308 = arith.addf %add3A_1300, %mul3A_1307 : vector<16xf32>
      %add3A_1309 = arith.constant 7 : i32
      %add3A_1310 = arith.addi %mul3A_1248, %add3A_1309 : i32
      %get3A_1311 = arith.index_cast %add3A_1310 : i32 to index
      %get3A_1312 = arith.constant 0 : index
      %get3A_1313 = tpu.vector_load %arg9[%get3A_1311, %get3A_1312] {strides = array<i32>} : memref<3328x16xf32, #tpu.memory_space<vmem>>, vector<16xf32>,
      %add3A_1314 = arith.addf %add3A_1306, %get3A_1313 : vector<16xf32>
      %mul3A_1315 = arith.mulf %get3A_1313, %get3A_1313 : vector<16xf32>
      %add3A_1316 = arith.addf %add3A_1308, %mul3A_1315 : vector<16xf32>
      %add3A_1317 = arith.constant 8 : i32
      %add3A_1318 = arith.addi %mul3A_1248, %add3A_1317 : i32
      %get3A_1319 = arith.index_cast %add3A_1318 : i32 to index
      %get3A_1320 = arith.constant 0 : index
      %get3A_1321 = tpu.vector_load %arg9[%get3A_1319, %get3A_1320] {strides = array<i32>} : memref<3328x16xf32, #tpu.memory_space<vmem>>, vector<16xf32>,
      %add3A_1322 = arith.addf %add3A_1314, %get3A_1321 : vector<16xf32>
      %mul3A_1323 = arith.mulf %get3A_1321, %get3A_1321 : vector<16xf32>
      %add3A_1324 = arith.addf %add3A_1316, %mul3A_1323 : vector<16xf32>
      %add3A_1325 = arith.constant 9 : i32
      %add3A_1326 = arith.addi %mul3A_1248, %add3A_1325 : i32
      %get3A_1327 = arith.index_cast %add3A_1326 : i32 to index
      %get3A_1328 = arith.constant 0 : index
      %get3A_1329 = tpu.vector_load %arg9[%get3A_1327, %get3A_1328] {strides = array<i32>} : memref<3328x16xf32, #tpu.memory_space<vmem>>, vector<16xf32>,
      %add3A_1330 = arith.addf %add3A_1322, %get3A_1329 : vector<16xf32>
      %mul3A_1331 = arith.mulf %get3A_1329, %get3A_1329 : vector<16xf32>
      %add3A_1332 = arith.addf %add3A_1324, %mul3A_1331 : vector<16xf32>
      %add3A_1333 = arith.constant 10 : i32
      %add3A_1334 = arith.addi %mul3A_1248, %add3A_1333 : i32
      %get3A_1335 = arith.index_cast %add3A_1334 : i32 to index
      %get3A_1336 = arith.constant 0 : index
      %get3A_1337 = tpu.vector_load %arg9[%get3A_1335, %get3A_1336] {strides = array<i32>} : memref<3328x16xf32, #tpu.memory_space<vmem>>, vector<16xf32>,
      %add3A_1338 = arith.addf %add3A_1330, %get3A_1337 : vector<16xf32>
      %mul3A_1339 = arith.mulf %get3A_1337, %get3A_1337 : vector<16xf32>
      %add3A_1340 = arith.addf %add3A_1332, %mul3A_1339 : vector<16xf32>
      %add3A_1341 = arith.constant 11 : i32
      %add3A_1342 = arith.addi %mul3A_1248, %add3A_1341 : i32
      %get3A_1343 = arith.index_cast %add3A_1342 : i32 to index
      %get3A_1344 = arith.constant 0 : index
      %get3A_1345 = tpu.vector_load %arg9[%get3A_1343, %get3A_1344] {strides = array<i32>} : memref<3328x16xf32, #tpu.memory_space<vmem>>, vector<16xf32>,
      %add3A_1346 = arith.addf %add3A_1338, %get3A_1345 : vector<16xf32>
      %mul3A_1347 = arith.mulf %get3A_1345, %get3A_1345 : vector<16xf32>
      %add3A_1348 = arith.addf %add3A_1340, %mul3A_1347 : vector<16xf32>
      %add3A_1349 = arith.constant 12 : i32
      %add3A_1350 = arith.addi %mul3A_1248, %add3A_1349 : i32
      %get3A_1351 = arith.index_cast %add3A_1350 : i32 to index
      %get3A_1352 = arith.constant 0 : index
      %get3A_1353 = tpu.vector_load %arg9[%get3A_1351, %get3A_1352] {strides = array<i32>} : memref<3328x16xf32, #tpu.memory_space<vmem>>, vector<16xf32>,
      %add3A_1354 = arith.addf %add3A_1346, %get3A_1353 : vector<16xf32>
      %mul3A_1355 = arith.mulf %get3A_1353, %get3A_1353 : vector<16xf32>
      %add3A_1356 = arith.addf %add3A_1348, %mul3A_1355 : vector<16xf32>
      %add3A_1357 = arith.constant 13 : i32
      %add3A_1358 = arith.addi %mul3A_1248, %add3A_1357 : i32
      %get3A_1359 = arith.index_cast %add3A_1358 : i32 to index
      %get3A_1360 = arith.constant 0 : index
      %get3A_1361 = tpu.vector_load %arg9[%get3A_1359, %get3A_1360] {strides = array<i32>} : memref<3328x16xf32, #tpu.memory_space<vmem>>, vector<16xf32>,
      %add3A_1362 = arith.addf %add3A_1354, %get3A_1361 : vector<16xf32>
      %mul3A_1363 = arith.mulf %get3A_1361, %get3A_1361 : vector<16xf32>
      %add3A_1364 = arith.addf %add3A_1356, %mul3A_1363 : vector<16xf32>
      %add3A_1365 = arith.constant 14 : i32
      %add3A_1366 = arith.addi %mul3A_1248, %add3A_1365 : i32
      %get3A_1367 = arith.index_cast %add3A_1366 : i32 to index
      %get3A_1368 = arith.constant 0 : index
      %get3A_1369 = tpu.vector_load %arg9[%get3A_1367, %get3A_1368] {strides = array<i32>} : memref<3328x16xf32, #tpu.memory_space<vmem>>, vector<16xf32>,
      %add3A_1370 = arith.addf %add3A_1362, %get3A_1369 : vector<16xf32>
      %mul3A_1371 = arith.mulf %get3A_1369, %get3A_1369 : vector<16xf32>
      %add3A_1372 = arith.addf %add3A_1364, %mul3A_1371 : vector<16xf32>
      %add3A_1373 = arith.constant 15 : i32
      %add3A_1374 = arith.addi %mul3A_1248, %add3A_1373 : i32
      %get3A_1375 = arith.index_cast %add3A_1374 : i32 to index
      %get3A_1376 = arith.constant 0 : index
      %get3A_1377 = tpu.vector_load %arg9[%get3A_1375, %get3A_1376] {strides = array<i32>} : memref<3328x16xf32, #tpu.memory_space<vmem>>, vector<16xf32>,
      %add3A_1378 = arith.addf %add3A_1370, %get3A_1377 : vector<16xf32>
      %mul3A_1379 = arith.mulf %get3A_1377, %get3A_1377 : vector<16xf32>
      %add3A_1380 = arith.addf %add3A_1372, %mul3A_1379 : vector<16xf32>
      %add3A_1381 = arith.constant 16 : i32
      %add3A_1382 = arith.addi %mul3A_1248, %add3A_1381 : i32
      %get3A_1383 = arith.index_cast %add3A_1382 : i32 to index
      %get3A_1384 = arith.constant 0 : index
      %get3A_1385 = tpu.vector_load %arg9[%get3A_1383, %get3A_1384] {strides = array<i32>} : memref<3328x16xf32, #tpu.memory_space<vmem>>, vector<16xf32>,
      %add3A_1386 = arith.addf %add3A_1378, %get3A_1385 : vector<16xf32>
      %mul3A_1387 = arith.mulf %get3A_1385, %get3A_1385 : vector<16xf32>
      %add3A_1388 = arith.addf %add3A_1380, %mul3A_1387 : vector<16xf32>
      %add3A_1389 = arith.constant 17 : i32
      %add3A_1390 = arith.addi %mul3A_1248, %add3A_1389 : i32
      %get3A_1391 = arith.index_cast %add3A_1390 : i32 to index
      %get3A_1392 = arith.constant 0 : index
      %get3A_1393 = tpu.vector_load %arg9[%get3A_1391, %get3A_1392] {strides = array<i32>} : memref<3328x16xf32, #tpu.memory_space<vmem>>, vector<16xf32>,
      %add3A_1394 = arith.addf %add3A_1386, %get3A_1393 : vector<16xf32>
      %mul3A_1395 = arith.mulf %get3A_1393, %get3A_1393 : vector<16xf32>
      %add3A_1396 = arith.addf %add3A_1388, %mul3A_1395 : vector<16xf32>
      %add3A_1397 = arith.constant 18 : i32
      %add3A_1398 = arith.addi %mul3A_1248, %add3A_1397 : i32
      %get3A_1399 = arith.index_cast %add3A_1398 : i32 to index
      %get3A_1400 = arith.constant 0 : index
      %get3A_1401 = tpu.vector_load %arg9[%get3A_1399, %get3A_1400] {strides = array<i32>} : memref<3328x16xf32, #tpu.memory_space<vmem>>, vector<16xf32>,
      %add3A_1402 = arith.addf %add3A_1394, %get3A_1401 : vector<16xf32>
      %mul3A_1403 = arith.mulf %get3A_1401, %get3A_1401 : vector<16xf32>
      %add3A_1404 = arith.addf %add3A_1396, %mul3A_1403 : vector<16xf32>
      %add3A_1405 = arith.constant 19 : i32
      %add3A_1406 = arith.addi %mul3A_1248, %add3A_1405 : i32
      %get3A_1407 = arith.index_cast %add3A_1406 : i32 to index
      %get3A_1408 = arith.constant 0 : index
      %get3A_1409 = tpu.vector_load %arg9[%get3A_1407, %get3A_1408] {strides = array<i32>} : memref<3328x16xf32, #tpu.memory_space<vmem>>, vector<16xf32>,
      %add3A_1410 = arith.addf %add3A_1402, %get3A_1409 : vector<16xf32>
      %mul3A_1411 = arith.mulf %get3A_1409, %get3A_1409 : vector<16xf32>
      %add3A_1412 = arith.addf %add3A_1404, %mul3A_1411 : vector<16xf32>
      %add3A_1413 = arith.constant 20 : i32
      %add3A_1414 = arith.addi %mul3A_1248, %add3A_1413 : i32
      %get3A_1415 = arith.index_cast %add3A_1414 : i32 to index
      %get3A_1416 = arith.constant 0 : index
      %get3A_1417 = tpu.vector_load %arg9[%get3A_1415, %get3A_1416] {strides = array<i32>} : memref<3328x16xf32, #tpu.memory_space<vmem>>, vector<16xf32>,
      %add3A_1418 = arith.addf %add3A_1410, %get3A_1417 : vector<16xf32>
      %mul3A_1419 = arith.mulf %get3A_1417, %get3A_1417 : vector<16xf32>
      %add3A_1420 = arith.addf %add3A_1412, %mul3A_1419 : vector<16xf32>
      %add3A_1421 = arith.constant 21 : i32
      %add3A_1422 = arith.addi %mul3A_1248, %add3A_1421 : i32
      %get3A_1423 = arith.index_cast %add3A_1422 : i32 to index
      %get3A_1424 = arith.constant 0 : index
      %get3A_1425 = tpu.vector_load %arg9[%get3A_1423, %get3A_1424] {strides = array<i32>} : memref<3328x16xf32, #tpu.memory_space<vmem>>, vector<16xf32>,
      %add3A_1426 = arith.addf %add3A_1418, %get3A_1425 : vector<16xf32>
      %mul3A_1427 = arith.mulf %get3A_1425, %get3A_1425 : vector<16xf32>
      %add3A_1428 = arith.addf %add3A_1420, %mul3A_1427 : vector<16xf32>
      %add3A_1429 = arith.constant 22 : i32
      %add3A_1430 = arith.addi %mul3A_1248, %add3A_1429 : i32
      %get3A_1431 = arith.index_cast %add3A_1430 : i32 to index
      %get3A_1432 = arith.constant 0 : index
      %get3A_1433 = tpu.vector_load %arg9[%get3A_1431, %get3A_1432] {strides = array<i32>} : memref<3328x16xf32, #tpu.memory_space<vmem>>, vector<16xf32>,
      %add3A_1434 = arith.addf %add3A_1426, %get3A_1433 : vector<16xf32>
      %mul3A_1435 = arith.mulf %get3A_1433, %get3A_1433 : vector<16xf32>
      %add3A_1436 = arith.addf %add3A_1428, %mul3A_1435 : vector<16xf32>
      %add3A_1437 = arith.constant 23 : i32
      %add3A_1438 = arith.addi %mul3A_1248, %add3A_1437 : i32
      %get3A_1439 = arith.index_cast %add3A_1438 : i32 to index
      %get3A_1440 = arith.constant 0 : index
      %get3A_1441 = tpu.vector_load %arg9[%get3A_1439, %get3A_1440] {strides = array<i32>} : memref<3328x16xf32, #tpu.memory_space<vmem>>, vector<16xf32>,
      %add3A_1442 = arith.addf %add3A_1434, %get3A_1441 : vector<16xf32>
      %mul3A_1443 = arith.mulf %get3A_1441, %get3A_1441 : vector<16xf32>
      %add3A_1444 = arith.addf %add3A_1436, %mul3A_1443 : vector<16xf32>
      %add3A_1445 = arith.constant 24 : i32
      %add3A_1446 = arith.addi %mul3A_1248, %add3A_1445 : i32
      %get3A_1447 = arith.index_cast %add3A_1446 : i32 to index
      %get3A_1448 = arith.constant 0 : index
      %get3A_1449 = tpu.vector_load %arg9[%get3A_1447, %get3A_1448] {strides = array<i32>} : memref<3328x16xf32, #tpu.memory_space<vmem>>, vector<16xf32>,
      %add3A_1450 = arith.addf %add3A_1442, %get3A_1449 : vector<16xf32>
      %mul3A_1451 = arith.mulf %get3A_1449, %get3A_1449 : vector<16xf32>
      %add3A_1452 = arith.addf %add3A_1444, %mul3A_1451 : vector<16xf32>
      %add3A_1453 = arith.constant 25 : i32
      %add3A_1454 = arith.addi %mul3A_1248, %add3A_1453 : i32
      %get3A_1455 = arith.index_cast %add3A_1454 : i32 to index
      %get3A_1456 = arith.constant 0 : index
      %get3A_1457 = tpu.vector_load %arg9[%get3A_1455, %get3A_1456] {strides = array<i32>} : memref<3328x16xf32, #tpu.memory_space<vmem>>, vector<16xf32>,
      %add3A_1458 = arith.addf %add3A_1450, %get3A_1457 : vector<16xf32>
      %mul3A_1459 = arith.mulf %get3A_1457, %get3A_1457 : vector<16xf32>
      %add3A_1460 = arith.addf %add3A_1452, %mul3A_1459 : vector<16xf32>
      %get3A_1461 = arith.index_cast %mul3A_1248 : i32 to index
      %get3A_1462 = tpu.vector_load %arg10[%get3A_1461] {strides = array<i32>} : memref<3344xf32, #tpu.memory_space<vmem>>, vector<16xf32>,
      %add3A_1463 = arith.constant 16 : i32
      %add3A_1464 = arith.addi %mul3A_1248, %add3A_1463 : i32
      %get3A_1465 = arith.index_cast %add3A_1464 : i32 to index
      %get3A_1466 = tpu.vector_load %arg10[%get3A_1465] {strides = array<i32>} : memref<3344xf32, #tpu.memory_space<vmem>>, vector<16xf32>,
      %mul3A_1467 = arith.mulf %add3A_1458, %add3A_1458 : vector<16xf32>
      %sub3A_1468 = arith.subf %mul3A_1467, %add3A_1460 : vector<16xf32>
      %mul3A_1469 = arith.constant 5.000000e-01 : f32
      %mul3A_1470 = vector.broadcast %mul3A_1469 : f32 to vector<16xf32>
      %mul3A_1471 = arith.mulf %mul3A_1470, %sub3A_1468 : vector<16xf32>
      %add3A_1472 = arith.addf %mul3A_1471, %get3A_1462 : vector<16xf32>
      %jit3A_1473 = arith.constant 0.000000e+00 : f32
      %broadcast_in_dim3A_1474 = vector.broadcast %jit3A_1473 : f32 to vector<16xf32>
      %select_n3A_1475 = arith.select %lt3A_22, %get3A_1466, %broadcast_in_dim3A_1474 : vector<16xi1>, vector<16xf32>
      %add3A_1476 = arith.addf %add3A_1472, %select_n3A_1475 : vector<16xf32>
      %eq3A_1477 = arith.constant 5 : i32
      %eq3A_1478 = vector.broadcast %eq3A_1477 : i32 to vector<16xi32>
      %eq3A_1479 = arith.cmpi eq, %iota3A, %eq3A_1478 : vector<16xi32>
      %reduce_sum3A_1480 = arith.constant true
      %reduce_sum3A_1481 = vector.broadcast %reduce_sum3A_1480 : i1 to vector<16xi1>
      %reduce_sum3A_1482 = tpu.scan <sum>, %add3A_1476 masked %reduce_sum3A_1481 : vector<16xf32>, vector<16xi1> -> vector<16xf32>
      %reduce_sum3A_1483 = vector.extract %reduce_sum3A_1482[15] : f32 from vector<16xf32>
      %broadcast_in_dim3A_1484 = vector.broadcast %reduce_sum3A_1483 : f32 to vector<16xf32>
      %select_n3A_1485 = arith.select %eq3A_1479, %broadcast_in_dim3A_1484, %select_n3A_1242 : vector<16xi1>, vector<16xf32>
      %mul3A_1486 = arith.constant 16 : i32
      %mul3A_1487 = arith.muli %scan3A_31, %mul3A_1486 : i32
      %add3A_1488 = arith.constant 6 : i32
      %add3A_1489 = arith.addi %mul3A_1487, %add3A_1488 : i32
      %mul3A_1490 = arith.constant 26 : i32
      %mul3A_1491 = arith.muli %add3A_1489, %mul3A_1490 : i32
      %broadcast_in_dim3A_1492 = arith.constant 0.000000e+00 : f32
      %broadcast_in_dim3A_1493 = vector.broadcast %broadcast_in_dim3A_1492 : f32 to vector<16xf32>
      %broadcast_in_dim3A_1494 = arith.constant 0.000000e+00 : f32
      %broadcast_in_dim3A_1495 = vector.broadcast %broadcast_in_dim3A_1494 : f32 to vector<16xf32>
      %add3A_1496 = arith.constant 0 : i32
      %add3A_1497 = arith.addi %mul3A_1491, %add3A_1496 : i32
      %get3A_1498 = arith.index_cast %add3A_1497 : i32 to index
      %get3A_1499 = arith.constant 0 : index
      %get3A_1500 = tpu.vector_load %arg9[%get3A_1498, %get3A_1499] {strides = array<i32>} : memref<3328x16xf32, #tpu.memory_space<vmem>>, vector<16xf32>,
      %add3A_1501 = arith.addf %broadcast_in_dim3A_1493, %get3A_1500 : vector<16xf32>
      %mul3A_1502 = arith.mulf %get3A_1500, %get3A_1500 : vector<16xf32>
      %add3A_1503 = arith.addf %broadcast_in_dim3A_1495, %mul3A_1502 : vector<16xf32>
      %add3A_1504 = arith.constant 1 : i32
      %add3A_1505 = arith.addi %mul3A_1491, %add3A_1504 : i32
      %get3A_1506 = arith.index_cast %add3A_1505 : i32 to index
      %get3A_1507 = arith.constant 0 : index
      %get3A_1508 = tpu.vector_load %arg9[%get3A_1506, %get3A_1507] {strides = array<i32>} : memref<3328x16xf32, #tpu.memory_space<vmem>>, vector<16xf32>,
      %add3A_1509 = arith.addf %add3A_1501, %get3A_1508 : vector<16xf32>
      %mul3A_1510 = arith.mulf %get3A_1508, %get3A_1508 : vector<16xf32>
      %add3A_1511 = arith.addf %add3A_1503, %mul3A_1510 : vector<16xf32>
      %add3A_1512 = arith.constant 2 : i32
      %add3A_1513 = arith.addi %mul3A_1491, %add3A_1512 : i32
      %get3A_1514 = arith.index_cast %add3A_1513 : i32 to index
      %get3A_1515 = arith.constant 0 : index
      %get3A_1516 = tpu.vector_load %arg9[%get3A_1514, %get3A_1515] {strides = array<i32>} : memref<3328x16xf32, #tpu.memory_space<vmem>>, vector<16xf32>,
      %add3A_1517 = arith.addf %add3A_1509, %get3A_1516 : vector<16xf32>
      %mul3A_1518 = arith.mulf %get3A_1516, %get3A_1516 : vector<16xf32>
      %add3A_1519 = arith.addf %add3A_1511, %mul3A_1518 : vector<16xf32>
      %add3A_1520 = arith.constant 3 : i32
      %add3A_1521 = arith.addi %mul3A_1491, %add3A_1520 : i32
      %get3A_1522 = arith.index_cast %add3A_1521 : i32 to index
      %get3A_1523 = arith.constant 0 : index
      %get3A_1524 = tpu.vector_load %arg9[%get3A_1522, %get3A_1523] {strides = array<i32>} : memref<3328x16xf32, #tpu.memory_space<vmem>>, vector<16xf32>,
      %add3A_1525 = arith.addf %add3A_1517, %get3A_1524 : vector<16xf32>
      %mul3A_1526 = arith.mulf %get3A_1524, %get3A_1524 : vector<16xf32>
      %add3A_1527 = arith.addf %add3A_1519, %mul3A_1526 : vector<16xf32>
      %add3A_1528 = arith.constant 4 : i32
      %add3A_1529 = arith.addi %mul3A_1491, %add3A_1528 : i32
      %get3A_1530 = arith.index_cast %add3A_1529 : i32 to index
      %get3A_1531 = arith.constant 0 : index
      %get3A_1532 = tpu.vector_load %arg9[%get3A_1530, %get3A_1531] {strides = array<i32>} : memref<3328x16xf32, #tpu.memory_space<vmem>>, vector<16xf32>,
      %add3A_1533 = arith.addf %add3A_1525, %get3A_1532 : vector<16xf32>
      %mul3A_1534 = arith.mulf %get3A_1532, %get3A_1532 : vector<16xf32>
      %add3A_1535 = arith.addf %add3A_1527, %mul3A_1534 : vector<16xf32>
      %add3A_1536 = arith.constant 5 : i32
      %add3A_1537 = arith.addi %mul3A_1491, %add3A_1536 : i32
      %get3A_1538 = arith.index_cast %add3A_1537 : i32 to index
      %get3A_1539 = arith.constant 0 : index
      %get3A_1540 = tpu.vector_load %arg9[%get3A_1538, %get3A_1539] {strides = array<i32>} : memref<3328x16xf32, #tpu.memory_space<vmem>>, vector<16xf32>,
      %add3A_1541 = arith.addf %add3A_1533, %get3A_1540 : vector<16xf32>
      %mul3A_1542 = arith.mulf %get3A_1540, %get3A_1540 : vector<16xf32>
      %add3A_1543 = arith.addf %add3A_1535, %mul3A_1542 : vector<16xf32>
      %add3A_1544 = arith.constant 6 : i32
      %add3A_1545 = arith.addi %mul3A_1491, %add3A_1544 : i32
      %get3A_1546 = arith.index_cast %add3A_1545 : i32 to index
      %get3A_1547 = arith.constant 0 : index
      %get3A_1548 = tpu.vector_load %arg9[%get3A_1546, %get3A_1547] {strides = array<i32>} : memref<3328x16xf32, #tpu.memory_space<vmem>>, vector<16xf32>,
      %add3A_1549 = arith.addf %add3A_1541, %get3A_1548 : vector<16xf32>
      %mul3A_1550 = arith.mulf %get3A_1548, %get3A_1548 : vector<16xf32>
      %add3A_1551 = arith.addf %add3A_1543, %mul3A_1550 : vector<16xf32>
      %add3A_1552 = arith.constant 7 : i32
      %add3A_1553 = arith.addi %mul3A_1491, %add3A_1552 : i32
      %get3A_1554 = arith.index_cast %add3A_1553 : i32 to index
      %get3A_1555 = arith.constant 0 : index
      %get3A_1556 = tpu.vector_load %arg9[%get3A_1554, %get3A_1555] {strides = array<i32>} : memref<3328x16xf32, #tpu.memory_space<vmem>>, vector<16xf32>,
      %add3A_1557 = arith.addf %add3A_1549, %get3A_1556 : vector<16xf32>
      %mul3A_1558 = arith.mulf %get3A_1556, %get3A_1556 : vector<16xf32>
      %add3A_1559 = arith.addf %add3A_1551, %mul3A_1558 : vector<16xf32>
      %add3A_1560 = arith.constant 8 : i32
      %add3A_1561 = arith.addi %mul3A_1491, %add3A_1560 : i32
      %get3A_1562 = arith.index_cast %add3A_1561 : i32 to index
      %get3A_1563 = arith.constant 0 : index
      %get3A_1564 = tpu.vector_load %arg9[%get3A_1562, %get3A_1563] {strides = array<i32>} : memref<3328x16xf32, #tpu.memory_space<vmem>>, vector<16xf32>,
      %add3A_1565 = arith.addf %add3A_1557, %get3A_1564 : vector<16xf32>
      %mul3A_1566 = arith.mulf %get3A_1564, %get3A_1564 : vector<16xf32>
      %add3A_1567 = arith.addf %add3A_1559, %mul3A_1566 : vector<16xf32>
      %add3A_1568 = arith.constant 9 : i32
      %add3A_1569 = arith.addi %mul3A_1491, %add3A_1568 : i32
      %get3A_1570 = arith.index_cast %add3A_1569 : i32 to index
      %get3A_1571 = arith.constant 0 : index
      %get3A_1572 = tpu.vector_load %arg9[%get3A_1570, %get3A_1571] {strides = array<i32>} : memref<3328x16xf32, #tpu.memory_space<vmem>>, vector<16xf32>,
      %add3A_1573 = arith.addf %add3A_1565, %get3A_1572 : vector<16xf32>
      %mul3A_1574 = arith.mulf %get3A_1572, %get3A_1572 : vector<16xf32>
      %add3A_1575 = arith.addf %add3A_1567, %mul3A_1574 : vector<16xf32>
      %add3A_1576 = arith.constant 10 : i32
      %add3A_1577 = arith.addi %mul3A_1491, %add3A_1576 : i32
      %get3A_1578 = arith.index_cast %add3A_1577 : i32 to index
      %get3A_1579 = arith.constant 0 : index
      %get3A_1580 = tpu.vector_load %arg9[%get3A_1578, %get3A_1579] {strides = array<i32>} : memref<3328x16xf32, #tpu.memory_space<vmem>>, vector<16xf32>,
      %add3A_1581 = arith.addf %add3A_1573, %get3A_1580 : vector<16xf32>
      %mul3A_1582 = arith.mulf %get3A_1580, %get3A_1580 : vector<16xf32>
      %add3A_1583 = arith.addf %add3A_1575, %mul3A_1582 : vector<16xf32>
      %add3A_1584 = arith.constant 11 : i32
      %add3A_1585 = arith.addi %mul3A_1491, %add3A_1584 : i32
      %get3A_1586 = arith.index_cast %add3A_1585 : i32 to index
      %get3A_1587 = arith.constant 0 : index
      %get3A_1588 = tpu.vector_load %arg9[%get3A_1586, %get3A_1587] {strides = array<i32>} : memref<3328x16xf32, #tpu.memory_space<vmem>>, vector<16xf32>,
      %add3A_1589 = arith.addf %add3A_1581, %get3A_1588 : vector<16xf32>
      %mul3A_1590 = arith.mulf %get3A_1588, %get3A_1588 : vector<16xf32>
      %add3A_1591 = arith.addf %add3A_1583, %mul3A_1590 : vector<16xf32>
      %add3A_1592 = arith.constant 12 : i32
      %add3A_1593 = arith.addi %mul3A_1491, %add3A_1592 : i32
      %get3A_1594 = arith.index_cast %add3A_1593 : i32 to index
      %get3A_1595 = arith.constant 0 : index
      %get3A_1596 = tpu.vector_load %arg9[%get3A_1594, %get3A_1595] {strides = array<i32>} : memref<3328x16xf32, #tpu.memory_space<vmem>>, vector<16xf32>,
      %add3A_1597 = arith.addf %add3A_1589, %get3A_1596 : vector<16xf32>
      %mul3A_1598 = arith.mulf %get3A_1596, %get3A_1596 : vector<16xf32>
      %add3A_1599 = arith.addf %add3A_1591, %mul3A_1598 : vector<16xf32>
      %add3A_1600 = arith.constant 13 : i32
      %add3A_1601 = arith.addi %mul3A_1491, %add3A_1600 : i32
      %get3A_1602 = arith.index_cast %add3A_1601 : i32 to index
      %get3A_1603 = arith.constant 0 : index
      %get3A_1604 = tpu.vector_load %arg9[%get3A_1602, %get3A_1603] {strides = array<i32>} : memref<3328x16xf32, #tpu.memory_space<vmem>>, vector<16xf32>,
      %add3A_1605 = arith.addf %add3A_1597, %get3A_1604 : vector<16xf32>
      %mul3A_1606 = arith.mulf %get3A_1604, %get3A_1604 : vector<16xf32>
      %add3A_1607 = arith.addf %add3A_1599, %mul3A_1606 : vector<16xf32>
      %add3A_1608 = arith.constant 14 : i32
      %add3A_1609 = arith.addi %mul3A_1491, %add3A_1608 : i32
      %get3A_1610 = arith.index_cast %add3A_1609 : i32 to index
      %get3A_1611 = arith.constant 0 : index
      %get3A_1612 = tpu.vector_load %arg9[%get3A_1610, %get3A_1611] {strides = array<i32>} : memref<3328x16xf32, #tpu.memory_space<vmem>>, vector<16xf32>,
      %add3A_1613 = arith.addf %add3A_1605, %get3A_1612 : vector<16xf32>
      %mul3A_1614 = arith.mulf %get3A_1612, %get3A_1612 : vector<16xf32>
      %add3A_1615 = arith.addf %add3A_1607, %mul3A_1614 : vector<16xf32>
      %add3A_1616 = arith.constant 15 : i32
      %add3A_1617 = arith.addi %mul3A_1491, %add3A_1616 : i32
      %get3A_1618 = arith.index_cast %add3A_1617 : i32 to index
      %get3A_1619 = arith.constant 0 : index
      %get3A_1620 = tpu.vector_load %arg9[%get3A_1618, %get3A_1619] {strides = array<i32>} : memref<3328x16xf32, #tpu.memory_space<vmem>>, vector<16xf32>,
      %add3A_1621 = arith.addf %add3A_1613, %get3A_1620 : vector<16xf32>
      %mul3A_1622 = arith.mulf %get3A_1620, %get3A_1620 : vector<16xf32>
      %add3A_1623 = arith.addf %add3A_1615, %mul3A_1622 : vector<16xf32>
      %add3A_1624 = arith.constant 16 : i32
      %add3A_1625 = arith.addi %mul3A_1491, %add3A_1624 : i32
      %get3A_1626 = arith.index_cast %add3A_1625 : i32 to index
      %get3A_1627 = arith.constant 0 : index
      %get3A_1628 = tpu.vector_load %arg9[%get3A_1626, %get3A_1627] {strides = array<i32>} : memref<3328x16xf32, #tpu.memory_space<vmem>>, vector<16xf32>,
      %add3A_1629 = arith.addf %add3A_1621, %get3A_1628 : vector<16xf32>
      %mul3A_1630 = arith.mulf %get3A_1628, %get3A_1628 : vector<16xf32>
      %add3A_1631 = arith.addf %add3A_1623, %mul3A_1630 : vector<16xf32>
      %add3A_1632 = arith.constant 17 : i32
      %add3A_1633 = arith.addi %mul3A_1491, %add3A_1632 : i32
      %get3A_1634 = arith.index_cast %add3A_1633 : i32 to index
      %get3A_1635 = arith.constant 0 : index
      %get3A_1636 = tpu.vector_load %arg9[%get3A_1634, %get3A_1635] {strides = array<i32>} : memref<3328x16xf32, #tpu.memory_space<vmem>>, vector<16xf32>,
      %add3A_1637 = arith.addf %add3A_1629, %get3A_1636 : vector<16xf32>
      %mul3A_1638 = arith.mulf %get3A_1636, %get3A_1636 : vector<16xf32>
      %add3A_1639 = arith.addf %add3A_1631, %mul3A_1638 : vector<16xf32>
      %add3A_1640 = arith.constant 18 : i32
      %add3A_1641 = arith.addi %mul3A_1491, %add3A_1640 : i32
      %get3A_1642 = arith.index_cast %add3A_1641 : i32 to index
      %get3A_1643 = arith.constant 0 : index
      %get3A_1644 = tpu.vector_load %arg9[%get3A_1642, %get3A_1643] {strides = array<i32>} : memref<3328x16xf32, #tpu.memory_space<vmem>>, vector<16xf32>,
      %add3A_1645 = arith.addf %add3A_1637, %get3A_1644 : vector<16xf32>
      %mul3A_1646 = arith.mulf %get3A_1644, %get3A_1644 : vector<16xf32>
      %add3A_1647 = arith.addf %add3A_1639, %mul3A_1646 : vector<16xf32>
      %add3A_1648 = arith.constant 19 : i32
      %add3A_1649 = arith.addi %mul3A_1491, %add3A_1648 : i32
      %get3A_1650 = arith.index_cast %add3A_1649 : i32 to index
      %get3A_1651 = arith.constant 0 : index
      %get3A_1652 = tpu.vector_load %arg9[%get3A_1650, %get3A_1651] {strides = array<i32>} : memref<3328x16xf32, #tpu.memory_space<vmem>>, vector<16xf32>,
      %add3A_1653 = arith.addf %add3A_1645, %get3A_1652 : vector<16xf32>
      %mul3A_1654 = arith.mulf %get3A_1652, %get3A_1652 : vector<16xf32>
      %add3A_1655 = arith.addf %add3A_1647, %mul3A_1654 : vector<16xf32>
      %add3A_1656 = arith.constant 20 : i32
      %add3A_1657 = arith.addi %mul3A_1491, %add3A_1656 : i32
      %get3A_1658 = arith.index_cast %add3A_1657 : i32 to index
      %get3A_1659 = arith.constant 0 : index
      %get3A_1660 = tpu.vector_load %arg9[%get3A_1658, %get3A_1659] {strides = array<i32>} : memref<3328x16xf32, #tpu.memory_space<vmem>>, vector<16xf32>,
      %add3A_1661 = arith.addf %add3A_1653, %get3A_1660 : vector<16xf32>
      %mul3A_1662 = arith.mulf %get3A_1660, %get3A_1660 : vector<16xf32>
      %add3A_1663 = arith.addf %add3A_1655, %mul3A_1662 : vector<16xf32>
      %add3A_1664 = arith.constant 21 : i32
      %add3A_1665 = arith.addi %mul3A_1491, %add3A_1664 : i32
      %get3A_1666 = arith.index_cast %add3A_1665 : i32 to index
      %get3A_1667 = arith.constant 0 : index
      %get3A_1668 = tpu.vector_load %arg9[%get3A_1666, %get3A_1667] {strides = array<i32>} : memref<3328x16xf32, #tpu.memory_space<vmem>>, vector<16xf32>,
      %add3A_1669 = arith.addf %add3A_1661, %get3A_1668 : vector<16xf32>
      %mul3A_1670 = arith.mulf %get3A_1668, %get3A_1668 : vector<16xf32>
      %add3A_1671 = arith.addf %add3A_1663, %mul3A_1670 : vector<16xf32>
      %add3A_1672 = arith.constant 22 : i32
      %add3A_1673 = arith.addi %mul3A_1491, %add3A_1672 : i32
      %get3A_1674 = arith.index_cast %add3A_1673 : i32 to index
      %get3A_1675 = arith.constant 0 : index
      %get3A_1676 = tpu.vector_load %arg9[%get3A_1674, %get3A_1675] {strides = array<i32>} : memref<3328x16xf32, #tpu.memory_space<vmem>>, vector<16xf32>,
      %add3A_1677 = arith.addf %add3A_1669, %get3A_1676 : vector<16xf32>
      %mul3A_1678 = arith.mulf %get3A_1676, %get3A_1676 : vector<16xf32>
      %add3A_1679 = arith.addf %add3A_1671, %mul3A_1678 : vector<16xf32>
      %add3A_1680 = arith.constant 23 : i32
      %add3A_1681 = arith.addi %mul3A_1491, %add3A_1680 : i32
      %get3A_1682 = arith.index_cast %add3A_1681 : i32 to index
      %get3A_1683 = arith.constant 0 : index
      %get3A_1684 = tpu.vector_load %arg9[%get3A_1682, %get3A_1683] {strides = array<i32>} : memref<3328x16xf32, #tpu.memory_space<vmem>>, vector<16xf32>,
      %add3A_1685 = arith.addf %add3A_1677, %get3A_1684 : vector<16xf32>
      %mul3A_1686 = arith.mulf %get3A_1684, %get3A_1684 : vector<16xf32>
      %add3A_1687 = arith.addf %add3A_1679, %mul3A_1686 : vector<16xf32>
      %add3A_1688 = arith.constant 24 : i32
      %add3A_1689 = arith.addi %mul3A_1491, %add3A_1688 : i32
      %get3A_1690 = arith.index_cast %add3A_1689 : i32 to index
      %get3A_1691 = arith.constant 0 : index
      %get3A_1692 = tpu.vector_load %arg9[%get3A_1690, %get3A_1691] {strides = array<i32>} : memref<3328x16xf32, #tpu.memory_space<vmem>>, vector<16xf32>,
      %add3A_1693 = arith.addf %add3A_1685, %get3A_1692 : vector<16xf32>
      %mul3A_1694 = arith.mulf %get3A_1692, %get3A_1692 : vector<16xf32>
      %add3A_1695 = arith.addf %add3A_1687, %mul3A_1694 : vector<16xf32>
      %add3A_1696 = arith.constant 25 : i32
      %add3A_1697 = arith.addi %mul3A_1491, %add3A_1696 : i32
      %get3A_1698 = arith.index_cast %add3A_1697 : i32 to index
      %get3A_1699 = arith.constant 0 : index
      %get3A_1700 = tpu.vector_load %arg9[%get3A_1698, %get3A_1699] {strides = array<i32>} : memref<3328x16xf32, #tpu.memory_space<vmem>>, vector<16xf32>,
      %add3A_1701 = arith.addf %add3A_1693, %get3A_1700 : vector<16xf32>
      %mul3A_1702 = arith.mulf %get3A_1700, %get3A_1700 : vector<16xf32>
      %add3A_1703 = arith.addf %add3A_1695, %mul3A_1702 : vector<16xf32>
      %get3A_1704 = arith.index_cast %mul3A_1491 : i32 to index
      %get3A_1705 = tpu.vector_load %arg10[%get3A_1704] {strides = array<i32>} : memref<3344xf32, #tpu.memory_space<vmem>>, vector<16xf32>,
      %add3A_1706 = arith.constant 16 : i32
      %add3A_1707 = arith.addi %mul3A_1491, %add3A_1706 : i32
      %get3A_1708 = arith.index_cast %add3A_1707 : i32 to index
      %get3A_1709 = tpu.vector_load %arg10[%get3A_1708] {strides = array<i32>} : memref<3344xf32, #tpu.memory_space<vmem>>, vector<16xf32>,
      %mul3A_1710 = arith.mulf %add3A_1701, %add3A_1701 : vector<16xf32>
      %sub3A_1711 = arith.subf %mul3A_1710, %add3A_1703 : vector<16xf32>
      %mul3A_1712 = arith.constant 5.000000e-01 : f32
      %mul3A_1713 = vector.broadcast %mul3A_1712 : f32 to vector<16xf32>
      %mul3A_1714 = arith.mulf %mul3A_1713, %sub3A_1711 : vector<16xf32>
      %add3A_1715 = arith.addf %mul3A_1714, %get3A_1705 : vector<16xf32>
      %jit3A_1716 = arith.constant 0.000000e+00 : f32
      %broadcast_in_dim3A_1717 = vector.broadcast %jit3A_1716 : f32 to vector<16xf32>
      %select_n3A_1718 = arith.select %lt3A_22, %get3A_1709, %broadcast_in_dim3A_1717 : vector<16xi1>, vector<16xf32>
      %add3A_1719 = arith.addf %add3A_1715, %select_n3A_1718 : vector<16xf32>
      %eq3A_1720 = arith.constant 6 : i32
      %eq3A_1721 = vector.broadcast %eq3A_1720 : i32 to vector<16xi32>
      %eq3A_1722 = arith.cmpi eq, %iota3A, %eq3A_1721 : vector<16xi32>
      %reduce_sum3A_1723 = arith.constant true
      %reduce_sum3A_1724 = vector.broadcast %reduce_sum3A_1723 : i1 to vector<16xi1>
      %reduce_sum3A_1725 = tpu.scan <sum>, %add3A_1719 masked %reduce_sum3A_1724 : vector<16xf32>, vector<16xi1> -> vector<16xf32>
      %reduce_sum3A_1726 = vector.extract %reduce_sum3A_1725[15] : f32 from vector<16xf32>
      %broadcast_in_dim3A_1727 = vector.broadcast %reduce_sum3A_1726 : f32 to vector<16xf32>
      %select_n3A_1728 = arith.select %eq3A_1722, %broadcast_in_dim3A_1727, %select_n3A_1485 : vector<16xi1>, vector<16xf32>
      %mul3A_1729 = arith.constant 16 : i32
      %mul3A_1730 = arith.muli %scan3A_31, %mul3A_1729 : i32
      %add3A_1731 = arith.constant 7 : i32
      %add3A_1732 = arith.addi %mul3A_1730, %add3A_1731 : i32
      %mul3A_1733 = arith.constant 26 : i32
      %mul3A_1734 = arith.muli %add3A_1732, %mul3A_1733 : i32
      %broadcast_in_dim3A_1735 = arith.constant 0.000000e+00 : f32
      %broadcast_in_dim3A_1736 = vector.broadcast %broadcast_in_dim3A_1735 : f32 to vector<16xf32>
      %broadcast_in_dim3A_1737 = arith.constant 0.000000e+00 : f32
      %broadcast_in_dim3A_1738 = vector.broadcast %broadcast_in_dim3A_1737 : f32 to vector<16xf32>
      %add3A_1739 = arith.constant 0 : i32
      %add3A_1740 = arith.addi %mul3A_1734, %add3A_1739 : i32
      %get3A_1741 = arith.index_cast %add3A_1740 : i32 to index
      %get3A_1742 = arith.constant 0 : index
      %get3A_1743 = tpu.vector_load %arg9[%get3A_1741, %get3A_1742] {strides = array<i32>} : memref<3328x16xf32, #tpu.memory_space<vmem>>, vector<16xf32>,
      %add3A_1744 = arith.addf %broadcast_in_dim3A_1736, %get3A_1743 : vector<16xf32>
      %mul3A_1745 = arith.mulf %get3A_1743, %get3A_1743 : vector<16xf32>
      %add3A_1746 = arith.addf %broadcast_in_dim3A_1738, %mul3A_1745 : vector<16xf32>
      %add3A_1747 = arith.constant 1 : i32
      %add3A_1748 = arith.addi %mul3A_1734, %add3A_1747 : i32
      %get3A_1749 = arith.index_cast %add3A_1748 : i32 to index
      %get3A_1750 = arith.constant 0 : index
      %get3A_1751 = tpu.vector_load %arg9[%get3A_1749, %get3A_1750] {strides = array<i32>} : memref<3328x16xf32, #tpu.memory_space<vmem>>, vector<16xf32>,
      %add3A_1752 = arith.addf %add3A_1744, %get3A_1751 : vector<16xf32>
      %mul3A_1753 = arith.mulf %get3A_1751, %get3A_1751 : vector<16xf32>
      %add3A_1754 = arith.addf %add3A_1746, %mul3A_1753 : vector<16xf32>
      %add3A_1755 = arith.constant 2 : i32
      %add3A_1756 = arith.addi %mul3A_1734, %add3A_1755 : i32
      %get3A_1757 = arith.index_cast %add3A_1756 : i32 to index
      %get3A_1758 = arith.constant 0 : index
      %get3A_1759 = tpu.vector_load %arg9[%get3A_1757, %get3A_1758] {strides = array<i32>} : memref<3328x16xf32, #tpu.memory_space<vmem>>, vector<16xf32>,
      %add3A_1760 = arith.addf %add3A_1752, %get3A_1759 : vector<16xf32>
      %mul3A_1761 = arith.mulf %get3A_1759, %get3A_1759 : vector<16xf32>
      %add3A_1762 = arith.addf %add3A_1754, %mul3A_1761 : vector<16xf32>
      %add3A_1763 = arith.constant 3 : i32
      %add3A_1764 = arith.addi %mul3A_1734, %add3A_1763 : i32
      %get3A_1765 = arith.index_cast %add3A_1764 : i32 to index
      %get3A_1766 = arith.constant 0 : index
      %get3A_1767 = tpu.vector_load %arg9[%get3A_1765, %get3A_1766] {strides = array<i32>} : memref<3328x16xf32, #tpu.memory_space<vmem>>, vector<16xf32>,
      %add3A_1768 = arith.addf %add3A_1760, %get3A_1767 : vector<16xf32>
      %mul3A_1769 = arith.mulf %get3A_1767, %get3A_1767 : vector<16xf32>
      %add3A_1770 = arith.addf %add3A_1762, %mul3A_1769 : vector<16xf32>
      %add3A_1771 = arith.constant 4 : i32
      %add3A_1772 = arith.addi %mul3A_1734, %add3A_1771 : i32
      %get3A_1773 = arith.index_cast %add3A_1772 : i32 to index
      %get3A_1774 = arith.constant 0 : index
      %get3A_1775 = tpu.vector_load %arg9[%get3A_1773, %get3A_1774] {strides = array<i32>} : memref<3328x16xf32, #tpu.memory_space<vmem>>, vector<16xf32>,
      %add3A_1776 = arith.addf %add3A_1768, %get3A_1775 : vector<16xf32>
      %mul3A_1777 = arith.mulf %get3A_1775, %get3A_1775 : vector<16xf32>
      %add3A_1778 = arith.addf %add3A_1770, %mul3A_1777 : vector<16xf32>
      %add3A_1779 = arith.constant 5 : i32
      %add3A_1780 = arith.addi %mul3A_1734, %add3A_1779 : i32
      %get3A_1781 = arith.index_cast %add3A_1780 : i32 to index
      %get3A_1782 = arith.constant 0 : index
      %get3A_1783 = tpu.vector_load %arg9[%get3A_1781, %get3A_1782] {strides = array<i32>} : memref<3328x16xf32, #tpu.memory_space<vmem>>, vector<16xf32>,
      %add3A_1784 = arith.addf %add3A_1776, %get3A_1783 : vector<16xf32>
      %mul3A_1785 = arith.mulf %get3A_1783, %get3A_1783 : vector<16xf32>
      %add3A_1786 = arith.addf %add3A_1778, %mul3A_1785 : vector<16xf32>
      %add3A_1787 = arith.constant 6 : i32
      %add3A_1788 = arith.addi %mul3A_1734, %add3A_1787 : i32
      %get3A_1789 = arith.index_cast %add3A_1788 : i32 to index
      %get3A_1790 = arith.constant 0 : index
      %get3A_1791 = tpu.vector_load %arg9[%get3A_1789, %get3A_1790] {strides = array<i32>} : memref<3328x16xf32, #tpu.memory_space<vmem>>, vector<16xf32>,
      %add3A_1792 = arith.addf %add3A_1784, %get3A_1791 : vector<16xf32>
      %mul3A_1793 = arith.mulf %get3A_1791, %get3A_1791 : vector<16xf32>
      %add3A_1794 = arith.addf %add3A_1786, %mul3A_1793 : vector<16xf32>
      %add3A_1795 = arith.constant 7 : i32
      %add3A_1796 = arith.addi %mul3A_1734, %add3A_1795 : i32
      %get3A_1797 = arith.index_cast %add3A_1796 : i32 to index
      %get3A_1798 = arith.constant 0 : index
      %get3A_1799 = tpu.vector_load %arg9[%get3A_1797, %get3A_1798] {strides = array<i32>} : memref<3328x16xf32, #tpu.memory_space<vmem>>, vector<16xf32>,
      %add3A_1800 = arith.addf %add3A_1792, %get3A_1799 : vector<16xf32>
      %mul3A_1801 = arith.mulf %get3A_1799, %get3A_1799 : vector<16xf32>
      %add3A_1802 = arith.addf %add3A_1794, %mul3A_1801 : vector<16xf32>
      %add3A_1803 = arith.constant 8 : i32
      %add3A_1804 = arith.addi %mul3A_1734, %add3A_1803 : i32
      %get3A_1805 = arith.index_cast %add3A_1804 : i32 to index
      %get3A_1806 = arith.constant 0 : index
      %get3A_1807 = tpu.vector_load %arg9[%get3A_1805, %get3A_1806] {strides = array<i32>} : memref<3328x16xf32, #tpu.memory_space<vmem>>, vector<16xf32>,
      %add3A_1808 = arith.addf %add3A_1800, %get3A_1807 : vector<16xf32>
      %mul3A_1809 = arith.mulf %get3A_1807, %get3A_1807 : vector<16xf32>
      %add3A_1810 = arith.addf %add3A_1802, %mul3A_1809 : vector<16xf32>
      %add3A_1811 = arith.constant 9 : i32
      %add3A_1812 = arith.addi %mul3A_1734, %add3A_1811 : i32
      %get3A_1813 = arith.index_cast %add3A_1812 : i32 to index
      %get3A_1814 = arith.constant 0 : index
      %get3A_1815 = tpu.vector_load %arg9[%get3A_1813, %get3A_1814] {strides = array<i32>} : memref<3328x16xf32, #tpu.memory_space<vmem>>, vector<16xf32>,
      %add3A_1816 = arith.addf %add3A_1808, %get3A_1815 : vector<16xf32>
      %mul3A_1817 = arith.mulf %get3A_1815, %get3A_1815 : vector<16xf32>
      %add3A_1818 = arith.addf %add3A_1810, %mul3A_1817 : vector<16xf32>
      %add3A_1819 = arith.constant 10 : i32
      %add3A_1820 = arith.addi %mul3A_1734, %add3A_1819 : i32
      %get3A_1821 = arith.index_cast %add3A_1820 : i32 to index
      %get3A_1822 = arith.constant 0 : index
      %get3A_1823 = tpu.vector_load %arg9[%get3A_1821, %get3A_1822] {strides = array<i32>} : memref<3328x16xf32, #tpu.memory_space<vmem>>, vector<16xf32>,
      %add3A_1824 = arith.addf %add3A_1816, %get3A_1823 : vector<16xf32>
      %mul3A_1825 = arith.mulf %get3A_1823, %get3A_1823 : vector<16xf32>
      %add3A_1826 = arith.addf %add3A_1818, %mul3A_1825 : vector<16xf32>
      %add3A_1827 = arith.constant 11 : i32
      %add3A_1828 = arith.addi %mul3A_1734, %add3A_1827 : i32
      %get3A_1829 = arith.index_cast %add3A_1828 : i32 to index
      %get3A_1830 = arith.constant 0 : index
      %get3A_1831 = tpu.vector_load %arg9[%get3A_1829, %get3A_1830] {strides = array<i32>} : memref<3328x16xf32, #tpu.memory_space<vmem>>, vector<16xf32>,
      %add3A_1832 = arith.addf %add3A_1824, %get3A_1831 : vector<16xf32>
      %mul3A_1833 = arith.mulf %get3A_1831, %get3A_1831 : vector<16xf32>
      %add3A_1834 = arith.addf %add3A_1826, %mul3A_1833 : vector<16xf32>
      %add3A_1835 = arith.constant 12 : i32
      %add3A_1836 = arith.addi %mul3A_1734, %add3A_1835 : i32
      %get3A_1837 = arith.index_cast %add3A_1836 : i32 to index
      %get3A_1838 = arith.constant 0 : index
      %get3A_1839 = tpu.vector_load %arg9[%get3A_1837, %get3A_1838] {strides = array<i32>} : memref<3328x16xf32, #tpu.memory_space<vmem>>, vector<16xf32>,
      %add3A_1840 = arith.addf %add3A_1832, %get3A_1839 : vector<16xf32>
      %mul3A_1841 = arith.mulf %get3A_1839, %get3A_1839 : vector<16xf32>
      %add3A_1842 = arith.addf %add3A_1834, %mul3A_1841 : vector<16xf32>
      %add3A_1843 = arith.constant 13 : i32
      %add3A_1844 = arith.addi %mul3A_1734, %add3A_1843 : i32
      %get3A_1845 = arith.index_cast %add3A_1844 : i32 to index
      %get3A_1846 = arith.constant 0 : index
      %get3A_1847 = tpu.vector_load %arg9[%get3A_1845, %get3A_1846] {strides = array<i32>} : memref<3328x16xf32, #tpu.memory_space<vmem>>, vector<16xf32>,
      %add3A_1848 = arith.addf %add3A_1840, %get3A_1847 : vector<16xf32>
      %mul3A_1849 = arith.mulf %get3A_1847, %get3A_1847 : vector<16xf32>
      %add3A_1850 = arith.addf %add3A_1842, %mul3A_1849 : vector<16xf32>
      %add3A_1851 = arith.constant 14 : i32
      %add3A_1852 = arith.addi %mul3A_1734, %add3A_1851 : i32
      %get3A_1853 = arith.index_cast %add3A_1852 : i32 to index
      %get3A_1854 = arith.constant 0 : index
      %get3A_1855 = tpu.vector_load %arg9[%get3A_1853, %get3A_1854] {strides = array<i32>} : memref<3328x16xf32, #tpu.memory_space<vmem>>, vector<16xf32>,
      %add3A_1856 = arith.addf %add3A_1848, %get3A_1855 : vector<16xf32>
      %mul3A_1857 = arith.mulf %get3A_1855, %get3A_1855 : vector<16xf32>
      %add3A_1858 = arith.addf %add3A_1850, %mul3A_1857 : vector<16xf32>
      %add3A_1859 = arith.constant 15 : i32
      %add3A_1860 = arith.addi %mul3A_1734, %add3A_1859 : i32
      %get3A_1861 = arith.index_cast %add3A_1860 : i32 to index
      %get3A_1862 = arith.constant 0 : index
      %get3A_1863 = tpu.vector_load %arg9[%get3A_1861, %get3A_1862] {strides = array<i32>} : memref<3328x16xf32, #tpu.memory_space<vmem>>, vector<16xf32>,
      %add3A_1864 = arith.addf %add3A_1856, %get3A_1863 : vector<16xf32>
      %mul3A_1865 = arith.mulf %get3A_1863, %get3A_1863 : vector<16xf32>
      %add3A_1866 = arith.addf %add3A_1858, %mul3A_1865 : vector<16xf32>
      %add3A_1867 = arith.constant 16 : i32
      %add3A_1868 = arith.addi %mul3A_1734, %add3A_1867 : i32
      %get3A_1869 = arith.index_cast %add3A_1868 : i32 to index
      %get3A_1870 = arith.constant 0 : index
      %get3A_1871 = tpu.vector_load %arg9[%get3A_1869, %get3A_1870] {strides = array<i32>} : memref<3328x16xf32, #tpu.memory_space<vmem>>, vector<16xf32>,
      %add3A_1872 = arith.addf %add3A_1864, %get3A_1871 : vector<16xf32>
      %mul3A_1873 = arith.mulf %get3A_1871, %get3A_1871 : vector<16xf32>
      %add3A_1874 = arith.addf %add3A_1866, %mul3A_1873 : vector<16xf32>
      %add3A_1875 = arith.constant 17 : i32
      %add3A_1876 = arith.addi %mul3A_1734, %add3A_1875 : i32
      %get3A_1877 = arith.index_cast %add3A_1876 : i32 to index
      %get3A_1878 = arith.constant 0 : index
      %get3A_1879 = tpu.vector_load %arg9[%get3A_1877, %get3A_1878] {strides = array<i32>} : memref<3328x16xf32, #tpu.memory_space<vmem>>, vector<16xf32>,
      %add3A_1880 = arith.addf %add3A_1872, %get3A_1879 : vector<16xf32>
      %mul3A_1881 = arith.mulf %get3A_1879, %get3A_1879 : vector<16xf32>
      %add3A_1882 = arith.addf %add3A_1874, %mul3A_1881 : vector<16xf32>
      %add3A_1883 = arith.constant 18 : i32
      %add3A_1884 = arith.addi %mul3A_1734, %add3A_1883 : i32
      %get3A_1885 = arith.index_cast %add3A_1884 : i32 to index
      %get3A_1886 = arith.constant 0 : index
      %get3A_1887 = tpu.vector_load %arg9[%get3A_1885, %get3A_1886] {strides = array<i32>} : memref<3328x16xf32, #tpu.memory_space<vmem>>, vector<16xf32>,
      %add3A_1888 = arith.addf %add3A_1880, %get3A_1887 : vector<16xf32>
      %mul3A_1889 = arith.mulf %get3A_1887, %get3A_1887 : vector<16xf32>
      %add3A_1890 = arith.addf %add3A_1882, %mul3A_1889 : vector<16xf32>
      %add3A_1891 = arith.constant 19 : i32
      %add3A_1892 = arith.addi %mul3A_1734, %add3A_1891 : i32
      %get3A_1893 = arith.index_cast %add3A_1892 : i32 to index
      %get3A_1894 = arith.constant 0 : index
      %get3A_1895 = tpu.vector_load %arg9[%get3A_1893, %get3A_1894] {strides = array<i32>} : memref<3328x16xf32, #tpu.memory_space<vmem>>, vector<16xf32>,
      %add3A_1896 = arith.addf %add3A_1888, %get3A_1895 : vector<16xf32>
      %mul3A_1897 = arith.mulf %get3A_1895, %get3A_1895 : vector<16xf32>
      %add3A_1898 = arith.addf %add3A_1890, %mul3A_1897 : vector<16xf32>
      %add3A_1899 = arith.constant 20 : i32
      %add3A_1900 = arith.addi %mul3A_1734, %add3A_1899 : i32
      %get3A_1901 = arith.index_cast %add3A_1900 : i32 to index
      %get3A_1902 = arith.constant 0 : index
      %get3A_1903 = tpu.vector_load %arg9[%get3A_1901, %get3A_1902] {strides = array<i32>} : memref<3328x16xf32, #tpu.memory_space<vmem>>, vector<16xf32>,
      %add3A_1904 = arith.addf %add3A_1896, %get3A_1903 : vector<16xf32>
      %mul3A_1905 = arith.mulf %get3A_1903, %get3A_1903 : vector<16xf32>
      %add3A_1906 = arith.addf %add3A_1898, %mul3A_1905 : vector<16xf32>
      %add3A_1907 = arith.constant 21 : i32
      %add3A_1908 = arith.addi %mul3A_1734, %add3A_1907 : i32
      %get3A_1909 = arith.index_cast %add3A_1908 : i32 to index
      %get3A_1910 = arith.constant 0 : index
      %get3A_1911 = tpu.vector_load %arg9[%get3A_1909, %get3A_1910] {strides = array<i32>} : memref<3328x16xf32, #tpu.memory_space<vmem>>, vector<16xf32>,
      %add3A_1912 = arith.addf %add3A_1904, %get3A_1911 : vector<16xf32>
      %mul3A_1913 = arith.mulf %get3A_1911, %get3A_1911 : vector<16xf32>
      %add3A_1914 = arith.addf %add3A_1906, %mul3A_1913 : vector<16xf32>
      %add3A_1915 = arith.constant 22 : i32
      %add3A_1916 = arith.addi %mul3A_1734, %add3A_1915 : i32
      %get3A_1917 = arith.index_cast %add3A_1916 : i32 to index
      %get3A_1918 = arith.constant 0 : index
      %get3A_1919 = tpu.vector_load %arg9[%get3A_1917, %get3A_1918] {strides = array<i32>} : memref<3328x16xf32, #tpu.memory_space<vmem>>, vector<16xf32>,
      %add3A_1920 = arith.addf %add3A_1912, %get3A_1919 : vector<16xf32>
      %mul3A_1921 = arith.mulf %get3A_1919, %get3A_1919 : vector<16xf32>
      %add3A_1922 = arith.addf %add3A_1914, %mul3A_1921 : vector<16xf32>
      %add3A_1923 = arith.constant 23 : i32
      %add3A_1924 = arith.addi %mul3A_1734, %add3A_1923 : i32
      %get3A_1925 = arith.index_cast %add3A_1924 : i32 to index
      %get3A_1926 = arith.constant 0 : index
      %get3A_1927 = tpu.vector_load %arg9[%get3A_1925, %get3A_1926] {strides = array<i32>} : memref<3328x16xf32, #tpu.memory_space<vmem>>, vector<16xf32>,
      %add3A_1928 = arith.addf %add3A_1920, %get3A_1927 : vector<16xf32>
      %mul3A_1929 = arith.mulf %get3A_1927, %get3A_1927 : vector<16xf32>
      %add3A_1930 = arith.addf %add3A_1922, %mul3A_1929 : vector<16xf32>
      %add3A_1931 = arith.constant 24 : i32
      %add3A_1932 = arith.addi %mul3A_1734, %add3A_1931 : i32
      %get3A_1933 = arith.index_cast %add3A_1932 : i32 to index
      %get3A_1934 = arith.constant 0 : index
      %get3A_1935 = tpu.vector_load %arg9[%get3A_1933, %get3A_1934] {strides = array<i32>} : memref<3328x16xf32, #tpu.memory_space<vmem>>, vector<16xf32>,
      %add3A_1936 = arith.addf %add3A_1928, %get3A_1935 : vector<16xf32>
      %mul3A_1937 = arith.mulf %get3A_1935, %get3A_1935 : vector<16xf32>
      %add3A_1938 = arith.addf %add3A_1930, %mul3A_1937 : vector<16xf32>
      %add3A_1939 = arith.constant 25 : i32
      %add3A_1940 = arith.addi %mul3A_1734, %add3A_1939 : i32
      %get3A_1941 = arith.index_cast %add3A_1940 : i32 to index
      %get3A_1942 = arith.constant 0 : index
      %get3A_1943 = tpu.vector_load %arg9[%get3A_1941, %get3A_1942] {strides = array<i32>} : memref<3328x16xf32, #tpu.memory_space<vmem>>, vector<16xf32>,
      %add3A_1944 = arith.addf %add3A_1936, %get3A_1943 : vector<16xf32>
      %mul3A_1945 = arith.mulf %get3A_1943, %get3A_1943 : vector<16xf32>
      %add3A_1946 = arith.addf %add3A_1938, %mul3A_1945 : vector<16xf32>
      %get3A_1947 = arith.index_cast %mul3A_1734 : i32 to index
      %get3A_1948 = tpu.vector_load %arg10[%get3A_1947] {strides = array<i32>} : memref<3344xf32, #tpu.memory_space<vmem>>, vector<16xf32>,
      %add3A_1949 = arith.constant 16 : i32
      %add3A_1950 = arith.addi %mul3A_1734, %add3A_1949 : i32
      %get3A_1951 = arith.index_cast %add3A_1950 : i32 to index
      %get3A_1952 = tpu.vector_load %arg10[%get3A_1951] {strides = array<i32>} : memref<3344xf32, #tpu.memory_space<vmem>>, vector<16xf32>,
      %mul3A_1953 = arith.mulf %add3A_1944, %add3A_1944 : vector<16xf32>
      %sub3A_1954 = arith.subf %mul3A_1953, %add3A_1946 : vector<16xf32>
      %mul3A_1955 = arith.constant 5.000000e-01 : f32
      %mul3A_1956 = vector.broadcast %mul3A_1955 : f32 to vector<16xf32>
      %mul3A_1957 = arith.mulf %mul3A_1956, %sub3A_1954 : vector<16xf32>
      %add3A_1958 = arith.addf %mul3A_1957, %get3A_1948 : vector<16xf32>
      %jit3A_1959 = arith.constant 0.000000e+00 : f32
      %broadcast_in_dim3A_1960 = vector.broadcast %jit3A_1959 : f32 to vector<16xf32>
      %select_n3A_1961 = arith.select %lt3A_22, %get3A_1952, %broadcast_in_dim3A_1960 : vector<16xi1>, vector<16xf32>
      %add3A_1962 = arith.addf %add3A_1958, %select_n3A_1961 : vector<16xf32>
      %eq3A_1963 = arith.constant 7 : i32
      %eq3A_1964 = vector.broadcast %eq3A_1963 : i32 to vector<16xi32>
      %eq3A_1965 = arith.cmpi eq, %iota3A, %eq3A_1964 : vector<16xi32>
      %reduce_sum3A_1966 = arith.constant true
      %reduce_sum3A_1967 = vector.broadcast %reduce_sum3A_1966 : i1 to vector<16xi1>
      %reduce_sum3A_1968 = tpu.scan <sum>, %add3A_1962 masked %reduce_sum3A_1967 : vector<16xf32>, vector<16xi1> -> vector<16xf32>
      %reduce_sum3A_1969 = vector.extract %reduce_sum3A_1968[15] : f32 from vector<16xf32>
      %broadcast_in_dim3A_1970 = vector.broadcast %reduce_sum3A_1969 : f32 to vector<16xf32>
      %select_n3A_1971 = arith.select %eq3A_1965, %broadcast_in_dim3A_1970, %select_n3A_1728 : vector<16xi1>, vector<16xf32>
      %mul3A_1972 = arith.constant 16 : i32
      %mul3A_1973 = arith.muli %scan3A_31, %mul3A_1972 : i32
      %add3A_1974 = arith.constant 8 : i32
      %add3A_1975 = arith.addi %mul3A_1973, %add3A_1974 : i32
      %mul3A_1976 = arith.constant 26 : i32
      %mul3A_1977 = arith.muli %add3A_1975, %mul3A_1976 : i32
      %broadcast_in_dim3A_1978 = arith.constant 0.000000e+00 : f32
      %broadcast_in_dim3A_1979 = vector.broadcast %broadcast_in_dim3A_1978 : f32 to vector<16xf32>
      %broadcast_in_dim3A_1980 = arith.constant 0.000000e+00 : f32
      %broadcast_in_dim3A_1981 = vector.broadcast %broadcast_in_dim3A_1980 : f32 to vector<16xf32>
      %add3A_1982 = arith.constant 0 : i32
      %add3A_1983 = arith.addi %mul3A_1977, %add3A_1982 : i32
      %get3A_1984 = arith.index_cast %add3A_1983 : i32 to index
      %get3A_1985 = arith.constant 0 : index
      %get3A_1986 = tpu.vector_load %arg9[%get3A_1984, %get3A_1985] {strides = array<i32>} : memref<3328x16xf32, #tpu.memory_space<vmem>>, vector<16xf32>,
      %add3A_1987 = arith.addf %broadcast_in_dim3A_1979, %get3A_1986 : vector<16xf32>
      %mul3A_1988 = arith.mulf %get3A_1986, %get3A_1986 : vector<16xf32>
      %add3A_1989 = arith.addf %broadcast_in_dim3A_1981, %mul3A_1988 : vector<16xf32>
      %add3A_1990 = arith.constant 1 : i32
      %add3A_1991 = arith.addi %mul3A_1977, %add3A_1990 : i32
      %get3A_1992 = arith.index_cast %add3A_1991 : i32 to index
      %get3A_1993 = arith.constant 0 : index
      %get3A_1994 = tpu.vector_load %arg9[%get3A_1992, %get3A_1993] {strides = array<i32>} : memref<3328x16xf32, #tpu.memory_space<vmem>>, vector<16xf32>,
      %add3A_1995 = arith.addf %add3A_1987, %get3A_1994 : vector<16xf32>
      %mul3A_1996 = arith.mulf %get3A_1994, %get3A_1994 : vector<16xf32>
      %add3A_1997 = arith.addf %add3A_1989, %mul3A_1996 : vector<16xf32>
      %add3A_1998 = arith.constant 2 : i32
      %add3A_1999 = arith.addi %mul3A_1977, %add3A_1998 : i32
      %get3A_2000 = arith.index_cast %add3A_1999 : i32 to index
      %get3A_2001 = arith.constant 0 : index
      %get3A_2002 = tpu.vector_load %arg9[%get3A_2000, %get3A_2001] {strides = array<i32>} : memref<3328x16xf32, #tpu.memory_space<vmem>>, vector<16xf32>,
      %add3A_2003 = arith.addf %add3A_1995, %get3A_2002 : vector<16xf32>
      %mul3A_2004 = arith.mulf %get3A_2002, %get3A_2002 : vector<16xf32>
      %add3A_2005 = arith.addf %add3A_1997, %mul3A_2004 : vector<16xf32>
      %add3A_2006 = arith.constant 3 : i32
      %add3A_2007 = arith.addi %mul3A_1977, %add3A_2006 : i32
      %get3A_2008 = arith.index_cast %add3A_2007 : i32 to index
      %get3A_2009 = arith.constant 0 : index
      %get3A_2010 = tpu.vector_load %arg9[%get3A_2008, %get3A_2009] {strides = array<i32>} : memref<3328x16xf32, #tpu.memory_space<vmem>>, vector<16xf32>,
      %add3A_2011 = arith.addf %add3A_2003, %get3A_2010 : vector<16xf32>
      %mul3A_2012 = arith.mulf %get3A_2010, %get3A_2010 : vector<16xf32>
      %add3A_2013 = arith.addf %add3A_2005, %mul3A_2012 : vector<16xf32>
      %add3A_2014 = arith.constant 4 : i32
      %add3A_2015 = arith.addi %mul3A_1977, %add3A_2014 : i32
      %get3A_2016 = arith.index_cast %add3A_2015 : i32 to index
      %get3A_2017 = arith.constant 0 : index
      %get3A_2018 = tpu.vector_load %arg9[%get3A_2016, %get3A_2017] {strides = array<i32>} : memref<3328x16xf32, #tpu.memory_space<vmem>>, vector<16xf32>,
      %add3A_2019 = arith.addf %add3A_2011, %get3A_2018 : vector<16xf32>
      %mul3A_2020 = arith.mulf %get3A_2018, %get3A_2018 : vector<16xf32>
      %add3A_2021 = arith.addf %add3A_2013, %mul3A_2020 : vector<16xf32>
      %add3A_2022 = arith.constant 5 : i32
      %add3A_2023 = arith.addi %mul3A_1977, %add3A_2022 : i32
      %get3A_2024 = arith.index_cast %add3A_2023 : i32 to index
      %get3A_2025 = arith.constant 0 : index
      %get3A_2026 = tpu.vector_load %arg9[%get3A_2024, %get3A_2025] {strides = array<i32>} : memref<3328x16xf32, #tpu.memory_space<vmem>>, vector<16xf32>,
      %add3A_2027 = arith.addf %add3A_2019, %get3A_2026 : vector<16xf32>
      %mul3A_2028 = arith.mulf %get3A_2026, %get3A_2026 : vector<16xf32>
      %add3A_2029 = arith.addf %add3A_2021, %mul3A_2028 : vector<16xf32>
      %add3A_2030 = arith.constant 6 : i32
      %add3A_2031 = arith.addi %mul3A_1977, %add3A_2030 : i32
      %get3A_2032 = arith.index_cast %add3A_2031 : i32 to index
      %get3A_2033 = arith.constant 0 : index
      %get3A_2034 = tpu.vector_load %arg9[%get3A_2032, %get3A_2033] {strides = array<i32>} : memref<3328x16xf32, #tpu.memory_space<vmem>>, vector<16xf32>,
      %add3A_2035 = arith.addf %add3A_2027, %get3A_2034 : vector<16xf32>
      %mul3A_2036 = arith.mulf %get3A_2034, %get3A_2034 : vector<16xf32>
      %add3A_2037 = arith.addf %add3A_2029, %mul3A_2036 : vector<16xf32>
      %add3A_2038 = arith.constant 7 : i32
      %add3A_2039 = arith.addi %mul3A_1977, %add3A_2038 : i32
      %get3A_2040 = arith.index_cast %add3A_2039 : i32 to index
      %get3A_2041 = arith.constant 0 : index
      %get3A_2042 = tpu.vector_load %arg9[%get3A_2040, %get3A_2041] {strides = array<i32>} : memref<3328x16xf32, #tpu.memory_space<vmem>>, vector<16xf32>,
      %add3A_2043 = arith.addf %add3A_2035, %get3A_2042 : vector<16xf32>
      %mul3A_2044 = arith.mulf %get3A_2042, %get3A_2042 : vector<16xf32>
      %add3A_2045 = arith.addf %add3A_2037, %mul3A_2044 : vector<16xf32>
      %add3A_2046 = arith.constant 8 : i32
      %add3A_2047 = arith.addi %mul3A_1977, %add3A_2046 : i32
      %get3A_2048 = arith.index_cast %add3A_2047 : i32 to index
      %get3A_2049 = arith.constant 0 : index
      %get3A_2050 = tpu.vector_load %arg9[%get3A_2048, %get3A_2049] {strides = array<i32>} : memref<3328x16xf32, #tpu.memory_space<vmem>>, vector<16xf32>,
      %add3A_2051 = arith.addf %add3A_2043, %get3A_2050 : vector<16xf32>
      %mul3A_2052 = arith.mulf %get3A_2050, %get3A_2050 : vector<16xf32>
      %add3A_2053 = arith.addf %add3A_2045, %mul3A_2052 : vector<16xf32>
      %add3A_2054 = arith.constant 9 : i32
      %add3A_2055 = arith.addi %mul3A_1977, %add3A_2054 : i32
      %get3A_2056 = arith.index_cast %add3A_2055 : i32 to index
      %get3A_2057 = arith.constant 0 : index
      %get3A_2058 = tpu.vector_load %arg9[%get3A_2056, %get3A_2057] {strides = array<i32>} : memref<3328x16xf32, #tpu.memory_space<vmem>>, vector<16xf32>,
      %add3A_2059 = arith.addf %add3A_2051, %get3A_2058 : vector<16xf32>
      %mul3A_2060 = arith.mulf %get3A_2058, %get3A_2058 : vector<16xf32>
      %add3A_2061 = arith.addf %add3A_2053, %mul3A_2060 : vector<16xf32>
      %add3A_2062 = arith.constant 10 : i32
      %add3A_2063 = arith.addi %mul3A_1977, %add3A_2062 : i32
      %get3A_2064 = arith.index_cast %add3A_2063 : i32 to index
      %get3A_2065 = arith.constant 0 : index
      %get3A_2066 = tpu.vector_load %arg9[%get3A_2064, %get3A_2065] {strides = array<i32>} : memref<3328x16xf32, #tpu.memory_space<vmem>>, vector<16xf32>,
      %add3A_2067 = arith.addf %add3A_2059, %get3A_2066 : vector<16xf32>
      %mul3A_2068 = arith.mulf %get3A_2066, %get3A_2066 : vector<16xf32>
      %add3A_2069 = arith.addf %add3A_2061, %mul3A_2068 : vector<16xf32>
      %add3A_2070 = arith.constant 11 : i32
      %add3A_2071 = arith.addi %mul3A_1977, %add3A_2070 : i32
      %get3A_2072 = arith.index_cast %add3A_2071 : i32 to index
      %get3A_2073 = arith.constant 0 : index
      %get3A_2074 = tpu.vector_load %arg9[%get3A_2072, %get3A_2073] {strides = array<i32>} : memref<3328x16xf32, #tpu.memory_space<vmem>>, vector<16xf32>,
      %add3A_2075 = arith.addf %add3A_2067, %get3A_2074 : vector<16xf32>
      %mul3A_2076 = arith.mulf %get3A_2074, %get3A_2074 : vector<16xf32>
      %add3A_2077 = arith.addf %add3A_2069, %mul3A_2076 : vector<16xf32>
      %add3A_2078 = arith.constant 12 : i32
      %add3A_2079 = arith.addi %mul3A_1977, %add3A_2078 : i32
      %get3A_2080 = arith.index_cast %add3A_2079 : i32 to index
      %get3A_2081 = arith.constant 0 : index
      %get3A_2082 = tpu.vector_load %arg9[%get3A_2080, %get3A_2081] {strides = array<i32>} : memref<3328x16xf32, #tpu.memory_space<vmem>>, vector<16xf32>,
      %add3A_2083 = arith.addf %add3A_2075, %get3A_2082 : vector<16xf32>
      %mul3A_2084 = arith.mulf %get3A_2082, %get3A_2082 : vector<16xf32>
      %add3A_2085 = arith.addf %add3A_2077, %mul3A_2084 : vector<16xf32>
      %add3A_2086 = arith.constant 13 : i32
      %add3A_2087 = arith.addi %mul3A_1977, %add3A_2086 : i32
      %get3A_2088 = arith.index_cast %add3A_2087 : i32 to index
      %get3A_2089 = arith.constant 0 : index
      %get3A_2090 = tpu.vector_load %arg9[%get3A_2088, %get3A_2089] {strides = array<i32>} : memref<3328x16xf32, #tpu.memory_space<vmem>>, vector<16xf32>,
      %add3A_2091 = arith.addf %add3A_2083, %get3A_2090 : vector<16xf32>
      %mul3A_2092 = arith.mulf %get3A_2090, %get3A_2090 : vector<16xf32>
      %add3A_2093 = arith.addf %add3A_2085, %mul3A_2092 : vector<16xf32>
      %add3A_2094 = arith.constant 14 : i32
      %add3A_2095 = arith.addi %mul3A_1977, %add3A_2094 : i32
      %get3A_2096 = arith.index_cast %add3A_2095 : i32 to index
      %get3A_2097 = arith.constant 0 : index
      %get3A_2098 = tpu.vector_load %arg9[%get3A_2096, %get3A_2097] {strides = array<i32>} : memref<3328x16xf32, #tpu.memory_space<vmem>>, vector<16xf32>,
      %add3A_2099 = arith.addf %add3A_2091, %get3A_2098 : vector<16xf32>
      %mul3A_2100 = arith.mulf %get3A_2098, %get3A_2098 : vector<16xf32>
      %add3A_2101 = arith.addf %add3A_2093, %mul3A_2100 : vector<16xf32>
      %add3A_2102 = arith.constant 15 : i32
      %add3A_2103 = arith.addi %mul3A_1977, %add3A_2102 : i32
      %get3A_2104 = arith.index_cast %add3A_2103 : i32 to index
      %get3A_2105 = arith.constant 0 : index
      %get3A_2106 = tpu.vector_load %arg9[%get3A_2104, %get3A_2105] {strides = array<i32>} : memref<3328x16xf32, #tpu.memory_space<vmem>>, vector<16xf32>,
      %add3A_2107 = arith.addf %add3A_2099, %get3A_2106 : vector<16xf32>
      %mul3A_2108 = arith.mulf %get3A_2106, %get3A_2106 : vector<16xf32>
      %add3A_2109 = arith.addf %add3A_2101, %mul3A_2108 : vector<16xf32>
      %add3A_2110 = arith.constant 16 : i32
      %add3A_2111 = arith.addi %mul3A_1977, %add3A_2110 : i32
      %get3A_2112 = arith.index_cast %add3A_2111 : i32 to index
      %get3A_2113 = arith.constant 0 : index
      %get3A_2114 = tpu.vector_load %arg9[%get3A_2112, %get3A_2113] {strides = array<i32>} : memref<3328x16xf32, #tpu.memory_space<vmem>>, vector<16xf32>,
      %add3A_2115 = arith.addf %add3A_2107, %get3A_2114 : vector<16xf32>
      %mul3A_2116 = arith.mulf %get3A_2114, %get3A_2114 : vector<16xf32>
      %add3A_2117 = arith.addf %add3A_2109, %mul3A_2116 : vector<16xf32>
      %add3A_2118 = arith.constant 17 : i32
      %add3A_2119 = arith.addi %mul3A_1977, %add3A_2118 : i32
      %get3A_2120 = arith.index_cast %add3A_2119 : i32 to index
      %get3A_2121 = arith.constant 0 : index
      %get3A_2122 = tpu.vector_load %arg9[%get3A_2120, %get3A_2121] {strides = array<i32>} : memref<3328x16xf32, #tpu.memory_space<vmem>>, vector<16xf32>,
      %add3A_2123 = arith.addf %add3A_2115, %get3A_2122 : vector<16xf32>
      %mul3A_2124 = arith.mulf %get3A_2122, %get3A_2122 : vector<16xf32>
      %add3A_2125 = arith.addf %add3A_2117, %mul3A_2124 : vector<16xf32>
      %add3A_2126 = arith.constant 18 : i32
      %add3A_2127 = arith.addi %mul3A_1977, %add3A_2126 : i32
      %get3A_2128 = arith.index_cast %add3A_2127 : i32 to index
      %get3A_2129 = arith.constant 0 : index
      %get3A_2130 = tpu.vector_load %arg9[%get3A_2128, %get3A_2129] {strides = array<i32>} : memref<3328x16xf32, #tpu.memory_space<vmem>>, vector<16xf32>,
      %add3A_2131 = arith.addf %add3A_2123, %get3A_2130 : vector<16xf32>
      %mul3A_2132 = arith.mulf %get3A_2130, %get3A_2130 : vector<16xf32>
      %add3A_2133 = arith.addf %add3A_2125, %mul3A_2132 : vector<16xf32>
      %add3A_2134 = arith.constant 19 : i32
      %add3A_2135 = arith.addi %mul3A_1977, %add3A_2134 : i32
      %get3A_2136 = arith.index_cast %add3A_2135 : i32 to index
      %get3A_2137 = arith.constant 0 : index
      %get3A_2138 = tpu.vector_load %arg9[%get3A_2136, %get3A_2137] {strides = array<i32>} : memref<3328x16xf32, #tpu.memory_space<vmem>>, vector<16xf32>,
      %add3A_2139 = arith.addf %add3A_2131, %get3A_2138 : vector<16xf32>
      %mul3A_2140 = arith.mulf %get3A_2138, %get3A_2138 : vector<16xf32>
      %add3A_2141 = arith.addf %add3A_2133, %mul3A_2140 : vector<16xf32>
      %add3A_2142 = arith.constant 20 : i32
      %add3A_2143 = arith.addi %mul3A_1977, %add3A_2142 : i32
      %get3A_2144 = arith.index_cast %add3A_2143 : i32 to index
      %get3A_2145 = arith.constant 0 : index
      %get3A_2146 = tpu.vector_load %arg9[%get3A_2144, %get3A_2145] {strides = array<i32>} : memref<3328x16xf32, #tpu.memory_space<vmem>>, vector<16xf32>,
      %add3A_2147 = arith.addf %add3A_2139, %get3A_2146 : vector<16xf32>
      %mul3A_2148 = arith.mulf %get3A_2146, %get3A_2146 : vector<16xf32>
      %add3A_2149 = arith.addf %add3A_2141, %mul3A_2148 : vector<16xf32>
      %add3A_2150 = arith.constant 21 : i32
      %add3A_2151 = arith.addi %mul3A_1977, %add3A_2150 : i32
      %get3A_2152 = arith.index_cast %add3A_2151 : i32 to index
      %get3A_2153 = arith.constant 0 : index
      %get3A_2154 = tpu.vector_load %arg9[%get3A_2152, %get3A_2153] {strides = array<i32>} : memref<3328x16xf32, #tpu.memory_space<vmem>>, vector<16xf32>,
      %add3A_2155 = arith.addf %add3A_2147, %get3A_2154 : vector<16xf32>
      %mul3A_2156 = arith.mulf %get3A_2154, %get3A_2154 : vector<16xf32>
      %add3A_2157 = arith.addf %add3A_2149, %mul3A_2156 : vector<16xf32>
      %add3A_2158 = arith.constant 22 : i32
      %add3A_2159 = arith.addi %mul3A_1977, %add3A_2158 : i32
      %get3A_2160 = arith.index_cast %add3A_2159 : i32 to index
      %get3A_2161 = arith.constant 0 : index
      %get3A_2162 = tpu.vector_load %arg9[%get3A_2160, %get3A_2161] {strides = array<i32>} : memref<3328x16xf32, #tpu.memory_space<vmem>>, vector<16xf32>,
      %add3A_2163 = arith.addf %add3A_2155, %get3A_2162 : vector<16xf32>
      %mul3A_2164 = arith.mulf %get3A_2162, %get3A_2162 : vector<16xf32>
      %add3A_2165 = arith.addf %add3A_2157, %mul3A_2164 : vector<16xf32>
      %add3A_2166 = arith.constant 23 : i32
      %add3A_2167 = arith.addi %mul3A_1977, %add3A_2166 : i32
      %get3A_2168 = arith.index_cast %add3A_2167 : i32 to index
      %get3A_2169 = arith.constant 0 : index
      %get3A_2170 = tpu.vector_load %arg9[%get3A_2168, %get3A_2169] {strides = array<i32>} : memref<3328x16xf32, #tpu.memory_space<vmem>>, vector<16xf32>,
      %add3A_2171 = arith.addf %add3A_2163, %get3A_2170 : vector<16xf32>
      %mul3A_2172 = arith.mulf %get3A_2170, %get3A_2170 : vector<16xf32>
      %add3A_2173 = arith.addf %add3A_2165, %mul3A_2172 : vector<16xf32>
      %add3A_2174 = arith.constant 24 : i32
      %add3A_2175 = arith.addi %mul3A_1977, %add3A_2174 : i32
      %get3A_2176 = arith.index_cast %add3A_2175 : i32 to index
      %get3A_2177 = arith.constant 0 : index
      %get3A_2178 = tpu.vector_load %arg9[%get3A_2176, %get3A_2177] {strides = array<i32>} : memref<3328x16xf32, #tpu.memory_space<vmem>>, vector<16xf32>,
      %add3A_2179 = arith.addf %add3A_2171, %get3A_2178 : vector<16xf32>
      %mul3A_2180 = arith.mulf %get3A_2178, %get3A_2178 : vector<16xf32>
      %add3A_2181 = arith.addf %add3A_2173, %mul3A_2180 : vector<16xf32>
      %add3A_2182 = arith.constant 25 : i32
      %add3A_2183 = arith.addi %mul3A_1977, %add3A_2182 : i32
      %get3A_2184 = arith.index_cast %add3A_2183 : i32 to index
      %get3A_2185 = arith.constant 0 : index
      %get3A_2186 = tpu.vector_load %arg9[%get3A_2184, %get3A_2185] {strides = array<i32>} : memref<3328x16xf32, #tpu.memory_space<vmem>>, vector<16xf32>,
      %add3A_2187 = arith.addf %add3A_2179, %get3A_2186 : vector<16xf32>
      %mul3A_2188 = arith.mulf %get3A_2186, %get3A_2186 : vector<16xf32>
      %add3A_2189 = arith.addf %add3A_2181, %mul3A_2188 : vector<16xf32>
      %get3A_2190 = arith.index_cast %mul3A_1977 : i32 to index
      %get3A_2191 = tpu.vector_load %arg10[%get3A_2190] {strides = array<i32>} : memref<3344xf32, #tpu.memory_space<vmem>>, vector<16xf32>,
      %add3A_2192 = arith.constant 16 : i32
      %add3A_2193 = arith.addi %mul3A_1977, %add3A_2192 : i32
      %get3A_2194 = arith.index_cast %add3A_2193 : i32 to index
      %get3A_2195 = tpu.vector_load %arg10[%get3A_2194] {strides = array<i32>} : memref<3344xf32, #tpu.memory_space<vmem>>, vector<16xf32>,
      %mul3A_2196 = arith.mulf %add3A_2187, %add3A_2187 : vector<16xf32>
      %sub3A_2197 = arith.subf %mul3A_2196, %add3A_2189 : vector<16xf32>
      %mul3A_2198 = arith.constant 5.000000e-01 : f32
      %mul3A_2199 = vector.broadcast %mul3A_2198 : f32 to vector<16xf32>
      %mul3A_2200 = arith.mulf %mul3A_2199, %sub3A_2197 : vector<16xf32>
      %add3A_2201 = arith.addf %mul3A_2200, %get3A_2191 : vector<16xf32>
      %jit3A_2202 = arith.constant 0.000000e+00 : f32
      %broadcast_in_dim3A_2203 = vector.broadcast %jit3A_2202 : f32 to vector<16xf32>
      %select_n3A_2204 = arith.select %lt3A_22, %get3A_2195, %broadcast_in_dim3A_2203 : vector<16xi1>, vector<16xf32>
      %add3A_2205 = arith.addf %add3A_2201, %select_n3A_2204 : vector<16xf32>
      %eq3A_2206 = arith.constant 8 : i32
      %eq3A_2207 = vector.broadcast %eq3A_2206 : i32 to vector<16xi32>
      %eq3A_2208 = arith.cmpi eq, %iota3A, %eq3A_2207 : vector<16xi32>
      %reduce_sum3A_2209 = arith.constant true
      %reduce_sum3A_2210 = vector.broadcast %reduce_sum3A_2209 : i1 to vector<16xi1>
      %reduce_sum3A_2211 = tpu.scan <sum>, %add3A_2205 masked %reduce_sum3A_2210 : vector<16xf32>, vector<16xi1> -> vector<16xf32>
      %reduce_sum3A_2212 = vector.extract %reduce_sum3A_2211[15] : f32 from vector<16xf32>
      %broadcast_in_dim3A_2213 = vector.broadcast %reduce_sum3A_2212 : f32 to vector<16xf32>
      %select_n3A_2214 = arith.select %eq3A_2208, %broadcast_in_dim3A_2213, %select_n3A_1971 : vector<16xi1>, vector<16xf32>
      %mul3A_2215 = arith.constant 16 : i32
      %mul3A_2216 = arith.muli %scan3A_31, %mul3A_2215 : i32
      %add3A_2217 = arith.constant 9 : i32
      %add3A_2218 = arith.addi %mul3A_2216, %add3A_2217 : i32
      %mul3A_2219 = arith.constant 26 : i32
      %mul3A_2220 = arith.muli %add3A_2218, %mul3A_2219 : i32
      %broadcast_in_dim3A_2221 = arith.constant 0.000000e+00 : f32
      %broadcast_in_dim3A_2222 = vector.broadcast %broadcast_in_dim3A_2221 : f32 to vector<16xf32>
      %broadcast_in_dim3A_2223 = arith.constant 0.000000e+00 : f32
      %broadcast_in_dim3A_2224 = vector.broadcast %broadcast_in_dim3A_2223 : f32 to vector<16xf32>
      %add3A_2225 = arith.constant 0 : i32
      %add3A_2226 = arith.addi %mul3A_2220, %add3A_2225 : i32
      %get3A_2227 = arith.index_cast %add3A_2226 : i32 to index
      %get3A_2228 = arith.constant 0 : index
      %get3A_2229 = tpu.vector_load %arg9[%get3A_2227, %get3A_2228] {strides = array<i32>} : memref<3328x16xf32, #tpu.memory_space<vmem>>, vector<16xf32>,
      %add3A_2230 = arith.addf %broadcast_in_dim3A_2222, %get3A_2229 : vector<16xf32>
      %mul3A_2231 = arith.mulf %get3A_2229, %get3A_2229 : vector<16xf32>
      %add3A_2232 = arith.addf %broadcast_in_dim3A_2224, %mul3A_2231 : vector<16xf32>
      %add3A_2233 = arith.constant 1 : i32
      %add3A_2234 = arith.addi %mul3A_2220, %add3A_2233 : i32
      %get3A_2235 = arith.index_cast %add3A_2234 : i32 to index
      %get3A_2236 = arith.constant 0 : index
      %get3A_2237 = tpu.vector_load %arg9[%get3A_2235, %get3A_2236] {strides = array<i32>} : memref<3328x16xf32, #tpu.memory_space<vmem>>, vector<16xf32>,
      %add3A_2238 = arith.addf %add3A_2230, %get3A_2237 : vector<16xf32>
      %mul3A_2239 = arith.mulf %get3A_2237, %get3A_2237 : vector<16xf32>
      %add3A_2240 = arith.addf %add3A_2232, %mul3A_2239 : vector<16xf32>
      %add3A_2241 = arith.constant 2 : i32
      %add3A_2242 = arith.addi %mul3A_2220, %add3A_2241 : i32
      %get3A_2243 = arith.index_cast %add3A_2242 : i32 to index
      %get3A_2244 = arith.constant 0 : index
      %get3A_2245 = tpu.vector_load %arg9[%get3A_2243, %get3A_2244] {strides = array<i32>} : memref<3328x16xf32, #tpu.memory_space<vmem>>, vector<16xf32>,
      %add3A_2246 = arith.addf %add3A_2238, %get3A_2245 : vector<16xf32>
      %mul3A_2247 = arith.mulf %get3A_2245, %get3A_2245 : vector<16xf32>
      %add3A_2248 = arith.addf %add3A_2240, %mul3A_2247 : vector<16xf32>
      %add3A_2249 = arith.constant 3 : i32
      %add3A_2250 = arith.addi %mul3A_2220, %add3A_2249 : i32
      %get3A_2251 = arith.index_cast %add3A_2250 : i32 to index
      %get3A_2252 = arith.constant 0 : index
      %get3A_2253 = tpu.vector_load %arg9[%get3A_2251, %get3A_2252] {strides = array<i32>} : memref<3328x16xf32, #tpu.memory_space<vmem>>, vector<16xf32>,
      %add3A_2254 = arith.addf %add3A_2246, %get3A_2253 : vector<16xf32>
      %mul3A_2255 = arith.mulf %get3A_2253, %get3A_2253 : vector<16xf32>
      %add3A_2256 = arith.addf %add3A_2248, %mul3A_2255 : vector<16xf32>
      %add3A_2257 = arith.constant 4 : i32
      %add3A_2258 = arith.addi %mul3A_2220, %add3A_2257 : i32
      %get3A_2259 = arith.index_cast %add3A_2258 : i32 to index
      %get3A_2260 = arith.constant 0 : index
      %get3A_2261 = tpu.vector_load %arg9[%get3A_2259, %get3A_2260] {strides = array<i32>} : memref<3328x16xf32, #tpu.memory_space<vmem>>, vector<16xf32>,
      %add3A_2262 = arith.addf %add3A_2254, %get3A_2261 : vector<16xf32>
      %mul3A_2263 = arith.mulf %get3A_2261, %get3A_2261 : vector<16xf32>
      %add3A_2264 = arith.addf %add3A_2256, %mul3A_2263 : vector<16xf32>
      %add3A_2265 = arith.constant 5 : i32
      %add3A_2266 = arith.addi %mul3A_2220, %add3A_2265 : i32
      %get3A_2267 = arith.index_cast %add3A_2266 : i32 to index
      %get3A_2268 = arith.constant 0 : index
      %get3A_2269 = tpu.vector_load %arg9[%get3A_2267, %get3A_2268] {strides = array<i32>} : memref<3328x16xf32, #tpu.memory_space<vmem>>, vector<16xf32>,
      %add3A_2270 = arith.addf %add3A_2262, %get3A_2269 : vector<16xf32>
      %mul3A_2271 = arith.mulf %get3A_2269, %get3A_2269 : vector<16xf32>
      %add3A_2272 = arith.addf %add3A_2264, %mul3A_2271 : vector<16xf32>
      %add3A_2273 = arith.constant 6 : i32
      %add3A_2274 = arith.addi %mul3A_2220, %add3A_2273 : i32
      %get3A_2275 = arith.index_cast %add3A_2274 : i32 to index
      %get3A_2276 = arith.constant 0 : index
      %get3A_2277 = tpu.vector_load %arg9[%get3A_2275, %get3A_2276] {strides = array<i32>} : memref<3328x16xf32, #tpu.memory_space<vmem>>, vector<16xf32>,
      %add3A_2278 = arith.addf %add3A_2270, %get3A_2277 : vector<16xf32>
      %mul3A_2279 = arith.mulf %get3A_2277, %get3A_2277 : vector<16xf32>
      %add3A_2280 = arith.addf %add3A_2272, %mul3A_2279 : vector<16xf32>
      %add3A_2281 = arith.constant 7 : i32
      %add3A_2282 = arith.addi %mul3A_2220, %add3A_2281 : i32
      %get3A_2283 = arith.index_cast %add3A_2282 : i32 to index
      %get3A_2284 = arith.constant 0 : index
      %get3A_2285 = tpu.vector_load %arg9[%get3A_2283, %get3A_2284] {strides = array<i32>} : memref<3328x16xf32, #tpu.memory_space<vmem>>, vector<16xf32>,
      %add3A_2286 = arith.addf %add3A_2278, %get3A_2285 : vector<16xf32>
      %mul3A_2287 = arith.mulf %get3A_2285, %get3A_2285 : vector<16xf32>
      %add3A_2288 = arith.addf %add3A_2280, %mul3A_2287 : vector<16xf32>
      %add3A_2289 = arith.constant 8 : i32
      %add3A_2290 = arith.addi %mul3A_2220, %add3A_2289 : i32
      %get3A_2291 = arith.index_cast %add3A_2290 : i32 to index
      %get3A_2292 = arith.constant 0 : index
      %get3A_2293 = tpu.vector_load %arg9[%get3A_2291, %get3A_2292] {strides = array<i32>} : memref<3328x16xf32, #tpu.memory_space<vmem>>, vector<16xf32>,
      %add3A_2294 = arith.addf %add3A_2286, %get3A_2293 : vector<16xf32>
      %mul3A_2295 = arith.mulf %get3A_2293, %get3A_2293 : vector<16xf32>
      %add3A_2296 = arith.addf %add3A_2288, %mul3A_2295 : vector<16xf32>
      %add3A_2297 = arith.constant 9 : i32
      %add3A_2298 = arith.addi %mul3A_2220, %add3A_2297 : i32
      %get3A_2299 = arith.index_cast %add3A_2298 : i32 to index
      %get3A_2300 = arith.constant 0 : index
      %get3A_2301 = tpu.vector_load %arg9[%get3A_2299, %get3A_2300] {strides = array<i32>} : memref<3328x16xf32, #tpu.memory_space<vmem>>, vector<16xf32>,
      %add3A_2302 = arith.addf %add3A_2294, %get3A_2301 : vector<16xf32>
      %mul3A_2303 = arith.mulf %get3A_2301, %get3A_2301 : vector<16xf32>
      %add3A_2304 = arith.addf %add3A_2296, %mul3A_2303 : vector<16xf32>
      %add3A_2305 = arith.constant 10 : i32
      %add3A_2306 = arith.addi %mul3A_2220, %add3A_2305 : i32
      %get3A_2307 = arith.index_cast %add3A_2306 : i32 to index
      %get3A_2308 = arith.constant 0 : index
      %get3A_2309 = tpu.vector_load %arg9[%get3A_2307, %get3A_2308] {strides = array<i32>} : memref<3328x16xf32, #tpu.memory_space<vmem>>, vector<16xf32>,
      %add3A_2310 = arith.addf %add3A_2302, %get3A_2309 : vector<16xf32>
      %mul3A_2311 = arith.mulf %get3A_2309, %get3A_2309 : vector<16xf32>
      %add3A_2312 = arith.addf %add3A_2304, %mul3A_2311 : vector<16xf32>
      %add3A_2313 = arith.constant 11 : i32
      %add3A_2314 = arith.addi %mul3A_2220, %add3A_2313 : i32
      %get3A_2315 = arith.index_cast %add3A_2314 : i32 to index
      %get3A_2316 = arith.constant 0 : index
      %get3A_2317 = tpu.vector_load %arg9[%get3A_2315, %get3A_2316] {strides = array<i32>} : memref<3328x16xf32, #tpu.memory_space<vmem>>, vector<16xf32>,
      %add3A_2318 = arith.addf %add3A_2310, %get3A_2317 : vector<16xf32>
      %mul3A_2319 = arith.mulf %get3A_2317, %get3A_2317 : vector<16xf32>
      %add3A_2320 = arith.addf %add3A_2312, %mul3A_2319 : vector<16xf32>
      %add3A_2321 = arith.constant 12 : i32
      %add3A_2322 = arith.addi %mul3A_2220, %add3A_2321 : i32
      %get3A_2323 = arith.index_cast %add3A_2322 : i32 to index
      %get3A_2324 = arith.constant 0 : index
      %get3A_2325 = tpu.vector_load %arg9[%get3A_2323, %get3A_2324] {strides = array<i32>} : memref<3328x16xf32, #tpu.memory_space<vmem>>, vector<16xf32>,
      %add3A_2326 = arith.addf %add3A_2318, %get3A_2325 : vector<16xf32>
      %mul3A_2327 = arith.mulf %get3A_2325, %get3A_2325 : vector<16xf32>
      %add3A_2328 = arith.addf %add3A_2320, %mul3A_2327 : vector<16xf32>
      %add3A_2329 = arith.constant 13 : i32
      %add3A_2330 = arith.addi %mul3A_2220, %add3A_2329 : i32
      %get3A_2331 = arith.index_cast %add3A_2330 : i32 to index
      %get3A_2332 = arith.constant 0 : index
      %get3A_2333 = tpu.vector_load %arg9[%get3A_2331, %get3A_2332] {strides = array<i32>} : memref<3328x16xf32, #tpu.memory_space<vmem>>, vector<16xf32>,
      %add3A_2334 = arith.addf %add3A_2326, %get3A_2333 : vector<16xf32>
      %mul3A_2335 = arith.mulf %get3A_2333, %get3A_2333 : vector<16xf32>
      %add3A_2336 = arith.addf %add3A_2328, %mul3A_2335 : vector<16xf32>
      %add3A_2337 = arith.constant 14 : i32
      %add3A_2338 = arith.addi %mul3A_2220, %add3A_2337 : i32
      %get3A_2339 = arith.index_cast %add3A_2338 : i32 to index
      %get3A_2340 = arith.constant 0 : index
      %get3A_2341 = tpu.vector_load %arg9[%get3A_2339, %get3A_2340] {strides = array<i32>} : memref<3328x16xf32, #tpu.memory_space<vmem>>, vector<16xf32>,
      %add3A_2342 = arith.addf %add3A_2334, %get3A_2341 : vector<16xf32>
      %mul3A_2343 = arith.mulf %get3A_2341, %get3A_2341 : vector<16xf32>
      %add3A_2344 = arith.addf %add3A_2336, %mul3A_2343 : vector<16xf32>
      %add3A_2345 = arith.constant 15 : i32
      %add3A_2346 = arith.addi %mul3A_2220, %add3A_2345 : i32
      %get3A_2347 = arith.index_cast %add3A_2346 : i32 to index
      %get3A_2348 = arith.constant 0 : index
      %get3A_2349 = tpu.vector_load %arg9[%get3A_2347, %get3A_2348] {strides = array<i32>} : memref<3328x16xf32, #tpu.memory_space<vmem>>, vector<16xf32>,
      %add3A_2350 = arith.addf %add3A_2342, %get3A_2349 : vector<16xf32>
      %mul3A_2351 = arith.mulf %get3A_2349, %get3A_2349 : vector<16xf32>
      %add3A_2352 = arith.addf %add3A_2344, %mul3A_2351 : vector<16xf32>
      %add3A_2353 = arith.constant 16 : i32
      %add3A_2354 = arith.addi %mul3A_2220, %add3A_2353 : i32
      %get3A_2355 = arith.index_cast %add3A_2354 : i32 to index
      %get3A_2356 = arith.constant 0 : index
      %get3A_2357 = tpu.vector_load %arg9[%get3A_2355, %get3A_2356] {strides = array<i32>} : memref<3328x16xf32, #tpu.memory_space<vmem>>, vector<16xf32>,
      %add3A_2358 = arith.addf %add3A_2350, %get3A_2357 : vector<16xf32>
      %mul3A_2359 = arith.mulf %get3A_2357, %get3A_2357 : vector<16xf32>
      %add3A_2360 = arith.addf %add3A_2352, %mul3A_2359 : vector<16xf32>
      %add3A_2361 = arith.constant 17 : i32
      %add3A_2362 = arith.addi %mul3A_2220, %add3A_2361 : i32
      %get3A_2363 = arith.index_cast %add3A_2362 : i32 to index
      %get3A_2364 = arith.constant 0 : index
      %get3A_2365 = tpu.vector_load %arg9[%get3A_2363, %get3A_2364] {strides = array<i32>} : memref<3328x16xf32, #tpu.memory_space<vmem>>, vector<16xf32>,
      %add3A_2366 = arith.addf %add3A_2358, %get3A_2365 : vector<16xf32>
      %mul3A_2367 = arith.mulf %get3A_2365, %get3A_2365 : vector<16xf32>
      %add3A_2368 = arith.addf %add3A_2360, %mul3A_2367 : vector<16xf32>
      %add3A_2369 = arith.constant 18 : i32
      %add3A_2370 = arith.addi %mul3A_2220, %add3A_2369 : i32
      %get3A_2371 = arith.index_cast %add3A_2370 : i32 to index
      %get3A_2372 = arith.constant 0 : index
      %get3A_2373 = tpu.vector_load %arg9[%get3A_2371, %get3A_2372] {strides = array<i32>} : memref<3328x16xf32, #tpu.memory_space<vmem>>, vector<16xf32>,
      %add3A_2374 = arith.addf %add3A_2366, %get3A_2373 : vector<16xf32>
      %mul3A_2375 = arith.mulf %get3A_2373, %get3A_2373 : vector<16xf32>
      %add3A_2376 = arith.addf %add3A_2368, %mul3A_2375 : vector<16xf32>
      %add3A_2377 = arith.constant 19 : i32
      %add3A_2378 = arith.addi %mul3A_2220, %add3A_2377 : i32
      %get3A_2379 = arith.index_cast %add3A_2378 : i32 to index
      %get3A_2380 = arith.constant 0 : index
      %get3A_2381 = tpu.vector_load %arg9[%get3A_2379, %get3A_2380] {strides = array<i32>} : memref<3328x16xf32, #tpu.memory_space<vmem>>, vector<16xf32>,
      %add3A_2382 = arith.addf %add3A_2374, %get3A_2381 : vector<16xf32>
      %mul3A_2383 = arith.mulf %get3A_2381, %get3A_2381 : vector<16xf32>
      %add3A_2384 = arith.addf %add3A_2376, %mul3A_2383 : vector<16xf32>
      %add3A_2385 = arith.constant 20 : i32
      %add3A_2386 = arith.addi %mul3A_2220, %add3A_2385 : i32
      %get3A_2387 = arith.index_cast %add3A_2386 : i32 to index
      %get3A_2388 = arith.constant 0 : index
      %get3A_2389 = tpu.vector_load %arg9[%get3A_2387, %get3A_2388] {strides = array<i32>} : memref<3328x16xf32, #tpu.memory_space<vmem>>, vector<16xf32>,
      %add3A_2390 = arith.addf %add3A_2382, %get3A_2389 : vector<16xf32>
      %mul3A_2391 = arith.mulf %get3A_2389, %get3A_2389 : vector<16xf32>
      %add3A_2392 = arith.addf %add3A_2384, %mul3A_2391 : vector<16xf32>
      %add3A_2393 = arith.constant 21 : i32
      %add3A_2394 = arith.addi %mul3A_2220, %add3A_2393 : i32
      %get3A_2395 = arith.index_cast %add3A_2394 : i32 to index
      %get3A_2396 = arith.constant 0 : index
      %get3A_2397 = tpu.vector_load %arg9[%get3A_2395, %get3A_2396] {strides = array<i32>} : memref<3328x16xf32, #tpu.memory_space<vmem>>, vector<16xf32>,
      %add3A_2398 = arith.addf %add3A_2390, %get3A_2397 : vector<16xf32>
      %mul3A_2399 = arith.mulf %get3A_2397, %get3A_2397 : vector<16xf32>
      %add3A_2400 = arith.addf %add3A_2392, %mul3A_2399 : vector<16xf32>
      %add3A_2401 = arith.constant 22 : i32
      %add3A_2402 = arith.addi %mul3A_2220, %add3A_2401 : i32
      %get3A_2403 = arith.index_cast %add3A_2402 : i32 to index
      %get3A_2404 = arith.constant 0 : index
      %get3A_2405 = tpu.vector_load %arg9[%get3A_2403, %get3A_2404] {strides = array<i32>} : memref<3328x16xf32, #tpu.memory_space<vmem>>, vector<16xf32>,
      %add3A_2406 = arith.addf %add3A_2398, %get3A_2405 : vector<16xf32>
      %mul3A_2407 = arith.mulf %get3A_2405, %get3A_2405 : vector<16xf32>
      %add3A_2408 = arith.addf %add3A_2400, %mul3A_2407 : vector<16xf32>
      %add3A_2409 = arith.constant 23 : i32
      %add3A_2410 = arith.addi %mul3A_2220, %add3A_2409 : i32
      %get3A_2411 = arith.index_cast %add3A_2410 : i32 to index
      %get3A_2412 = arith.constant 0 : index
      %get3A_2413 = tpu.vector_load %arg9[%get3A_2411, %get3A_2412] {strides = array<i32>} : memref<3328x16xf32, #tpu.memory_space<vmem>>, vector<16xf32>,
      %add3A_2414 = arith.addf %add3A_2406, %get3A_2413 : vector<16xf32>
      %mul3A_2415 = arith.mulf %get3A_2413, %get3A_2413 : vector<16xf32>
      %add3A_2416 = arith.addf %add3A_2408, %mul3A_2415 : vector<16xf32>
      %add3A_2417 = arith.constant 24 : i32
      %add3A_2418 = arith.addi %mul3A_2220, %add3A_2417 : i32
      %get3A_2419 = arith.index_cast %add3A_2418 : i32 to index
      %get3A_2420 = arith.constant 0 : index
      %get3A_2421 = tpu.vector_load %arg9[%get3A_2419, %get3A_2420] {strides = array<i32>} : memref<3328x16xf32, #tpu.memory_space<vmem>>, vector<16xf32>,
      %add3A_2422 = arith.addf %add3A_2414, %get3A_2421 : vector<16xf32>
      %mul3A_2423 = arith.mulf %get3A_2421, %get3A_2421 : vector<16xf32>
      %add3A_2424 = arith.addf %add3A_2416, %mul3A_2423 : vector<16xf32>
      %add3A_2425 = arith.constant 25 : i32
      %add3A_2426 = arith.addi %mul3A_2220, %add3A_2425 : i32
      %get3A_2427 = arith.index_cast %add3A_2426 : i32 to index
      %get3A_2428 = arith.constant 0 : index
      %get3A_2429 = tpu.vector_load %arg9[%get3A_2427, %get3A_2428] {strides = array<i32>} : memref<3328x16xf32, #tpu.memory_space<vmem>>, vector<16xf32>,
      %add3A_2430 = arith.addf %add3A_2422, %get3A_2429 : vector<16xf32>
      %mul3A_2431 = arith.mulf %get3A_2429, %get3A_2429 : vector<16xf32>
      %add3A_2432 = arith.addf %add3A_2424, %mul3A_2431 : vector<16xf32>
      %get3A_2433 = arith.index_cast %mul3A_2220 : i32 to index
      %get3A_2434 = tpu.vector_load %arg10[%get3A_2433] {strides = array<i32>} : memref<3344xf32, #tpu.memory_space<vmem>>, vector<16xf32>,
      %add3A_2435 = arith.constant 16 : i32
      %add3A_2436 = arith.addi %mul3A_2220, %add3A_2435 : i32
      %get3A_2437 = arith.index_cast %add3A_2436 : i32 to index
      %get3A_2438 = tpu.vector_load %arg10[%get3A_2437] {strides = array<i32>} : memref<3344xf32, #tpu.memory_space<vmem>>, vector<16xf32>,
      %mul3A_2439 = arith.mulf %add3A_2430, %add3A_2430 : vector<16xf32>
      %sub3A_2440 = arith.subf %mul3A_2439, %add3A_2432 : vector<16xf32>
      %mul3A_2441 = arith.constant 5.000000e-01 : f32
      %mul3A_2442 = vector.broadcast %mul3A_2441 : f32 to vector<16xf32>
      %mul3A_2443 = arith.mulf %mul3A_2442, %sub3A_2440 : vector<16xf32>
      %add3A_2444 = arith.addf %mul3A_2443, %get3A_2434 : vector<16xf32>
      %jit3A_2445 = arith.constant 0.000000e+00 : f32
      %broadcast_in_dim3A_2446 = vector.broadcast %jit3A_2445 : f32 to vector<16xf32>
      %select_n3A_2447 = arith.select %lt3A_22, %get3A_2438, %broadcast_in_dim3A_2446 : vector<16xi1>, vector<16xf32>
      %add3A_2448 = arith.addf %add3A_2444, %select_n3A_2447 : vector<16xf32>
      %eq3A_2449 = arith.constant 9 : i32
      %eq3A_2450 = vector.broadcast %eq3A_2449 : i32 to vector<16xi32>
      %eq3A_2451 = arith.cmpi eq, %iota3A, %eq3A_2450 : vector<16xi32>
      %reduce_sum3A_2452 = arith.constant true
      %reduce_sum3A_2453 = vector.broadcast %reduce_sum3A_2452 : i1 to vector<16xi1>
      %reduce_sum3A_2454 = tpu.scan <sum>, %add3A_2448 masked %reduce_sum3A_2453 : vector<16xf32>, vector<16xi1> -> vector<16xf32>
      %reduce_sum3A_2455 = vector.extract %reduce_sum3A_2454[15] : f32 from vector<16xf32>
      %broadcast_in_dim3A_2456 = vector.broadcast %reduce_sum3A_2455 : f32 to vector<16xf32>
      %select_n3A_2457 = arith.select %eq3A_2451, %broadcast_in_dim3A_2456, %select_n3A_2214 : vector<16xi1>, vector<16xf32>
      %mul3A_2458 = arith.constant 16 : i32
      %mul3A_2459 = arith.muli %scan3A_31, %mul3A_2458 : i32
      %add3A_2460 = arith.constant 10 : i32
      %add3A_2461 = arith.addi %mul3A_2459, %add3A_2460 : i32
      %mul3A_2462 = arith.constant 26 : i32
      %mul3A_2463 = arith.muli %add3A_2461, %mul3A_2462 : i32
      %broadcast_in_dim3A_2464 = arith.constant 0.000000e+00 : f32
      %broadcast_in_dim3A_2465 = vector.broadcast %broadcast_in_dim3A_2464 : f32 to vector<16xf32>
      %broadcast_in_dim3A_2466 = arith.constant 0.000000e+00 : f32
      %broadcast_in_dim3A_2467 = vector.broadcast %broadcast_in_dim3A_2466 : f32 to vector<16xf32>
      %add3A_2468 = arith.constant 0 : i32
      %add3A_2469 = arith.addi %mul3A_2463, %add3A_2468 : i32
      %get3A_2470 = arith.index_cast %add3A_2469 : i32 to index
      %get3A_2471 = arith.constant 0 : index
      %get3A_2472 = tpu.vector_load %arg9[%get3A_2470, %get3A_2471] {strides = array<i32>} : memref<3328x16xf32, #tpu.memory_space<vmem>>, vector<16xf32>,
      %add3A_2473 = arith.addf %broadcast_in_dim3A_2465, %get3A_2472 : vector<16xf32>
      %mul3A_2474 = arith.mulf %get3A_2472, %get3A_2472 : vector<16xf32>
      %add3A_2475 = arith.addf %broadcast_in_dim3A_2467, %mul3A_2474 : vector<16xf32>
      %add3A_2476 = arith.constant 1 : i32
      %add3A_2477 = arith.addi %mul3A_2463, %add3A_2476 : i32
      %get3A_2478 = arith.index_cast %add3A_2477 : i32 to index
      %get3A_2479 = arith.constant 0 : index
      %get3A_2480 = tpu.vector_load %arg9[%get3A_2478, %get3A_2479] {strides = array<i32>} : memref<3328x16xf32, #tpu.memory_space<vmem>>, vector<16xf32>,
      %add3A_2481 = arith.addf %add3A_2473, %get3A_2480 : vector<16xf32>
      %mul3A_2482 = arith.mulf %get3A_2480, %get3A_2480 : vector<16xf32>
      %add3A_2483 = arith.addf %add3A_2475, %mul3A_2482 : vector<16xf32>
      %add3A_2484 = arith.constant 2 : i32
      %add3A_2485 = arith.addi %mul3A_2463, %add3A_2484 : i32
      %get3A_2486 = arith.index_cast %add3A_2485 : i32 to index
      %get3A_2487 = arith.constant 0 : index
      %get3A_2488 = tpu.vector_load %arg9[%get3A_2486, %get3A_2487] {strides = array<i32>} : memref<3328x16xf32, #tpu.memory_space<vmem>>, vector<16xf32>,
      %add3A_2489 = arith.addf %add3A_2481, %get3A_2488 : vector<16xf32>
      %mul3A_2490 = arith.mulf %get3A_2488, %get3A_2488 : vector<16xf32>
      %add3A_2491 = arith.addf %add3A_2483, %mul3A_2490 : vector<16xf32>
      %add3A_2492 = arith.constant 3 : i32
      %add3A_2493 = arith.addi %mul3A_2463, %add3A_2492 : i32
      %get3A_2494 = arith.index_cast %add3A_2493 : i32 to index
      %get3A_2495 = arith.constant 0 : index
      %get3A_2496 = tpu.vector_load %arg9[%get3A_2494, %get3A_2495] {strides = array<i32>} : memref<3328x16xf32, #tpu.memory_space<vmem>>, vector<16xf32>,
      %add3A_2497 = arith.addf %add3A_2489, %get3A_2496 : vector<16xf32>
      %mul3A_2498 = arith.mulf %get3A_2496, %get3A_2496 : vector<16xf32>
      %add3A_2499 = arith.addf %add3A_2491, %mul3A_2498 : vector<16xf32>
      %add3A_2500 = arith.constant 4 : i32
      %add3A_2501 = arith.addi %mul3A_2463, %add3A_2500 : i32
      %get3A_2502 = arith.index_cast %add3A_2501 : i32 to index
      %get3A_2503 = arith.constant 0 : index
      %get3A_2504 = tpu.vector_load %arg9[%get3A_2502, %get3A_2503] {strides = array<i32>} : memref<3328x16xf32, #tpu.memory_space<vmem>>, vector<16xf32>,
      %add3A_2505 = arith.addf %add3A_2497, %get3A_2504 : vector<16xf32>
      %mul3A_2506 = arith.mulf %get3A_2504, %get3A_2504 : vector<16xf32>
      %add3A_2507 = arith.addf %add3A_2499, %mul3A_2506 : vector<16xf32>
      %add3A_2508 = arith.constant 5 : i32
      %add3A_2509 = arith.addi %mul3A_2463, %add3A_2508 : i32
      %get3A_2510 = arith.index_cast %add3A_2509 : i32 to index
      %get3A_2511 = arith.constant 0 : index
      %get3A_2512 = tpu.vector_load %arg9[%get3A_2510, %get3A_2511] {strides = array<i32>} : memref<3328x16xf32, #tpu.memory_space<vmem>>, vector<16xf32>,
      %add3A_2513 = arith.addf %add3A_2505, %get3A_2512 : vector<16xf32>
      %mul3A_2514 = arith.mulf %get3A_2512, %get3A_2512 : vector<16xf32>
      %add3A_2515 = arith.addf %add3A_2507, %mul3A_2514 : vector<16xf32>
      %add3A_2516 = arith.constant 6 : i32
      %add3A_2517 = arith.addi %mul3A_2463, %add3A_2516 : i32
      %get3A_2518 = arith.index_cast %add3A_2517 : i32 to index
      %get3A_2519 = arith.constant 0 : index
      %get3A_2520 = tpu.vector_load %arg9[%get3A_2518, %get3A_2519] {strides = array<i32>} : memref<3328x16xf32, #tpu.memory_space<vmem>>, vector<16xf32>,
      %add3A_2521 = arith.addf %add3A_2513, %get3A_2520 : vector<16xf32>
      %mul3A_2522 = arith.mulf %get3A_2520, %get3A_2520 : vector<16xf32>
      %add3A_2523 = arith.addf %add3A_2515, %mul3A_2522 : vector<16xf32>
      %add3A_2524 = arith.constant 7 : i32
      %add3A_2525 = arith.addi %mul3A_2463, %add3A_2524 : i32
      %get3A_2526 = arith.index_cast %add3A_2525 : i32 to index
      %get3A_2527 = arith.constant 0 : index
      %get3A_2528 = tpu.vector_load %arg9[%get3A_2526, %get3A_2527] {strides = array<i32>} : memref<3328x16xf32, #tpu.memory_space<vmem>>, vector<16xf32>,
      %add3A_2529 = arith.addf %add3A_2521, %get3A_2528 : vector<16xf32>
      %mul3A_2530 = arith.mulf %get3A_2528, %get3A_2528 : vector<16xf32>
      %add3A_2531 = arith.addf %add3A_2523, %mul3A_2530 : vector<16xf32>
      %add3A_2532 = arith.constant 8 : i32
      %add3A_2533 = arith.addi %mul3A_2463, %add3A_2532 : i32
      %get3A_2534 = arith.index_cast %add3A_2533 : i32 to index
      %get3A_2535 = arith.constant 0 : index
      %get3A_2536 = tpu.vector_load %arg9[%get3A_2534, %get3A_2535] {strides = array<i32>} : memref<3328x16xf32, #tpu.memory_space<vmem>>, vector<16xf32>,
      %add3A_2537 = arith.addf %add3A_2529, %get3A_2536 : vector<16xf32>
      %mul3A_2538 = arith.mulf %get3A_2536, %get3A_2536 : vector<16xf32>
      %add3A_2539 = arith.addf %add3A_2531, %mul3A_2538 : vector<16xf32>
      %add3A_2540 = arith.constant 9 : i32
      %add3A_2541 = arith.addi %mul3A_2463, %add3A_2540 : i32
      %get3A_2542 = arith.index_cast %add3A_2541 : i32 to index
      %get3A_2543 = arith.constant 0 : index
      %get3A_2544 = tpu.vector_load %arg9[%get3A_2542, %get3A_2543] {strides = array<i32>} : memref<3328x16xf32, #tpu.memory_space<vmem>>, vector<16xf32>,
      %add3A_2545 = arith.addf %add3A_2537, %get3A_2544 : vector<16xf32>
      %mul3A_2546 = arith.mulf %get3A_2544, %get3A_2544 : vector<16xf32>
      %add3A_2547 = arith.addf %add3A_2539, %mul3A_2546 : vector<16xf32>
      %add3A_2548 = arith.constant 10 : i32
      %add3A_2549 = arith.addi %mul3A_2463, %add3A_2548 : i32
      %get3A_2550 = arith.index_cast %add3A_2549 : i32 to index
      %get3A_2551 = arith.constant 0 : index
      %get3A_2552 = tpu.vector_load %arg9[%get3A_2550, %get3A_2551] {strides = array<i32>} : memref<3328x16xf32, #tpu.memory_space<vmem>>, vector<16xf32>,
      %add3A_2553 = arith.addf %add3A_2545, %get3A_2552 : vector<16xf32>
      %mul3A_2554 = arith.mulf %get3A_2552, %get3A_2552 : vector<16xf32>
      %add3A_2555 = arith.addf %add3A_2547, %mul3A_2554 : vector<16xf32>
      %add3A_2556 = arith.constant 11 : i32
      %add3A_2557 = arith.addi %mul3A_2463, %add3A_2556 : i32
      %get3A_2558 = arith.index_cast %add3A_2557 : i32 to index
      %get3A_2559 = arith.constant 0 : index
      %get3A_2560 = tpu.vector_load %arg9[%get3A_2558, %get3A_2559] {strides = array<i32>} : memref<3328x16xf32, #tpu.memory_space<vmem>>, vector<16xf32>,
      %add3A_2561 = arith.addf %add3A_2553, %get3A_2560 : vector<16xf32>
      %mul3A_2562 = arith.mulf %get3A_2560, %get3A_2560 : vector<16xf32>
      %add3A_2563 = arith.addf %add3A_2555, %mul3A_2562 : vector<16xf32>
      %add3A_2564 = arith.constant 12 : i32
      %add3A_2565 = arith.addi %mul3A_2463, %add3A_2564 : i32
      %get3A_2566 = arith.index_cast %add3A_2565 : i32 to index
      %get3A_2567 = arith.constant 0 : index
      %get3A_2568 = tpu.vector_load %arg9[%get3A_2566, %get3A_2567] {strides = array<i32>} : memref<3328x16xf32, #tpu.memory_space<vmem>>, vector<16xf32>,
      %add3A_2569 = arith.addf %add3A_2561, %get3A_2568 : vector<16xf32>
      %mul3A_2570 = arith.mulf %get3A_2568, %get3A_2568 : vector<16xf32>
      %add3A_2571 = arith.addf %add3A_2563, %mul3A_2570 : vector<16xf32>
      %add3A_2572 = arith.constant 13 : i32
      %add3A_2573 = arith.addi %mul3A_2463, %add3A_2572 : i32
      %get3A_2574 = arith.index_cast %add3A_2573 : i32 to index
      %get3A_2575 = arith.constant 0 : index
      %get3A_2576 = tpu.vector_load %arg9[%get3A_2574, %get3A_2575] {strides = array<i32>} : memref<3328x16xf32, #tpu.memory_space<vmem>>, vector<16xf32>,
      %add3A_2577 = arith.addf %add3A_2569, %get3A_2576 : vector<16xf32>
      %mul3A_2578 = arith.mulf %get3A_2576, %get3A_2576 : vector<16xf32>
      %add3A_2579 = arith.addf %add3A_2571, %mul3A_2578 : vector<16xf32>
      %add3A_2580 = arith.constant 14 : i32
      %add3A_2581 = arith.addi %mul3A_2463, %add3A_2580 : i32
      %get3A_2582 = arith.index_cast %add3A_2581 : i32 to index
      %get3A_2583 = arith.constant 0 : index
      %get3A_2584 = tpu.vector_load %arg9[%get3A_2582, %get3A_2583] {strides = array<i32>} : memref<3328x16xf32, #tpu.memory_space<vmem>>, vector<16xf32>,
      %add3A_2585 = arith.addf %add3A_2577, %get3A_2584 : vector<16xf32>
      %mul3A_2586 = arith.mulf %get3A_2584, %get3A_2584 : vector<16xf32>
      %add3A_2587 = arith.addf %add3A_2579, %mul3A_2586 : vector<16xf32>
      %add3A_2588 = arith.constant 15 : i32
      %add3A_2589 = arith.addi %mul3A_2463, %add3A_2588 : i32
      %get3A_2590 = arith.index_cast %add3A_2589 : i32 to index
      %get3A_2591 = arith.constant 0 : index
      %get3A_2592 = tpu.vector_load %arg9[%get3A_2590, %get3A_2591] {strides = array<i32>} : memref<3328x16xf32, #tpu.memory_space<vmem>>, vector<16xf32>,
      %add3A_2593 = arith.addf %add3A_2585, %get3A_2592 : vector<16xf32>
      %mul3A_2594 = arith.mulf %get3A_2592, %get3A_2592 : vector<16xf32>
      %add3A_2595 = arith.addf %add3A_2587, %mul3A_2594 : vector<16xf32>
      %add3A_2596 = arith.constant 16 : i32
      %add3A_2597 = arith.addi %mul3A_2463, %add3A_2596 : i32
      %get3A_2598 = arith.index_cast %add3A_2597 : i32 to index
      %get3A_2599 = arith.constant 0 : index
      %get3A_2600 = tpu.vector_load %arg9[%get3A_2598, %get3A_2599] {strides = array<i32>} : memref<3328x16xf32, #tpu.memory_space<vmem>>, vector<16xf32>,
      %add3A_2601 = arith.addf %add3A_2593, %get3A_2600 : vector<16xf32>
      %mul3A_2602 = arith.mulf %get3A_2600, %get3A_2600 : vector<16xf32>
      %add3A_2603 = arith.addf %add3A_2595, %mul3A_2602 : vector<16xf32>
      %add3A_2604 = arith.constant 17 : i32
      %add3A_2605 = arith.addi %mul3A_2463, %add3A_2604 : i32
      %get3A_2606 = arith.index_cast %add3A_2605 : i32 to index
      %get3A_2607 = arith.constant 0 : index
      %get3A_2608 = tpu.vector_load %arg9[%get3A_2606, %get3A_2607] {strides = array<i32>} : memref<3328x16xf32, #tpu.memory_space<vmem>>, vector<16xf32>,
      %add3A_2609 = arith.addf %add3A_2601, %get3A_2608 : vector<16xf32>
      %mul3A_2610 = arith.mulf %get3A_2608, %get3A_2608 : vector<16xf32>
      %add3A_2611 = arith.addf %add3A_2603, %mul3A_2610 : vector<16xf32>
      %add3A_2612 = arith.constant 18 : i32
      %add3A_2613 = arith.addi %mul3A_2463, %add3A_2612 : i32
      %get3A_2614 = arith.index_cast %add3A_2613 : i32 to index
      %get3A_2615 = arith.constant 0 : index
      %get3A_2616 = tpu.vector_load %arg9[%get3A_2614, %get3A_2615] {strides = array<i32>} : memref<3328x16xf32, #tpu.memory_space<vmem>>, vector<16xf32>,
      %add3A_2617 = arith.addf %add3A_2609, %get3A_2616 : vector<16xf32>
      %mul3A_2618 = arith.mulf %get3A_2616, %get3A_2616 : vector<16xf32>
      %add3A_2619 = arith.addf %add3A_2611, %mul3A_2618 : vector<16xf32>
      %add3A_2620 = arith.constant 19 : i32
      %add3A_2621 = arith.addi %mul3A_2463, %add3A_2620 : i32
      %get3A_2622 = arith.index_cast %add3A_2621 : i32 to index
      %get3A_2623 = arith.constant 0 : index
      %get3A_2624 = tpu.vector_load %arg9[%get3A_2622, %get3A_2623] {strides = array<i32>} : memref<3328x16xf32, #tpu.memory_space<vmem>>, vector<16xf32>,
      %add3A_2625 = arith.addf %add3A_2617, %get3A_2624 : vector<16xf32>
      %mul3A_2626 = arith.mulf %get3A_2624, %get3A_2624 : vector<16xf32>
      %add3A_2627 = arith.addf %add3A_2619, %mul3A_2626 : vector<16xf32>
      %add3A_2628 = arith.constant 20 : i32
      %add3A_2629 = arith.addi %mul3A_2463, %add3A_2628 : i32
      %get3A_2630 = arith.index_cast %add3A_2629 : i32 to index
      %get3A_2631 = arith.constant 0 : index
      %get3A_2632 = tpu.vector_load %arg9[%get3A_2630, %get3A_2631] {strides = array<i32>} : memref<3328x16xf32, #tpu.memory_space<vmem>>, vector<16xf32>,
      %add3A_2633 = arith.addf %add3A_2625, %get3A_2632 : vector<16xf32>
      %mul3A_2634 = arith.mulf %get3A_2632, %get3A_2632 : vector<16xf32>
      %add3A_2635 = arith.addf %add3A_2627, %mul3A_2634 : vector<16xf32>
      %add3A_2636 = arith.constant 21 : i32
      %add3A_2637 = arith.addi %mul3A_2463, %add3A_2636 : i32
      %get3A_2638 = arith.index_cast %add3A_2637 : i32 to index
      %get3A_2639 = arith.constant 0 : index
      %get3A_2640 = tpu.vector_load %arg9[%get3A_2638, %get3A_2639] {strides = array<i32>} : memref<3328x16xf32, #tpu.memory_space<vmem>>, vector<16xf32>,
      %add3A_2641 = arith.addf %add3A_2633, %get3A_2640 : vector<16xf32>
      %mul3A_2642 = arith.mulf %get3A_2640, %get3A_2640 : vector<16xf32>
      %add3A_2643 = arith.addf %add3A_2635, %mul3A_2642 : vector<16xf32>
      %add3A_2644 = arith.constant 22 : i32
      %add3A_2645 = arith.addi %mul3A_2463, %add3A_2644 : i32
      %get3A_2646 = arith.index_cast %add3A_2645 : i32 to index
      %get3A_2647 = arith.constant 0 : index
      %get3A_2648 = tpu.vector_load %arg9[%get3A_2646, %get3A_2647] {strides = array<i32>} : memref<3328x16xf32, #tpu.memory_space<vmem>>, vector<16xf32>,
      %add3A_2649 = arith.addf %add3A_2641, %get3A_2648 : vector<16xf32>
      %mul3A_2650 = arith.mulf %get3A_2648, %get3A_2648 : vector<16xf32>
      %add3A_2651 = arith.addf %add3A_2643, %mul3A_2650 : vector<16xf32>
      %add3A_2652 = arith.constant 23 : i32
      %add3A_2653 = arith.addi %mul3A_2463, %add3A_2652 : i32
      %get3A_2654 = arith.index_cast %add3A_2653 : i32 to index
      %get3A_2655 = arith.constant 0 : index
      %get3A_2656 = tpu.vector_load %arg9[%get3A_2654, %get3A_2655] {strides = array<i32>} : memref<3328x16xf32, #tpu.memory_space<vmem>>, vector<16xf32>,
      %add3A_2657 = arith.addf %add3A_2649, %get3A_2656 : vector<16xf32>
      %mul3A_2658 = arith.mulf %get3A_2656, %get3A_2656 : vector<16xf32>
      %add3A_2659 = arith.addf %add3A_2651, %mul3A_2658 : vector<16xf32>
      %add3A_2660 = arith.constant 24 : i32
      %add3A_2661 = arith.addi %mul3A_2463, %add3A_2660 : i32
      %get3A_2662 = arith.index_cast %add3A_2661 : i32 to index
      %get3A_2663 = arith.constant 0 : index
      %get3A_2664 = tpu.vector_load %arg9[%get3A_2662, %get3A_2663] {strides = array<i32>} : memref<3328x16xf32, #tpu.memory_space<vmem>>, vector<16xf32>,
      %add3A_2665 = arith.addf %add3A_2657, %get3A_2664 : vector<16xf32>
      %mul3A_2666 = arith.mulf %get3A_2664, %get3A_2664 : vector<16xf32>
      %add3A_2667 = arith.addf %add3A_2659, %mul3A_2666 : vector<16xf32>
      %add3A_2668 = arith.constant 25 : i32
      %add3A_2669 = arith.addi %mul3A_2463, %add3A_2668 : i32
      %get3A_2670 = arith.index_cast %add3A_2669 : i32 to index
      %get3A_2671 = arith.constant 0 : index
      %get3A_2672 = tpu.vector_load %arg9[%get3A_2670, %get3A_2671] {strides = array<i32>} : memref<3328x16xf32, #tpu.memory_space<vmem>>, vector<16xf32>,
      %add3A_2673 = arith.addf %add3A_2665, %get3A_2672 : vector<16xf32>
      %mul3A_2674 = arith.mulf %get3A_2672, %get3A_2672 : vector<16xf32>
      %add3A_2675 = arith.addf %add3A_2667, %mul3A_2674 : vector<16xf32>
      %get3A_2676 = arith.index_cast %mul3A_2463 : i32 to index
      %get3A_2677 = tpu.vector_load %arg10[%get3A_2676] {strides = array<i32>} : memref<3344xf32, #tpu.memory_space<vmem>>, vector<16xf32>,
      %add3A_2678 = arith.constant 16 : i32
      %add3A_2679 = arith.addi %mul3A_2463, %add3A_2678 : i32
      %get3A_2680 = arith.index_cast %add3A_2679 : i32 to index
      %get3A_2681 = tpu.vector_load %arg10[%get3A_2680] {strides = array<i32>} : memref<3344xf32, #tpu.memory_space<vmem>>, vector<16xf32>,
      %mul3A_2682 = arith.mulf %add3A_2673, %add3A_2673 : vector<16xf32>
      %sub3A_2683 = arith.subf %mul3A_2682, %add3A_2675 : vector<16xf32>
      %mul3A_2684 = arith.constant 5.000000e-01 : f32
      %mul3A_2685 = vector.broadcast %mul3A_2684 : f32 to vector<16xf32>
      %mul3A_2686 = arith.mulf %mul3A_2685, %sub3A_2683 : vector<16xf32>
      %add3A_2687 = arith.addf %mul3A_2686, %get3A_2677 : vector<16xf32>
      %jit3A_2688 = arith.constant 0.000000e+00 : f32
      %broadcast_in_dim3A_2689 = vector.broadcast %jit3A_2688 : f32 to vector<16xf32>
      %select_n3A_2690 = arith.select %lt3A_22, %get3A_2681, %broadcast_in_dim3A_2689 : vector<16xi1>, vector<16xf32>
      %add3A_2691 = arith.addf %add3A_2687, %select_n3A_2690 : vector<16xf32>
      %eq3A_2692 = arith.constant 10 : i32
      %eq3A_2693 = vector.broadcast %eq3A_2692 : i32 to vector<16xi32>
      %eq3A_2694 = arith.cmpi eq, %iota3A, %eq3A_2693 : vector<16xi32>
      %reduce_sum3A_2695 = arith.constant true
      %reduce_sum3A_2696 = vector.broadcast %reduce_sum3A_2695 : i1 to vector<16xi1>
      %reduce_sum3A_2697 = tpu.scan <sum>, %add3A_2691 masked %reduce_sum3A_2696 : vector<16xf32>, vector<16xi1> -> vector<16xf32>
      %reduce_sum3A_2698 = vector.extract %reduce_sum3A_2697[15] : f32 from vector<16xf32>
      %broadcast_in_dim3A_2699 = vector.broadcast %reduce_sum3A_2698 : f32 to vector<16xf32>
      %select_n3A_2700 = arith.select %eq3A_2694, %broadcast_in_dim3A_2699, %select_n3A_2457 : vector<16xi1>, vector<16xf32>
      %mul3A_2701 = arith.constant 16 : i32
      %mul3A_2702 = arith.muli %scan3A_31, %mul3A_2701 : i32
      %add3A_2703 = arith.constant 11 : i32
      %add3A_2704 = arith.addi %mul3A_2702, %add3A_2703 : i32
      %mul3A_2705 = arith.constant 26 : i32
      %mul3A_2706 = arith.muli %add3A_2704, %mul3A_2705 : i32
      %broadcast_in_dim3A_2707 = arith.constant 0.000000e+00 : f32
      %broadcast_in_dim3A_2708 = vector.broadcast %broadcast_in_dim3A_2707 : f32 to vector<16xf32>
      %broadcast_in_dim3A_2709 = arith.constant 0.000000e+00 : f32
      %broadcast_in_dim3A_2710 = vector.broadcast %broadcast_in_dim3A_2709 : f32 to vector<16xf32>
      %add3A_2711 = arith.constant 0 : i32
      %add3A_2712 = arith.addi %mul3A_2706, %add3A_2711 : i32
      %get3A_2713 = arith.index_cast %add3A_2712 : i32 to index
      %get3A_2714 = arith.constant 0 : index
      %get3A_2715 = tpu.vector_load %arg9[%get3A_2713, %get3A_2714] {strides = array<i32>} : memref<3328x16xf32, #tpu.memory_space<vmem>>, vector<16xf32>,
      %add3A_2716 = arith.addf %broadcast_in_dim3A_2708, %get3A_2715 : vector<16xf32>
      %mul3A_2717 = arith.mulf %get3A_2715, %get3A_2715 : vector<16xf32>
      %add3A_2718 = arith.addf %broadcast_in_dim3A_2710, %mul3A_2717 : vector<16xf32>
      %add3A_2719 = arith.constant 1 : i32
      %add3A_2720 = arith.addi %mul3A_2706, %add3A_2719 : i32
      %get3A_2721 = arith.index_cast %add3A_2720 : i32 to index
      %get3A_2722 = arith.constant 0 : index
      %get3A_2723 = tpu.vector_load %arg9[%get3A_2721, %get3A_2722] {strides = array<i32>} : memref<3328x16xf32, #tpu.memory_space<vmem>>, vector<16xf32>,
      %add3A_2724 = arith.addf %add3A_2716, %get3A_2723 : vector<16xf32>
      %mul3A_2725 = arith.mulf %get3A_2723, %get3A_2723 : vector<16xf32>
      %add3A_2726 = arith.addf %add3A_2718, %mul3A_2725 : vector<16xf32>
      %add3A_2727 = arith.constant 2 : i32
      %add3A_2728 = arith.addi %mul3A_2706, %add3A_2727 : i32
      %get3A_2729 = arith.index_cast %add3A_2728 : i32 to index
      %get3A_2730 = arith.constant 0 : index
      %get3A_2731 = tpu.vector_load %arg9[%get3A_2729, %get3A_2730] {strides = array<i32>} : memref<3328x16xf32, #tpu.memory_space<vmem>>, vector<16xf32>,
      %add3A_2732 = arith.addf %add3A_2724, %get3A_2731 : vector<16xf32>
      %mul3A_2733 = arith.mulf %get3A_2731, %get3A_2731 : vector<16xf32>
      %add3A_2734 = arith.addf %add3A_2726, %mul3A_2733 : vector<16xf32>
      %add3A_2735 = arith.constant 3 : i32
      %add3A_2736 = arith.addi %mul3A_2706, %add3A_2735 : i32
      %get3A_2737 = arith.index_cast %add3A_2736 : i32 to index
      %get3A_2738 = arith.constant 0 : index
      %get3A_2739 = tpu.vector_load %arg9[%get3A_2737, %get3A_2738] {strides = array<i32>} : memref<3328x16xf32, #tpu.memory_space<vmem>>, vector<16xf32>,
      %add3A_2740 = arith.addf %add3A_2732, %get3A_2739 : vector<16xf32>
      %mul3A_2741 = arith.mulf %get3A_2739, %get3A_2739 : vector<16xf32>
      %add3A_2742 = arith.addf %add3A_2734, %mul3A_2741 : vector<16xf32>
      %add3A_2743 = arith.constant 4 : i32
      %add3A_2744 = arith.addi %mul3A_2706, %add3A_2743 : i32
      %get3A_2745 = arith.index_cast %add3A_2744 : i32 to index
      %get3A_2746 = arith.constant 0 : index
      %get3A_2747 = tpu.vector_load %arg9[%get3A_2745, %get3A_2746] {strides = array<i32>} : memref<3328x16xf32, #tpu.memory_space<vmem>>, vector<16xf32>,
      %add3A_2748 = arith.addf %add3A_2740, %get3A_2747 : vector<16xf32>
      %mul3A_2749 = arith.mulf %get3A_2747, %get3A_2747 : vector<16xf32>
      %add3A_2750 = arith.addf %add3A_2742, %mul3A_2749 : vector<16xf32>
      %add3A_2751 = arith.constant 5 : i32
      %add3A_2752 = arith.addi %mul3A_2706, %add3A_2751 : i32
      %get3A_2753 = arith.index_cast %add3A_2752 : i32 to index
      %get3A_2754 = arith.constant 0 : index
      %get3A_2755 = tpu.vector_load %arg9[%get3A_2753, %get3A_2754] {strides = array<i32>} : memref<3328x16xf32, #tpu.memory_space<vmem>>, vector<16xf32>,
      %add3A_2756 = arith.addf %add3A_2748, %get3A_2755 : vector<16xf32>
      %mul3A_2757 = arith.mulf %get3A_2755, %get3A_2755 : vector<16xf32>
      %add3A_2758 = arith.addf %add3A_2750, %mul3A_2757 : vector<16xf32>
      %add3A_2759 = arith.constant 6 : i32
      %add3A_2760 = arith.addi %mul3A_2706, %add3A_2759 : i32
      %get3A_2761 = arith.index_cast %add3A_2760 : i32 to index
      %get3A_2762 = arith.constant 0 : index
      %get3A_2763 = tpu.vector_load %arg9[%get3A_2761, %get3A_2762] {strides = array<i32>} : memref<3328x16xf32, #tpu.memory_space<vmem>>, vector<16xf32>,
      %add3A_2764 = arith.addf %add3A_2756, %get3A_2763 : vector<16xf32>
      %mul3A_2765 = arith.mulf %get3A_2763, %get3A_2763 : vector<16xf32>
      %add3A_2766 = arith.addf %add3A_2758, %mul3A_2765 : vector<16xf32>
      %add3A_2767 = arith.constant 7 : i32
      %add3A_2768 = arith.addi %mul3A_2706, %add3A_2767 : i32
      %get3A_2769 = arith.index_cast %add3A_2768 : i32 to index
      %get3A_2770 = arith.constant 0 : index
      %get3A_2771 = tpu.vector_load %arg9[%get3A_2769, %get3A_2770] {strides = array<i32>} : memref<3328x16xf32, #tpu.memory_space<vmem>>, vector<16xf32>,
      %add3A_2772 = arith.addf %add3A_2764, %get3A_2771 : vector<16xf32>
      %mul3A_2773 = arith.mulf %get3A_2771, %get3A_2771 : vector<16xf32>
      %add3A_2774 = arith.addf %add3A_2766, %mul3A_2773 : vector<16xf32>
      %add3A_2775 = arith.constant 8 : i32
      %add3A_2776 = arith.addi %mul3A_2706, %add3A_2775 : i32
      %get3A_2777 = arith.index_cast %add3A_2776 : i32 to index
      %get3A_2778 = arith.constant 0 : index
      %get3A_2779 = tpu.vector_load %arg9[%get3A_2777, %get3A_2778] {strides = array<i32>} : memref<3328x16xf32, #tpu.memory_space<vmem>>, vector<16xf32>,
      %add3A_2780 = arith.addf %add3A_2772, %get3A_2779 : vector<16xf32>
      %mul3A_2781 = arith.mulf %get3A_2779, %get3A_2779 : vector<16xf32>
      %add3A_2782 = arith.addf %add3A_2774, %mul3A_2781 : vector<16xf32>
      %add3A_2783 = arith.constant 9 : i32
      %add3A_2784 = arith.addi %mul3A_2706, %add3A_2783 : i32
      %get3A_2785 = arith.index_cast %add3A_2784 : i32 to index
      %get3A_2786 = arith.constant 0 : index
      %get3A_2787 = tpu.vector_load %arg9[%get3A_2785, %get3A_2786] {strides = array<i32>} : memref<3328x16xf32, #tpu.memory_space<vmem>>, vector<16xf32>,
      %add3A_2788 = arith.addf %add3A_2780, %get3A_2787 : vector<16xf32>
      %mul3A_2789 = arith.mulf %get3A_2787, %get3A_2787 : vector<16xf32>
      %add3A_2790 = arith.addf %add3A_2782, %mul3A_2789 : vector<16xf32>
      %add3A_2791 = arith.constant 10 : i32
      %add3A_2792 = arith.addi %mul3A_2706, %add3A_2791 : i32
      %get3A_2793 = arith.index_cast %add3A_2792 : i32 to index
      %get3A_2794 = arith.constant 0 : index
      %get3A_2795 = tpu.vector_load %arg9[%get3A_2793, %get3A_2794] {strides = array<i32>} : memref<3328x16xf32, #tpu.memory_space<vmem>>, vector<16xf32>,
      %add3A_2796 = arith.addf %add3A_2788, %get3A_2795 : vector<16xf32>
      %mul3A_2797 = arith.mulf %get3A_2795, %get3A_2795 : vector<16xf32>
      %add3A_2798 = arith.addf %add3A_2790, %mul3A_2797 : vector<16xf32>
      %add3A_2799 = arith.constant 11 : i32
      %add3A_2800 = arith.addi %mul3A_2706, %add3A_2799 : i32
      %get3A_2801 = arith.index_cast %add3A_2800 : i32 to index
      %get3A_2802 = arith.constant 0 : index
      %get3A_2803 = tpu.vector_load %arg9[%get3A_2801, %get3A_2802] {strides = array<i32>} : memref<3328x16xf32, #tpu.memory_space<vmem>>, vector<16xf32>,
      %add3A_2804 = arith.addf %add3A_2796, %get3A_2803 : vector<16xf32>
      %mul3A_2805 = arith.mulf %get3A_2803, %get3A_2803 : vector<16xf32>
      %add3A_2806 = arith.addf %add3A_2798, %mul3A_2805 : vector<16xf32>
      %add3A_2807 = arith.constant 12 : i32
      %add3A_2808 = arith.addi %mul3A_2706, %add3A_2807 : i32
      %get3A_2809 = arith.index_cast %add3A_2808 : i32 to index
      %get3A_2810 = arith.constant 0 : index
      %get3A_2811 = tpu.vector_load %arg9[%get3A_2809, %get3A_2810] {strides = array<i32>} : memref<3328x16xf32, #tpu.memory_space<vmem>>, vector<16xf32>,
      %add3A_2812 = arith.addf %add3A_2804, %get3A_2811 : vector<16xf32>
      %mul3A_2813 = arith.mulf %get3A_2811, %get3A_2811 : vector<16xf32>
      %add3A_2814 = arith.addf %add3A_2806, %mul3A_2813 : vector<16xf32>
      %add3A_2815 = arith.constant 13 : i32
      %add3A_2816 = arith.addi %mul3A_2706, %add3A_2815 : i32
      %get3A_2817 = arith.index_cast %add3A_2816 : i32 to index
      %get3A_2818 = arith.constant 0 : index
      %get3A_2819 = tpu.vector_load %arg9[%get3A_2817, %get3A_2818] {strides = array<i32>} : memref<3328x16xf32, #tpu.memory_space<vmem>>, vector<16xf32>,
      %add3A_2820 = arith.addf %add3A_2812, %get3A_2819 : vector<16xf32>
      %mul3A_2821 = arith.mulf %get3A_2819, %get3A_2819 : vector<16xf32>
      %add3A_2822 = arith.addf %add3A_2814, %mul3A_2821 : vector<16xf32>
      %add3A_2823 = arith.constant 14 : i32
      %add3A_2824 = arith.addi %mul3A_2706, %add3A_2823 : i32
      %get3A_2825 = arith.index_cast %add3A_2824 : i32 to index
      %get3A_2826 = arith.constant 0 : index
      %get3A_2827 = tpu.vector_load %arg9[%get3A_2825, %get3A_2826] {strides = array<i32>} : memref<3328x16xf32, #tpu.memory_space<vmem>>, vector<16xf32>,
      %add3A_2828 = arith.addf %add3A_2820, %get3A_2827 : vector<16xf32>
      %mul3A_2829 = arith.mulf %get3A_2827, %get3A_2827 : vector<16xf32>
      %add3A_2830 = arith.addf %add3A_2822, %mul3A_2829 : vector<16xf32>
      %add3A_2831 = arith.constant 15 : i32
      %add3A_2832 = arith.addi %mul3A_2706, %add3A_2831 : i32
      %get3A_2833 = arith.index_cast %add3A_2832 : i32 to index
      %get3A_2834 = arith.constant 0 : index
      %get3A_2835 = tpu.vector_load %arg9[%get3A_2833, %get3A_2834] {strides = array<i32>} : memref<3328x16xf32, #tpu.memory_space<vmem>>, vector<16xf32>,
      %add3A_2836 = arith.addf %add3A_2828, %get3A_2835 : vector<16xf32>
      %mul3A_2837 = arith.mulf %get3A_2835, %get3A_2835 : vector<16xf32>
      %add3A_2838 = arith.addf %add3A_2830, %mul3A_2837 : vector<16xf32>
      %add3A_2839 = arith.constant 16 : i32
      %add3A_2840 = arith.addi %mul3A_2706, %add3A_2839 : i32
      %get3A_2841 = arith.index_cast %add3A_2840 : i32 to index
      %get3A_2842 = arith.constant 0 : index
      %get3A_2843 = tpu.vector_load %arg9[%get3A_2841, %get3A_2842] {strides = array<i32>} : memref<3328x16xf32, #tpu.memory_space<vmem>>, vector<16xf32>,
      %add3A_2844 = arith.addf %add3A_2836, %get3A_2843 : vector<16xf32>
      %mul3A_2845 = arith.mulf %get3A_2843, %get3A_2843 : vector<16xf32>
      %add3A_2846 = arith.addf %add3A_2838, %mul3A_2845 : vector<16xf32>
      %add3A_2847 = arith.constant 17 : i32
      %add3A_2848 = arith.addi %mul3A_2706, %add3A_2847 : i32
      %get3A_2849 = arith.index_cast %add3A_2848 : i32 to index
      %get3A_2850 = arith.constant 0 : index
      %get3A_2851 = tpu.vector_load %arg9[%get3A_2849, %get3A_2850] {strides = array<i32>} : memref<3328x16xf32, #tpu.memory_space<vmem>>, vector<16xf32>,
      %add3A_2852 = arith.addf %add3A_2844, %get3A_2851 : vector<16xf32>
      %mul3A_2853 = arith.mulf %get3A_2851, %get3A_2851 : vector<16xf32>
      %add3A_2854 = arith.addf %add3A_2846, %mul3A_2853 : vector<16xf32>
      %add3A_2855 = arith.constant 18 : i32
      %add3A_2856 = arith.addi %mul3A_2706, %add3A_2855 : i32
      %get3A_2857 = arith.index_cast %add3A_2856 : i32 to index
      %get3A_2858 = arith.constant 0 : index
      %get3A_2859 = tpu.vector_load %arg9[%get3A_2857, %get3A_2858] {strides = array<i32>} : memref<3328x16xf32, #tpu.memory_space<vmem>>, vector<16xf32>,
      %add3A_2860 = arith.addf %add3A_2852, %get3A_2859 : vector<16xf32>
      %mul3A_2861 = arith.mulf %get3A_2859, %get3A_2859 : vector<16xf32>
      %add3A_2862 = arith.addf %add3A_2854, %mul3A_2861 : vector<16xf32>
      %add3A_2863 = arith.constant 19 : i32
      %add3A_2864 = arith.addi %mul3A_2706, %add3A_2863 : i32
      %get3A_2865 = arith.index_cast %add3A_2864 : i32 to index
      %get3A_2866 = arith.constant 0 : index
      %get3A_2867 = tpu.vector_load %arg9[%get3A_2865, %get3A_2866] {strides = array<i32>} : memref<3328x16xf32, #tpu.memory_space<vmem>>, vector<16xf32>,
      %add3A_2868 = arith.addf %add3A_2860, %get3A_2867 : vector<16xf32>
      %mul3A_2869 = arith.mulf %get3A_2867, %get3A_2867 : vector<16xf32>
      %add3A_2870 = arith.addf %add3A_2862, %mul3A_2869 : vector<16xf32>
      %add3A_2871 = arith.constant 20 : i32
      %add3A_2872 = arith.addi %mul3A_2706, %add3A_2871 : i32
      %get3A_2873 = arith.index_cast %add3A_2872 : i32 to index
      %get3A_2874 = arith.constant 0 : index
      %get3A_2875 = tpu.vector_load %arg9[%get3A_2873, %get3A_2874] {strides = array<i32>} : memref<3328x16xf32, #tpu.memory_space<vmem>>, vector<16xf32>,
      %add3A_2876 = arith.addf %add3A_2868, %get3A_2875 : vector<16xf32>
      %mul3A_2877 = arith.mulf %get3A_2875, %get3A_2875 : vector<16xf32>
      %add3A_2878 = arith.addf %add3A_2870, %mul3A_2877 : vector<16xf32>
      %add3A_2879 = arith.constant 21 : i32
      %add3A_2880 = arith.addi %mul3A_2706, %add3A_2879 : i32
      %get3A_2881 = arith.index_cast %add3A_2880 : i32 to index
      %get3A_2882 = arith.constant 0 : index
      %get3A_2883 = tpu.vector_load %arg9[%get3A_2881, %get3A_2882] {strides = array<i32>} : memref<3328x16xf32, #tpu.memory_space<vmem>>, vector<16xf32>,
      %add3A_2884 = arith.addf %add3A_2876, %get3A_2883 : vector<16xf32>
      %mul3A_2885 = arith.mulf %get3A_2883, %get3A_2883 : vector<16xf32>
      %add3A_2886 = arith.addf %add3A_2878, %mul3A_2885 : vector<16xf32>
      %add3A_2887 = arith.constant 22 : i32
      %add3A_2888 = arith.addi %mul3A_2706, %add3A_2887 : i32
      %get3A_2889 = arith.index_cast %add3A_2888 : i32 to index
      %get3A_2890 = arith.constant 0 : index
      %get3A_2891 = tpu.vector_load %arg9[%get3A_2889, %get3A_2890] {strides = array<i32>} : memref<3328x16xf32, #tpu.memory_space<vmem>>, vector<16xf32>,
      %add3A_2892 = arith.addf %add3A_2884, %get3A_2891 : vector<16xf32>
      %mul3A_2893 = arith.mulf %get3A_2891, %get3A_2891 : vector<16xf32>
      %add3A_2894 = arith.addf %add3A_2886, %mul3A_2893 : vector<16xf32>
      %add3A_2895 = arith.constant 23 : i32
      %add3A_2896 = arith.addi %mul3A_2706, %add3A_2895 : i32
      %get3A_2897 = arith.index_cast %add3A_2896 : i32 to index
      %get3A_2898 = arith.constant 0 : index
      %get3A_2899 = tpu.vector_load %arg9[%get3A_2897, %get3A_2898] {strides = array<i32>} : memref<3328x16xf32, #tpu.memory_space<vmem>>, vector<16xf32>,
      %add3A_2900 = arith.addf %add3A_2892, %get3A_2899 : vector<16xf32>
      %mul3A_2901 = arith.mulf %get3A_2899, %get3A_2899 : vector<16xf32>
      %add3A_2902 = arith.addf %add3A_2894, %mul3A_2901 : vector<16xf32>
      %add3A_2903 = arith.constant 24 : i32
      %add3A_2904 = arith.addi %mul3A_2706, %add3A_2903 : i32
      %get3A_2905 = arith.index_cast %add3A_2904 : i32 to index
      %get3A_2906 = arith.constant 0 : index
      %get3A_2907 = tpu.vector_load %arg9[%get3A_2905, %get3A_2906] {strides = array<i32>} : memref<3328x16xf32, #tpu.memory_space<vmem>>, vector<16xf32>,
      %add3A_2908 = arith.addf %add3A_2900, %get3A_2907 : vector<16xf32>
      %mul3A_2909 = arith.mulf %get3A_2907, %get3A_2907 : vector<16xf32>
      %add3A_2910 = arith.addf %add3A_2902, %mul3A_2909 : vector<16xf32>
      %add3A_2911 = arith.constant 25 : i32
      %add3A_2912 = arith.addi %mul3A_2706, %add3A_2911 : i32
      %get3A_2913 = arith.index_cast %add3A_2912 : i32 to index
      %get3A_2914 = arith.constant 0 : index
      %get3A_2915 = tpu.vector_load %arg9[%get3A_2913, %get3A_2914] {strides = array<i32>} : memref<3328x16xf32, #tpu.memory_space<vmem>>, vector<16xf32>,
      %add3A_2916 = arith.addf %add3A_2908, %get3A_2915 : vector<16xf32>
      %mul3A_2917 = arith.mulf %get3A_2915, %get3A_2915 : vector<16xf32>
      %add3A_2918 = arith.addf %add3A_2910, %mul3A_2917 : vector<16xf32>
      %get3A_2919 = arith.index_cast %mul3A_2706 : i32 to index
      %get3A_2920 = tpu.vector_load %arg10[%get3A_2919] {strides = array<i32>} : memref<3344xf32, #tpu.memory_space<vmem>>, vector<16xf32>,
      %add3A_2921 = arith.constant 16 : i32
      %add3A_2922 = arith.addi %mul3A_2706, %add3A_2921 : i32
      %get3A_2923 = arith.index_cast %add3A_2922 : i32 to index
      %get3A_2924 = tpu.vector_load %arg10[%get3A_2923] {strides = array<i32>} : memref<3344xf32, #tpu.memory_space<vmem>>, vector<16xf32>,
      %mul3A_2925 = arith.mulf %add3A_2916, %add3A_2916 : vector<16xf32>
      %sub3A_2926 = arith.subf %mul3A_2925, %add3A_2918 : vector<16xf32>
      %mul3A_2927 = arith.constant 5.000000e-01 : f32
      %mul3A_2928 = vector.broadcast %mul3A_2927 : f32 to vector<16xf32>
      %mul3A_2929 = arith.mulf %mul3A_2928, %sub3A_2926 : vector<16xf32>
      %add3A_2930 = arith.addf %mul3A_2929, %get3A_2920 : vector<16xf32>
      %jit3A_2931 = arith.constant 0.000000e+00 : f32
      %broadcast_in_dim3A_2932 = vector.broadcast %jit3A_2931 : f32 to vector<16xf32>
      %select_n3A_2933 = arith.select %lt3A_22, %get3A_2924, %broadcast_in_dim3A_2932 : vector<16xi1>, vector<16xf32>
      %add3A_2934 = arith.addf %add3A_2930, %select_n3A_2933 : vector<16xf32>
      %eq3A_2935 = arith.constant 11 : i32
      %eq3A_2936 = vector.broadcast %eq3A_2935 : i32 to vector<16xi32>
      %eq3A_2937 = arith.cmpi eq, %iota3A, %eq3A_2936 : vector<16xi32>
      %reduce_sum3A_2938 = arith.constant true
      %reduce_sum3A_2939 = vector.broadcast %reduce_sum3A_2938 : i1 to vector<16xi1>
      %reduce_sum3A_2940 = tpu.scan <sum>, %add3A_2934 masked %reduce_sum3A_2939 : vector<16xf32>, vector<16xi1> -> vector<16xf32>
      %reduce_sum3A_2941 = vector.extract %reduce_sum3A_2940[15] : f32 from vector<16xf32>
      %broadcast_in_dim3A_2942 = vector.broadcast %reduce_sum3A_2941 : f32 to vector<16xf32>
      %select_n3A_2943 = arith.select %eq3A_2937, %broadcast_in_dim3A_2942, %select_n3A_2700 : vector<16xi1>, vector<16xf32>
      %mul3A_2944 = arith.constant 16 : i32
      %mul3A_2945 = arith.muli %scan3A_31, %mul3A_2944 : i32
      %add3A_2946 = arith.constant 12 : i32
      %add3A_2947 = arith.addi %mul3A_2945, %add3A_2946 : i32
      %mul3A_2948 = arith.constant 26 : i32
      %mul3A_2949 = arith.muli %add3A_2947, %mul3A_2948 : i32
      %broadcast_in_dim3A_2950 = arith.constant 0.000000e+00 : f32
      %broadcast_in_dim3A_2951 = vector.broadcast %broadcast_in_dim3A_2950 : f32 to vector<16xf32>
      %broadcast_in_dim3A_2952 = arith.constant 0.000000e+00 : f32
      %broadcast_in_dim3A_2953 = vector.broadcast %broadcast_in_dim3A_2952 : f32 to vector<16xf32>
      %add3A_2954 = arith.constant 0 : i32
      %add3A_2955 = arith.addi %mul3A_2949, %add3A_2954 : i32
      %get3A_2956 = arith.index_cast %add3A_2955 : i32 to index
      %get3A_2957 = arith.constant 0 : index
      %get3A_2958 = tpu.vector_load %arg9[%get3A_2956, %get3A_2957] {strides = array<i32>} : memref<3328x16xf32, #tpu.memory_space<vmem>>, vector<16xf32>,
      %add3A_2959 = arith.addf %broadcast_in_dim3A_2951, %get3A_2958 : vector<16xf32>
      %mul3A_2960 = arith.mulf %get3A_2958, %get3A_2958 : vector<16xf32>
      %add3A_2961 = arith.addf %broadcast_in_dim3A_2953, %mul3A_2960 : vector<16xf32>
      %add3A_2962 = arith.constant 1 : i32
      %add3A_2963 = arith.addi %mul3A_2949, %add3A_2962 : i32
      %get3A_2964 = arith.index_cast %add3A_2963 : i32 to index
      %get3A_2965 = arith.constant 0 : index
      %get3A_2966 = tpu.vector_load %arg9[%get3A_2964, %get3A_2965] {strides = array<i32>} : memref<3328x16xf32, #tpu.memory_space<vmem>>, vector<16xf32>,
      %add3A_2967 = arith.addf %add3A_2959, %get3A_2966 : vector<16xf32>
      %mul3A_2968 = arith.mulf %get3A_2966, %get3A_2966 : vector<16xf32>
      %add3A_2969 = arith.addf %add3A_2961, %mul3A_2968 : vector<16xf32>
      %add3A_2970 = arith.constant 2 : i32
      %add3A_2971 = arith.addi %mul3A_2949, %add3A_2970 : i32
      %get3A_2972 = arith.index_cast %add3A_2971 : i32 to index
      %get3A_2973 = arith.constant 0 : index
      %get3A_2974 = tpu.vector_load %arg9[%get3A_2972, %get3A_2973] {strides = array<i32>} : memref<3328x16xf32, #tpu.memory_space<vmem>>, vector<16xf32>,
      %add3A_2975 = arith.addf %add3A_2967, %get3A_2974 : vector<16xf32>
      %mul3A_2976 = arith.mulf %get3A_2974, %get3A_2974 : vector<16xf32>
      %add3A_2977 = arith.addf %add3A_2969, %mul3A_2976 : vector<16xf32>
      %add3A_2978 = arith.constant 3 : i32
      %add3A_2979 = arith.addi %mul3A_2949, %add3A_2978 : i32
      %get3A_2980 = arith.index_cast %add3A_2979 : i32 to index
      %get3A_2981 = arith.constant 0 : index
      %get3A_2982 = tpu.vector_load %arg9[%get3A_2980, %get3A_2981] {strides = array<i32>} : memref<3328x16xf32, #tpu.memory_space<vmem>>, vector<16xf32>,
      %add3A_2983 = arith.addf %add3A_2975, %get3A_2982 : vector<16xf32>
      %mul3A_2984 = arith.mulf %get3A_2982, %get3A_2982 : vector<16xf32>
      %add3A_2985 = arith.addf %add3A_2977, %mul3A_2984 : vector<16xf32>
      %add3A_2986 = arith.constant 4 : i32
      %add3A_2987 = arith.addi %mul3A_2949, %add3A_2986 : i32
      %get3A_2988 = arith.index_cast %add3A_2987 : i32 to index
      %get3A_2989 = arith.constant 0 : index
      %get3A_2990 = tpu.vector_load %arg9[%get3A_2988, %get3A_2989] {strides = array<i32>} : memref<3328x16xf32, #tpu.memory_space<vmem>>, vector<16xf32>,
      %add3A_2991 = arith.addf %add3A_2983, %get3A_2990 : vector<16xf32>
      %mul3A_2992 = arith.mulf %get3A_2990, %get3A_2990 : vector<16xf32>
      %add3A_2993 = arith.addf %add3A_2985, %mul3A_2992 : vector<16xf32>
      %add3A_2994 = arith.constant 5 : i32
      %add3A_2995 = arith.addi %mul3A_2949, %add3A_2994 : i32
      %get3A_2996 = arith.index_cast %add3A_2995 : i32 to index
      %get3A_2997 = arith.constant 0 : index
      %get3A_2998 = tpu.vector_load %arg9[%get3A_2996, %get3A_2997] {strides = array<i32>} : memref<3328x16xf32, #tpu.memory_space<vmem>>, vector<16xf32>,
      %add3A_2999 = arith.addf %add3A_2991, %get3A_2998 : vector<16xf32>
      %mul3A_3000 = arith.mulf %get3A_2998, %get3A_2998 : vector<16xf32>
      %add3A_3001 = arith.addf %add3A_2993, %mul3A_3000 : vector<16xf32>
      %add3A_3002 = arith.constant 6 : i32
      %add3A_3003 = arith.addi %mul3A_2949, %add3A_3002 : i32
      %get3A_3004 = arith.index_cast %add3A_3003 : i32 to index
      %get3A_3005 = arith.constant 0 : index
      %get3A_3006 = tpu.vector_load %arg9[%get3A_3004, %get3A_3005] {strides = array<i32>} : memref<3328x16xf32, #tpu.memory_space<vmem>>, vector<16xf32>,
      %add3A_3007 = arith.addf %add3A_2999, %get3A_3006 : vector<16xf32>
      %mul3A_3008 = arith.mulf %get3A_3006, %get3A_3006 : vector<16xf32>
      %add3A_3009 = arith.addf %add3A_3001, %mul3A_3008 : vector<16xf32>
      %add3A_3010 = arith.constant 7 : i32
      %add3A_3011 = arith.addi %mul3A_2949, %add3A_3010 : i32
      %get3A_3012 = arith.index_cast %add3A_3011 : i32 to index
      %get3A_3013 = arith.constant 0 : index
      %get3A_3014 = tpu.vector_load %arg9[%get3A_3012, %get3A_3013] {strides = array<i32>} : memref<3328x16xf32, #tpu.memory_space<vmem>>, vector<16xf32>,
      %add3A_3015 = arith.addf %add3A_3007, %get3A_3014 : vector<16xf32>
      %mul3A_3016 = arith.mulf %get3A_3014, %get3A_3014 : vector<16xf32>
      %add3A_3017 = arith.addf %add3A_3009, %mul3A_3016 : vector<16xf32>
      %add3A_3018 = arith.constant 8 : i32
      %add3A_3019 = arith.addi %mul3A_2949, %add3A_3018 : i32
      %get3A_3020 = arith.index_cast %add3A_3019 : i32 to index
      %get3A_3021 = arith.constant 0 : index
      %get3A_3022 = tpu.vector_load %arg9[%get3A_3020, %get3A_3021] {strides = array<i32>} : memref<3328x16xf32, #tpu.memory_space<vmem>>, vector<16xf32>,
      %add3A_3023 = arith.addf %add3A_3015, %get3A_3022 : vector<16xf32>
      %mul3A_3024 = arith.mulf %get3A_3022, %get3A_3022 : vector<16xf32>
      %add3A_3025 = arith.addf %add3A_3017, %mul3A_3024 : vector<16xf32>
      %add3A_3026 = arith.constant 9 : i32
      %add3A_3027 = arith.addi %mul3A_2949, %add3A_3026 : i32
      %get3A_3028 = arith.index_cast %add3A_3027 : i32 to index
      %get3A_3029 = arith.constant 0 : index
      %get3A_3030 = tpu.vector_load %arg9[%get3A_3028, %get3A_3029] {strides = array<i32>} : memref<3328x16xf32, #tpu.memory_space<vmem>>, vector<16xf32>,
      %add3A_3031 = arith.addf %add3A_3023, %get3A_3030 : vector<16xf32>
      %mul3A_3032 = arith.mulf %get3A_3030, %get3A_3030 : vector<16xf32>
      %add3A_3033 = arith.addf %add3A_3025, %mul3A_3032 : vector<16xf32>
      %add3A_3034 = arith.constant 10 : i32
      %add3A_3035 = arith.addi %mul3A_2949, %add3A_3034 : i32
      %get3A_3036 = arith.index_cast %add3A_3035 : i32 to index
      %get3A_3037 = arith.constant 0 : index
      %get3A_3038 = tpu.vector_load %arg9[%get3A_3036, %get3A_3037] {strides = array<i32>} : memref<3328x16xf32, #tpu.memory_space<vmem>>, vector<16xf32>,
      %add3A_3039 = arith.addf %add3A_3031, %get3A_3038 : vector<16xf32>
      %mul3A_3040 = arith.mulf %get3A_3038, %get3A_3038 : vector<16xf32>
      %add3A_3041 = arith.addf %add3A_3033, %mul3A_3040 : vector<16xf32>
      %add3A_3042 = arith.constant 11 : i32
      %add3A_3043 = arith.addi %mul3A_2949, %add3A_3042 : i32
      %get3A_3044 = arith.index_cast %add3A_3043 : i32 to index
      %get3A_3045 = arith.constant 0 : index
      %get3A_3046 = tpu.vector_load %arg9[%get3A_3044, %get3A_3045] {strides = array<i32>} : memref<3328x16xf32, #tpu.memory_space<vmem>>, vector<16xf32>,
      %add3A_3047 = arith.addf %add3A_3039, %get3A_3046 : vector<16xf32>
      %mul3A_3048 = arith.mulf %get3A_3046, %get3A_3046 : vector<16xf32>
      %add3A_3049 = arith.addf %add3A_3041, %mul3A_3048 : vector<16xf32>
      %add3A_3050 = arith.constant 12 : i32
      %add3A_3051 = arith.addi %mul3A_2949, %add3A_3050 : i32
      %get3A_3052 = arith.index_cast %add3A_3051 : i32 to index
      %get3A_3053 = arith.constant 0 : index
      %get3A_3054 = tpu.vector_load %arg9[%get3A_3052, %get3A_3053] {strides = array<i32>} : memref<3328x16xf32, #tpu.memory_space<vmem>>, vector<16xf32>,
      %add3A_3055 = arith.addf %add3A_3047, %get3A_3054 : vector<16xf32>
      %mul3A_3056 = arith.mulf %get3A_3054, %get3A_3054 : vector<16xf32>
      %add3A_3057 = arith.addf %add3A_3049, %mul3A_3056 : vector<16xf32>
      %add3A_3058 = arith.constant 13 : i32
      %add3A_3059 = arith.addi %mul3A_2949, %add3A_3058 : i32
      %get3A_3060 = arith.index_cast %add3A_3059 : i32 to index
      %get3A_3061 = arith.constant 0 : index
      %get3A_3062 = tpu.vector_load %arg9[%get3A_3060, %get3A_3061] {strides = array<i32>} : memref<3328x16xf32, #tpu.memory_space<vmem>>, vector<16xf32>,
      %add3A_3063 = arith.addf %add3A_3055, %get3A_3062 : vector<16xf32>
      %mul3A_3064 = arith.mulf %get3A_3062, %get3A_3062 : vector<16xf32>
      %add3A_3065 = arith.addf %add3A_3057, %mul3A_3064 : vector<16xf32>
      %add3A_3066 = arith.constant 14 : i32
      %add3A_3067 = arith.addi %mul3A_2949, %add3A_3066 : i32
      %get3A_3068 = arith.index_cast %add3A_3067 : i32 to index
      %get3A_3069 = arith.constant 0 : index
      %get3A_3070 = tpu.vector_load %arg9[%get3A_3068, %get3A_3069] {strides = array<i32>} : memref<3328x16xf32, #tpu.memory_space<vmem>>, vector<16xf32>,
      %add3A_3071 = arith.addf %add3A_3063, %get3A_3070 : vector<16xf32>
      %mul3A_3072 = arith.mulf %get3A_3070, %get3A_3070 : vector<16xf32>
      %add3A_3073 = arith.addf %add3A_3065, %mul3A_3072 : vector<16xf32>
      %add3A_3074 = arith.constant 15 : i32
      %add3A_3075 = arith.addi %mul3A_2949, %add3A_3074 : i32
      %get3A_3076 = arith.index_cast %add3A_3075 : i32 to index
      %get3A_3077 = arith.constant 0 : index
      %get3A_3078 = tpu.vector_load %arg9[%get3A_3076, %get3A_3077] {strides = array<i32>} : memref<3328x16xf32, #tpu.memory_space<vmem>>, vector<16xf32>,
      %add3A_3079 = arith.addf %add3A_3071, %get3A_3078 : vector<16xf32>
      %mul3A_3080 = arith.mulf %get3A_3078, %get3A_3078 : vector<16xf32>
      %add3A_3081 = arith.addf %add3A_3073, %mul3A_3080 : vector<16xf32>
      %add3A_3082 = arith.constant 16 : i32
      %add3A_3083 = arith.addi %mul3A_2949, %add3A_3082 : i32
      %get3A_3084 = arith.index_cast %add3A_3083 : i32 to index
      %get3A_3085 = arith.constant 0 : index
      %get3A_3086 = tpu.vector_load %arg9[%get3A_3084, %get3A_3085] {strides = array<i32>} : memref<3328x16xf32, #tpu.memory_space<vmem>>, vector<16xf32>,
      %add3A_3087 = arith.addf %add3A_3079, %get3A_3086 : vector<16xf32>
      %mul3A_3088 = arith.mulf %get3A_3086, %get3A_3086 : vector<16xf32>
      %add3A_3089 = arith.addf %add3A_3081, %mul3A_3088 : vector<16xf32>
      %add3A_3090 = arith.constant 17 : i32
      %add3A_3091 = arith.addi %mul3A_2949, %add3A_3090 : i32
      %get3A_3092 = arith.index_cast %add3A_3091 : i32 to index
      %get3A_3093 = arith.constant 0 : index
      %get3A_3094 = tpu.vector_load %arg9[%get3A_3092, %get3A_3093] {strides = array<i32>} : memref<3328x16xf32, #tpu.memory_space<vmem>>, vector<16xf32>,
      %add3A_3095 = arith.addf %add3A_3087, %get3A_3094 : vector<16xf32>
      %mul3A_3096 = arith.mulf %get3A_3094, %get3A_3094 : vector<16xf32>
      %add3A_3097 = arith.addf %add3A_3089, %mul3A_3096 : vector<16xf32>
      %add3A_3098 = arith.constant 18 : i32
      %add3A_3099 = arith.addi %mul3A_2949, %add3A_3098 : i32
      %get3A_3100 = arith.index_cast %add3A_3099 : i32 to index
      %get3A_3101 = arith.constant 0 : index
      %get3A_3102 = tpu.vector_load %arg9[%get3A_3100, %get3A_3101] {strides = array<i32>} : memref<3328x16xf32, #tpu.memory_space<vmem>>, vector<16xf32>,
      %add3A_3103 = arith.addf %add3A_3095, %get3A_3102 : vector<16xf32>
      %mul3A_3104 = arith.mulf %get3A_3102, %get3A_3102 : vector<16xf32>
      %add3A_3105 = arith.addf %add3A_3097, %mul3A_3104 : vector<16xf32>
      %add3A_3106 = arith.constant 19 : i32
      %add3A_3107 = arith.addi %mul3A_2949, %add3A_3106 : i32
      %get3A_3108 = arith.index_cast %add3A_3107 : i32 to index
      %get3A_3109 = arith.constant 0 : index
      %get3A_3110 = tpu.vector_load %arg9[%get3A_3108, %get3A_3109] {strides = array<i32>} : memref<3328x16xf32, #tpu.memory_space<vmem>>, vector<16xf32>,
      %add3A_3111 = arith.addf %add3A_3103, %get3A_3110 : vector<16xf32>
      %mul3A_3112 = arith.mulf %get3A_3110, %get3A_3110 : vector<16xf32>
      %add3A_3113 = arith.addf %add3A_3105, %mul3A_3112 : vector<16xf32>
      %add3A_3114 = arith.constant 20 : i32
      %add3A_3115 = arith.addi %mul3A_2949, %add3A_3114 : i32
      %get3A_3116 = arith.index_cast %add3A_3115 : i32 to index
      %get3A_3117 = arith.constant 0 : index
      %get3A_3118 = tpu.vector_load %arg9[%get3A_3116, %get3A_3117] {strides = array<i32>} : memref<3328x16xf32, #tpu.memory_space<vmem>>, vector<16xf32>,
      %add3A_3119 = arith.addf %add3A_3111, %get3A_3118 : vector<16xf32>
      %mul3A_3120 = arith.mulf %get3A_3118, %get3A_3118 : vector<16xf32>
      %add3A_3121 = arith.addf %add3A_3113, %mul3A_3120 : vector<16xf32>
      %add3A_3122 = arith.constant 21 : i32
      %add3A_3123 = arith.addi %mul3A_2949, %add3A_3122 : i32
      %get3A_3124 = arith.index_cast %add3A_3123 : i32 to index
      %get3A_3125 = arith.constant 0 : index
      %get3A_3126 = tpu.vector_load %arg9[%get3A_3124, %get3A_3125] {strides = array<i32>} : memref<3328x16xf32, #tpu.memory_space<vmem>>, vector<16xf32>,
      %add3A_3127 = arith.addf %add3A_3119, %get3A_3126 : vector<16xf32>
      %mul3A_3128 = arith.mulf %get3A_3126, %get3A_3126 : vector<16xf32>
      %add3A_3129 = arith.addf %add3A_3121, %mul3A_3128 : vector<16xf32>
      %add3A_3130 = arith.constant 22 : i32
      %add3A_3131 = arith.addi %mul3A_2949, %add3A_3130 : i32
      %get3A_3132 = arith.index_cast %add3A_3131 : i32 to index
      %get3A_3133 = arith.constant 0 : index
      %get3A_3134 = tpu.vector_load %arg9[%get3A_3132, %get3A_3133] {strides = array<i32>} : memref<3328x16xf32, #tpu.memory_space<vmem>>, vector<16xf32>,
      %add3A_3135 = arith.addf %add3A_3127, %get3A_3134 : vector<16xf32>
      %mul3A_3136 = arith.mulf %get3A_3134, %get3A_3134 : vector<16xf32>
      %add3A_3137 = arith.addf %add3A_3129, %mul3A_3136 : vector<16xf32>
      %add3A_3138 = arith.constant 23 : i32
      %add3A_3139 = arith.addi %mul3A_2949, %add3A_3138 : i32
      %get3A_3140 = arith.index_cast %add3A_3139 : i32 to index
      %get3A_3141 = arith.constant 0 : index
      %get3A_3142 = tpu.vector_load %arg9[%get3A_3140, %get3A_3141] {strides = array<i32>} : memref<3328x16xf32, #tpu.memory_space<vmem>>, vector<16xf32>,
      %add3A_3143 = arith.addf %add3A_3135, %get3A_3142 : vector<16xf32>
      %mul3A_3144 = arith.mulf %get3A_3142, %get3A_3142 : vector<16xf32>
      %add3A_3145 = arith.addf %add3A_3137, %mul3A_3144 : vector<16xf32>
      %add3A_3146 = arith.constant 24 : i32
      %add3A_3147 = arith.addi %mul3A_2949, %add3A_3146 : i32
      %get3A_3148 = arith.index_cast %add3A_3147 : i32 to index
      %get3A_3149 = arith.constant 0 : index
      %get3A_3150 = tpu.vector_load %arg9[%get3A_3148, %get3A_3149] {strides = array<i32>} : memref<3328x16xf32, #tpu.memory_space<vmem>>, vector<16xf32>,
      %add3A_3151 = arith.addf %add3A_3143, %get3A_3150 : vector<16xf32>
      %mul3A_3152 = arith.mulf %get3A_3150, %get3A_3150 : vector<16xf32>
      %add3A_3153 = arith.addf %add3A_3145, %mul3A_3152 : vector<16xf32>
      %add3A_3154 = arith.constant 25 : i32
      %add3A_3155 = arith.addi %mul3A_2949, %add3A_3154 : i32
      %get3A_3156 = arith.index_cast %add3A_3155 : i32 to index
      %get3A_3157 = arith.constant 0 : index
      %get3A_3158 = tpu.vector_load %arg9[%get3A_3156, %get3A_3157] {strides = array<i32>} : memref<3328x16xf32, #tpu.memory_space<vmem>>, vector<16xf32>,
      %add3A_3159 = arith.addf %add3A_3151, %get3A_3158 : vector<16xf32>
      %mul3A_3160 = arith.mulf %get3A_3158, %get3A_3158 : vector<16xf32>
      %add3A_3161 = arith.addf %add3A_3153, %mul3A_3160 : vector<16xf32>
      %get3A_3162 = arith.index_cast %mul3A_2949 : i32 to index
      %get3A_3163 = tpu.vector_load %arg10[%get3A_3162] {strides = array<i32>} : memref<3344xf32, #tpu.memory_space<vmem>>, vector<16xf32>,
      %add3A_3164 = arith.constant 16 : i32
      %add3A_3165 = arith.addi %mul3A_2949, %add3A_3164 : i32
      %get3A_3166 = arith.index_cast %add3A_3165 : i32 to index
      %get3A_3167 = tpu.vector_load %arg10[%get3A_3166] {strides = array<i32>} : memref<3344xf32, #tpu.memory_space<vmem>>, vector<16xf32>,
      %mul3A_3168 = arith.mulf %add3A_3159, %add3A_3159 : vector<16xf32>
      %sub3A_3169 = arith.subf %mul3A_3168, %add3A_3161 : vector<16xf32>
      %mul3A_3170 = arith.constant 5.000000e-01 : f32
      %mul3A_3171 = vector.broadcast %mul3A_3170 : f32 to vector<16xf32>
      %mul3A_3172 = arith.mulf %mul3A_3171, %sub3A_3169 : vector<16xf32>
      %add3A_3173 = arith.addf %mul3A_3172, %get3A_3163 : vector<16xf32>
      %jit3A_3174 = arith.constant 0.000000e+00 : f32
      %broadcast_in_dim3A_3175 = vector.broadcast %jit3A_3174 : f32 to vector<16xf32>
      %select_n3A_3176 = arith.select %lt3A_22, %get3A_3167, %broadcast_in_dim3A_3175 : vector<16xi1>, vector<16xf32>
      %add3A_3177 = arith.addf %add3A_3173, %select_n3A_3176 : vector<16xf32>
      %eq3A_3178 = arith.constant 12 : i32
      %eq3A_3179 = vector.broadcast %eq3A_3178 : i32 to vector<16xi32>
      %eq3A_3180 = arith.cmpi eq, %iota3A, %eq3A_3179 : vector<16xi32>
      %reduce_sum3A_3181 = arith.constant true
      %reduce_sum3A_3182 = vector.broadcast %reduce_sum3A_3181 : i1 to vector<16xi1>
      %reduce_sum3A_3183 = tpu.scan <sum>, %add3A_3177 masked %reduce_sum3A_3182 : vector<16xf32>, vector<16xi1> -> vector<16xf32>
      %reduce_sum3A_3184 = vector.extract %reduce_sum3A_3183[15] : f32 from vector<16xf32>
      %broadcast_in_dim3A_3185 = vector.broadcast %reduce_sum3A_3184 : f32 to vector<16xf32>
      %select_n3A_3186 = arith.select %eq3A_3180, %broadcast_in_dim3A_3185, %select_n3A_2943 : vector<16xi1>, vector<16xf32>
      %mul3A_3187 = arith.constant 16 : i32
      %mul3A_3188 = arith.muli %scan3A_31, %mul3A_3187 : i32
      %add3A_3189 = arith.constant 13 : i32
      %add3A_3190 = arith.addi %mul3A_3188, %add3A_3189 : i32
      %mul3A_3191 = arith.constant 26 : i32
      %mul3A_3192 = arith.muli %add3A_3190, %mul3A_3191 : i32
      %broadcast_in_dim3A_3193 = arith.constant 0.000000e+00 : f32
      %broadcast_in_dim3A_3194 = vector.broadcast %broadcast_in_dim3A_3193 : f32 to vector<16xf32>
      %broadcast_in_dim3A_3195 = arith.constant 0.000000e+00 : f32
      %broadcast_in_dim3A_3196 = vector.broadcast %broadcast_in_dim3A_3195 : f32 to vector<16xf32>
      %add3A_3197 = arith.constant 0 : i32
      %add3A_3198 = arith.addi %mul3A_3192, %add3A_3197 : i32
      %get3A_3199 = arith.index_cast %add3A_3198 : i32 to index
      %get3A_3200 = arith.constant 0 : index
      %get3A_3201 = tpu.vector_load %arg9[%get3A_3199, %get3A_3200] {strides = array<i32>} : memref<3328x16xf32, #tpu.memory_space<vmem>>, vector<16xf32>,
      %add3A_3202 = arith.addf %broadcast_in_dim3A_3194, %get3A_3201 : vector<16xf32>
      %mul3A_3203 = arith.mulf %get3A_3201, %get3A_3201 : vector<16xf32>
      %add3A_3204 = arith.addf %broadcast_in_dim3A_3196, %mul3A_3203 : vector<16xf32>
      %add3A_3205 = arith.constant 1 : i32
      %add3A_3206 = arith.addi %mul3A_3192, %add3A_3205 : i32
      %get3A_3207 = arith.index_cast %add3A_3206 : i32 to index
      %get3A_3208 = arith.constant 0 : index
      %get3A_3209 = tpu.vector_load %arg9[%get3A_3207, %get3A_3208] {strides = array<i32>} : memref<3328x16xf32, #tpu.memory_space<vmem>>, vector<16xf32>,
      %add3A_3210 = arith.addf %add3A_3202, %get3A_3209 : vector<16xf32>
      %mul3A_3211 = arith.mulf %get3A_3209, %get3A_3209 : vector<16xf32>
      %add3A_3212 = arith.addf %add3A_3204, %mul3A_3211 : vector<16xf32>
      %add3A_3213 = arith.constant 2 : i32
      %add3A_3214 = arith.addi %mul3A_3192, %add3A_3213 : i32
      %get3A_3215 = arith.index_cast %add3A_3214 : i32 to index
      %get3A_3216 = arith.constant 0 : index
      %get3A_3217 = tpu.vector_load %arg9[%get3A_3215, %get3A_3216] {strides = array<i32>} : memref<3328x16xf32, #tpu.memory_space<vmem>>, vector<16xf32>,
      %add3A_3218 = arith.addf %add3A_3210, %get3A_3217 : vector<16xf32>
      %mul3A_3219 = arith.mulf %get3A_3217, %get3A_3217 : vector<16xf32>
      %add3A_3220 = arith.addf %add3A_3212, %mul3A_3219 : vector<16xf32>
      %add3A_3221 = arith.constant 3 : i32
      %add3A_3222 = arith.addi %mul3A_3192, %add3A_3221 : i32
      %get3A_3223 = arith.index_cast %add3A_3222 : i32 to index
      %get3A_3224 = arith.constant 0 : index
      %get3A_3225 = tpu.vector_load %arg9[%get3A_3223, %get3A_3224] {strides = array<i32>} : memref<3328x16xf32, #tpu.memory_space<vmem>>, vector<16xf32>,
      %add3A_3226 = arith.addf %add3A_3218, %get3A_3225 : vector<16xf32>
      %mul3A_3227 = arith.mulf %get3A_3225, %get3A_3225 : vector<16xf32>
      %add3A_3228 = arith.addf %add3A_3220, %mul3A_3227 : vector<16xf32>
      %add3A_3229 = arith.constant 4 : i32
      %add3A_3230 = arith.addi %mul3A_3192, %add3A_3229 : i32
      %get3A_3231 = arith.index_cast %add3A_3230 : i32 to index
      %get3A_3232 = arith.constant 0 : index
      %get3A_3233 = tpu.vector_load %arg9[%get3A_3231, %get3A_3232] {strides = array<i32>} : memref<3328x16xf32, #tpu.memory_space<vmem>>, vector<16xf32>,
      %add3A_3234 = arith.addf %add3A_3226, %get3A_3233 : vector<16xf32>
      %mul3A_3235 = arith.mulf %get3A_3233, %get3A_3233 : vector<16xf32>
      %add3A_3236 = arith.addf %add3A_3228, %mul3A_3235 : vector<16xf32>
      %add3A_3237 = arith.constant 5 : i32
      %add3A_3238 = arith.addi %mul3A_3192, %add3A_3237 : i32
      %get3A_3239 = arith.index_cast %add3A_3238 : i32 to index
      %get3A_3240 = arith.constant 0 : index
      %get3A_3241 = tpu.vector_load %arg9[%get3A_3239, %get3A_3240] {strides = array<i32>} : memref<3328x16xf32, #tpu.memory_space<vmem>>, vector<16xf32>,
      %add3A_3242 = arith.addf %add3A_3234, %get3A_3241 : vector<16xf32>
      %mul3A_3243 = arith.mulf %get3A_3241, %get3A_3241 : vector<16xf32>
      %add3A_3244 = arith.addf %add3A_3236, %mul3A_3243 : vector<16xf32>
      %add3A_3245 = arith.constant 6 : i32
      %add3A_3246 = arith.addi %mul3A_3192, %add3A_3245 : i32
      %get3A_3247 = arith.index_cast %add3A_3246 : i32 to index
      %get3A_3248 = arith.constant 0 : index
      %get3A_3249 = tpu.vector_load %arg9[%get3A_3247, %get3A_3248] {strides = array<i32>} : memref<3328x16xf32, #tpu.memory_space<vmem>>, vector<16xf32>,
      %add3A_3250 = arith.addf %add3A_3242, %get3A_3249 : vector<16xf32>
      %mul3A_3251 = arith.mulf %get3A_3249, %get3A_3249 : vector<16xf32>
      %add3A_3252 = arith.addf %add3A_3244, %mul3A_3251 : vector<16xf32>
      %add3A_3253 = arith.constant 7 : i32
      %add3A_3254 = arith.addi %mul3A_3192, %add3A_3253 : i32
      %get3A_3255 = arith.index_cast %add3A_3254 : i32 to index
      %get3A_3256 = arith.constant 0 : index
      %get3A_3257 = tpu.vector_load %arg9[%get3A_3255, %get3A_3256] {strides = array<i32>} : memref<3328x16xf32, #tpu.memory_space<vmem>>, vector<16xf32>,
      %add3A_3258 = arith.addf %add3A_3250, %get3A_3257 : vector<16xf32>
      %mul3A_3259 = arith.mulf %get3A_3257, %get3A_3257 : vector<16xf32>
      %add3A_3260 = arith.addf %add3A_3252, %mul3A_3259 : vector<16xf32>
      %add3A_3261 = arith.constant 8 : i32
      %add3A_3262 = arith.addi %mul3A_3192, %add3A_3261 : i32
      %get3A_3263 = arith.index_cast %add3A_3262 : i32 to index
      %get3A_3264 = arith.constant 0 : index
      %get3A_3265 = tpu.vector_load %arg9[%get3A_3263, %get3A_3264] {strides = array<i32>} : memref<3328x16xf32, #tpu.memory_space<vmem>>, vector<16xf32>,
      %add3A_3266 = arith.addf %add3A_3258, %get3A_3265 : vector<16xf32>
      %mul3A_3267 = arith.mulf %get3A_3265, %get3A_3265 : vector<16xf32>
      %add3A_3268 = arith.addf %add3A_3260, %mul3A_3267 : vector<16xf32>
      %add3A_3269 = arith.constant 9 : i32
      %add3A_3270 = arith.addi %mul3A_3192, %add3A_3269 : i32
      %get3A_3271 = arith.index_cast %add3A_3270 : i32 to index
      %get3A_3272 = arith.constant 0 : index
      %get3A_3273 = tpu.vector_load %arg9[%get3A_3271, %get3A_3272] {strides = array<i32>} : memref<3328x16xf32, #tpu.memory_space<vmem>>, vector<16xf32>,
      %add3A_3274 = arith.addf %add3A_3266, %get3A_3273 : vector<16xf32>
      %mul3A_3275 = arith.mulf %get3A_3273, %get3A_3273 : vector<16xf32>
      %add3A_3276 = arith.addf %add3A_3268, %mul3A_3275 : vector<16xf32>
      %add3A_3277 = arith.constant 10 : i32
      %add3A_3278 = arith.addi %mul3A_3192, %add3A_3277 : i32
      %get3A_3279 = arith.index_cast %add3A_3278 : i32 to index
      %get3A_3280 = arith.constant 0 : index
      %get3A_3281 = tpu.vector_load %arg9[%get3A_3279, %get3A_3280] {strides = array<i32>} : memref<3328x16xf32, #tpu.memory_space<vmem>>, vector<16xf32>,
      %add3A_3282 = arith.addf %add3A_3274, %get3A_3281 : vector<16xf32>
      %mul3A_3283 = arith.mulf %get3A_3281, %get3A_3281 : vector<16xf32>
      %add3A_3284 = arith.addf %add3A_3276, %mul3A_3283 : vector<16xf32>
      %add3A_3285 = arith.constant 11 : i32
      %add3A_3286 = arith.addi %mul3A_3192, %add3A_3285 : i32
      %get3A_3287 = arith.index_cast %add3A_3286 : i32 to index
      %get3A_3288 = arith.constant 0 : index
      %get3A_3289 = tpu.vector_load %arg9[%get3A_3287, %get3A_3288] {strides = array<i32>} : memref<3328x16xf32, #tpu.memory_space<vmem>>, vector<16xf32>,
      %add3A_3290 = arith.addf %add3A_3282, %get3A_3289 : vector<16xf32>
      %mul3A_3291 = arith.mulf %get3A_3289, %get3A_3289 : vector<16xf32>
      %add3A_3292 = arith.addf %add3A_3284, %mul3A_3291 : vector<16xf32>
      %add3A_3293 = arith.constant 12 : i32
      %add3A_3294 = arith.addi %mul3A_3192, %add3A_3293 : i32
      %get3A_3295 = arith.index_cast %add3A_3294 : i32 to index
      %get3A_3296 = arith.constant 0 : index
      %get3A_3297 = tpu.vector_load %arg9[%get3A_3295, %get3A_3296] {strides = array<i32>} : memref<3328x16xf32, #tpu.memory_space<vmem>>, vector<16xf32>,
      %add3A_3298 = arith.addf %add3A_3290, %get3A_3297 : vector<16xf32>
      %mul3A_3299 = arith.mulf %get3A_3297, %get3A_3297 : vector<16xf32>
      %add3A_3300 = arith.addf %add3A_3292, %mul3A_3299 : vector<16xf32>
      %add3A_3301 = arith.constant 13 : i32
      %add3A_3302 = arith.addi %mul3A_3192, %add3A_3301 : i32
      %get3A_3303 = arith.index_cast %add3A_3302 : i32 to index
      %get3A_3304 = arith.constant 0 : index
      %get3A_3305 = tpu.vector_load %arg9[%get3A_3303, %get3A_3304] {strides = array<i32>} : memref<3328x16xf32, #tpu.memory_space<vmem>>, vector<16xf32>,
      %add3A_3306 = arith.addf %add3A_3298, %get3A_3305 : vector<16xf32>
      %mul3A_3307 = arith.mulf %get3A_3305, %get3A_3305 : vector<16xf32>
      %add3A_3308 = arith.addf %add3A_3300, %mul3A_3307 : vector<16xf32>
      %add3A_3309 = arith.constant 14 : i32
      %add3A_3310 = arith.addi %mul3A_3192, %add3A_3309 : i32
      %get3A_3311 = arith.index_cast %add3A_3310 : i32 to index
      %get3A_3312 = arith.constant 0 : index
      %get3A_3313 = tpu.vector_load %arg9[%get3A_3311, %get3A_3312] {strides = array<i32>} : memref<3328x16xf32, #tpu.memory_space<vmem>>, vector<16xf32>,
      %add3A_3314 = arith.addf %add3A_3306, %get3A_3313 : vector<16xf32>
      %mul3A_3315 = arith.mulf %get3A_3313, %get3A_3313 : vector<16xf32>
      %add3A_3316 = arith.addf %add3A_3308, %mul3A_3315 : vector<16xf32>
      %add3A_3317 = arith.constant 15 : i32
      %add3A_3318 = arith.addi %mul3A_3192, %add3A_3317 : i32
      %get3A_3319 = arith.index_cast %add3A_3318 : i32 to index
      %get3A_3320 = arith.constant 0 : index
      %get3A_3321 = tpu.vector_load %arg9[%get3A_3319, %get3A_3320] {strides = array<i32>} : memref<3328x16xf32, #tpu.memory_space<vmem>>, vector<16xf32>,
      %add3A_3322 = arith.addf %add3A_3314, %get3A_3321 : vector<16xf32>
      %mul3A_3323 = arith.mulf %get3A_3321, %get3A_3321 : vector<16xf32>
      %add3A_3324 = arith.addf %add3A_3316, %mul3A_3323 : vector<16xf32>
      %add3A_3325 = arith.constant 16 : i32
      %add3A_3326 = arith.addi %mul3A_3192, %add3A_3325 : i32
      %get3A_3327 = arith.index_cast %add3A_3326 : i32 to index
      %get3A_3328 = arith.constant 0 : index
      %get3A_3329 = tpu.vector_load %arg9[%get3A_3327, %get3A_3328] {strides = array<i32>} : memref<3328x16xf32, #tpu.memory_space<vmem>>, vector<16xf32>,
      %add3A_3330 = arith.addf %add3A_3322, %get3A_3329 : vector<16xf32>
      %mul3A_3331 = arith.mulf %get3A_3329, %get3A_3329 : vector<16xf32>
      %add3A_3332 = arith.addf %add3A_3324, %mul3A_3331 : vector<16xf32>
      %add3A_3333 = arith.constant 17 : i32
      %add3A_3334 = arith.addi %mul3A_3192, %add3A_3333 : i32
      %get3A_3335 = arith.index_cast %add3A_3334 : i32 to index
      %get3A_3336 = arith.constant 0 : index
      %get3A_3337 = tpu.vector_load %arg9[%get3A_3335, %get3A_3336] {strides = array<i32>} : memref<3328x16xf32, #tpu.memory_space<vmem>>, vector<16xf32>,
      %add3A_3338 = arith.addf %add3A_3330, %get3A_3337 : vector<16xf32>
      %mul3A_3339 = arith.mulf %get3A_3337, %get3A_3337 : vector<16xf32>
      %add3A_3340 = arith.addf %add3A_3332, %mul3A_3339 : vector<16xf32>
      %add3A_3341 = arith.constant 18 : i32
      %add3A_3342 = arith.addi %mul3A_3192, %add3A_3341 : i32
      %get3A_3343 = arith.index_cast %add3A_3342 : i32 to index
      %get3A_3344 = arith.constant 0 : index
      %get3A_3345 = tpu.vector_load %arg9[%get3A_3343, %get3A_3344] {strides = array<i32>} : memref<3328x16xf32, #tpu.memory_space<vmem>>, vector<16xf32>,
      %add3A_3346 = arith.addf %add3A_3338, %get3A_3345 : vector<16xf32>
      %mul3A_3347 = arith.mulf %get3A_3345, %get3A_3345 : vector<16xf32>
      %add3A_3348 = arith.addf %add3A_3340, %mul3A_3347 : vector<16xf32>
      %add3A_3349 = arith.constant 19 : i32
      %add3A_3350 = arith.addi %mul3A_3192, %add3A_3349 : i32
      %get3A_3351 = arith.index_cast %add3A_3350 : i32 to index
      %get3A_3352 = arith.constant 0 : index
      %get3A_3353 = tpu.vector_load %arg9[%get3A_3351, %get3A_3352] {strides = array<i32>} : memref<3328x16xf32, #tpu.memory_space<vmem>>, vector<16xf32>,
      %add3A_3354 = arith.addf %add3A_3346, %get3A_3353 : vector<16xf32>
      %mul3A_3355 = arith.mulf %get3A_3353, %get3A_3353 : vector<16xf32>
      %add3A_3356 = arith.addf %add3A_3348, %mul3A_3355 : vector<16xf32>
      %add3A_3357 = arith.constant 20 : i32
      %add3A_3358 = arith.addi %mul3A_3192, %add3A_3357 : i32
      %get3A_3359 = arith.index_cast %add3A_3358 : i32 to index
      %get3A_3360 = arith.constant 0 : index
      %get3A_3361 = tpu.vector_load %arg9[%get3A_3359, %get3A_3360] {strides = array<i32>} : memref<3328x16xf32, #tpu.memory_space<vmem>>, vector<16xf32>,
      %add3A_3362 = arith.addf %add3A_3354, %get3A_3361 : vector<16xf32>
      %mul3A_3363 = arith.mulf %get3A_3361, %get3A_3361 : vector<16xf32>
      %add3A_3364 = arith.addf %add3A_3356, %mul3A_3363 : vector<16xf32>
      %add3A_3365 = arith.constant 21 : i32
      %add3A_3366 = arith.addi %mul3A_3192, %add3A_3365 : i32
      %get3A_3367 = arith.index_cast %add3A_3366 : i32 to index
      %get3A_3368 = arith.constant 0 : index
      %get3A_3369 = tpu.vector_load %arg9[%get3A_3367, %get3A_3368] {strides = array<i32>} : memref<3328x16xf32, #tpu.memory_space<vmem>>, vector<16xf32>,
      %add3A_3370 = arith.addf %add3A_3362, %get3A_3369 : vector<16xf32>
      %mul3A_3371 = arith.mulf %get3A_3369, %get3A_3369 : vector<16xf32>
      %add3A_3372 = arith.addf %add3A_3364, %mul3A_3371 : vector<16xf32>
      %add3A_3373 = arith.constant 22 : i32
      %add3A_3374 = arith.addi %mul3A_3192, %add3A_3373 : i32
      %get3A_3375 = arith.index_cast %add3A_3374 : i32 to index
      %get3A_3376 = arith.constant 0 : index
      %get3A_3377 = tpu.vector_load %arg9[%get3A_3375, %get3A_3376] {strides = array<i32>} : memref<3328x16xf32, #tpu.memory_space<vmem>>, vector<16xf32>,
      %add3A_3378 = arith.addf %add3A_3370, %get3A_3377 : vector<16xf32>
      %mul3A_3379 = arith.mulf %get3A_3377, %get3A_3377 : vector<16xf32>
      %add3A_3380 = arith.addf %add3A_3372, %mul3A_3379 : vector<16xf32>
      %add3A_3381 = arith.constant 23 : i32
      %add3A_3382 = arith.addi %mul3A_3192, %add3A_3381 : i32
      %get3A_3383 = arith.index_cast %add3A_3382 : i32 to index
      %get3A_3384 = arith.constant 0 : index
      %get3A_3385 = tpu.vector_load %arg9[%get3A_3383, %get3A_3384] {strides = array<i32>} : memref<3328x16xf32, #tpu.memory_space<vmem>>, vector<16xf32>,
      %add3A_3386 = arith.addf %add3A_3378, %get3A_3385 : vector<16xf32>
      %mul3A_3387 = arith.mulf %get3A_3385, %get3A_3385 : vector<16xf32>
      %add3A_3388 = arith.addf %add3A_3380, %mul3A_3387 : vector<16xf32>
      %add3A_3389 = arith.constant 24 : i32
      %add3A_3390 = arith.addi %mul3A_3192, %add3A_3389 : i32
      %get3A_3391 = arith.index_cast %add3A_3390 : i32 to index
      %get3A_3392 = arith.constant 0 : index
      %get3A_3393 = tpu.vector_load %arg9[%get3A_3391, %get3A_3392] {strides = array<i32>} : memref<3328x16xf32, #tpu.memory_space<vmem>>, vector<16xf32>,
      %add3A_3394 = arith.addf %add3A_3386, %get3A_3393 : vector<16xf32>
      %mul3A_3395 = arith.mulf %get3A_3393, %get3A_3393 : vector<16xf32>
      %add3A_3396 = arith.addf %add3A_3388, %mul3A_3395 : vector<16xf32>
      %add3A_3397 = arith.constant 25 : i32
      %add3A_3398 = arith.addi %mul3A_3192, %add3A_3397 : i32
      %get3A_3399 = arith.index_cast %add3A_3398 : i32 to index
      %get3A_3400 = arith.constant 0 : index
      %get3A_3401 = tpu.vector_load %arg9[%get3A_3399, %get3A_3400] {strides = array<i32>} : memref<3328x16xf32, #tpu.memory_space<vmem>>, vector<16xf32>,
      %add3A_3402 = arith.addf %add3A_3394, %get3A_3401 : vector<16xf32>
      %mul3A_3403 = arith.mulf %get3A_3401, %get3A_3401 : vector<16xf32>
      %add3A_3404 = arith.addf %add3A_3396, %mul3A_3403 : vector<16xf32>
      %get3A_3405 = arith.index_cast %mul3A_3192 : i32 to index
      %get3A_3406 = tpu.vector_load %arg10[%get3A_3405] {strides = array<i32>} : memref<3344xf32, #tpu.memory_space<vmem>>, vector<16xf32>,
      %add3A_3407 = arith.constant 16 : i32
      %add3A_3408 = arith.addi %mul3A_3192, %add3A_3407 : i32
      %get3A_3409 = arith.index_cast %add3A_3408 : i32 to index
      %get3A_3410 = tpu.vector_load %arg10[%get3A_3409] {strides = array<i32>} : memref<3344xf32, #tpu.memory_space<vmem>>, vector<16xf32>,
      %mul3A_3411 = arith.mulf %add3A_3402, %add3A_3402 : vector<16xf32>
      %sub3A_3412 = arith.subf %mul3A_3411, %add3A_3404 : vector<16xf32>
      %mul3A_3413 = arith.constant 5.000000e-01 : f32
      %mul3A_3414 = vector.broadcast %mul3A_3413 : f32 to vector<16xf32>
      %mul3A_3415 = arith.mulf %mul3A_3414, %sub3A_3412 : vector<16xf32>
      %add3A_3416 = arith.addf %mul3A_3415, %get3A_3406 : vector<16xf32>
      %jit3A_3417 = arith.constant 0.000000e+00 : f32
      %broadcast_in_dim3A_3418 = vector.broadcast %jit3A_3417 : f32 to vector<16xf32>
      %select_n3A_3419 = arith.select %lt3A_22, %get3A_3410, %broadcast_in_dim3A_3418 : vector<16xi1>, vector<16xf32>
      %add3A_3420 = arith.addf %add3A_3416, %select_n3A_3419 : vector<16xf32>
      %eq3A_3421 = arith.constant 13 : i32
      %eq3A_3422 = vector.broadcast %eq3A_3421 : i32 to vector<16xi32>
      %eq3A_3423 = arith.cmpi eq, %iota3A, %eq3A_3422 : vector<16xi32>
      %reduce_sum3A_3424 = arith.constant true
      %reduce_sum3A_3425 = vector.broadcast %reduce_sum3A_3424 : i1 to vector<16xi1>
      %reduce_sum3A_3426 = tpu.scan <sum>, %add3A_3420 masked %reduce_sum3A_3425 : vector<16xf32>, vector<16xi1> -> vector<16xf32>
      %reduce_sum3A_3427 = vector.extract %reduce_sum3A_3426[15] : f32 from vector<16xf32>
      %broadcast_in_dim3A_3428 = vector.broadcast %reduce_sum3A_3427 : f32 to vector<16xf32>
      %select_n3A_3429 = arith.select %eq3A_3423, %broadcast_in_dim3A_3428, %select_n3A_3186 : vector<16xi1>, vector<16xf32>
      %mul3A_3430 = arith.constant 16 : i32
      %mul3A_3431 = arith.muli %scan3A_31, %mul3A_3430 : i32
      %add3A_3432 = arith.constant 14 : i32
      %add3A_3433 = arith.addi %mul3A_3431, %add3A_3432 : i32
      %mul3A_3434 = arith.constant 26 : i32
      %mul3A_3435 = arith.muli %add3A_3433, %mul3A_3434 : i32
      %broadcast_in_dim3A_3436 = arith.constant 0.000000e+00 : f32
      %broadcast_in_dim3A_3437 = vector.broadcast %broadcast_in_dim3A_3436 : f32 to vector<16xf32>
      %broadcast_in_dim3A_3438 = arith.constant 0.000000e+00 : f32
      %broadcast_in_dim3A_3439 = vector.broadcast %broadcast_in_dim3A_3438 : f32 to vector<16xf32>
      %add3A_3440 = arith.constant 0 : i32
      %add3A_3441 = arith.addi %mul3A_3435, %add3A_3440 : i32
      %get3A_3442 = arith.index_cast %add3A_3441 : i32 to index
      %get3A_3443 = arith.constant 0 : index
      %get3A_3444 = tpu.vector_load %arg9[%get3A_3442, %get3A_3443] {strides = array<i32>} : memref<3328x16xf32, #tpu.memory_space<vmem>>, vector<16xf32>,
      %add3A_3445 = arith.addf %broadcast_in_dim3A_3437, %get3A_3444 : vector<16xf32>
      %mul3A_3446 = arith.mulf %get3A_3444, %get3A_3444 : vector<16xf32>
      %add3A_3447 = arith.addf %broadcast_in_dim3A_3439, %mul3A_3446 : vector<16xf32>
      %add3A_3448 = arith.constant 1 : i32
      %add3A_3449 = arith.addi %mul3A_3435, %add3A_3448 : i32
      %get3A_3450 = arith.index_cast %add3A_3449 : i32 to index
      %get3A_3451 = arith.constant 0 : index
      %get3A_3452 = tpu.vector_load %arg9[%get3A_3450, %get3A_3451] {strides = array<i32>} : memref<3328x16xf32, #tpu.memory_space<vmem>>, vector<16xf32>,
      %add3A_3453 = arith.addf %add3A_3445, %get3A_3452 : vector<16xf32>
      %mul3A_3454 = arith.mulf %get3A_3452, %get3A_3452 : vector<16xf32>
      %add3A_3455 = arith.addf %add3A_3447, %mul3A_3454 : vector<16xf32>
      %add3A_3456 = arith.constant 2 : i32
      %add3A_3457 = arith.addi %mul3A_3435, %add3A_3456 : i32
      %get3A_3458 = arith.index_cast %add3A_3457 : i32 to index
      %get3A_3459 = arith.constant 0 : index
      %get3A_3460 = tpu.vector_load %arg9[%get3A_3458, %get3A_3459] {strides = array<i32>} : memref<3328x16xf32, #tpu.memory_space<vmem>>, vector<16xf32>,
      %add3A_3461 = arith.addf %add3A_3453, %get3A_3460 : vector<16xf32>
      %mul3A_3462 = arith.mulf %get3A_3460, %get3A_3460 : vector<16xf32>
      %add3A_3463 = arith.addf %add3A_3455, %mul3A_3462 : vector<16xf32>
      %add3A_3464 = arith.constant 3 : i32
      %add3A_3465 = arith.addi %mul3A_3435, %add3A_3464 : i32
      %get3A_3466 = arith.index_cast %add3A_3465 : i32 to index
      %get3A_3467 = arith.constant 0 : index
      %get3A_3468 = tpu.vector_load %arg9[%get3A_3466, %get3A_3467] {strides = array<i32>} : memref<3328x16xf32, #tpu.memory_space<vmem>>, vector<16xf32>,
      %add3A_3469 = arith.addf %add3A_3461, %get3A_3468 : vector<16xf32>
      %mul3A_3470 = arith.mulf %get3A_3468, %get3A_3468 : vector<16xf32>
      %add3A_3471 = arith.addf %add3A_3463, %mul3A_3470 : vector<16xf32>
      %add3A_3472 = arith.constant 4 : i32
      %add3A_3473 = arith.addi %mul3A_3435, %add3A_3472 : i32
      %get3A_3474 = arith.index_cast %add3A_3473 : i32 to index
      %get3A_3475 = arith.constant 0 : index
      %get3A_3476 = tpu.vector_load %arg9[%get3A_3474, %get3A_3475] {strides = array<i32>} : memref<3328x16xf32, #tpu.memory_space<vmem>>, vector<16xf32>,
      %add3A_3477 = arith.addf %add3A_3469, %get3A_3476 : vector<16xf32>
      %mul3A_3478 = arith.mulf %get3A_3476, %get3A_3476 : vector<16xf32>
      %add3A_3479 = arith.addf %add3A_3471, %mul3A_3478 : vector<16xf32>
      %add3A_3480 = arith.constant 5 : i32
      %add3A_3481 = arith.addi %mul3A_3435, %add3A_3480 : i32
      %get3A_3482 = arith.index_cast %add3A_3481 : i32 to index
      %get3A_3483 = arith.constant 0 : index
      %get3A_3484 = tpu.vector_load %arg9[%get3A_3482, %get3A_3483] {strides = array<i32>} : memref<3328x16xf32, #tpu.memory_space<vmem>>, vector<16xf32>,
      %add3A_3485 = arith.addf %add3A_3477, %get3A_3484 : vector<16xf32>
      %mul3A_3486 = arith.mulf %get3A_3484, %get3A_3484 : vector<16xf32>
      %add3A_3487 = arith.addf %add3A_3479, %mul3A_3486 : vector<16xf32>
      %add3A_3488 = arith.constant 6 : i32
      %add3A_3489 = arith.addi %mul3A_3435, %add3A_3488 : i32
      %get3A_3490 = arith.index_cast %add3A_3489 : i32 to index
      %get3A_3491 = arith.constant 0 : index
      %get3A_3492 = tpu.vector_load %arg9[%get3A_3490, %get3A_3491] {strides = array<i32>} : memref<3328x16xf32, #tpu.memory_space<vmem>>, vector<16xf32>,
      %add3A_3493 = arith.addf %add3A_3485, %get3A_3492 : vector<16xf32>
      %mul3A_3494 = arith.mulf %get3A_3492, %get3A_3492 : vector<16xf32>
      %add3A_3495 = arith.addf %add3A_3487, %mul3A_3494 : vector<16xf32>
      %add3A_3496 = arith.constant 7 : i32
      %add3A_3497 = arith.addi %mul3A_3435, %add3A_3496 : i32
      %get3A_3498 = arith.index_cast %add3A_3497 : i32 to index
      %get3A_3499 = arith.constant 0 : index
      %get3A_3500 = tpu.vector_load %arg9[%get3A_3498, %get3A_3499] {strides = array<i32>} : memref<3328x16xf32, #tpu.memory_space<vmem>>, vector<16xf32>,
      %add3A_3501 = arith.addf %add3A_3493, %get3A_3500 : vector<16xf32>
      %mul3A_3502 = arith.mulf %get3A_3500, %get3A_3500 : vector<16xf32>
      %add3A_3503 = arith.addf %add3A_3495, %mul3A_3502 : vector<16xf32>
      %add3A_3504 = arith.constant 8 : i32
      %add3A_3505 = arith.addi %mul3A_3435, %add3A_3504 : i32
      %get3A_3506 = arith.index_cast %add3A_3505 : i32 to index
      %get3A_3507 = arith.constant 0 : index
      %get3A_3508 = tpu.vector_load %arg9[%get3A_3506, %get3A_3507] {strides = array<i32>} : memref<3328x16xf32, #tpu.memory_space<vmem>>, vector<16xf32>,
      %add3A_3509 = arith.addf %add3A_3501, %get3A_3508 : vector<16xf32>
      %mul3A_3510 = arith.mulf %get3A_3508, %get3A_3508 : vector<16xf32>
      %add3A_3511 = arith.addf %add3A_3503, %mul3A_3510 : vector<16xf32>
      %add3A_3512 = arith.constant 9 : i32
      %add3A_3513 = arith.addi %mul3A_3435, %add3A_3512 : i32
      %get3A_3514 = arith.index_cast %add3A_3513 : i32 to index
      %get3A_3515 = arith.constant 0 : index
      %get3A_3516 = tpu.vector_load %arg9[%get3A_3514, %get3A_3515] {strides = array<i32>} : memref<3328x16xf32, #tpu.memory_space<vmem>>, vector<16xf32>,
      %add3A_3517 = arith.addf %add3A_3509, %get3A_3516 : vector<16xf32>
      %mul3A_3518 = arith.mulf %get3A_3516, %get3A_3516 : vector<16xf32>
      %add3A_3519 = arith.addf %add3A_3511, %mul3A_3518 : vector<16xf32>
      %add3A_3520 = arith.constant 10 : i32
      %add3A_3521 = arith.addi %mul3A_3435, %add3A_3520 : i32
      %get3A_3522 = arith.index_cast %add3A_3521 : i32 to index
      %get3A_3523 = arith.constant 0 : index
      %get3A_3524 = tpu.vector_load %arg9[%get3A_3522, %get3A_3523] {strides = array<i32>} : memref<3328x16xf32, #tpu.memory_space<vmem>>, vector<16xf32>,
      %add3A_3525 = arith.addf %add3A_3517, %get3A_3524 : vector<16xf32>
      %mul3A_3526 = arith.mulf %get3A_3524, %get3A_3524 : vector<16xf32>
      %add3A_3527 = arith.addf %add3A_3519, %mul3A_3526 : vector<16xf32>
      %add3A_3528 = arith.constant 11 : i32
      %add3A_3529 = arith.addi %mul3A_3435, %add3A_3528 : i32
      %get3A_3530 = arith.index_cast %add3A_3529 : i32 to index
      %get3A_3531 = arith.constant 0 : index
      %get3A_3532 = tpu.vector_load %arg9[%get3A_3530, %get3A_3531] {strides = array<i32>} : memref<3328x16xf32, #tpu.memory_space<vmem>>, vector<16xf32>,
      %add3A_3533 = arith.addf %add3A_3525, %get3A_3532 : vector<16xf32>
      %mul3A_3534 = arith.mulf %get3A_3532, %get3A_3532 : vector<16xf32>
      %add3A_3535 = arith.addf %add3A_3527, %mul3A_3534 : vector<16xf32>
      %add3A_3536 = arith.constant 12 : i32
      %add3A_3537 = arith.addi %mul3A_3435, %add3A_3536 : i32
      %get3A_3538 = arith.index_cast %add3A_3537 : i32 to index
      %get3A_3539 = arith.constant 0 : index
      %get3A_3540 = tpu.vector_load %arg9[%get3A_3538, %get3A_3539] {strides = array<i32>} : memref<3328x16xf32, #tpu.memory_space<vmem>>, vector<16xf32>,
      %add3A_3541 = arith.addf %add3A_3533, %get3A_3540 : vector<16xf32>
      %mul3A_3542 = arith.mulf %get3A_3540, %get3A_3540 : vector<16xf32>
      %add3A_3543 = arith.addf %add3A_3535, %mul3A_3542 : vector<16xf32>
      %add3A_3544 = arith.constant 13 : i32
      %add3A_3545 = arith.addi %mul3A_3435, %add3A_3544 : i32
      %get3A_3546 = arith.index_cast %add3A_3545 : i32 to index
      %get3A_3547 = arith.constant 0 : index
      %get3A_3548 = tpu.vector_load %arg9[%get3A_3546, %get3A_3547] {strides = array<i32>} : memref<3328x16xf32, #tpu.memory_space<vmem>>, vector<16xf32>,
      %add3A_3549 = arith.addf %add3A_3541, %get3A_3548 : vector<16xf32>
      %mul3A_3550 = arith.mulf %get3A_3548, %get3A_3548 : vector<16xf32>
      %add3A_3551 = arith.addf %add3A_3543, %mul3A_3550 : vector<16xf32>
      %add3A_3552 = arith.constant 14 : i32
      %add3A_3553 = arith.addi %mul3A_3435, %add3A_3552 : i32
      %get3A_3554 = arith.index_cast %add3A_3553 : i32 to index
      %get3A_3555 = arith.constant 0 : index
      %get3A_3556 = tpu.vector_load %arg9[%get3A_3554, %get3A_3555] {strides = array<i32>} : memref<3328x16xf32, #tpu.memory_space<vmem>>, vector<16xf32>,
      %add3A_3557 = arith.addf %add3A_3549, %get3A_3556 : vector<16xf32>
      %mul3A_3558 = arith.mulf %get3A_3556, %get3A_3556 : vector<16xf32>
      %add3A_3559 = arith.addf %add3A_3551, %mul3A_3558 : vector<16xf32>
      %add3A_3560 = arith.constant 15 : i32
      %add3A_3561 = arith.addi %mul3A_3435, %add3A_3560 : i32
      %get3A_3562 = arith.index_cast %add3A_3561 : i32 to index
      %get3A_3563 = arith.constant 0 : index
      %get3A_3564 = tpu.vector_load %arg9[%get3A_3562, %get3A_3563] {strides = array<i32>} : memref<3328x16xf32, #tpu.memory_space<vmem>>, vector<16xf32>,
      %add3A_3565 = arith.addf %add3A_3557, %get3A_3564 : vector<16xf32>
      %mul3A_3566 = arith.mulf %get3A_3564, %get3A_3564 : vector<16xf32>
      %add3A_3567 = arith.addf %add3A_3559, %mul3A_3566 : vector<16xf32>
      %add3A_3568 = arith.constant 16 : i32
      %add3A_3569 = arith.addi %mul3A_3435, %add3A_3568 : i32
      %get3A_3570 = arith.index_cast %add3A_3569 : i32 to index
      %get3A_3571 = arith.constant 0 : index
      %get3A_3572 = tpu.vector_load %arg9[%get3A_3570, %get3A_3571] {strides = array<i32>} : memref<3328x16xf32, #tpu.memory_space<vmem>>, vector<16xf32>,
      %add3A_3573 = arith.addf %add3A_3565, %get3A_3572 : vector<16xf32>
      %mul3A_3574 = arith.mulf %get3A_3572, %get3A_3572 : vector<16xf32>
      %add3A_3575 = arith.addf %add3A_3567, %mul3A_3574 : vector<16xf32>
      %add3A_3576 = arith.constant 17 : i32
      %add3A_3577 = arith.addi %mul3A_3435, %add3A_3576 : i32
      %get3A_3578 = arith.index_cast %add3A_3577 : i32 to index
      %get3A_3579 = arith.constant 0 : index
      %get3A_3580 = tpu.vector_load %arg9[%get3A_3578, %get3A_3579] {strides = array<i32>} : memref<3328x16xf32, #tpu.memory_space<vmem>>, vector<16xf32>,
      %add3A_3581 = arith.addf %add3A_3573, %get3A_3580 : vector<16xf32>
      %mul3A_3582 = arith.mulf %get3A_3580, %get3A_3580 : vector<16xf32>
      %add3A_3583 = arith.addf %add3A_3575, %mul3A_3582 : vector<16xf32>
      %add3A_3584 = arith.constant 18 : i32
      %add3A_3585 = arith.addi %mul3A_3435, %add3A_3584 : i32
      %get3A_3586 = arith.index_cast %add3A_3585 : i32 to index
      %get3A_3587 = arith.constant 0 : index
      %get3A_3588 = tpu.vector_load %arg9[%get3A_3586, %get3A_3587] {strides = array<i32>} : memref<3328x16xf32, #tpu.memory_space<vmem>>, vector<16xf32>,
      %add3A_3589 = arith.addf %add3A_3581, %get3A_3588 : vector<16xf32>
      %mul3A_3590 = arith.mulf %get3A_3588, %get3A_3588 : vector<16xf32>
      %add3A_3591 = arith.addf %add3A_3583, %mul3A_3590 : vector<16xf32>
      %add3A_3592 = arith.constant 19 : i32
      %add3A_3593 = arith.addi %mul3A_3435, %add3A_3592 : i32
      %get3A_3594 = arith.index_cast %add3A_3593 : i32 to index
      %get3A_3595 = arith.constant 0 : index
      %get3A_3596 = tpu.vector_load %arg9[%get3A_3594, %get3A_3595] {strides = array<i32>} : memref<3328x16xf32, #tpu.memory_space<vmem>>, vector<16xf32>,
      %add3A_3597 = arith.addf %add3A_3589, %get3A_3596 : vector<16xf32>
      %mul3A_3598 = arith.mulf %get3A_3596, %get3A_3596 : vector<16xf32>
      %add3A_3599 = arith.addf %add3A_3591, %mul3A_3598 : vector<16xf32>
      %add3A_3600 = arith.constant 20 : i32
      %add3A_3601 = arith.addi %mul3A_3435, %add3A_3600 : i32
      %get3A_3602 = arith.index_cast %add3A_3601 : i32 to index
      %get3A_3603 = arith.constant 0 : index
      %get3A_3604 = tpu.vector_load %arg9[%get3A_3602, %get3A_3603] {strides = array<i32>} : memref<3328x16xf32, #tpu.memory_space<vmem>>, vector<16xf32>,
      %add3A_3605 = arith.addf %add3A_3597, %get3A_3604 : vector<16xf32>
      %mul3A_3606 = arith.mulf %get3A_3604, %get3A_3604 : vector<16xf32>
      %add3A_3607 = arith.addf %add3A_3599, %mul3A_3606 : vector<16xf32>
      %add3A_3608 = arith.constant 21 : i32
      %add3A_3609 = arith.addi %mul3A_3435, %add3A_3608 : i32
      %get3A_3610 = arith.index_cast %add3A_3609 : i32 to index
      %get3A_3611 = arith.constant 0 : index
      %get3A_3612 = tpu.vector_load %arg9[%get3A_3610, %get3A_3611] {strides = array<i32>} : memref<3328x16xf32, #tpu.memory_space<vmem>>, vector<16xf32>,
      %add3A_3613 = arith.addf %add3A_3605, %get3A_3612 : vector<16xf32>
      %mul3A_3614 = arith.mulf %get3A_3612, %get3A_3612 : vector<16xf32>
      %add3A_3615 = arith.addf %add3A_3607, %mul3A_3614 : vector<16xf32>
      %add3A_3616 = arith.constant 22 : i32
      %add3A_3617 = arith.addi %mul3A_3435, %add3A_3616 : i32
      %get3A_3618 = arith.index_cast %add3A_3617 : i32 to index
      %get3A_3619 = arith.constant 0 : index
      %get3A_3620 = tpu.vector_load %arg9[%get3A_3618, %get3A_3619] {strides = array<i32>} : memref<3328x16xf32, #tpu.memory_space<vmem>>, vector<16xf32>,
      %add3A_3621 = arith.addf %add3A_3613, %get3A_3620 : vector<16xf32>
      %mul3A_3622 = arith.mulf %get3A_3620, %get3A_3620 : vector<16xf32>
      %add3A_3623 = arith.addf %add3A_3615, %mul3A_3622 : vector<16xf32>
      %add3A_3624 = arith.constant 23 : i32
      %add3A_3625 = arith.addi %mul3A_3435, %add3A_3624 : i32
      %get3A_3626 = arith.index_cast %add3A_3625 : i32 to index
      %get3A_3627 = arith.constant 0 : index
      %get3A_3628 = tpu.vector_load %arg9[%get3A_3626, %get3A_3627] {strides = array<i32>} : memref<3328x16xf32, #tpu.memory_space<vmem>>, vector<16xf32>,
      %add3A_3629 = arith.addf %add3A_3621, %get3A_3628 : vector<16xf32>
      %mul3A_3630 = arith.mulf %get3A_3628, %get3A_3628 : vector<16xf32>
      %add3A_3631 = arith.addf %add3A_3623, %mul3A_3630 : vector<16xf32>
      %add3A_3632 = arith.constant 24 : i32
      %add3A_3633 = arith.addi %mul3A_3435, %add3A_3632 : i32
      %get3A_3634 = arith.index_cast %add3A_3633 : i32 to index
      %get3A_3635 = arith.constant 0 : index
      %get3A_3636 = tpu.vector_load %arg9[%get3A_3634, %get3A_3635] {strides = array<i32>} : memref<3328x16xf32, #tpu.memory_space<vmem>>, vector<16xf32>,
      %add3A_3637 = arith.addf %add3A_3629, %get3A_3636 : vector<16xf32>
      %mul3A_3638 = arith.mulf %get3A_3636, %get3A_3636 : vector<16xf32>
      %add3A_3639 = arith.addf %add3A_3631, %mul3A_3638 : vector<16xf32>
      %add3A_3640 = arith.constant 25 : i32
      %add3A_3641 = arith.addi %mul3A_3435, %add3A_3640 : i32
      %get3A_3642 = arith.index_cast %add3A_3641 : i32 to index
      %get3A_3643 = arith.constant 0 : index
      %get3A_3644 = tpu.vector_load %arg9[%get3A_3642, %get3A_3643] {strides = array<i32>} : memref<3328x16xf32, #tpu.memory_space<vmem>>, vector<16xf32>,
      %add3A_3645 = arith.addf %add3A_3637, %get3A_3644 : vector<16xf32>
      %mul3A_3646 = arith.mulf %get3A_3644, %get3A_3644 : vector<16xf32>
      %add3A_3647 = arith.addf %add3A_3639, %mul3A_3646 : vector<16xf32>
      %get3A_3648 = arith.index_cast %mul3A_3435 : i32 to index
      %get3A_3649 = tpu.vector_load %arg10[%get3A_3648] {strides = array<i32>} : memref<3344xf32, #tpu.memory_space<vmem>>, vector<16xf32>,
      %add3A_3650 = arith.constant 16 : i32
      %add3A_3651 = arith.addi %mul3A_3435, %add3A_3650 : i32
      %get3A_3652 = arith.index_cast %add3A_3651 : i32 to index
      %get3A_3653 = tpu.vector_load %arg10[%get3A_3652] {strides = array<i32>} : memref<3344xf32, #tpu.memory_space<vmem>>, vector<16xf32>,
      %mul3A_3654 = arith.mulf %add3A_3645, %add3A_3645 : vector<16xf32>
      %sub3A_3655 = arith.subf %mul3A_3654, %add3A_3647 : vector<16xf32>
      %mul3A_3656 = arith.constant 5.000000e-01 : f32
      %mul3A_3657 = vector.broadcast %mul3A_3656 : f32 to vector<16xf32>
      %mul3A_3658 = arith.mulf %mul3A_3657, %sub3A_3655 : vector<16xf32>
      %add3A_3659 = arith.addf %mul3A_3658, %get3A_3649 : vector<16xf32>
      %jit3A_3660 = arith.constant 0.000000e+00 : f32
      %broadcast_in_dim3A_3661 = vector.broadcast %jit3A_3660 : f32 to vector<16xf32>
      %select_n3A_3662 = arith.select %lt3A_22, %get3A_3653, %broadcast_in_dim3A_3661 : vector<16xi1>, vector<16xf32>
      %add3A_3663 = arith.addf %add3A_3659, %select_n3A_3662 : vector<16xf32>
      %eq3A_3664 = arith.constant 14 : i32
      %eq3A_3665 = vector.broadcast %eq3A_3664 : i32 to vector<16xi32>
      %eq3A_3666 = arith.cmpi eq, %iota3A, %eq3A_3665 : vector<16xi32>
      %reduce_sum3A_3667 = arith.constant true
      %reduce_sum3A_3668 = vector.broadcast %reduce_sum3A_3667 : i1 to vector<16xi1>
      %reduce_sum3A_3669 = tpu.scan <sum>, %add3A_3663 masked %reduce_sum3A_3668 : vector<16xf32>, vector<16xi1> -> vector<16xf32>
      %reduce_sum3A_3670 = vector.extract %reduce_sum3A_3669[15] : f32 from vector<16xf32>
      %broadcast_in_dim3A_3671 = vector.broadcast %reduce_sum3A_3670 : f32 to vector<16xf32>
      %select_n3A_3672 = arith.select %eq3A_3666, %broadcast_in_dim3A_3671, %select_n3A_3429 : vector<16xi1>, vector<16xf32>
      %mul3A_3673 = arith.constant 16 : i32
      %mul3A_3674 = arith.muli %scan3A_31, %mul3A_3673 : i32
      %add3A_3675 = arith.constant 15 : i32
      %add3A_3676 = arith.addi %mul3A_3674, %add3A_3675 : i32
      %mul3A_3677 = arith.constant 26 : i32
      %mul3A_3678 = arith.muli %add3A_3676, %mul3A_3677 : i32
      %broadcast_in_dim3A_3679 = arith.constant 0.000000e+00 : f32
      %broadcast_in_dim3A_3680 = vector.broadcast %broadcast_in_dim3A_3679 : f32 to vector<16xf32>
      %broadcast_in_dim3A_3681 = arith.constant 0.000000e+00 : f32
      %broadcast_in_dim3A_3682 = vector.broadcast %broadcast_in_dim3A_3681 : f32 to vector<16xf32>
      %add3A_3683 = arith.constant 0 : i32
      %add3A_3684 = arith.addi %mul3A_3678, %add3A_3683 : i32
      %get3A_3685 = arith.index_cast %add3A_3684 : i32 to index
      %get3A_3686 = arith.constant 0 : index
      %get3A_3687 = tpu.vector_load %arg9[%get3A_3685, %get3A_3686] {strides = array<i32>} : memref<3328x16xf32, #tpu.memory_space<vmem>>, vector<16xf32>,
      %add3A_3688 = arith.addf %broadcast_in_dim3A_3680, %get3A_3687 : vector<16xf32>
      %mul3A_3689 = arith.mulf %get3A_3687, %get3A_3687 : vector<16xf32>
      %add3A_3690 = arith.addf %broadcast_in_dim3A_3682, %mul3A_3689 : vector<16xf32>
      %add3A_3691 = arith.constant 1 : i32
      %add3A_3692 = arith.addi %mul3A_3678, %add3A_3691 : i32
      %get3A_3693 = arith.index_cast %add3A_3692 : i32 to index
      %get3A_3694 = arith.constant 0 : index
      %get3A_3695 = tpu.vector_load %arg9[%get3A_3693, %get3A_3694] {strides = array<i32>} : memref<3328x16xf32, #tpu.memory_space<vmem>>, vector<16xf32>,
      %add3A_3696 = arith.addf %add3A_3688, %get3A_3695 : vector<16xf32>
      %mul3A_3697 = arith.mulf %get3A_3695, %get3A_3695 : vector<16xf32>
      %add3A_3698 = arith.addf %add3A_3690, %mul3A_3697 : vector<16xf32>
      %add3A_3699 = arith.constant 2 : i32
      %add3A_3700 = arith.addi %mul3A_3678, %add3A_3699 : i32
      %get3A_3701 = arith.index_cast %add3A_3700 : i32 to index
      %get3A_3702 = arith.constant 0 : index
      %get3A_3703 = tpu.vector_load %arg9[%get3A_3701, %get3A_3702] {strides = array<i32>} : memref<3328x16xf32, #tpu.memory_space<vmem>>, vector<16xf32>,
      %add3A_3704 = arith.addf %add3A_3696, %get3A_3703 : vector<16xf32>
      %mul3A_3705 = arith.mulf %get3A_3703, %get3A_3703 : vector<16xf32>
      %add3A_3706 = arith.addf %add3A_3698, %mul3A_3705 : vector<16xf32>
      %add3A_3707 = arith.constant 3 : i32
      %add3A_3708 = arith.addi %mul3A_3678, %add3A_3707 : i32
      %get3A_3709 = arith.index_cast %add3A_3708 : i32 to index
      %get3A_3710 = arith.constant 0 : index
      %get3A_3711 = tpu.vector_load %arg9[%get3A_3709, %get3A_3710] {strides = array<i32>} : memref<3328x16xf32, #tpu.memory_space<vmem>>, vector<16xf32>,
      %add3A_3712 = arith.addf %add3A_3704, %get3A_3711 : vector<16xf32>
      %mul3A_3713 = arith.mulf %get3A_3711, %get3A_3711 : vector<16xf32>
      %add3A_3714 = arith.addf %add3A_3706, %mul3A_3713 : vector<16xf32>
      %add3A_3715 = arith.constant 4 : i32
      %add3A_3716 = arith.addi %mul3A_3678, %add3A_3715 : i32
      %get3A_3717 = arith.index_cast %add3A_3716 : i32 to index
      %get3A_3718 = arith.constant 0 : index
      %get3A_3719 = tpu.vector_load %arg9[%get3A_3717, %get3A_3718] {strides = array<i32>} : memref<3328x16xf32, #tpu.memory_space<vmem>>, vector<16xf32>,
      %add3A_3720 = arith.addf %add3A_3712, %get3A_3719 : vector<16xf32>
      %mul3A_3721 = arith.mulf %get3A_3719, %get3A_3719 : vector<16xf32>
      %add3A_3722 = arith.addf %add3A_3714, %mul3A_3721 : vector<16xf32>
      %add3A_3723 = arith.constant 5 : i32
      %add3A_3724 = arith.addi %mul3A_3678, %add3A_3723 : i32
      %get3A_3725 = arith.index_cast %add3A_3724 : i32 to index
      %get3A_3726 = arith.constant 0 : index
      %get3A_3727 = tpu.vector_load %arg9[%get3A_3725, %get3A_3726] {strides = array<i32>} : memref<3328x16xf32, #tpu.memory_space<vmem>>, vector<16xf32>,
      %add3A_3728 = arith.addf %add3A_3720, %get3A_3727 : vector<16xf32>
      %mul3A_3729 = arith.mulf %get3A_3727, %get3A_3727 : vector<16xf32>
      %add3A_3730 = arith.addf %add3A_3722, %mul3A_3729 : vector<16xf32>
      %add3A_3731 = arith.constant 6 : i32
      %add3A_3732 = arith.addi %mul3A_3678, %add3A_3731 : i32
      %get3A_3733 = arith.index_cast %add3A_3732 : i32 to index
      %get3A_3734 = arith.constant 0 : index
      %get3A_3735 = tpu.vector_load %arg9[%get3A_3733, %get3A_3734] {strides = array<i32>} : memref<3328x16xf32, #tpu.memory_space<vmem>>, vector<16xf32>,
      %add3A_3736 = arith.addf %add3A_3728, %get3A_3735 : vector<16xf32>
      %mul3A_3737 = arith.mulf %get3A_3735, %get3A_3735 : vector<16xf32>
      %add3A_3738 = arith.addf %add3A_3730, %mul3A_3737 : vector<16xf32>
      %add3A_3739 = arith.constant 7 : i32
      %add3A_3740 = arith.addi %mul3A_3678, %add3A_3739 : i32
      %get3A_3741 = arith.index_cast %add3A_3740 : i32 to index
      %get3A_3742 = arith.constant 0 : index
      %get3A_3743 = tpu.vector_load %arg9[%get3A_3741, %get3A_3742] {strides = array<i32>} : memref<3328x16xf32, #tpu.memory_space<vmem>>, vector<16xf32>,
      %add3A_3744 = arith.addf %add3A_3736, %get3A_3743 : vector<16xf32>
      %mul3A_3745 = arith.mulf %get3A_3743, %get3A_3743 : vector<16xf32>
      %add3A_3746 = arith.addf %add3A_3738, %mul3A_3745 : vector<16xf32>
      %add3A_3747 = arith.constant 8 : i32
      %add3A_3748 = arith.addi %mul3A_3678, %add3A_3747 : i32
      %get3A_3749 = arith.index_cast %add3A_3748 : i32 to index
      %get3A_3750 = arith.constant 0 : index
      %get3A_3751 = tpu.vector_load %arg9[%get3A_3749, %get3A_3750] {strides = array<i32>} : memref<3328x16xf32, #tpu.memory_space<vmem>>, vector<16xf32>,
      %add3A_3752 = arith.addf %add3A_3744, %get3A_3751 : vector<16xf32>
      %mul3A_3753 = arith.mulf %get3A_3751, %get3A_3751 : vector<16xf32>
      %add3A_3754 = arith.addf %add3A_3746, %mul3A_3753 : vector<16xf32>
      %add3A_3755 = arith.constant 9 : i32
      %add3A_3756 = arith.addi %mul3A_3678, %add3A_3755 : i32
      %get3A_3757 = arith.index_cast %add3A_3756 : i32 to index
      %get3A_3758 = arith.constant 0 : index
      %get3A_3759 = tpu.vector_load %arg9[%get3A_3757, %get3A_3758] {strides = array<i32>} : memref<3328x16xf32, #tpu.memory_space<vmem>>, vector<16xf32>,
      %add3A_3760 = arith.addf %add3A_3752, %get3A_3759 : vector<16xf32>
      %mul3A_3761 = arith.mulf %get3A_3759, %get3A_3759 : vector<16xf32>
      %add3A_3762 = arith.addf %add3A_3754, %mul3A_3761 : vector<16xf32>
      %add3A_3763 = arith.constant 10 : i32
      %add3A_3764 = arith.addi %mul3A_3678, %add3A_3763 : i32
      %get3A_3765 = arith.index_cast %add3A_3764 : i32 to index
      %get3A_3766 = arith.constant 0 : index
      %get3A_3767 = tpu.vector_load %arg9[%get3A_3765, %get3A_3766] {strides = array<i32>} : memref<3328x16xf32, #tpu.memory_space<vmem>>, vector<16xf32>,
      %add3A_3768 = arith.addf %add3A_3760, %get3A_3767 : vector<16xf32>
      %mul3A_3769 = arith.mulf %get3A_3767, %get3A_3767 : vector<16xf32>
      %add3A_3770 = arith.addf %add3A_3762, %mul3A_3769 : vector<16xf32>
      %add3A_3771 = arith.constant 11 : i32
      %add3A_3772 = arith.addi %mul3A_3678, %add3A_3771 : i32
      %get3A_3773 = arith.index_cast %add3A_3772 : i32 to index
      %get3A_3774 = arith.constant 0 : index
      %get3A_3775 = tpu.vector_load %arg9[%get3A_3773, %get3A_3774] {strides = array<i32>} : memref<3328x16xf32, #tpu.memory_space<vmem>>, vector<16xf32>,
      %add3A_3776 = arith.addf %add3A_3768, %get3A_3775 : vector<16xf32>
      %mul3A_3777 = arith.mulf %get3A_3775, %get3A_3775 : vector<16xf32>
      %add3A_3778 = arith.addf %add3A_3770, %mul3A_3777 : vector<16xf32>
      %add3A_3779 = arith.constant 12 : i32
      %add3A_3780 = arith.addi %mul3A_3678, %add3A_3779 : i32
      %get3A_3781 = arith.index_cast %add3A_3780 : i32 to index
      %get3A_3782 = arith.constant 0 : index
      %get3A_3783 = tpu.vector_load %arg9[%get3A_3781, %get3A_3782] {strides = array<i32>} : memref<3328x16xf32, #tpu.memory_space<vmem>>, vector<16xf32>,
      %add3A_3784 = arith.addf %add3A_3776, %get3A_3783 : vector<16xf32>
      %mul3A_3785 = arith.mulf %get3A_3783, %get3A_3783 : vector<16xf32>
      %add3A_3786 = arith.addf %add3A_3778, %mul3A_3785 : vector<16xf32>
      %add3A_3787 = arith.constant 13 : i32
      %add3A_3788 = arith.addi %mul3A_3678, %add3A_3787 : i32
      %get3A_3789 = arith.index_cast %add3A_3788 : i32 to index
      %get3A_3790 = arith.constant 0 : index
      %get3A_3791 = tpu.vector_load %arg9[%get3A_3789, %get3A_3790] {strides = array<i32>} : memref<3328x16xf32, #tpu.memory_space<vmem>>, vector<16xf32>,
      %add3A_3792 = arith.addf %add3A_3784, %get3A_3791 : vector<16xf32>
      %mul3A_3793 = arith.mulf %get3A_3791, %get3A_3791 : vector<16xf32>
      %add3A_3794 = arith.addf %add3A_3786, %mul3A_3793 : vector<16xf32>
      %add3A_3795 = arith.constant 14 : i32
      %add3A_3796 = arith.addi %mul3A_3678, %add3A_3795 : i32
      %get3A_3797 = arith.index_cast %add3A_3796 : i32 to index
      %get3A_3798 = arith.constant 0 : index
      %get3A_3799 = tpu.vector_load %arg9[%get3A_3797, %get3A_3798] {strides = array<i32>} : memref<3328x16xf32, #tpu.memory_space<vmem>>, vector<16xf32>,
      %add3A_3800 = arith.addf %add3A_3792, %get3A_3799 : vector<16xf32>
      %mul3A_3801 = arith.mulf %get3A_3799, %get3A_3799 : vector<16xf32>
      %add3A_3802 = arith.addf %add3A_3794, %mul3A_3801 : vector<16xf32>
      %add3A_3803 = arith.constant 15 : i32
      %add3A_3804 = arith.addi %mul3A_3678, %add3A_3803 : i32
      %get3A_3805 = arith.index_cast %add3A_3804 : i32 to index
      %get3A_3806 = arith.constant 0 : index
      %get3A_3807 = tpu.vector_load %arg9[%get3A_3805, %get3A_3806] {strides = array<i32>} : memref<3328x16xf32, #tpu.memory_space<vmem>>, vector<16xf32>,
      %add3A_3808 = arith.addf %add3A_3800, %get3A_3807 : vector<16xf32>
      %mul3A_3809 = arith.mulf %get3A_3807, %get3A_3807 : vector<16xf32>
      %add3A_3810 = arith.addf %add3A_3802, %mul3A_3809 : vector<16xf32>
      %add3A_3811 = arith.constant 16 : i32
      %add3A_3812 = arith.addi %mul3A_3678, %add3A_3811 : i32
      %get3A_3813 = arith.index_cast %add3A_3812 : i32 to index
      %get3A_3814 = arith.constant 0 : index
      %get3A_3815 = tpu.vector_load %arg9[%get3A_3813, %get3A_3814] {strides = array<i32>} : memref<3328x16xf32, #tpu.memory_space<vmem>>, vector<16xf32>,
      %add3A_3816 = arith.addf %add3A_3808, %get3A_3815 : vector<16xf32>
      %mul3A_3817 = arith.mulf %get3A_3815, %get3A_3815 : vector<16xf32>
      %add3A_3818 = arith.addf %add3A_3810, %mul3A_3817 : vector<16xf32>
      %add3A_3819 = arith.constant 17 : i32
      %add3A_3820 = arith.addi %mul3A_3678, %add3A_3819 : i32
      %get3A_3821 = arith.index_cast %add3A_3820 : i32 to index
      %get3A_3822 = arith.constant 0 : index
      %get3A_3823 = tpu.vector_load %arg9[%get3A_3821, %get3A_3822] {strides = array<i32>} : memref<3328x16xf32, #tpu.memory_space<vmem>>, vector<16xf32>,
      %add3A_3824 = arith.addf %add3A_3816, %get3A_3823 : vector<16xf32>
      %mul3A_3825 = arith.mulf %get3A_3823, %get3A_3823 : vector<16xf32>
      %add3A_3826 = arith.addf %add3A_3818, %mul3A_3825 : vector<16xf32>
      %add3A_3827 = arith.constant 18 : i32
      %add3A_3828 = arith.addi %mul3A_3678, %add3A_3827 : i32
      %get3A_3829 = arith.index_cast %add3A_3828 : i32 to index
      %get3A_3830 = arith.constant 0 : index
      %get3A_3831 = tpu.vector_load %arg9[%get3A_3829, %get3A_3830] {strides = array<i32>} : memref<3328x16xf32, #tpu.memory_space<vmem>>, vector<16xf32>,
      %add3A_3832 = arith.addf %add3A_3824, %get3A_3831 : vector<16xf32>
      %mul3A_3833 = arith.mulf %get3A_3831, %get3A_3831 : vector<16xf32>
      %add3A_3834 = arith.addf %add3A_3826, %mul3A_3833 : vector<16xf32>
      %add3A_3835 = arith.constant 19 : i32
      %add3A_3836 = arith.addi %mul3A_3678, %add3A_3835 : i32
      %get3A_3837 = arith.index_cast %add3A_3836 : i32 to index
      %get3A_3838 = arith.constant 0 : index
      %get3A_3839 = tpu.vector_load %arg9[%get3A_3837, %get3A_3838] {strides = array<i32>} : memref<3328x16xf32, #tpu.memory_space<vmem>>, vector<16xf32>,
      %add3A_3840 = arith.addf %add3A_3832, %get3A_3839 : vector<16xf32>
      %mul3A_3841 = arith.mulf %get3A_3839, %get3A_3839 : vector<16xf32>
      %add3A_3842 = arith.addf %add3A_3834, %mul3A_3841 : vector<16xf32>
      %add3A_3843 = arith.constant 20 : i32
      %add3A_3844 = arith.addi %mul3A_3678, %add3A_3843 : i32
      %get3A_3845 = arith.index_cast %add3A_3844 : i32 to index
      %get3A_3846 = arith.constant 0 : index
      %get3A_3847 = tpu.vector_load %arg9[%get3A_3845, %get3A_3846] {strides = array<i32>} : memref<3328x16xf32, #tpu.memory_space<vmem>>, vector<16xf32>,
      %add3A_3848 = arith.addf %add3A_3840, %get3A_3847 : vector<16xf32>
      %mul3A_3849 = arith.mulf %get3A_3847, %get3A_3847 : vector<16xf32>
      %add3A_3850 = arith.addf %add3A_3842, %mul3A_3849 : vector<16xf32>
      %add3A_3851 = arith.constant 21 : i32
      %add3A_3852 = arith.addi %mul3A_3678, %add3A_3851 : i32
      %get3A_3853 = arith.index_cast %add3A_3852 : i32 to index
      %get3A_3854 = arith.constant 0 : index
      %get3A_3855 = tpu.vector_load %arg9[%get3A_3853, %get3A_3854] {strides = array<i32>} : memref<3328x16xf32, #tpu.memory_space<vmem>>, vector<16xf32>,
      %add3A_3856 = arith.addf %add3A_3848, %get3A_3855 : vector<16xf32>
      %mul3A_3857 = arith.mulf %get3A_3855, %get3A_3855 : vector<16xf32>
      %add3A_3858 = arith.addf %add3A_3850, %mul3A_3857 : vector<16xf32>
      %add3A_3859 = arith.constant 22 : i32
      %add3A_3860 = arith.addi %mul3A_3678, %add3A_3859 : i32
      %get3A_3861 = arith.index_cast %add3A_3860 : i32 to index
      %get3A_3862 = arith.constant 0 : index
      %get3A_3863 = tpu.vector_load %arg9[%get3A_3861, %get3A_3862] {strides = array<i32>} : memref<3328x16xf32, #tpu.memory_space<vmem>>, vector<16xf32>,
      %add3A_3864 = arith.addf %add3A_3856, %get3A_3863 : vector<16xf32>
      %mul3A_3865 = arith.mulf %get3A_3863, %get3A_3863 : vector<16xf32>
      %add3A_3866 = arith.addf %add3A_3858, %mul3A_3865 : vector<16xf32>
      %add3A_3867 = arith.constant 23 : i32
      %add3A_3868 = arith.addi %mul3A_3678, %add3A_3867 : i32
      %get3A_3869 = arith.index_cast %add3A_3868 : i32 to index
      %get3A_3870 = arith.constant 0 : index
      %get3A_3871 = tpu.vector_load %arg9[%get3A_3869, %get3A_3870] {strides = array<i32>} : memref<3328x16xf32, #tpu.memory_space<vmem>>, vector<16xf32>,
      %add3A_3872 = arith.addf %add3A_3864, %get3A_3871 : vector<16xf32>
      %mul3A_3873 = arith.mulf %get3A_3871, %get3A_3871 : vector<16xf32>
      %add3A_3874 = arith.addf %add3A_3866, %mul3A_3873 : vector<16xf32>
      %add3A_3875 = arith.constant 24 : i32
      %add3A_3876 = arith.addi %mul3A_3678, %add3A_3875 : i32
      %get3A_3877 = arith.index_cast %add3A_3876 : i32 to index
      %get3A_3878 = arith.constant 0 : index
      %get3A_3879 = tpu.vector_load %arg9[%get3A_3877, %get3A_3878] {strides = array<i32>} : memref<3328x16xf32, #tpu.memory_space<vmem>>, vector<16xf32>,
      %add3A_3880 = arith.addf %add3A_3872, %get3A_3879 : vector<16xf32>
      %mul3A_3881 = arith.mulf %get3A_3879, %get3A_3879 : vector<16xf32>
      %add3A_3882 = arith.addf %add3A_3874, %mul3A_3881 : vector<16xf32>
      %add3A_3883 = arith.constant 25 : i32
      %add3A_3884 = arith.addi %mul3A_3678, %add3A_3883 : i32
      %get3A_3885 = arith.index_cast %add3A_3884 : i32 to index
      %get3A_3886 = arith.constant 0 : index
      %get3A_3887 = tpu.vector_load %arg9[%get3A_3885, %get3A_3886] {strides = array<i32>} : memref<3328x16xf32, #tpu.memory_space<vmem>>, vector<16xf32>,
      %add3A_3888 = arith.addf %add3A_3880, %get3A_3887 : vector<16xf32>
      %mul3A_3889 = arith.mulf %get3A_3887, %get3A_3887 : vector<16xf32>
      %add3A_3890 = arith.addf %add3A_3882, %mul3A_3889 : vector<16xf32>
      %get3A_3891 = arith.index_cast %mul3A_3678 : i32 to index
      %get3A_3892 = tpu.vector_load %arg10[%get3A_3891] {strides = array<i32>} : memref<3344xf32, #tpu.memory_space<vmem>>, vector<16xf32>,
      %add3A_3893 = arith.constant 16 : i32
      %add3A_3894 = arith.addi %mul3A_3678, %add3A_3893 : i32
      %get3A_3895 = arith.index_cast %add3A_3894 : i32 to index
      %get3A_3896 = tpu.vector_load %arg10[%get3A_3895] {strides = array<i32>} : memref<3344xf32, #tpu.memory_space<vmem>>, vector<16xf32>,
      %mul3A_3897 = arith.mulf %add3A_3888, %add3A_3888 : vector<16xf32>
      %sub3A_3898 = arith.subf %mul3A_3897, %add3A_3890 : vector<16xf32>
      %mul3A_3899 = arith.constant 5.000000e-01 : f32
      %mul3A_3900 = vector.broadcast %mul3A_3899 : f32 to vector<16xf32>
      %mul3A_3901 = arith.mulf %mul3A_3900, %sub3A_3898 : vector<16xf32>
      %add3A_3902 = arith.addf %mul3A_3901, %get3A_3892 : vector<16xf32>
      %jit3A_3903 = arith.constant 0.000000e+00 : f32
      %broadcast_in_dim3A_3904 = vector.broadcast %jit3A_3903 : f32 to vector<16xf32>
      %select_n3A_3905 = arith.select %lt3A_22, %get3A_3896, %broadcast_in_dim3A_3904 : vector<16xi1>, vector<16xf32>
      %add3A_3906 = arith.addf %add3A_3902, %select_n3A_3905 : vector<16xf32>
      %eq3A_3907 = arith.constant 15 : i32
      %eq3A_3908 = vector.broadcast %eq3A_3907 : i32 to vector<16xi32>
      %eq3A_3909 = arith.cmpi eq, %iota3A, %eq3A_3908 : vector<16xi32>
      %reduce_sum3A_3910 = arith.constant true
      %reduce_sum3A_3911 = vector.broadcast %reduce_sum3A_3910 : i1 to vector<16xi1>
      %reduce_sum3A_3912 = tpu.scan <sum>, %add3A_3906 masked %reduce_sum3A_3911 : vector<16xf32>, vector<16xi1> -> vector<16xf32>
      %reduce_sum3A_3913 = vector.extract %reduce_sum3A_3912[15] : f32 from vector<16xf32>
      %broadcast_in_dim3A_3914 = vector.broadcast %reduce_sum3A_3913 : f32 to vector<16xf32>
      %select_n3A_3915 = arith.select %eq3A_3909, %broadcast_in_dim3A_3914, %select_n3A_3672 : vector<16xi1>, vector<16xf32>
      %add3A_3916 = arith.addf %select_n3A_3915, %get3A_20 : vector<16xf32>
      %mul3A_3917 = arith.constant 16 : i32
      %mul3A_3918 = arith.muli %scan3A_31, %mul3A_3917 : i32
      %swap3A = arith.index_cast %mul3A_3918 : i32 to index
      %swap3A_3919 = tpu.vector_load %arg11[%swap3A] {strides = array<i32>} : memref<128xf32, #tpu.memory_space<vmem>>, vector<16xf32>,
      tpu.vector_store %arg11[%swap3A], %add3A_3916 {strides = array<i32>} : memref<128xf32, #tpu.memory_space<vmem>>, vector<16xf32>,
    }
    %scan3A_28 = arith.constant 8 : i32
    %mul3A_29 = arith.constant 128 : i32
    %mul3A_30 = arith.muli %add3A, %mul3A_29 : i32
    "tpu.region"() ({
      %run_scoped3A = tpu.sem_alloc : memref<!tpu.dma_semaphore, #tpu.memory_space<semaphore_mem>>
      %dma_start3A = tpu.memref_slice %arg6[%mul3A_30] : memref<4096xf32, #tpu.memory_space<hbm>> -> memref<128xf32, #tpu.memory_space<hbm>>
      %dma_start3A_31 = tpu.memref_slice %arg6[%mul3A_30] : memref<4096xf32, #tpu.memory_space<hbm>> -> memref<128xf32, #tpu.memory_space<hbm>>
      tpu.enqueue_dma source(%arg11 : memref<128xf32, #tpu.memory_space<vmem>>) target(%dma_start3A_31 : memref<128xf32, #tpu.memory_space<hbm>>) target_semaphore(%run_scoped3A : memref<!tpu.dma_semaphore, #tpu.memory_space<semaphore_mem>>)
      %dma_wait3A = tpu.memref_slice %arg6[%mul3A_30] : memref<4096xf32, #tpu.memory_space<hbm>> -> memref<128xf32, #tpu.memory_space<hbm>>
      %dma_wait3A_32 = tpu.memref_slice %arg6[%mul3A_30] : memref<4096xf32, #tpu.memory_space<hbm>> -> memref<128xf32, #tpu.memory_space<hbm>>
      tpu.wait_dma2 semaphore(%run_scoped3A : memref<!tpu.dma_semaphore, #tpu.memory_space<semaphore_mem>>) src(%arg11 : memref<128xf32, #tpu.memory_space<vmem>>) dst(%dma_wait3A_32 : memref<128xf32, #tpu.memory_space<hbm>>)
      tpu.yield
    }) : () -> ()
    return
  }
}

</mosaic_0001>

<sc_bundles>
// kernel: _fm.3.cloned.1.call-start
scs
__scs_entry_jumppad:
0x0: {  	(pc) =	sbr.rel $0x88, $3  }
0x1: {  	(tag) =	ssettag $0x0;
	lr =	simm.s32 $0x1  }
0x2: {  	[smem:$0x3F9D] =	sst lr;
	_ =	strace $0xD0000000  }
0x3: {  	_ = 	snop  }
0x4: {  	_ = 	snop  }
0x5: {  	_ = 	snop  }
0x6: {  	_ = 	snop  }
0x7: {  	_ = 	snop  }
__scs_overlays_trampoline_lowered:
0x8: {  	[smem:$0x3FAC] =	sst s0  }
0x9: {  	[smem:$0x3FAD] =	sst s1  }
0xa: {  	[smem:$0x3FAE] =	sst s2  }
0xb: {  	[smem:$0x3FAF] =	sst s3  }
0xc: {  	[smem:$0x3FB0] =	sst s4  }
0xd: {  	[smem:$0x3FB1] =	sst s5  }
0xe: {  	[smem:$0x3FB2] =	sst s6  }
0xf: {  	[smem:$0x3FB3] =	sst s7  }
0x10: {  	[smem:$0x3FB4] =	sst s8  }
0x11: {  	[smem:$0x3FB5] =	sst s9;
	s0 =	simm.s32 @!p0 $0x0  }
0x12: {  	s1 =	sld [smem:$0x3F9B];
	s0 =	simm.s32 @p0 $0x1  }
0x13: {  	[smem:$0x3FB6] =	sst s0;
	s0 =	simm.s32 @!p1 $0x0  }
0x14: {  	s2 =	sld [smem:$0x3F9A];
	s0 =	simm.s32 @p1 $0x1  }
0x15: {  	[smem:$0x3FB7] =	sst s0;
	s0 =	simm.s32 @!p2 $0x0  }
0x16: {  	s3 =	sld [smem:$0x3FDB];
	s0 =	simm.s32 @p2 $0x1  }
0x17: {  	s4 =	simm.s32 $0x1BF5;
	[smem:$0x3FB9] =	sst s0  }
0x18: {  	s0 =	sld [smem:$0x3F9C];
	_ =	swait.ge [sflag:s4], $0x0  }
0x19: {  	s7 =	sld [smem:$0x3F9D]  }
0x1a: {  	s8 =	sadd.s32 $0xFFFFE003, lr  }
0x1b: {  	s9 =	sadd.s32 $0xFFFFFEF7, lr;
	s5 =	simm.s32 $0xFFFFFFFF;
	p2 =	slt.u32 s8, $0xFFFFF086  }
0x1c: {  	p1 =	slt.u32 s9, $0xF7A;
	s5 =	simm.s32 @!p2 $0x0  }
0x1d: {  	s5 =	simm.s32 @p1 $0x1;
	p0 =	seq.s32 s7, s2  }
0x1e: {  	s7 =	smul.u32 @!p0 $0xF7A, s2;
	p2 =	seq.s32 @!p0 s5, $0x0  }
0x1f: {  	s9 =	smul.u32 $0xF7A, s1;
	s8 =	simm.s32 @!p0 $0x1BF5;
	p2 =	por !p2, p0  }
0x20: {  	[sflag:s8] =	ssyncset.s32 @!p0 $0xFFFFF086;
	s6 =	sadd.s32 @!p0 s3, s7;
	s7 =	simm.s32 @!p0 $0x108  }
0x21: {  	s3 =	sadd.s32 s3, s9;
	s6 =	sadd.s32 @!p0 $0x88, s6;
	s7 =	simm.s32 @p2 $0x1082  }
0x22: {  	[simem:s7], [sflag:s8] =	dma.local @!p0 [hbm:s6], $0xF7A  }
0x23: {  	s9 =	sor.u32 $0xD0000000, s2;
	s6 =	simm.s32 $0x108;
	_ =	swait.ge @!p0 [sflag:s8], $0x0  }
0x24: {  	s3 =	sadd.s32 $0x88, s3;
	s6 =	simm.s32 @!p1 $0x1082;
	[sflag:s4] =	ssyncset.s32 $0xFFFFF086  }
0x25: {  	[simem:s6], [sflag:s4] =	dma.local [hbm:s3], $0xF7A  }
0x26: {  	[smem:$0x3F9D] =	sst s1;
	(tag) =	ssettag s2;
	_ =	strace s9  }
0x27: {  	s1 =	sld [smem:$0x3FAD]  }
0x28: {  	s2 =	sld [smem:$0x3FAE]  }
0x29: {  	s4 =	sld [smem:$0x3FB0]  }
0x2a: {  	p0 =	seq.s32 s5, $0x0;
	s5 =	sld [smem:$0x3FB1]  }
0x2b: {  	s6 =	sld [smem:$0x3FB2]  }
0x2c: {  	s7 =	sld [smem:$0x3FB3]  }
0x2d: {  	s3 =	simm.s32 $0x108;
	s8 =	sld [smem:$0x3FB4]  }
0x2e: {  	s3 =	simm.s32 @!p0 $0x1082;
	s9 =	sld [smem:$0x3FB5]  }
0x2f: {  	lr =	sadd.s32 s0, s3;
	s0 =	sld [smem:$0x3FAC]  }
0x30: {  	s3 =	sld [smem:$0x3FAF]  }
0x31: {  	[smem:$0x3FB8] =	sst s10  }
0x32: {  	s10 =	sld [smem:$0x3FB6];
	_ =	sdelay $0x3  }
0x33: {  	p0 =	seq.s32 s10, $0x1;
	s10 =	sld [smem:$0x3FB8];
	_ =	sdelay $0x3  }
0x34: {  	[smem:$0x3FB8] =	sst s10  }
0x35: {  	s10 =	sld [smem:$0x3FB7];
	_ =	sdelay $0x3  }
0x36: {  	p1 =	seq.s32 s10, $0x1;
	s10 =	sld [smem:$0x3FB8];
	_ =	sdelay $0x3  }
0x37: {  	[smem:$0x3FB8] =	sst s10  }
0x38: {  	s10 =	sld [smem:$0x3FB9]  }
0x39: {  	_ = 	snop;
	(pc) =	sbr.ind lr, $3  }
0x3a: {  	_ = 	snop  }
0x3b: {  	_ = 	snop  }
0x3c: {  	p2 =	seq.s32 s10, $0x1;
	s10 =	sld [smem:$0x3FB8]  }
0x3d: {  	_ =	shalt  }
0x3e: {  	_ =	shalt  }
0x3f: {  	_ =	shalt  }
0x40: {  	_ =	shalt  }
0x41: {  	_ =	shalt  }
0x42: {  	_ =	shalt  }
0x43: {  	_ =	shalt  }
0x44: {  	_ =	shalt  }
0x45: {  	_ =	shalt  }
0x46: {  	_ =	shalt  }
0x47: {  	_ =	shalt  }
0x48: {  	_ =	shalt  }
0x49: {  	_ =	shalt  }
0x4a: {  	_ =	shalt  }
0x4b: {  	_ =	shalt  }
0x4c: {  	_ =	shalt  }
0x4d: {  	_ =	shalt  }
0x4e: {  	_ =	shalt  }
0x4f: {  	_ =	shalt  }
0x50: {  	_ =	shalt  }
0x51: {  	_ =	shalt  }
0x52: {  	_ =	shalt  }
0x53: {  	_ =	shalt  }
0x54: {  	_ =	shalt  }
0x55: {  	_ =	shalt  }
0x56: {  	_ =	shalt  }
0x57: {  	_ =	shalt  }
0x58: {  	_ =	shalt  }
0x59: {  	_ =	shalt  }
0x5a: {  	_ =	shalt  }
0x5b: {  	_ =	shalt  }
0x5c: {  	_ =	shalt  }
0x5d: {  	_ =	shalt  }
0x5e: {  	_ =	shalt  }
0x5f: {  	_ =	shalt  }
0x60: {  	_ =	shalt  }
0x61: {  	_ =	shalt  }
0x62: {  	_ =	shalt  }
0x63: {  	_ =	shalt  }
0x64: {  	_ =	shalt  }
0x65: {  	_ =	shalt  }
0x66: {  	_ =	shalt  }
0x67: {  	_ =	shalt  }
0x68: {  	_ =	shalt  }
0x69: {  	_ =	shalt  }
0x6a: {  	_ =	shalt  }
0x6b: {  	_ =	shalt  }
0x6c: {  	_ =	shalt  }
0x6d: {  	_ =	shalt  }
0x6e: {  	_ =	shalt  }
0x6f: {  	_ =	shalt  }
0x70: {  	_ =	shalt  }
0x71: {  	_ =	shalt  }
0x72: {  	_ =	shalt  }
0x73: {  	_ =	shalt  }
0x74: {  	_ =	shalt  }
0x75: {  	_ =	shalt  }
0x76: {  	_ =	shalt  }
0x77: {  	_ =	shalt  }
0x78: {  	_ =	shalt  }
0x79: {  	_ =	shalt  }
0x7a: {  	_ =	shalt  }
0x7b: {  	_ =	shalt  }
0x7c: {  	_ =	shalt  }
0x7d: {  	_ =	shalt  }
0x7e: {  	_ =	shalt  }
0x7f: {  	_ =	shalt  }
0x80: {  	_ =	shalt  }
0x81: {  	_ =	shalt  }
0x82: {  	_ =	shalt  }
0x83: {  	_ =	shalt  }
0x84: {  	_ =	shalt  }
0x85: {  	_ =	shalt  }
0x86: {  	_ =	shalt  }
0x87: {  	_ =	shalt  }
.Lfunc_end0:
.L_simem_size_0:
called_computation_lowered:
.L_overlay_start_0:
0x88: {  	s2 =	sld [smem:$0x3FD9]  }
0x89: {  	s3 =	sld [smem:$0x3FFE];
	_ =	sdelay $0x1  }
0x8a: {  	s1 =	srdreg.scid  }
0x8b: {  	s0 =	sand.u32 $0x1, s1  }
0x8c: {  	s17 =	sshll.u32 s0, $0xA;
	s2 =	sadd.s32 s3, s2  }
0x8d: {  	s2 =	sadd.s32 s2, s17  }
0x8e: {  	[smem:$0x3FC4] =	sst s2  }
0x8f: {  	_ = 	snop  }
0x90: {  	s2 =	sld [smem:$0x3FC9]  }
0x91: {  	s18 =	sld [smem:$0x3FC7]  }
0x92: {  	s4 =	sld [smem:$0x3FC6]  }
0x93: {  	s5 =	sld [smem:$0x3FD0];
	(tm) =	ssettm $0x1  }
0x94: {  	s6 =	sld [smem:$0x3FFB];
	_ =	sdelay $0x3  }
0x95: {  	_ =	strace s6  }
0x96: {  	s6 =	sld [smem:$0x3FFC];
	_ =	sdelay $0x3  }
0x97: {  	_ =	strace s6  }
0x98: {  	s6 =	sld [smem:$0x3FFD];
	_ =	sdelay $0x3  }
0x99: {  	_ =	strace s6  }
0x9a: {  	_ =	strace $0x8FFFFFFF  }
0x9b: {  	s19 =	sld [smem:$0x3FDB];
	_ =	sdelay $0x1  }
0x9c: {  	s7 =	simm.s32 $_scs_section_size  }
0x9d: {  	s8 =	simm.s32 $_size__tile_overlayer_lowered;
	s9 =	simm.s32 $_tile_overlayer_lowered  }
0x9e: {  	s22 =	simm.s32 $0x1BFF;
	s21 =	sshll.u32 s9, $0x1;
	s6 =	sadd.s32 s7, s19  }
0x9f: {  	s10 =	simm.s32 $0x0;
	s20 =	sshll.u32 s8, $0x1;
	s8 =	sadd.s32 s21, s6  }
0xa0: {  	[timem:s10], [sflag:s22] =	dma.local [hbm:s8], s20  }
0xa1: {  	_ =	swait.ge [sflag:s22], s20  }
0xa2: {  	s7 =	ssub.s32 $0x0, s20;
	[sflag:s22] =	ssyncset.done $0x0  }
0xa3: {  	[sflag:s22] =	ssyncadd.s32 s7;
	_ =	sdelay $0x1  }
0xa4: {  	s23 =	simm.s32 $0x1B8B  }
0xa5: {  	_ =	swait.ge [sflag:s23], $0x1  }
0xa6: {  	[sflag:s23] =	ssyncset.done $0x0  }
0xa7: {  	s25 =	simm.s32 $0x1B8E;
	s24 =	sld [smem:$0x3FFE];
	[sflag:s23] =	ssyncadd.s32 $0xFFFFFFFF  }
0xa8: {  	s26 =	simm.s32 $execute0_lowered;
	[smem:$0x3FD2] =	sst s25  }
0xa9: {  	s8 =	sshll.u32 s26, $0x1;
	_ =	strace $0x80000046;
	[dreg:$0x1] =	wrdreg $0xFFFFFFFF  }
0xaa: {  	s28 =	simm.s32 $_size_execute0_lowered;
	s6 =	sadd.s32 s6, s8;
	[dreg:$0x0] =	wrdreg $0x0  }
0xab: {  	s8 =	sshll.u32 s28, $0x1;
	[dreg:$0x2] =	wrdreg s6  }
0xac: {  	[dreg:$0x3] =	wrdreg s8  }
0xad: {  	[dreg:$0x4] =	wrdreg $0xC0  }
0xae: {  	_ =	task [dreg:s10], $0x5FFFF  }
0xaf: {  	[dreg:$0x1] =	wrdreg $0xFFFFFFFF  }
0xb0: {  	[dreg:$0x0] =	wrdreg $0x60  }
0xb1: {  	[dreg:$0x2] =	wrdreg s2  }
0xb2: {  	[dreg:$0x3] =	wrdreg s24  }
0xb3: {  	[dreg:$0x4] =	wrdreg s18  }
0xb4: {  	[dreg:$0x5] =	wrdreg s4  }
0xb5: {  	[dreg:$0x6] =	wrdreg s5  }
0xb6: {  	[dreg:$0x7] =	wrdreg $0x9  }
0xb7: {  	_ =	task.clear_ibuf [dreg:s10], $0x8FFFF;
	_ =	strace $0x90000046  }
0xb8: {  	s29 =	simm.s32 $0x9;
	_ =	strace $0x80000048  }
0xb9: {  	_ =	swait.ge [sflag:s29], $0x1  }
0xba: {  	[sflag:s29] =	ssyncadd.s32 $0xFFFFFFFF  }
0xbb: {  	_ =	strace $0x90000048  }
0xbc: {  	_ =	sfence  }
0xbd: {  	s30 =	sld [smem:$0x0];
	_ =	sdelay $0x2  }
0xbe: {  	s31 =	sshll.u32 s1, $0xD;
	s1 =	sshrl.u32 s1, $0x2  }
0xbf: {  	s3 =	sand.u32 $0x4000, s31;
	s1 =	sadd.s32 s1, s30  }
0xc0: {  	s0 =	sor.u32 s3, s0;
	s1 =	sshll.u32 s1, $0x11  }
0xc1: {  	s0 =	sor.u32 s1, s0  }
0xc2: {  	s0 =	sadd.s32 $0x8F2B, s0  }
0xc3: {  	[sflag:s0] =	ssyncadd.remote.s32 $0x1  }
0xc4: {  	_ =	sfence.sel $0xFFFF  }
0xc5: {  	[dreg:$0x0] =	wrdreg $0xFFFFFFFF;
	(pc) =	sbr.abs _section_cstart, $3  }
0xc6: {  	[dreg:$0x1] =	wrdreg $0xFFFFFFFF  }
0xc7: {  	_ =	task.clear_ibuf [dreg:s10], $0x2FFFF;
	_ =	strace $0x9FFFFFFF  }
0xc8: {  	(tm) =	ssettm $0x7FFFFFFF  }
0xc9: {  	_ =	shalt  }
tec
execute0_lowered:
.L_overlay_start_1:
0x0: {  	(tag) =	ssettag $0x1  }
0x1: {  	s6 =	rddreg [dreg:$0x0]  }
0x2: {  	s5 =	rddreg [dreg:$0x1]  }
0x3: {  	s1 =	rddreg [dreg:$0x2]  }
0x4: {  	s3 =	rddreg [dreg:$0x3]  }
0x5: {  	s2 =	srdreg.scid;
	s0 =	stileid.u32  }
0x6: {  	s7 =	rddreg [dreg:$0x4];
	s4 =	simm.s32 $0x0;
	s12 =	simm.s32 $0x1  }
0x7: {  	s13 =	simm.s32 $0x2;
	s14 =	simm.s32 $0xF710;
	s15 =	simm.s32 $0x0  }
0x8: {  	v0 =	vlaneseq.u32;
	s8 =	sand.u32 $0x1, s2;
	s9 =	sshll.u32 s0, $0x1;
	s2 =	rddreg [dreg:$0x5]  }
0x9: {  	vm0 =	vmmov $0x3ff;
	vm1 =	vmmov $0x1;
	vm2 =	vmmov $0x3;
	[smem:$0x7FF] =	sst s4;
	s9 =	sor.u32 s8, s9;
	s8 =	ssub.s32 $0x2, s8  }
0xa: {  	vm3 =	vmmov $0x7;
	vm4 =	vmmov $0xf;
	vm5 =	vmmov $0x1f;
	s5 =	sadd.s32 $0x27AC800, s5;
	_ =	strace $0x80000047;
	s11 =	sshrl.u32 s8, $0x1  }
0xb: {  	vm6 =	vmmov $0x3f;
	vm7 =	vmmov $0x7f;
	vm8 =	vmmov $0xff;
	s10 =	smul.u32 $0x1A0, s9;
	s9 =	sshll.u32 s9, $0x4;
	s8 =	ssub.s32 s8, s11  }
0xc: {  	vm9 =	vmmov $0x1ff;
	vm10 =	vmmov $0x7ff;
	vm11 =	vmmov $0xfff;
	s7 =	sadd.s32 s7, s9;
	s9 =	simm.s32 $0x3;
	s11 =	simm.s32 $0x80  }
0xd: {  	vm12 =	vmmov $0x1fff;
	vm13 =	vmmov $0x3fff;
	vm14 =	vmmov $0x7fff;
	s6 =	sadd.s32 s6, s10;
	s8 =	smax.u32 s8, $0x1;
	s10 =	simm.s32 $0xF790  }
.LBB2_1:
0xe: {  	[tilespmem:s4], [sflag:$0x3] =	stream.linear.gather [hbm4b:s6+s4], $0xD00, $0x38;
	[tilespmem:$0xF7A0] =	vst v63  }
0xf: {  	_ =	swait.ge [sflag:s9], $0xD00  }
0x10: {  	[sflag:s9] =	ssyncset.done $0x0  }
0x11: {  	s16 =	simm.s32 $0x0;
	[sflag:s9] =	ssyncadd.s32 $0xFFFFF300  }
0x12: {  	v1 =	vor.u32 s16, v0;
	[tilespmem:s10], [sflag:$0x3] =	stream.linear.gather [hbm4b:s3+s4], $0x10, $0x38;
	[tilespmem:$0xF7A0] =	vst v63  }
0x13: {  	v2 =	vmulhi.u32 $0x4EC4EC4F, v1;
	_ =	swait.ge [sflag:s9], $0x10  }
0x14: {  	[sflag:s9] =	ssyncset.done $0x0  }
0x15: {  	s17 =	simm.s32 $0x40;
	v2 =	vshrl.u32 v2, $0x3;
	[sflag:s9] =	ssyncadd.s32 $0xFFFFFFF0  }
0x16: {  	v2 =	vmul.u32 $0x1A, v2;
	v3 =	vld [tilespmem:s17+$0xFFFFFFC0];
	_ =	sdelay $0x1  }
0x17: {  	s25 =	simm.s32 $0x10;
	v1 =	vsub.s32 v1, v2  }
0x18: {  	v2 =	vor.u32 s25, v0;
	v1 =	vmul.u32 $0x186A0, v1  }
0x19: {  	v4 =	vmulhi.u32 $0x4EC4EC4F, v2  }
0x1a: {  	s16 =	simm.s32 $0xD40;
	v1 =	vadd.s32 v1, v3  }
0x1b: {  	[tilespmem:s16+$0xFFFFFFC0] =	vst v1;
	v1 =	vshrl.u32 v4, $0x3  }
0x1c: {  	v1 =	vmul.u32 $0x1A, v1;
	v3 =	vld [tilespmem:s17+$0xFFFFFFD0];
	_ =	sdelay $0x1  }
0x1d: {  	s18 =	simm.s32 $0x20;
	v1 =	vsub.s32 v2, v1  }
0x1e: {  	v2 =	vor.u32 s18, v0;
	v1 =	vmul.u32 $0x186A0, v1  }
0x1f: {  	v58 =	vmulhi.u32 $0x4EC4EC4F, v2  }
0x20: {  	v1 =	vadd.s32 v1, v3  }
0x21: {  	[tilespmem:s16+$0xFFFFFFD0] =	vst v1;
	v1 =	vshrl.u32 v58, $0x3  }
0x22: {  	v1 =	vmul.u32 $0x1A, v1;
	v3 =	vld [tilespmem:s17+$0xFFFFFFE0];
	_ =	sdelay $0x1  }
0x23: {  	s26 =	simm.s32 $0x30;
	v1 =	vsub.s32 v2, v1  }
0x24: {  	v2 =	vor.u32 s26, v0;
	v1 =	vmul.u32 $0x186A0, v1  }
0x25: {  	v59 =	vmulhi.u32 $0x4EC4EC4F, v2  }
0x26: {  	v1 =	vadd.s32 v1, v3  }
0x27: {  	[tilespmem:s16+$0xFFFFFFE0] =	vst v1;
	v1 =	vshrl.u32 v59, $0x3  }
0x28: {  	v1 =	vmul.u32 $0x1A, v1;
	v3 =	vld [tilespmem:s17+$0xFFFFFFF0];
	_ =	sdelay $0x1  }
0x29: {  	s28 =	simm.s32 $0x40;
	v1 =	vsub.s32 v2, v1  }
0x2a: {  	v2 =	vor.u32 s28, v0;
	v1 =	vmul.u32 $0x186A0, v1  }
0x2b: {  	v60 =	vmulhi.u32 $0x4EC4EC4F, v2  }
0x2c: {  	v1 =	vadd.s32 v1, v3  }
0x2d: {  	[tilespmem:s16+$0xFFFFFFF0] =	vst v1;
	v1 =	vshrl.u32 v60, $0x3  }
0x2e: {  	v1 =	vmul.u32 $0x1A, v1;
	v3 =	vld [tilespmem:s17+$0x0];
	_ =	sdelay $0x1  }
0x2f: {  	s29 =	simm.s32 $0x50;
	v1 =	vsub.s32 v2, v1  }
0x30: {  	v2 =	vor.u32 s29, v0;
	v1 =	vmul.u32 $0x186A0, v1  }
0x31: {  	v61 =	vmulhi.u32 $0x4EC4EC4F, v2  }
0x32: {  	v1 =	vadd.s32 v1, v3  }
0x33: {  	[tilespmem:s16+$0x0] =	vst v1;
	v1 =	vshrl.u32 v61, $0x3  }
0x34: {  	v1 =	vmul.u32 $0x1A, v1;
	v3 =	vld [tilespmem:s17+$0x10];
	_ =	sdelay $0x1  }
0x35: {  	s30 =	simm.s32 $0x60;
	v1 =	vsub.s32 v2, v1  }
0x36: {  	v2 =	vor.u32 s30, v0;
	v1 =	vmul.u32 $0x186A0, v1  }
0x37: {  	v62 =	vmulhi.u32 $0x4EC4EC4F, v2  }
0x38: {  	v1 =	vadd.s32 v1, v3  }
0x39: {  	[tilespmem:s16+$0x10] =	vst v1;
	v1 =	vshrl.u32 v62, $0x3  }
0x3a: {  	v1 =	vmul.u32 $0x1A, v1;
	v3 =	vld [tilespmem:s17+$0x20];
	_ =	sdelay $0x1  }
0x3b: {  	s31 =	simm.s32 $0x70;
	v1 =	vsub.s32 v2, v1  }
0x3c: {  	v63 =	vor.u32 s31, v0;
	v1 =	vmul.u32 $0x186A0, v1  }
0x3d: {  	v2 =	vmulhi.u32 $0x4EC4EC4F, v63  }
0x3e: {  	v1 =	vadd.s32 v1, v3  }
0x3f: {  	v2 =	vshrl.u32 v2, $0x3;
	[tilespmem:s16+$0x20] =	vst v1  }
0x40: {  	v2 =	vmul.u32 $0x1A, v2;
	v1 =	vld [tilespmem:s17+$0x30];
	_ =	sdelay $0x1  }
0x41: {  	s20 =	simm.s32 $0x80;
	s19 =	simm.s32 $0x170;
	s18 =	simm.s32 $0xF0;
	v2 =	vsub.s32 v63, v2  }
.LBB2_2:
0x42: {  	p0 =	sne.s32 s19, $0xCF0;
	v3 =	vor.u32 s20, v0;
	v2 =	vmul.u32 $0x186A0, v2  }
0x43: {  	v4 =	vmulhi.u32 $0x4EC4EC4F, v3  }
0x44: {  	v1 =	vadd.s32 v2, v1  }
0x45: {  	s17 =	sadd.s32 $0x80, s17;
	v2 =	vshrl.u32 v4, $0x3;
	[tilespmem:s16+$0x30] =	vst v1  }
0x46: {  	v1 =	vmul.u32 $0x1A, v2;
	v2 =	vld [tilespmem:s17+$0xFFFFFFC0];
	_ =	sdelay $0x1  }
0x47: {  	s20 =	sadd.s32 $0xFFFFFFA0, s18;
	v1 =	vsub.s32 v3, v1  }
0x48: {  	v3 =	vor.u32 s20, v0;
	v1 =	vmul.u32 $0x186A0, v1  }
0x49: {  	v4 =	vmulhi.u32 $0x4EC4EC4F, v3  }
0x4a: {  	s16 =	sadd.s32 $0x80, s16;
	v1 =	vadd.s32 v1, v2  }
0x4b: {  	[tilespmem:s16+$0xFFFFFFC0] =	vst v1;
	v1 =	vshrl.u32 v4, $0x3  }
0x4c: {  	v1 =	vmul.u32 $0x1A, v1;
	v2 =	vld [tilespmem:s17+$0xFFFFFFD0];
	_ =	sdelay $0x1  }
0x4d: {  	s20 =	sadd.s32 $0xFFFFFFB0, s18;
	v1 =	vsub.s32 v3, v1  }
0x4e: {  	v3 =	vor.u32 s20, v0;
	v1 =	vmul.u32 $0x186A0, v1  }
0x4f: {  	v4 =	vmulhi.u32 $0x4EC4EC4F, v3  }
0x50: {  	v1 =	vadd.s32 v1, v2  }
0x51: {  	[tilespmem:s16+$0xFFFFFFD0] =	vst v1;
	v1 =	vshrl.u32 v4, $0x3  }
0x52: {  	v1 =	vmul.u32 $0x1A, v1;
	v2 =	vld [tilespmem:s17+$0xFFFFFFE0];
	_ =	sdelay $0x1  }
0x53: {  	s20 =	sadd.s32 $0xFFFFFFC0, s18;
	v1 =	vsub.s32 v3, v1  }
0x54: {  	v3 =	vor.u32 s20, v0;
	v1 =	vmul.u32 $0x186A0, v1  }
0x55: {  	v4 =	vmulhi.u32 $0x4EC4EC4F, v3  }
0x56: {  	v1 =	vadd.s32 v1, v2  }
0x57: {  	[tilespmem:s16+$0xFFFFFFE0] =	vst v1;
	v1 =	vshrl.u32 v4, $0x3  }
0x58: {  	v1 =	vmul.u32 $0x1A, v1;
	v2 =	vld [tilespmem:s17+$0xFFFFFFF0];
	_ =	sdelay $0x1  }
0x59: {  	s20 =	sadd.s32 $0xFFFFFFD0, s18;
	v1 =	vsub.s32 v3, v1  }
0x5a: {  	v3 =	vor.u32 s20, v0;
	v1 =	vmul.u32 $0x186A0, v1  }
0x5b: {  	v4 =	vmulhi.u32 $0x4EC4EC4F, v3  }
0x5c: {  	v1 =	vadd.s32 v1, v2  }
0x5d: {  	[tilespmem:s16+$0xFFFFFFF0] =	vst v1;
	v1 =	vshrl.u32 v4, $0x3  }
0x5e: {  	v1 =	vmul.u32 $0x1A, v1;
	v2 =	vld [tilespmem:s17+$0x0];
	_ =	sdelay $0x1  }
0x5f: {  	s20 =	sadd.s32 $0xFFFFFFE0, s18;
	v1 =	vsub.s32 v3, v1  }
0x60: {  	v3 =	vor.u32 s20, v0;
	v1 =	vmul.u32 $0x186A0, v1  }
0x61: {  	v4 =	vmulhi.u32 $0x4EC4EC4F, v3  }
0x62: {  	v1 =	vadd.s32 v1, v2  }
0x63: {  	[tilespmem:s16+$0x0] =	vst v1;
	v1 =	vshrl.u32 v4, $0x3  }
0x64: {  	v1 =	vmul.u32 $0x1A, v1;
	v2 =	vld [tilespmem:s17+$0x10];
	_ =	sdelay $0x1  }
0x65: {  	s20 =	sadd.s32 $0xFFFFFFF0, s18;
	v1 =	vsub.s32 v3, v1  }
0x66: {  	v3 =	vor.u32 s20, v0;
	v1 =	vmul.u32 $0x186A0, v1  }
0x67: {  	v4 =	vmulhi.u32 $0x4EC4EC4F, v3  }
0x68: {  	v1 =	vadd.s32 v1, v2  }
0x69: {  	[tilespmem:s16+$0x10] =	vst v1;
	v1 =	vshrl.u32 v4, $0x3  }
0x6a: {  	v1 =	vmul.u32 $0x1A, v1;
	v2 =	vld [tilespmem:s17+$0x20];
	_ =	sdelay $0x1  }
0x6b: {  	v1 =	vsub.s32 v3, v1  }
0x6c: {  	v3 =	vor.u32 s18, v0;
	s18 =	smov.u32 s19;
	v1 =	vmul.u32 $0x186A0, v1  }
0x6d: {  	v4 =	vmulhi.u32 $0x4EC4EC4F, v3  }
.Ltmp0:
0x6e: {  	v1 =	vadd.s32 v1, v2;
	(pc) =	sbr.rel @p0 .LBB2_2-.Ltmp0, $3  }
0x6f: {  	[tilespmem:s16+$0x20] =	vst v1;
	v1 =	vshrl.u32 v4, $0x3  }
0x70: {  	v2 =	vmul.u32 $0x1A, v1;
	v1 =	vld [tilespmem:s17+$0x30];
	_ =	sdelay $0x1  }
0x71: {  	s19 =	sadd.s32 $0x80, s19;
	s20 =	sadd.s32 $0xFFFFFF90, s18;
	v2 =	vsub.s32 v3, v2  }
0x72: {  	v3 =	vor.u32 s20, v0;
	v2 =	vmul.u32 $0x186A0, v2  }
0x73: {  	v4 =	vmulhi.u32 $0x4EC4EC4F, v3  }
0x74: {  	v1 =	vadd.s32 v2, v1  }
0x75: {  	s17 =	sadd.s32 $0x80, s17;
	v2 =	vshrl.u32 v4, $0x3;
	[tilespmem:s16+$0x30] =	vst v1  }
0x76: {  	v1 =	vmul.u32 $0x1A, v2;
	v2 =	vld [tilespmem:s17+$0xFFFFFFC0];
	_ =	sdelay $0x1  }
0x77: {  	s19 =	sadd.s32 $0xFFFFFFA0, s18;
	v1 =	vsub.s32 v3, v1  }
0x78: {  	v3 =	vor.u32 s19, v0;
	v1 =	vmul.u32 $0x186A0, v1  }
0x79: {  	v57 =	vmulhi.u32 $0x4EC4EC4F, v3  }
0x7a: {  	s23 =	sadd.s32 $0x80, s16;
	v1 =	vadd.s32 v1, v2  }
0x7b: {  	[tilespmem:s23+$0xFFFFFFC0] =	vst v1;
	v1 =	vshrl.u32 v57, $0x3  }
0x7c: {  	v1 =	vmul.u32 $0x1A, v1;
	v2 =	vld [tilespmem:s17+$0xFFFFFFD0];
	_ =	sdelay $0x1  }
0x7d: {  	s24 =	sadd.s32 $0xFFFFFFB0, s18;
	v1 =	vsub.s32 v3, v1  }
0x7e: {  	v3 =	vor.u32 s24, v0;
	v1 =	vmul.u32 $0x186A0, v1  }
0x7f: {  	v58 =	vmulhi.u32 $0x4EC4EC4F, v3  }
0x80: {  	v1 =	vadd.s32 v1, v2  }
0x81: {  	[tilespmem:s23+$0xFFFFFFD0] =	vst v1;
	v1 =	vshrl.u32 v58, $0x3  }
0x82: {  	v1 =	vmul.u32 $0x1A, v1;
	v2 =	vld [tilespmem:s17+$0xFFFFFFE0];
	_ =	sdelay $0x1  }
0x83: {  	s25 =	sadd.s32 $0xFFFFFFC0, s18;
	v1 =	vsub.s32 v3, v1  }
0x84: {  	v3 =	vor.u32 s25, v0;
	v1 =	vmul.u32 $0x186A0, v1  }
0x85: {  	v59 =	vmulhi.u32 $0x4EC4EC4F, v3  }
0x86: {  	v1 =	vadd.s32 v1, v2  }
0x87: {  	[tilespmem:s23+$0xFFFFFFE0] =	vst v1;
	v1 =	vshrl.u32 v59, $0x3  }
0x88: {  	v1 =	vmul.u32 $0x1A, v1;
	v2 =	vld [tilespmem:s17+$0xFFFFFFF0];
	_ =	sdelay $0x1  }
0x89: {  	s26 =	sadd.s32 $0xFFFFFFD0, s18;
	v1 =	vsub.s32 v3, v1  }
0x8a: {  	v3 =	vor.u32 s26, v0;
	v1 =	vmul.u32 $0x186A0, v1  }
0x8b: {  	v60 =	vmulhi.u32 $0x4EC4EC4F, v3  }
0x8c: {  	v1 =	vadd.s32 v1, v2  }
0x8d: {  	[tilespmem:s23+$0xFFFFFFF0] =	vst v1;
	v1 =	vshrl.u32 v60, $0x3  }
0x8e: {  	v1 =	vmul.u32 $0x1A, v1;
	v2 =	vld [tilespmem:s17+$0x0];
	_ =	sdelay $0x1  }
0x8f: {  	s28 =	sadd.s32 $0xFFFFFFE0, s18;
	v1 =	vsub.s32 v3, v1  }
0x90: {  	v3 =	vor.u32 s28, v0;
	v1 =	vmul.u32 $0x186A0, v1  }
0x91: {  	v61 =	vmulhi.u32 $0x4EC4EC4F, v3  }
0x92: {  	v1 =	vadd.s32 v1, v2  }
0x93: {  	[tilespmem:s23+$0x0] =	vst v1;
	v1 =	vshrl.u32 v61, $0x3  }
0x94: {  	v1 =	vmul.u32 $0x1A, v1;
	v2 =	vld [tilespmem:s17+$0x10];
	_ =	sdelay $0x1  }
0x95: {  	s29 =	sadd.s32 $0xFFFFFFF0, s18;
	v1 =	vsub.s32 v3, v1  }
0x96: {  	v3 =	vor.u32 s29, v0;
	v1 =	vmul.u32 $0x186A0, v1  }
0x97: {  	v62 =	vmulhi.u32 $0x4EC4EC4F, v3  }
0x98: {  	v1 =	vadd.s32 v1, v2  }
0x99: {  	[tilespmem:s23+$0x10] =	vst v1;
	v1 =	vshrl.u32 v62, $0x3  }
0x9a: {  	v1 =	vmul.u32 $0x1A, v1;
	v2 =	vld [tilespmem:s17+$0x20];
	_ =	sdelay $0x1  }
0x9b: {  	v1 =	vsub.s32 v3, v1  }
0x9c: {  	v3 =	vor.u32 s18, v0;
	v1 =	vmul.u32 $0x186A0, v1  }
0x9d: {  	v63 =	vmulhi.u32 $0x4EC4EC4F, v3  }
0x9e: {  	v1 =	vadd.s32 v1, v2  }
0x9f: {  	[tilespmem:s23+$0x20] =	vst v1;
	v1 =	vshrl.u32 v63, $0x3  }
0xa0: {  	v1 =	vmul.u32 $0x1A, v1;
	v2 =	vld [tilespmem:s17+$0x30];
	_ =	sdelay $0x1  }
0xa1: {  	v1 =	vsub.s32 v3, v1  }
0xa2: {  	v1 =	vmul.u32 $0x186A0, v1;
	_ =	sdelay $0x1  }
0xa3: {  	v1 =	vadd.s32 v1, v2  }
0xa4: {  	s30 =	simm.s32 $0xD00;
	s16 =	simm.s32 $0x1A00;
	[tilespmem:s23+$0x30] =	vst v1  }
0xa5: {  	[tilespmem:s16], [sflag:$0x1] =	stream.indirect.gather [hbm4b:s5+s11], $0x10, s30, s11, $0xb8;
	[tilespmem:$0xF7A0] =	vst v63  }
0xa6: {  	s31 =	simm.s32 $0xEA00;
	s17 =	simm.s32 $0x200  }
0xa7: {  	[tilespmem:s31], [sflag:$0x2] =	stream.indirect.gather [hbm4b:s1+s11], $0x1, s30, s11, $0xb8;
	[tilespmem:$0xF7A0] =	vst v63  }
.LBB2_4:
0xa8: {  	p0 =	sne.s32 s17, $0x3200  }
.Ltmp1:
0xa9: {  	s18 =	sshra.s32 s17, $0x2;
	s17 =	sadd.s32 $0x200, s17;
	(pc) =	sbr.rel @p0 .LBB2_4-.Ltmp1, $4  }
0xaa: {  	s16 =	sadd.s32 $0x800, s16;
	s19 =	sadd.s32 $0xD00, s18  }
0xab: {  	[tilespmem:s16], [sflag:$0x1] =	stream.indirect.gather [hbm4b:s5+s11], $0x10, s19, s11, $0xb8;
	[tilespmem:$0xF7A0] =	vst v63  }
0xac: {  	s18 =	sadd.s32 $0xEA00, s18  }
0xad: {  	[tilespmem:s18], [sflag:$0x2] =	stream.indirect.gather [hbm4b:s1+s11], $0x1, s19, s11, $0xb8;
	[tilespmem:$0xF7A0] =	vst v63  }
0xae: {  	_ =	swait.ge [sflag:s12], $0x800  }
0xaf: {  	[sflag:s12] =	ssyncset.done $0x0  }
0xb0: {  	[sflag:s12] =	ssyncadd.s32 $0xFFFFF800  }
0xb1: {  	_ =	swait.ge [sflag:s13], $0x80  }
0xb2: {  	s16 =	simm.s32 $0x19;
	[sflag:s13] =	ssyncset.done $0x0  }
.LBB2_6:
0xb3: {  	p0 =	sne.s32 s16, $0x1;
	s16 =	sadd.s32 $0xFFFFFFFF, s16;
	[sflag:s13] =	ssyncadd.s32 $0xFFFFFF80  }
.Ltmp2:
0xb4: {  	_ =	swait.ge [sflag:s12], $0x800;
	(pc) =	sbr.rel @p0 .LBB2_6-.Ltmp2, $4  }
0xb5: {  	[sflag:s12] =	ssyncset.done $0x0  }
0xb6: {  	[sflag:s12] =	ssyncadd.s32 $0xFFFFF800  }
0xb7: {  	_ =	swait.ge [sflag:s13], $0x80  }
0xb8: {  	[sflag:s13] =	ssyncset.done $0x0  }
0xb9: {  	[sflag:s13] =	ssyncadd.s32 $0xFFFFFF80  }
0xba: {  	s16 =	simm.s32 $0x0;
	v1 =	vld [tilespmem:$0xF790]  }
.LBB2_8:
0xbb: {  	s17 =	smul.u32 $0x6800, s16;
	_ =	sdelay $0x1  }
0xbc: {  	s18 =	sshra.s32 s17, $0x2  }
0xbd: {  	v2 =	vld [tilespmem:s18+$0x1A00]  }
0xbe: {  	v3 =	vld [tilespmem:s18+$0x1A10]  }
0xbf: {  	v4 =	vld [tilespmem:s18+$0x1A20]  }
0xc0: {  	v6 =	vld [tilespmem:s18+$0x1A30]  }
0xc1: {  	v7 =	vld [tilespmem:s18+$0x1A40]  }
0xc2: {  	v37 =	vld [tilespmem:s18+$0x1A50]  }
0xc3: {  	v8 =	vld [tilespmem:s18+$0x1A60]  }
0xc4: {  	v41 =	vld [tilespmem:s18+$0x1BB0]  }
0xc5: {  	v9 =	vld [tilespmem:s18+$0x1A70]  }
0xc6: {  	v43 =	vld [tilespmem:s18+$0x1BC0]  }
0xc7: {  	s17 =	smul.u32 $0x1A0, s16;
	v10 =	vld [tilespmem:s18+$0x1A80]  }
0xc8: {  	v45 =	vld [tilespmem:s18+$0x1BD0]  }
0xc9: {  	v12 =	vld [tilespmem:s18+$0x1A90];
	s19 =	sshll.u32 s17, $0x4  }
0xca: {  	v47 =	vld [tilespmem:s18+$0x1BE0];
	s20 =	sor.u32 $0x1A0, s19  }
0xcb: {  	v13 =	vld [tilespmem:s18+$0x1AA0];
	s20 =	sand.u32 $0x3FFFFFA0, s20  }
0xcc: {  	v39 =	vld [tilespmem:s20+$0x1A00];
	v5 =	vadd.f32 $0.0e+00, v2;
	v2 =	vmul.f32 v2, v2;
	v38 =	vmul.f32 v6, v6  }
0xcd: {  	v50 =	vld [tilespmem:s18+$0x1BF0];
	v40 =	vmul.f32 v7, v7;
	v42 =	vmul.f32 v37, v37  }
0xce: {  	v51 =	vld [tilespmem:s18+$0x1AB0];
	v44 =	vmul.f32 v8, v8;
	v5 =	vadd.f32 v3, v5;
	v3 =	vmul.f32 v3, v3  }
0xcf: {  	v55 =	vld [tilespmem:s18+$0x1C00];
	v46 =	vmul.f32 v9, v9;
	v49 =	vmul.f32 v10, v10  }
0xd0: {  	v56 =	vld [tilespmem:s18+$0x1AC0];
	v2 =	vadd.f32 v3, v2;
	v3 =	vadd.f32 v4, v5;
	v4 =	vmul.f32 v4, v4  }
0xd1: {  	v59 =	vld [tilespmem:s18+$0x1C10];
	v53 =	vmul.f32 v45, v45;
	v54 =	vmul.f32 v12, v12;
	v11 =	vadd.f32 $0.0e+00, v39  }
0xd2: {  	v60 =	vld [tilespmem:s18+$0x1AD0];
	v57 =	vmul.f32 v47, v47;
	v2 =	vadd.f32 v4, v2;
	v3 =	vadd.f32 v6, v3  }
0xd3: {  	v63 =	vld [tilespmem:s18+$0x1C20];
	v58 =	vmul.f32 v13, v13;
	v61 =	vmul.f32 v50, v50;
	v11 =	vadd.f32 v41, v11  }
0xd4: {  	v16 =	vld [tilespmem:s18+$0x1AE0];
	v62 =	vmul.f32 v51, v51;
	v2 =	vadd.f32 v38, v2;
	v3 =	vadd.f32 v7, v3  }
0xd5: {  	v19 =	vld [tilespmem:s18+$0x1C30];
	v6 =	vmul.f32 v39, v39;
	v7 =	vmul.f32 v41, v41;
	v48 =	vadd.f32 v43, v11  }
0xd6: {  	v20 =	vld [tilespmem:s18+$0x1AF0];
	v17 =	vmul.f32 v55, v55;
	v2 =	vadd.f32 v40, v2;
	v3 =	vadd.f32 v37, v3  }
0xd7: {  	v23 =	vld [tilespmem:s18+$0x1C40];
	v5 =	vmul.f32 v43, v43;
	v6 =	vadd.f32 v7, v6;
	v52 =	vadd.f32 v45, v48  }
0xd8: {  	v27 =	vld [tilespmem:s18+$0x1C50];
	v18 =	vmul.f32 v56, v56;
	v2 =	vadd.f32 v42, v2;
	v3 =	vadd.f32 v8, v3  }
0xd9: {  	v28 =	vld [tilespmem:s18+$0x1B10];
	s21 =	sor.u32 $0x100, s19;
	v21 =	vmul.f32 v59, v59;
	v5 =	vadd.f32 v5, v6;
	v6 =	vadd.f32 v47, v52  }
0xda: {  	v31 =	vld [tilespmem:s18+$0x1C60];
	s20 =	sand.u32 $0x3FFFFF00, s21;
	v22 =	vmul.f32 v60, v60;
	v2 =	vadd.f32 v44, v2;
	v3 =	vadd.f32 v9, v3  }
0xdb: {  	v24 =	vld [tilespmem:s20+$0x1A00];
	v25 =	vmul.f32 v63, v63;
	v5 =	vadd.f32 v53, v5;
	v6 =	vadd.f32 v50, v6  }
0xdc: {  	v32 =	vld [tilespmem:s18+$0x1B20];
	v26 =	vmul.f32 v16, v16;
	v2 =	vadd.f32 v46, v2;
	v3 =	vadd.f32 v10, v3  }
0xdd: {  	v35 =	vld [tilespmem:s18+$0x1C70];
	v29 =	vmul.f32 v19, v19;
	v5 =	vadd.f32 v57, v5;
	v6 =	vadd.f32 v55, v6  }
0xde: {  	v36 =	vld [tilespmem:s18+$0x1B30];
	v30 =	vmul.f32 v20, v20;
	v2 =	vadd.f32 v49, v2;
	v3 =	vadd.f32 v12, v3  }
0xdf: {  	v15 =	vld [tilespmem:s18+$0x1DB0];
	v33 =	vmul.f32 v23, v23;
	v5 =	vadd.f32 v61, v5;
	v6 =	vadd.f32 v59, v6  }
0xe0: {  	v34 =	vmul.f32 v24, v24;
	v39 =	vld [tilespmem:s18+$0x1C80];
	v2 =	vadd.f32 v54, v2;
	v3 =	vadd.f32 v13, v3  }
0xe1: {  	v38 =	vmul.f32 v28, v28;
	v43 =	vld [tilespmem:s18+$0x1C90];
	v5 =	vadd.f32 v17, v5;
	v6 =	vadd.f32 v63, v6  }
0xe2: {  	s22 =	sadd.s32 $0x2A0, s19;
	v41 =	vmul.f32 v31, v31;
	v40 =	vld [tilespmem:s18+$0x1B40];
	v2 =	vadd.f32 v58, v2;
	v3 =	vadd.f32 v51, v3  }
0xe3: {  	s20 =	sand.u32 $0x3FFFFEA0, s22;
	v37 =	vmul.f32 v27, v27;
	v48 =	vld [tilespmem:s18+$0x1B60];
	v5 =	vadd.f32 v21, v5;
	v6 =	vadd.f32 v19, v6  }
0xe4: {  	v45 =	vmul.f32 v35, v35;
	v47 =	vld [tilespmem:s20+$0x1A00];
	v2 =	vadd.f32 v62, v2;
	v3 =	vadd.f32 v56, v3  }
0xe5: {  	s23 =	sadd.s32 $0x340, s19;
	v42 =	vmul.f32 v32, v32;
	v52 =	vld [tilespmem:s18+$0x1B70];
	v5 =	vadd.f32 v25, v5;
	v6 =	vadd.f32 v23, v6  }
0xe6: {  	s20 =	sand.u32 $0x3FFFFF40, s23;
	v44 =	vld [tilespmem:s18+$0x1B50];
	v53 =	vmul.f32 v43, v43;
	v2 =	vadd.f32 v18, v2;
	v3 =	vadd.f32 v60, v3  }
0xe7: {  	v50 =	vmul.f32 v40, v40;
	v5 =	vadd.f32 v29, v5;
	v6 =	vadd.f32 v27, v6;
	v27 =	vld [tilespmem:s20+$0x1A00]  }
0xe8: {  	v46 =	vmul.f32 v36, v36;
	v55 =	vld [tilespmem:s18+$0x1CC0];
	v2 =	vadd.f32 v22, v2;
	v3 =	vadd.f32 v16, v3  }
0xe9: {  	v57 =	vmul.f32 v47, v47;
	v5 =	vadd.f32 v33, v5;
	v6 =	vadd.f32 v31, v6;
	v31 =	vld [tilespmem:s18+$0x1D50]  }
0xea: {  	v49 =	vmul.f32 v39, v39;
	v59 =	vld [tilespmem:s18+$0x1CD0];
	v2 =	vadd.f32 v26, v2;
	v3 =	vadd.f32 v20, v3  }
0xeb: {  	v54 =	vmul.f32 v44, v44;
	v51 =	vld [tilespmem:s18+$0x1CB0];
	v5 =	vadd.f32 v37, v5;
	v6 =	vadd.f32 v35, v6  }
0xec: {  	v58 =	vmul.f32 v48, v48;
	v33 =	vld [tilespmem:s18+$0x1D60];
	v35 =	vadd.f32 $0.0e+00, v27;
	v2 =	vadd.f32 v30, v2  }
0xed: {  	v63 =	vld [tilespmem:s18+$0x1CE0];
	v62 =	vmul.f32 v52, v52;
	v3 =	vadd.f32 v24, v3;
	v5 =	vadd.f32 v41, v5  }
0xee: {  	v56 =	vld [tilespmem:s18+$0x1B80];
	v8 =	vmul.f32 v27, v27;
	v6 =	vadd.f32 v39, v6;
	v12 =	vadd.f32 v31, v35  }
0xef: {  	v37 =	vld [tilespmem:s18+$0x1D70];
	v7 =	vmul.f32 v31, v31;
	v2 =	vadd.f32 v34, v2;
	v3 =	vadd.f32 v28, v3  }
0xf0: {  	v25 =	vld [tilespmem:s18+$0x1D10];
	v61 =	vmul.f32 v51, v51;
	v5 =	vadd.f32 v45, v5;
	v6 =	vadd.f32 v43, v6  }
0xf1: {  	v60 =	vld [tilespmem:s18+$0x1B90];
	v41 =	vmul.f32 v33, v33;
	v7 =	vadd.f32 v7, v8;
	v2 =	vadd.f32 v38, v2  }
0xf2: {  	s24 =	sadd.s32 $0x4E0, s19;
	v16 =	vmul.f32 v55, v55;
	v39 =	vld [tilespmem:s18+$0x1D80];
	v3 =	vadd.f32 v32, v3;
	v5 =	vadd.f32 v49, v5  }
0xf3: {  	v18 =	vld [tilespmem:s18+$0x1CF0];
	s20 =	sand.u32 $0x3FFFFEE0, s24;
	v17 =	vmul.f32 v56, v56;
	v6 =	vadd.f32 v47, v6;
	v7 =	vadd.f32 v41, v7  }
0xf4: {  	v14 =	vld [tilespmem:s20+$0x1A00];
	v10 =	vmul.f32 v37, v37;
	v2 =	vadd.f32 v42, v2;
	v3 =	vadd.f32 v36, v3  }
0xf5: {  	v19 =	vld [tilespmem:s17+$0xEA00];
	v4 =	vmul.f32 v25, v25;
	v5 =	vadd.f32 v53, v5;
	v6 =	vadd.f32 v51, v6  }
0xf6: {  	v23 =	vld [tilespmem:s17+$0xEA10];
	v20 =	vmul.f32 v59, v59;
	v7 =	vadd.f32 v10, v7;
	v2 =	vadd.f32 v46, v2  }
0xf7: {  	v9 =	vmul.f32 v39, v39;
	v42 =	vld [tilespmem:s18+$0x1EF0];
	v3 =	vadd.f32 v40, v3;
	v5 =	vadd.f32 v57, v5  }
0xf8: {  	v22 =	vld [tilespmem:s18+$0x1D00];
	v21 =	vmul.f32 v60, v60;
	v6 =	vadd.f32 v55, v6;
	v40 =	vadd.f32 v33, v12  }
0xf9: {  	v26 =	vmul.f32 v18, v18;
	v31 =	vld [tilespmem:s18+$0x1E30];
	v46 =	vadd.f32 $0.0e+00, v14;
	v7 =	vadd.f32 v9, v7  }
0xfa: {  	v24 =	vmul.f32 v63, v63;
	v28 =	vld [tilespmem:s18+$0x1D20];
	v2 =	vadd.f32 v50, v2;
	v3 =	vadd.f32 v44, v3  }
0xfb: {  	v34 =	vnsel vm0, $0x0, v23;
	v43 =	vld [tilespmem:s18+$0x1D90];
	v5 =	vadd.f32 v61, v5;
	v6 =	vadd.f32 v59, v6  }
0xfc: {  	v23 =	vld [tilespmem:s18+$0x1E10];
	v14 =	vmul.f32 v14, v14;
	v8 =	vadd.f32 v37, v40;
	v12 =	vadd.f32 v42, v46  }
0xfd: {  	v44 =	vld [tilespmem:s18+$0x1F00];
	v13 =	vmul.f32 v42, v42;
	v2 =	vadd.f32 v54, v2;
	v3 =	vadd.f32 v48, v3  }
0xfe: {  	v30 =	vmul.f32 v22, v22;
	v45 =	vld [tilespmem:s18+$0x1DA0];
	v5 =	vadd.f32 v16, v5;
	v6 =	vadd.f32 v63, v6  }
0xff: {  	v32 =	vld [tilespmem:s18+$0x1D30];
	v53 =	vmul.f32 v15, v15;
	v8 =	vadd.f32 v39, v8;
	v13 =	vadd.f32 v13, v14  }
0x100: {  	v47 =	vld [tilespmem:s18+$0x1F10];
	v41 =	vmul.f32 v31, v31;
	v2 =	vadd.f32 v58, v2;
	v3 =	vadd.f32 v52, v3  }
0x101: {  	s25 =	sadd.s32 $0x440, s19;
	v27 =	vld [tilespmem:s18+$0x1E20];
	v36 =	vmul.f32 v28, v28;
	v5 =	vadd.f32 v20, v5;
	v6 =	vadd.f32 v18, v6  }
0x102: {  	s20 =	sand.u32 $0x3FFFFE40, s25;
	v33 =	vmul.f32 v23, v23;
	v48 =	vld [tilespmem:s18+$0x1F20];
	v8 =	vadd.f32 v43, v8;
	v12 =	vadd.f32 v44, v12  }
0x103: {  	v35 =	vld [tilespmem:s20+$0x1A00];
	v11 =	vmul.f32 v44, v44;
	v2 =	vadd.f32 v62, v2;
	v3 =	vadd.f32 v56, v3  }
0x104: {  	v38 =	vmul.f32 v32, v32;
	v50 =	vld [tilespmem:s18+$0x1F30];
	v5 =	vadd.f32 v24, v5;
	v29 =	vadd.f32 v22, v6  }
0x105: {  	v51 =	vld [tilespmem:s18+$0x1DD0];
	v10 =	vmul.f32 v47, v47;
	v49 =	vadd.f32 v45, v8;
	v11 =	vadd.f32 v11, v13  }
0x106: {  	v37 =	vmul.f32 v27, v27;
	v54 =	vld [tilespmem:s18+$0x1F40];
	v2 =	vadd.f32 v17, v2;
	v3 =	vadd.f32 v60, v3  }
0x107: {  	v55 =	vld [tilespmem:s18+$0x1DE0];
	v12 =	vadd.f32 v47, v12;
	v9 =	vmul.f32 v48, v48;
	v10 =	vadd.f32 v10, v11  }
0x108: {  	v16 =	vld [tilespmem:s18+$0x1DC0];
	v52 =	vadd.f32 v15, v49;
	v2 =	vadd.f32 v21, v2;
	v3 =	vmul.f32 v3, v3  }
0x109: {  	v58 =	vld [tilespmem:s18+$0x1F50];
	v8 =	vmul.f32 v50, v50;
	v56 =	vadd.f32 v48, v12;
	v9 =	vadd.f32 v9, v10  }
0x10a: {  	v61 =	vmul.f32 v51, v51;
	v62 =	vld [tilespmem:s18+$0x1F60];
	v2 =	vsub.f32 v3, v2;
	v3 =	vadd.f32 v26, v5  }
0x10b: {  	v59 =	vld [tilespmem:s18+$0x1DF0];
	v20 =	vmul.f32 v54, v54;
	v5 =	vadd.f32 v25, v29;
	v8 =	vadd.f32 v8, v9  }
0x10c: {  	v22 =	vld [tilespmem:s18+$0x1F70];
	v60 =	vadd.f32 v50, v56;
	v2 =	vmul.f32 $5.000000000e-01, v2;
	v6 =	vadd.f32 v30, v3  }
0x10d: {  	v42 =	vld [tilespmem:s18+$0x1FC0];
	v57 =	vmul.f32 v16, v16;
	v5 =	vadd.f32 v28, v5;
	v8 =	vadd.f32 v20, v8  }
0x10e: {  	v24 =	vmul.f32 v58, v58;
	v26 =	vld [tilespmem:s18+$0x1F80];
	v2 =	vadd.f32 v2, v19;
	v4 =	vadd.f32 v4, v6  }
0x10f: {  	v46 =	vld [tilespmem:s18+$0x1FD0];
	v28 =	vmul.f32 v62, v62;
	v5 =	vadd.f32 v32, v5;
	v19 =	vadd.f32 v54, v60  }
0x110: {  	v39 =	vld [tilespmem:s18+$0x1E50];
	v6 =	vmul.f32 v43, v43;
	v8 =	vadd.f32 v24, v8;
	v4 =	vadd.f32 v36, v4  }
0x111: {  	v30 =	vld [tilespmem:s18+$0x1F90];
	v32 =	vmul.f32 v22, v22;
	v2 =	vadd.f32 v2, v34;
	v9 =	vadd.f32 v58, v19  }
0x112: {  	v5 =	vmul.f32 v5, v5;
	v34 =	vld [tilespmem:s18+$0x1FA0];
	v8 =	vadd.f32 v28, v8;
	v4 =	vadd.f32 v38, v4  }
0x113: {  	v63 =	vld [tilespmem:s18+$0x1E00];
	v6 =	vadd.f32 v6, v7;
	v36 =	vmul.f32 v26, v26;
	v9 =	vadd.f32 v62, v9  }
0x114: {  	v3 =	vld [tilespmem:s17+$0xEA1A];
	v8 =	vadd.f32 v32, v8;
	v5 =	vsub.f32 v5, v4;
	v4 =	vmul.f32 v45, v45  }
0x115: {  	v49 =	vmul.f32 v39, v39;
	v21 =	vmul.f32 v55, v55;
	v38 =	vld [tilespmem:s18+$0x1FB0];
	v9 =	vadd.f32 v22, v9  }
0x116: {  	s26 =	sadd.s32 $0x5E0, s19;
	v47 =	vld [tilespmem:s18+$0x1E70];
	v40 =	vmul.f32 v30, v30;
	v8 =	vadd.f32 v36, v8;
	v4 =	vadd.f32 v4, v6  }
0x117: {  	s20 =	sand.u32 $0x3FFFFFE0, s26;
	v17 =	vld [tilespmem:s18+$0x2240];
	v44 =	vmul.f32 v34, v34;
	v6 =	vadd.f32 v16, v52;
	v9 =	vadd.f32 v26, v9  }
0x118: {  	v50 =	vld [tilespmem:s20+$0x1A00];
	v5 =	vmul.f32 $5.000000000e-01, v5;
	v8 =	vadd.f32 v40, v8;
	v4 =	vadd.f32 v53, v4  }
0x119: {  	v56 =	vmul.f32 v46, v46;
	v43 =	vld [tilespmem:s18+$0x1E60];
	v6 =	vadd.f32 v51, v6;
	v9 =	vadd.f32 v30, v9  }
0x11a: {  	v54 =	vld [tilespmem:s18+$0x1FF0];
	v48 =	vmul.f32 v38, v38;
	v3 =	vadd.f32 v5, v3;
	v8 =	vadd.f32 v44, v8  }
0x11b: {  	v25 =	vmul.f32 v59, v59;
	v58 =	vld [tilespmem:s18+$0x2000];
	v4 =	vadd.f32 v57, v4;
	v6 =	vadd.f32 v55, v6  }
0x11c: {  	v19 =	vld [tilespmem:s18+$0x20D0];
	v52 =	vmul.f32 v42, v42;
	v9 =	vadd.f32 v34, v9;
	v8 =	vadd.f32 v48, v8  }
0x11d: {  	v29 =	vmul.f32 v63, v63;
	v62 =	vld [tilespmem:s18+$0x2010];
	v4 =	vadd.f32 v61, v4;
	v6 =	vadd.f32 v59, v6  }
0x11e: {  	v60 =	vmul.f32 v50, v50;
	v22 =	vld [tilespmem:s18+$0x2020];
	v9 =	vadd.f32 v38, v9;
	v8 =	vadd.f32 v52, v8  }
0x11f: {  	v20 =	vmul.f32 v54, v54;
	v26 =	vld [tilespmem:s18+$0x2030];
	v4 =	vadd.f32 v21, v4;
	v6 =	vadd.f32 v63, v6  }
0x120: {  	v45 =	vmul.f32 v35, v35;
	v40 =	vld [tilespmem:s18+$0x2070];
	v9 =	vadd.f32 v42, v9;
	v8 =	vadd.f32 v56, v8  }
0x121: {  	v24 =	vmul.f32 v58, v58;
	v51 =	vld [tilespmem:s18+$0x1E80];
	v4 =	vadd.f32 v25, v4;
	v6 =	vadd.f32 v23, v6  }
0x122: {  	v28 =	vmul.f32 v62, v62;
	v30 =	vld [tilespmem:s18+$0x2040];
	v9 =	vadd.f32 v46, v9;
	v8 =	vadd.f32 v60, v8  }
0x123: {  	v53 =	vmul.f32 v43, v43;
	v55 =	vld [tilespmem:s18+$0x1E90];
	v4 =	vadd.f32 v29, v4;
	v6 =	vadd.f32 v27, v6  }
0x124: {  	v32 =	vmul.f32 v22, v22;
	v48 =	vld [tilespmem:s18+$0x20A0];
	v9 =	vadd.f32 v50, v9;
	v8 =	vadd.f32 v20, v8  }
0x125: {  	v57 =	vmul.f32 v47, v47;
	v34 =	vld [tilespmem:s18+$0x2050];
	v4 =	vadd.f32 v33, v4;
	v6 =	vadd.f32 v31, v6  }
0x126: {  	v59 =	vld [tilespmem:s18+$0x1EA0];
	v61 =	vmul.f32 v51, v51;
	v9 =	vadd.f32 v54, v9;
	v8 =	vadd.f32 v24, v8  }
0x127: {  	v38 =	vmul.f32 v30, v30;
	v52 =	vld [tilespmem:s18+$0x20B0];
	v4 =	vadd.f32 v37, v4;
	v6 =	vadd.f32 v35, v6  }
0x128: {  	s28 =	sadd.s32 $0x680, s19;
	v63 =	vld [tilespmem:s18+$0x1EB0];
	v21 =	vmul.f32 v55, v55;
	v9 =	vadd.f32 v58, v9;
	v8 =	vadd.f32 v28, v8  }
0x129: {  	s20 =	sand.u32 $0x3FFFFE80, s28;
	v42 =	vld [tilespmem:s18+$0x2090];
	v10 =	vmul.f32 v48, v48;
	v4 =	vadd.f32 v41, v4;
	v6 =	vadd.f32 v39, v6  }
0x12a: {  	s29 =	sadd.s32 $0x820, s19;
	v35 =	vmul.f32 v26, v26;
	v9 =	vadd.f32 v62, v9;
	v39 =	vld [tilespmem:s20+$0x1A00];
	v8 =	vadd.f32 v32, v8  }
0x12b: {  	v23 =	vld [tilespmem:s18+$0x1EC0];
	v25 =	vmul.f32 v59, v59;
	s20 =	sand.u32 $0x3FFFFE20, s29;
	v4 =	vadd.f32 v45, v4;
	v6 =	vadd.f32 v43, v6  }
0x12c: {  	v11 =	vmul.f32 v52, v52;
	v44 =	vld [tilespmem:s20+$0x1A00];
	v9 =	vadd.f32 v22, v9;
	v8 =	vadd.f32 v35, v8  }
0x12d: {  	v50 =	vld [tilespmem:s18+$0x2230];
	v29 =	vmul.f32 v63, v63;
	v4 =	vadd.f32 v49, v4;
	v6 =	vadd.f32 v47, v6  }
0x12e: {  	v56 =	vld [tilespmem:s18+$0x2260];
	v14 =	vmul.f32 v42, v42;
	v9 =	vadd.f32 v26, v9;
	v8 =	vadd.f32 v38, v8  }
0x12f: {  	v27 =	vld [tilespmem:s18+$0x1ED0];
	v41 =	vmul.f32 v34, v34;
	v49 =	vadd.f32 $0.0e+00, v39;
	v4 =	vadd.f32 v53, v4  }
0x130: {  	v60 =	vld [tilespmem:s18+$0x20F0];
	v12 =	vmul.f32 v39, v39;
	v6 =	vadd.f32 v51, v6;
	v9 =	vadd.f32 v30, v9  }
0x131: {  	v33 =	vmul.f32 v23, v23;
	v24 =	vld [tilespmem:s18+$0x2100];
	v18 =	vadd.f32 $0.0e+00, v44;
	v45 =	vadd.f32 v41, v8  }
0x132: {  	v37 =	vld [tilespmem:s18+$0x2060];
	v16 =	vmul.f32 v50, v50;
	v13 =	vadd.f32 v42, v49;
	v12 =	vadd.f32 v14, v12  }
0x133: {  	v20 =	vld [tilespmem:s18+$0x20E0];
	v15 =	vmul.f32 v44, v44;
	v4 =	vadd.f32 v57, v4;
	v6 =	vadd.f32 v55, v6  }
0x134: {  	v54 =	vld [tilespmem:s18+$0x2250];
	v36 =	vmul.f32 v27, v27;
	v9 =	vadd.f32 v34, v9;
	v18 =	vadd.f32 v50, v18  }
0x135: {  	v62 =	vmul.f32 v19, v19;
	v53 =	vld [tilespmem:s18+$0x20C0];
	v15 =	vadd.f32 v16, v15;
	v13 =	vadd.f32 v48, v13  }
0x136: {  	v28 =	vld [tilespmem:s18+$0x2110];
	v35 =	vmul.f32 v24, v24;
	v10 =	vadd.f32 v10, v12;
	v4 =	vadd.f32 v61, v4  }
0x137: {  	v31 =	vld [tilespmem:s17+$0xEA2A];
	v47 =	vmul.f32 v37, v37;
	v6 =	vadd.f32 v59, v6;
	v46 =	vadd.f32 v37, v9  }
0x138: {  	v32 =	vld [tilespmem:s18+$0x2120];
	v26 =	vmul.f32 v20, v20;
	v57 =	vadd.f32 v17, v18;
	v55 =	vadd.f32 v52, v13  }
0x139: {  	v22 =	vld [tilespmem:s17+$0xEA68];
	v17 =	vmul.f32 v17, v17;
	v10 =	vadd.f32 v11, v10;
	v4 =	vadd.f32 v21, v4  }
0x13a: {  	v44 =	vld [tilespmem:s18+$0x22D0];
	v9 =	vmul.f32 v53, v53;
	v6 =	vadd.f32 v63, v6;
	v8 =	vadd.f32 v40, v46  }
0x13b: {  	v39 =	vmul.f32 v28, v28;
	v41 =	vld [tilespmem:s18+$0x2140];
	v15 =	vadd.f32 v17, v15;
	v16 =	vadd.f32 v54, v57  }
0x13c: {  	v14 =	vmul.f32 v54, v54;
	v59 =	vld [tilespmem:s18+$0x2270];
	v58 =	vadd.f32 v53, v55;
	v9 =	vadd.f32 v9, v10  }
0x13d: {  	v51 =	vmul.f32 v40, v40;
	v49 =	vld [tilespmem:s18+$0x2160];
	v4 =	vadd.f32 v25, v4;
	v6 =	vadd.f32 v23, v6  }
0x13e: {  	v30 =	vmul.f32 v60, v60;
	v48 =	vld [tilespmem:s18+$0x22E0];
	v14 =	vadd.f32 v14, v15;
	v25 =	vadd.f32 v56, v16  }
0x13f: {  	v13 =	vmul.f32 v56, v56;
	v63 =	vld [tilespmem:s18+$0x2280];
	v61 =	vadd.f32 v19, v58;
	v9 =	vadd.f32 v62, v9  }
0x140: {  	v37 =	vld [tilespmem:s18+$0x2130];
	v54 =	vmul.f32 v44, v44;
	v7 =	vadd.f32 v29, v4;
	v6 =	vadd.f32 v27, v6  }
0x141: {  	v52 =	vld [tilespmem:s18+$0x22F0];
	v12 =	vmul.f32 v59, v59;
	v13 =	vadd.f32 v13, v14;
	v29 =	vadd.f32 v59, v25  }
0x142: {  	s30 =	sadd.s32 $0x780, s19;
	v8 =	vmul.f32 v8, v8;
	v27 =	vld [tilespmem:s18+$0x2290];
	v10 =	vadd.f32 v20, v61;
	v9 =	vadd.f32 v26, v9  }
0x143: {  	s20 =	sand.u32 $0x3FFFFF80, s30;
	v40 =	vld [tilespmem:s18+$0x22C0];
	v58 =	vmul.f32 v48, v48;
	v7 =	vadd.f32 v33, v7;
	v12 =	vadd.f32 v12, v13  }
0x144: {  	v57 =	vld [tilespmem:s20+$0x1A00];
	v34 =	vmul.f32 v63, v63;
	v33 =	vadd.f32 v63, v29;
	v10 =	vadd.f32 v60, v10  }
0x145: {  	v53 =	vld [tilespmem:s18+$0x2170];
	v59 =	vmul.f32 v49, v49;
	v9 =	vadd.f32 v30, v9;
	v7 =	vadd.f32 v36, v7  }
0x146: {  	v56 =	vld [tilespmem:s18+$0x2300];
	v6 =	vmul.f32 v6, v6;
	v12 =	vadd.f32 v34, v12;
	v10 =	vadd.f32 v24, v10  }
0x147: {  	v4 =	vld [tilespmem:s17+$0xEA34];
	v13 =	vadd.f32 v27, v33;
	v38 =	vmul.f32 v27, v27;
	v9 =	vadd.f32 v35, v9  }
0x148: {  	v43 =	vsub.f32 v6, v7;
	v6 =	vnsel vm0, $0x0, v31;
	v7 =	vadd.f32 v47, v45;
	v31 =	vld [tilespmem:s18+$0x22A0]  }
0x149: {  	v62 =	vmul.f32 v52, v52;
	v25 =	vld [tilespmem:s18+$0x21A0];
	v10 =	vadd.f32 v28, v10;
	v12 =	vadd.f32 v38, v12  }
0x14a: {  	v36 =	vld [tilespmem:s18+$0x22B0];
	v9 =	vadd.f32 v39, v9;
	v5 =	vmul.f32 $5.000000000e-01, v43;
	v43 =	vmul.f32 v32, v32  }
0x14b: {  	v50 =	vmul.f32 v40, v40;
	v61 =	vld [tilespmem:s18+$0x2190];
	v3 =	vadd.f32 v3, v6;
	v7 =	vadd.f32 v51, v7  }
0x14c: {  	v45 =	vld [tilespmem:s18+$0x2150];
	v47 =	vmul.f32 v37, v37;
	v10 =	vadd.f32 v32, v10;
	v9 =	vadd.f32 v43, v9  }
0x14d: {  	s31 =	sadd.s32 $0x920, s19;
	v29 =	vld [tilespmem:s18+$0x21B0];
	v7 =	vsub.f32 v8, v7;
	v4 =	vadd.f32 v5, v4;
	v42 =	vmul.f32 v31, v31  }
0x14e: {  	s20 =	sand.u32 $0x3FFFFF20, s31;
	v60 =	vld [tilespmem:s18+$0x2310];
	v51 =	vmul.f32 v41, v41;
	v13 =	vadd.f32 v31, v13;
	v10 =	vadd.f32 v37, v10  }
0x14f: {  	v24 =	vld [tilespmem:s20+$0x1A00];
	v46 =	vmul.f32 v36, v36;
	v9 =	vadd.f32 v47, v9;
	v12 =	vadd.f32 v42, v12  }
0x150: {  	v63 =	vmul.f32 v53, v53;
	v33 =	vld [tilespmem:s18+$0x21C0];
	v13 =	vadd.f32 v36, v13;
	v10 =	vadd.f32 v41, v10  }
0x151: {  	v28 =	vld [tilespmem:s18+$0x2330];
	v55 =	vmul.f32 v45, v45;
	v9 =	vadd.f32 v51, v9;
	v12 =	vadd.f32 v46, v12  }
0x152: {  	v26 =	vmul.f32 v56, v56;
	v32 =	vld [tilespmem:s18+$0x2340];
	v13 =	vadd.f32 v40, v13;
	v10 =	vadd.f32 v45, v10  }
0x153: {  	v27 =	vmul.f32 v57, v57;
	v37 =	vld [tilespmem:s18+$0x21D0];
	v9 =	vadd.f32 v55, v9;
	v12 =	vadd.f32 v50, v12  }
0x154: {  	v35 =	vmul.f32 v25, v25;
	v36 =	vld [tilespmem:s18+$0x2350];
	v13 =	vadd.f32 v44, v13;
	v10 =	vadd.f32 v49, v10  }
0x155: {  	v39 =	vmul.f32 v29, v29;
	v41 =	vld [tilespmem:s18+$0x21E0];
	v9 =	vadd.f32 v59, v9;
	v12 =	vadd.f32 v54, v12  }
0x156: {  	v30 =	vmul.f32 v60, v60;
	v40 =	vld [tilespmem:s18+$0x2360];
	v13 =	vadd.f32 v48, v13;
	v10 =	vadd.f32 v53, v10  }
0x157: {  	v34 =	vmul.f32 v24, v24;
	v45 =	vld [tilespmem:s18+$0x21F0];
	v9 =	vadd.f32 v63, v9;
	v12 =	vadd.f32 v58, v12  }
0x158: {  	v43 =	vmul.f32 v33, v33;
	v44 =	vld [tilespmem:s18+$0x2370];
	v13 =	vadd.f32 v52, v13;
	v10 =	vadd.f32 v57, v10  }
0x159: {  	v31 =	vmul.f32 v61, v61;
	v49 =	vld [tilespmem:s18+$0x2200];
	v9 =	vadd.f32 v27, v9;
	v12 =	vadd.f32 v62, v12  }
0x15a: {  	v38 =	vmul.f32 v28, v28;
	v48 =	vld [tilespmem:s18+$0x2380];
	v13 =	vadd.f32 v56, v13;
	v10 =	vadd.f32 v61, v10  }
0x15b: {  	v42 =	vmul.f32 v32, v32;
	v53 =	vld [tilespmem:s18+$0x2210];
	v9 =	vadd.f32 v31, v9;
	v12 =	vadd.f32 v26, v12  }
0x15c: {  	v47 =	vmul.f32 v37, v37;
	v61 =	vld [tilespmem:s17+$0xEA4E];
	v13 =	vadd.f32 v60, v13;
	v10 =	vadd.f32 v25, v10  }
0x15d: {  	v46 =	vmul.f32 v36, v36;
	v63 =	vld [tilespmem:s17+$0xEA5E];
	v9 =	vadd.f32 v35, v9;
	v12 =	vadd.f32 v30, v12  }
0x15e: {  	v51 =	vmul.f32 v41, v41;
	v52 =	vld [tilespmem:s18+$0x2390];
	v13 =	vadd.f32 v24, v13;
	v10 =	vadd.f32 v29, v10  }
0x15f: {  	v57 =	vld [tilespmem:s17+$0xEA44];
	v30 =	vmul.f32 $5.000000000e-01, v7;
	v9 =	vadd.f32 v39, v9;
	v12 =	vadd.f32 v34, v12  }
0x160: {  	v50 =	vmul.f32 v40, v40;
	v56 =	vld [tilespmem:s18+$0x23A0];
	v13 =	vadd.f32 v28, v13;
	v10 =	vadd.f32 v33, v10  }
0x161: {  	v55 =	vmul.f32 v45, v45;
	v60 =	vld [tilespmem:s18+$0x23B0];
	v6 =	vadd.f32 v30, v61;
	v9 =	vadd.f32 v43, v9  }
0x162: {  	s21 =	sadd.s32 $0x9C0, s19;
	v54 =	vmul.f32 v44, v44;
	v25 =	vld [tilespmem:s17+$0xEA78];
	v12 =	vadd.f32 v38, v12;
	v13 =	vadd.f32 v32, v13  }
0x163: {  	s20 =	sand.u32 $0x3FFFFFC0, s21;
	v35 =	vld [tilespmem:s18+$0x23D0];
	v10 =	vadd.f32 v37, v10;
	v38 =	vnsel vm0, $0x0, v63;
	v9 =	vadd.f32 v47, v9  }
0x164: {  	v59 =	vmul.f32 v49, v49;
	v32 =	vld [tilespmem:s20+$0x1A00];
	v5 =	vadd.f32 v6, v38;
	v12 =	vadd.f32 v42, v12  }
0x165: {  	v29 =	vld [tilespmem:s17+$0xEA82];
	v13 =	vadd.f32 v36, v13;
	v10 =	vadd.f32 v41, v10;
	v36 =	vnsel vm0, $0x0, v57  }
0x166: {  	v58 =	vmul.f32 v48, v48;
	v39 =	vld [tilespmem:s18+$0x23E0];
	v9 =	vadd.f32 v51, v9;
	v4 =	vadd.f32 v4, v36  }
0x167: {  	s22 =	sadd.s32 $0xB60, s19;
	v21 =	vmul.f32 v53, v53;
	v61 =	vld [tilespmem:s18+$0x2430];
	v12 =	vadd.f32 v46, v12;
	v13 =	vadd.f32 v40, v13  }
0x168: {  	s20 =	sand.u32 $0x3FFFFF60, s22;
	v47 =	vmul.f32 v35, v35;
	v41 =	vld [tilespmem:s18+$0x23F0];
	v10 =	vadd.f32 v45, v10;
	v9 =	vadd.f32 v55, v9  }
0x169: {  	v45 =	vld [tilespmem:s20+$0x1A00];
	v46 =	vmul.f32 v32, v32;
	v12 =	vadd.f32 v50, v12;
	v13 =	vadd.f32 v44, v13  }
0x16a: {  	v62 =	vmul.f32 v52, v52;
	v38 =	vld [tilespmem:s18+$0x2480];
	v10 =	vadd.f32 v49, v10;
	v44 =	vadd.f32 $0.0e+00, v32  }
0x16b: {  	v23 =	vmul.f32 v56, v56;
	v57 =	vld [tilespmem:s18+$0x2420];
	v9 =	vadd.f32 v59, v9;
	v8 =	vadd.f32 v47, v46  }
0x16c: {  	v49 =	vld [tilespmem:s18+$0x2400];
	v50 =	vmul.f32 v39, v39;
	v12 =	vadd.f32 v54, v12;
	v13 =	vadd.f32 v48, v13  }
0x16d: {  	v28 =	vmul.f32 v60, v60;
	v51 =	vld [tilespmem:s18+$0x2580];
	v10 =	vadd.f32 v53, v10;
	v24 =	vadd.f32 v21, v9  }
0x16e: {  	v48 =	vld [tilespmem:s18+$0x2570];
	v54 =	vmul.f32 v41, v41;
	v8 =	vadd.f32 v50, v8;
	v55 =	vadd.f32 $0.0e+00, v45  }
0x16f: {  	v42 =	vnsel vm0, $0x0, v25;
	v53 =	vld [tilespmem:s18+$0x2410];
	v12 =	vadd.f32 v58, v12;
	v13 =	vadd.f32 v52, v13  }
0x170: {  	v37 =	vld [tilespmem:s17+$0xEA92];
	v16 =	vmul.f32 v45, v45;
	v10 =	vmul.f32 v10, v10;
	v8 =	vadd.f32 v54, v8  }
0x171: {  	v21 =	vld [tilespmem:s18+$0x25B0];
	v59 =	vmul.f32 v49, v49;
	v12 =	vadd.f32 v62, v12;
	v13 =	vadd.f32 v56, v13  }
0x172: {  	v45 =	vld [tilespmem:s18+$0x2610];
	v31 =	vsub.f32 v10, v24;
	v62 =	vmul.f32 v51, v51;
	v24 =	vmul.f32 v57, v57  }
0x173: {  	v30 =	vld [tilespmem:s18+$0x2460];
	v58 =	vmul.f32 v48, v48;
	v14 =	vadd.f32 v48, v55;
	v8 =	vadd.f32 v59, v8  }
0x174: {  	v56 =	vld [tilespmem:s18+$0x2590];
	v63 =	vmul.f32 v53, v53;
	v48 =	vmul.f32 v38, v38;
	v26 =	vadd.f32 v23, v12  }
0x175: {  	v46 =	vld [tilespmem:s18+$0x24A0];
	v27 =	vadd.f32 v60, v13;
	v7 =	vmul.f32 $5.000000000e-01, v31;
	v13 =	vnsel vm0, $0x0, v37  }
0x176: {  	v60 =	vld [tilespmem:s18+$0x25A0];
	v31 =	vmul.f32 v21, v21;
	v16 =	vadd.f32 v58, v16;
	v14 =	vadd.f32 v51, v14  }
0x177: {  	v25 =	vld [tilespmem:s18+$0x25C0];
	v55 =	vmul.f32 v45, v45;
	v8 =	vadd.f32 v63, v8;
	v33 =	vadd.f32 v28, v26  }
0x178: {  	v34 =	vmul.f32 v27, v27;
	v40 =	vadd.f32 v7, v22;
	v22 =	vld [tilespmem:s18+$0x2440];
	v28 =	vmul.f32 v61, v61  }
0x179: {  	v50 =	vld [tilespmem:s18+$0x24B0];
	v16 =	vadd.f32 v62, v16;
	v23 =	vmul.f32 v56, v56;
	v14 =	vadd.f32 v56, v14  }
0x17a: {  	s23 =	sadd.s32 $0xAC0, s19;
	v37 =	vld [tilespmem:s18+$0x25F0];
	v8 =	vadd.f32 v24, v8;
	v56 =	vmul.f32 v46, v46;
	v10 =	vsub.f32 v34, v33  }
0x17b: {  	s20 =	sand.u32 $0x3FFFFEC0, s23;
	v26 =	vld [tilespmem:s18+$0x2450];
	v6 =	vadd.f32 v40, v42;
	v16 =	vadd.f32 v23, v16;
	v27 =	vmul.f32 v60, v60  }
0x17c: {  	v54 =	vld [tilespmem:s20+$0x1A00];
	v14 =	vadd.f32 v60, v14;
	v43 =	vmul.f32 $5.000000000e-01, v10;
	v10 =	vadd.f32 v35, v44  }
0x17d: {  	v58 =	vld [tilespmem:s18+$0x24D0];
	v8 =	vadd.f32 v28, v8;
	v16 =	vadd.f32 v27, v16;
	v32 =	vmul.f32 v22, v22  }
0x17e: {  	v40 =	vmul.f32 v30, v30;
	v9 =	vadd.f32 v43, v29;
	v52 =	vadd.f32 v39, v10;
	v29 =	vld [tilespmem:s18+$0x25D0]  }
0x17f: {  	v34 =	vld [tilespmem:s18+$0x2470];
	v47 =	vmul.f32 v37, v37;
	v14 =	vadd.f32 v21, v14;
	v8 =	vadd.f32 v32, v8  }
0x180: {  	v33 =	vld [tilespmem:s18+$0x25E0];
	v36 =	vmul.f32 v26, v26;
	v7 =	vadd.f32 v9, v13;
	v9 =	vadd.f32 v41, v52  }
0x181: {  	v62 =	vld [tilespmem:s18+$0x24E0];
	v35 =	vmul.f32 v25, v25;
	v16 =	vadd.f32 v31, v16;
	v14 =	vadd.f32 v25, v14  }
0x182: {  	v42 =	vld [tilespmem:s18+$0x2490];
	v60 =	vmul.f32 v50, v50;
	v8 =	vadd.f32 v36, v8;
	v9 =	vadd.f32 v49, v9  }
0x183: {  	v23 =	vld [tilespmem:s18+$0x24F0];
	v16 =	vadd.f32 v35, v16;
	v39 =	vmul.f32 v29, v29;
	v14 =	vadd.f32 v29, v14  }
0x184: {  	v44 =	vmul.f32 v34, v34;
	v41 =	vld [tilespmem:s18+$0x2600];
	v8 =	vadd.f32 v40, v8;
	v9 =	vadd.f32 v53, v9  }
0x185: {  	v27 =	vld [tilespmem:s18+$0x2500];
	v43 =	vmul.f32 v33, v33;
	v16 =	vadd.f32 v39, v16;
	v14 =	vadd.f32 v33, v14  }
0x186: {  	v21 =	vmul.f32 v54, v54;
	v31 =	vld [tilespmem:s18+$0x2510];
	v8 =	vadd.f32 v44, v8;
	v9 =	vadd.f32 v57, v9  }
0x187: {  	v25 =	vmul.f32 v58, v58;
	v49 =	vld [tilespmem:s18+$0x2620];
	v16 =	vadd.f32 v43, v16;
	v14 =	vadd.f32 v37, v14  }
0x188: {  	v52 =	vmul.f32 v42, v42;
	v35 =	vld [tilespmem:s18+$0x2520];
	v8 =	vadd.f32 v48, v8;
	v9 =	vadd.f32 v61, v9  }
0x189: {  	v53 =	vld [tilespmem:s18+$0x2630];
	v51 =	vmul.f32 v41, v41;
	v16 =	vadd.f32 v47, v16;
	v14 =	vadd.f32 v41, v14  }
0x18a: {  	v29 =	vmul.f32 v62, v62;
	v39 =	vld [tilespmem:s18+$0x2530];
	v8 =	vadd.f32 v52, v8;
	v9 =	vadd.f32 v22, v9  }
0x18b: {  	v33 =	vmul.f32 v23, v23;
	v57 =	vld [tilespmem:s18+$0x2640];
	v16 =	vadd.f32 v51, v16;
	v14 =	vadd.f32 v45, v14  }
0x18c: {  	v59 =	vmul.f32 v49, v49;
	v43 =	vld [tilespmem:s18+$0x2540];
	v8 =	vadd.f32 v56, v8;
	v9 =	vadd.f32 v26, v9  }
0x18d: {  	s24 =	sadd.s32 $0xC60, s19;
	v37 =	vmul.f32 v27, v27;
	v61 =	vld [tilespmem:s18+$0x2650];
	v16 =	vadd.f32 v55, v16;
	v14 =	vadd.f32 v49, v14  }
0x18e: {  	s25 =	sadd.s32 $0xD00, s19;
	s20 =	sand.u32 $0x3FFFFE60, s24;
	v63 =	vmul.f32 v53, v53;
	v47 =	vld [tilespmem:s18+$0x2550];
	v8 =	vadd.f32 v60, v8;
	v9 =	vadd.f32 v30, v9  }
0x18f: {  	v41 =	vmul.f32 v31, v31;
	v22 =	vld [tilespmem:s20+$0x1A00];
	s20 =	sand.u32 $0x3FFFFF00, s25;
	v16 =	vadd.f32 v59, v16;
	v14 =	vadd.f32 v53, v14  }
0x190: {  	v24 =	vmul.f32 v57, v57;
	v56 =	vld [tilespmem:s20+$0x1A00];
	v8 =	vadd.f32 v21, v8;
	v9 =	vadd.f32 v34, v9  }
0x191: {  	v45 =	vmul.f32 v35, v35;
	v26 =	vld [tilespmem:s18+$0x2670];
	v16 =	vadd.f32 v63, v16;
	v14 =	vadd.f32 v57, v14  }
0x192: {  	v28 =	vmul.f32 v61, v61;
	v30 =	vld [tilespmem:s18+$0x2680];
	v8 =	vadd.f32 v25, v8;
	v9 =	vadd.f32 v38, v9  }
0x193: {  	v49 =	vmul.f32 v39, v39;
	v34 =	vld [tilespmem:s18+$0x2690];
	v16 =	vadd.f32 v24, v16;
	v14 =	vadd.f32 v61, v14  }
0x194: {  	v32 =	vmul.f32 v22, v22;
	v63 =	vld [tilespmem:s18+$0x2720];
	v8 =	vadd.f32 v29, v8;
	v9 =	vadd.f32 v42, v9  }
0x195: {  	v53 =	vmul.f32 v43, v43;
	v38 =	vld [tilespmem:s18+$0x26A0];
	v16 =	vadd.f32 v28, v16;
	v14 =	vadd.f32 v22, v14  }
0x196: {  	v59 =	vmul.f32 v47, v47;
	v61 =	vld [tilespmem:s18+$0x26F0];
	v8 =	vadd.f32 v33, v8;
	v9 =	vadd.f32 v46, v9  }
0x197: {  	v36 =	vmul.f32 v26, v26;
	v42 =	vld [tilespmem:s18+$0x26B0];
	v16 =	vadd.f32 v32, v16;
	v14 =	vadd.f32 v26, v14  }
0x198: {  	v40 =	vmul.f32 v30, v30;
	v28 =	vld [tilespmem:s17+$0xEAAC];
	v8 =	vadd.f32 v37, v8;
	v26 =	vadd.f32 $0.0e+00, v56  }
0x199: {  	v29 =	vmul.f32 v56, v56;
	v46 =	vld [tilespmem:s18+$0x26C0];
	v9 =	vadd.f32 v50, v9;
	v16 =	vadd.f32 v36, v16  }
0x19a: {  	v44 =	vmul.f32 v34, v34;
	v56 =	vld [tilespmem:s18+$0x28F0];
	v14 =	vadd.f32 v30, v14;
	v8 =	vadd.f32 v41, v8  }
0x19b: {  	v33 =	vmul.f32 v63, v63;
	v50 =	vld [tilespmem:s18+$0x26D0];
	v9 =	vadd.f32 v54, v9;
	v16 =	vadd.f32 v40, v16  }
0x19c: {  	v48 =	vmul.f32 v38, v38;
	v54 =	vld [tilespmem:s18+$0x26E0];
	v14 =	vadd.f32 v34, v14;
	v8 =	vadd.f32 v45, v8  }
0x19d: {  	s26 =	sadd.s32 $0xEA0, s19;
	v19 =	vmul.f32 v61, v61;
	v40 =	vld [tilespmem:s18+$0x28B0];
	v9 =	vadd.f32 v58, v9;
	v16 =	vadd.f32 v44, v16  }
0x19e: {  	s20 =	sand.u32 $0x3FFFFEA0, s26;
	v52 =	vmul.f32 v42, v42;
	v58 =	vld [tilespmem:s18+$0x2710];
	v14 =	vadd.f32 v38, v14;
	v8 =	vadd.f32 v49, v8  }
0x19f: {  	v41 =	vnsel vm0, $0x0, v28;
	v38 =	vld [tilespmem:s20+$0x1A00];
	v9 =	vadd.f32 v62, v9;
	v51 =	vadd.f32 v48, v16  }
0x1a0: {  	v55 =	vmul.f32 v46, v46;
	v44 =	vld [tilespmem:s18+$0x28C0];
	v14 =	vadd.f32 v42, v14;
	v8 =	vadd.f32 v53, v8  }
0x1a1: {  	v60 =	vmul.f32 v50, v50;
	v49 =	vld [tilespmem:s18+$0x28D0];
	v9 =	vadd.f32 v23, v9;
	v10 =	vadd.f32 v52, v51  }
0x1a2: {  	v25 =	vmul.f32 v54, v54;
	v42 =	vld [tilespmem:s18+$0x2770];
	v57 =	vadd.f32 v46, v14;
	v8 =	vadd.f32 v59, v8  }
0x1a3: {  	v53 =	vld [tilespmem:s18+$0x27A0];
	v30 =	vmul.f32 v58, v58;
	v14 =	vadd.f32 v58, v26;
	v9 =	vadd.f32 v27, v9  }
0x1a4: {  	v21 =	vmul.f32 v40, v40;
	v46 =	vld [tilespmem:s18+$0x2780];
	v48 =	vadd.f32 $0.0e+00, v38;
	v10 =	vadd.f32 v55, v10  }
0x1a5: {  	v52 =	vld [tilespmem:s18+$0x28E0];
	v26 =	vmul.f32 v56, v56;
	v62 =	vadd.f32 v50, v57;
	v12 =	vadd.f32 v30, v29  }
0x1a6: {  	v27 =	vld [tilespmem:s18+$0x2730];
	v58 =	vmul.f32 v49, v49;
	v13 =	vadd.f32 v63, v14;
	v9 =	vadd.f32 v31, v9  }
0x1a7: {  	v51 =	vmul.f32 v42, v42;
	v16 =	vadd.f32 v40, v48;
	v10 =	vadd.f32 v60, v10  }
0x1a8: {  	v31 =	vld [tilespmem:s18+$0x2740];
	v63 =	vmul.f32 v53, v53;
	v11 =	vadd.f32 v54, v62;
	v12 =	vadd.f32 v33, v12  }
0x1a9: {  	v24 =	vld [tilespmem:s17+$0xEA9C];
	v54 =	vmul.f32 v44, v44;
	v9 =	vadd.f32 v35, v9;
	v55 =	vmul.f32 v46, v46  }
0x1aa: {  	v34 =	vld [tilespmem:s18+$0x2750];
	v16 =	vadd.f32 v44, v16;
	v62 =	vmul.f32 v52, v52;
	v10 =	vadd.f32 v25, v10  }
0x1ab: {  	v28 =	vld [tilespmem:s18+$0x2920];
	v11 =	vadd.f32 v61, v11;
	v35 =	vmul.f32 v27, v27;
	v37 =	vadd.f32 v27, v13  }
0x1ac: {  	v36 =	vld [tilespmem:s18+$0x2760];
	v13 =	vmul.f32 v38, v38;
	v9 =	vadd.f32 v39, v9;
	v16 =	vadd.f32 v49, v16  }
0x1ad: {  	v32 =	vld [tilespmem:s17+$0xEAB6];
	v10 =	vadd.f32 v19, v10;
	v12 =	vadd.f32 v35, v12;
	v39 =	vmul.f32 v31, v31  }
0x1ae: {  	v50 =	vld [tilespmem:s18+$0x2790];
	v11 =	vmul.f32 v11, v11;
	v13 =	vadd.f32 v21, v13;
	v9 =	vadd.f32 v43, v9  }
0x1af: {  	v57 =	vld [tilespmem:s18+$0x27B0];
	v43 =	vmul.f32 v34, v34;
	v16 =	vadd.f32 v52, v16;
	v12 =	vadd.f32 v39, v12  }
0x1b0: {  	v60 =	vld [tilespmem:s18+$0x2900];
	v38 =	vmul.f32 v28, v28;
	v10 =	vsub.f32 v11, v10;
	v9 =	vadd.f32 v47, v9  }
0x1b1: {  	v29 =	vld [tilespmem:s18+$0x27E0];
	v11 =	vadd.f32 v31, v37;
	v47 =	vmul.f32 v36, v36;
	v12 =	vadd.f32 v43, v12  }
0x1b2: {  	v48 =	vld [tilespmem:s18+$0x2970];
	v13 =	vadd.f32 v54, v13;
	v10 =	vmul.f32 $5.000000000e-01, v10;
	v9 =	vmul.f32 v9, v9  }
0x1b3: {  	v44 =	vld [tilespmem:s18+$0x2960];
	v59 =	vmul.f32 v50, v50;
	v45 =	vadd.f32 v34, v11;
	v12 =	vadd.f32 v47, v12  }
0x1b4: {  	v61 =	vld [tilespmem:s18+$0x27C0];
	v27 =	vmul.f32 v57, v57;
	v8 =	vsub.f32 v9, v8;
	v9 =	vadd.f32 v10, v32  }
0x1b5: {  	v25 =	vld [tilespmem:s18+$0x27D0];
	v30 =	vmul.f32 v60, v60;
	v10 =	vadd.f32 v36, v45;
	v12 =	vadd.f32 v51, v12  }
0x1b6: {  	s28 =	sadd.s32 $0xE00, s19;
	v33 =	vld [tilespmem:s18+$0x27F0];
	v16 =	vadd.f32 v56, v16;
	v13 =	vadd.f32 v58, v13;
	v8 =	vmul.f32 $5.000000000e-01, v8  }
0x1b7: {  	s20 =	sand.u32 $0x3FFFFE00, s28;
	v52 =	vld [tilespmem:s18+$0x2980];
	v39 =	vmul.f32 v29, v29;
	v10 =	vadd.f32 v42, v10;
	v12 =	vadd.f32 v55, v12  }
0x1b8: {  	v37 =	vld [tilespmem:s20+$0x1A00];
	v54 =	vmul.f32 v44, v44;
	v13 =	vadd.f32 v62, v13;
	v8 =	vadd.f32 v8, v24  }
0x1b9: {  	s29 =	sadd.s32 $0xFA0, s19;
	v31 =	vmul.f32 v61, v61;
	v10 =	vadd.f32 v46, v10;
	v24 =	vld [tilespmem:s18+$0x2910];
	v12 =	vadd.f32 v59, v12  }
0x1ba: {  	s20 =	sand.u32 $0x3FFFFFA0, s29;
	v35 =	vmul.f32 v25, v25;
	v56 =	vld [tilespmem:s18+$0x2990];
	v16 =	vadd.f32 v60, v16;
	v13 =	vadd.f32 v26, v13  }
0x1bb: {  	v43 =	vmul.f32 v33, v33;
	v60 =	vld [tilespmem:s20+$0x1A00];
	v10 =	vadd.f32 v50, v10;
	v12 =	vadd.f32 v63, v12  }
0x1bc: {  	v58 =	vmul.f32 v48, v48;
	v62 =	vmul.f32 v52, v52;
	v32 =	vld [tilespmem:s18+$0x2930];
	v13 =	vadd.f32 v30, v13  }
0x1bd: {  	v36 =	vld [tilespmem:s18+$0x2940];
	v47 =	vmul.f32 v37, v37;
	v10 =	vadd.f32 v53, v10;
	v12 =	vadd.f32 v27, v12  }
0x1be: {  	v45 =	vld [tilespmem:s18+$0x2820];
	v8 =	vadd.f32 v8, v41;
	v34 =	vmul.f32 v24, v24;
	v16 =	vadd.f32 v24, v16  }
0x1bf: {  	v49 =	vld [tilespmem:s18+$0x2830];
	v26 =	vmul.f32 v56, v56;
	v10 =	vadd.f32 v57, v10;
	v12 =	vadd.f32 v31, v12  }
0x1c0: {  	v40 =	vld [tilespmem:s18+$0x2950];
	v30 =	vmul.f32 v60, v60;
	v13 =	vadd.f32 v34, v13;
	v16 =	vadd.f32 v28, v16  }
0x1c1: {  	v22 =	vld [tilespmem:s17+$0xEAC6];
	v42 =	vmul.f32 v32, v32;
	v10 =	vadd.f32 v61, v10;
	v12 =	vadd.f32 v35, v12  }
0x1c2: {  	v46 =	vmul.f32 v36, v36;
	v41 =	vld [tilespmem:s18+$0x2810];
	v13 =	vadd.f32 v38, v13;
	v16 =	vadd.f32 v32, v16  }
0x1c3: {  	v55 =	vmul.f32 v45, v45;
	v53 =	vld [tilespmem:s18+$0x2840];
	v10 =	vadd.f32 v25, v10;
	v12 =	vadd.f32 v39, v12  }
0x1c4: {  	v59 =	vmul.f32 v49, v49;
	v57 =	vld [tilespmem:s18+$0x2850];
	v13 =	vadd.f32 v42, v13;
	v16 =	vadd.f32 v36, v16  }
0x1c5: {  	v50 =	vmul.f32 v40, v40;
	v61 =	vld [tilespmem:s18+$0x2860];
	v10 =	vadd.f32 v29, v10;
	v12 =	vadd.f32 v43, v12  }
0x1c6: {  	v24 =	vld [tilespmem:s18+$0x29B0];
	v13 =	vadd.f32 v46, v13;
	v16 =	vadd.f32 v40, v16;
	v46 =	vnsel vm0, $0x0, v22  }
0x1c7: {  	v51 =	vmul.f32 v41, v41;
	v35 =	vld [tilespmem:s18+$0x29E0];
	v10 =	vadd.f32 v33, v10;
	v9 =	vadd.f32 v9, v46  }
0x1c8: {  	v63 =	vmul.f32 v53, v53;
	v25 =	vld [tilespmem:s18+$0x2870];
	v12 =	vadd.f32 v47, v12;
	v13 =	vadd.f32 v50, v13  }
0x1c9: {  	v28 =	vld [tilespmem:s18+$0x29C0];
	v27 =	vmul.f32 v57, v57;
	v16 =	vadd.f32 v44, v16;
	v10 =	vadd.f32 v37, v10  }
0x1ca: {  	v36 =	vld [tilespmem:s18+$0x2890];
	v31 =	vmul.f32 v61, v61;
	v12 =	vadd.f32 v51, v12;
	v13 =	vadd.f32 v54, v13  }
0x1cb: {  	v39 =	vld [tilespmem:s18+$0x29F0];
	v33 =	vmul.f32 v24, v24;
	v16 =	vadd.f32 v48, v16;
	v10 =	vadd.f32 v41, v10  }
0x1cc: {  	v29 =	vld [tilespmem:s18+$0x2880];
	v43 =	vmul.f32 v35, v35;
	v12 =	vadd.f32 v55, v12;
	v13 =	vadd.f32 v58, v13  }
0x1cd: {  	s30 =	sadd.s32 $0x1040, s19;
	v42 =	vld [tilespmem:s18+$0x2A00];
	v34 =	vmul.f32 v25, v25;
	v16 =	vadd.f32 v52, v16;
	v10 =	vadd.f32 v45, v10  }
0x1ce: {  	s20 =	sand.u32 $0x3FFFFE40, s30;
	v37 =	vmul.f32 v28, v28;
	v48 =	vld [tilespmem:s18+$0x2A50];
	v12 =	vadd.f32 v59, v12;
	v13 =	vadd.f32 v62, v13  }
0x1cf: {  	v11 =	vmul.f32 v36, v36;
	v45 =	vld [tilespmem:s20+$0x1A00];
	v16 =	vadd.f32 v56, v16;
	v10 =	vadd.f32 v49, v10  }
0x1d0: {  	v32 =	vld [tilespmem:s18+$0x29D0];
	v47 =	vmul.f32 v39, v39;
	v12 =	vadd.f32 v63, v12;
	v13 =	vadd.f32 v26, v13  }
0x1d1: {  	v44 =	vld [tilespmem:s18+$0x2A10];
	v40 =	vmul.f32 v29, v29;
	v16 =	vadd.f32 v60, v16;
	v10 =	vadd.f32 v53, v10  }
0x1d2: {  	v51 =	vmul.f32 v42, v42;
	v52 =	vld [tilespmem:s18+$0x2A60];
	v12 =	vadd.f32 v27, v12;
	v13 =	vadd.f32 v30, v13  }
0x1d3: {  	v50 =	vld [tilespmem:s18+$0x2A20];
	v23 =	vmul.f32 v48, v48;
	v16 =	vadd.f32 v24, v16;
	v10 =	vadd.f32 v57, v10  }
0x1d4: {  	v59 =	vld [tilespmem:s18+$0x2A30];
	v18 =	vmul.f32 v45, v45;
	v57 =	vadd.f32 $0.0e+00, v45;
	v12 =	vadd.f32 v31, v12  }
0x1d5: {  	s31 =	sadd.s32 $0x11E0, s19;
	v41 =	vmul.f32 v32, v32;
	v58 =	vld [tilespmem:s18+$0x2A70];
	v13 =	vadd.f32 v33, v13;
	v38 =	vadd.f32 v28, v16  }
0x1d6: {  	s20 =	sand.u32 $0x3FFFFFE0, s31;
	v56 =	vmul.f32 v44, v44;
	v24 =	vld [tilespmem:s18+$0x2A90];
	v18 =	vadd.f32 v23, v18;
	v10 =	vadd.f32 v61, v10  }
0x1d7: {  	v63 =	vmul.f32 v52, v52;
	v27 =	vld [tilespmem:s20+$0x1A00];
	v60 =	vadd.f32 v48, v57;
	v12 =	vadd.f32 v34, v12  }
0x1d8: {  	v62 =	vmul.f32 v50, v50;
	v26 =	vld [tilespmem:s18+$0x2AA0];
	v13 =	vadd.f32 v37, v13;
	v14 =	vadd.f32 v32, v38  }
0x1d9: {  	v22 =	vmul.f32 v59, v59;
	v61 =	vld [tilespmem:s18+$0x2A80];
	v18 =	vadd.f32 v63, v18;
	v10 =	vadd.f32 v25, v10  }
0x1da: {  	v30 =	vld [tilespmem:s18+$0x2AB0];
	v25 =	vmul.f32 v58, v58;
	v12 =	vadd.f32 v40, v12;
	v13 =	vadd.f32 v41, v13  }
0x1db: {  	v33 =	vld [tilespmem:s18+$0x2AC0];
	v31 =	vmul.f32 v24, v24;
	v14 =	vadd.f32 v35, v14;
	v10 =	vadd.f32 v29, v10  }
0x1dc: {  	v32 =	vld [tilespmem:s18+$0x2C00];
	v17 =	vmul.f32 v27, v27;
	v18 =	vadd.f32 v25, v18;
	v13 =	vadd.f32 v43, v13  }
0x1dd: {  	v37 =	vld [tilespmem:s18+$0x2C10];
	v35 =	vmul.f32 v26, v26;
	v11 =	vadd.f32 v11, v12;
	v49 =	vadd.f32 v39, v14  }
0x1de: {  	v38 =	vld [tilespmem:s18+$0x2AD0];
	v28 =	vmul.f32 v61, v61;
	v10 =	vadd.f32 v36, v10;
	v13 =	vadd.f32 v47, v13  }
0x1df: {  	v41 =	vld [tilespmem:s18+$0x2AE0];
	v39 =	vmul.f32 v30, v30;
	v36 =	vadd.f32 $0.0e+00, v27;
	v54 =	vadd.f32 v42, v49  }
0x1e0: {  	v29 =	vld [tilespmem:s18+$0x2BF0];
	v18 =	vadd.f32 v28, v18;
	v10 =	vmul.f32 v10, v10;
	v55 =	vadd.f32 v51, v13  }
0x1e1: {  	v43 =	vmul.f32 v33, v33;
	v19 =	vadd.f32 v44, v54;
	v13 =	vadd.f32 v52, v60  }
0x1e2: {  	v57 =	vld [tilespmem:s18+$0x2B20];
	v46 =	vmul.f32 v37, v37;
	v34 =	vadd.f32 v31, v18;
	v11 =	vsub.f32 v10, v11  }
0x1e3: {  	v53 =	vld [tilespmem:s17+$0xEAD0];
	v42 =	vmul.f32 v32, v32;
	v12 =	vadd.f32 v56, v55;
	v14 =	vadd.f32 v50, v19  }
0x1e4: {  	v47 =	vmul.f32 v38, v38;
	v10 =	vld [tilespmem:s17+$0xEAE0];
	v13 =	vadd.f32 v58, v13;
	v16 =	vadd.f32 v35, v34  }
0x1e5: {  	v45 =	vld [tilespmem:s18+$0x2AF0];
	v51 =	vmul.f32 v41, v41;
	v19 =	vadd.f32 v29, v36;
	v12 =	vadd.f32 v62, v12  }
0x1e6: {  	v40 =	vld [tilespmem:s18+$0x2C20];
	v11 =	vmul.f32 $5.000000000e-01, v11;
	v14 =	vadd.f32 v59, v14;
	v13 =	vadd.f32 v61, v13  }
0x1e7: {  	v48 =	vld [tilespmem:s18+$0x2C40];
	v31 =	vmul.f32 v57, v57;
	v16 =	vadd.f32 v39, v16;
	v19 =	vadd.f32 v32, v19  }
0x1e8: {  	v25 =	vld [tilespmem:s17+$0xEAEA];
	v11 =	vadd.f32 v11, v53;
	v12 =	vadd.f32 v22, v12;
	v14 =	vmul.f32 v14, v14  }
0x1e9: {  	v49 =	vld [tilespmem:s18+$0x2B00];
	v13 =	vadd.f32 v24, v13;
	v16 =	vadd.f32 v43, v16;
	v10 =	vnsel vm0, $0x0, v10  }
0x1ea: {  	v44 =	vld [tilespmem:s18+$0x2C30];
	v24 =	vmul.f32 v29, v29;
	v19 =	vadd.f32 v37, v19;
	v10 =	vadd.f32 v11, v10  }
0x1eb: {  	v52 =	vld [tilespmem:s18+$0x2C50];
	v50 =	vmul.f32 v40, v40;
	v12 =	vsub.f32 v14, v12;
	v13 =	vadd.f32 v26, v13  }
0x1ec: {  	v60 =	vld [tilespmem:s18+$0x2C70];
	v55 =	vmul.f32 v45, v45;
	v17 =	vadd.f32 v24, v17;
	v16 =	vadd.f32 v47, v16  }
0x1ed: {  	v58 =	vmul.f32 v48, v48;
	v53 =	vld [tilespmem:s18+$0x2B10];
	v19 =	vadd.f32 v40, v19;
	v13 =	vadd.f32 v30, v13  }
0x1ee: {  	v59 =	vmul.f32 v49, v49;
	v61 =	vld [tilespmem:s18+$0x2B30];
	v17 =	vadd.f32 v42, v17;
	v16 =	vadd.f32 v51, v16  }
0x1ef: {  	s21 =	sadd.s32 $0x1140, s19;
	v56 =	vld [tilespmem:s18+$0x2C60];
	v54 =	vmul.f32 v44, v44;
	v19 =	vadd.f32 v44, v19;
	v13 =	vadd.f32 v33, v13  }
0x1f0: {  	s20 =	sand.u32 $0x3FFFFF40, s21;
	v32 =	vld [tilespmem:s18+$0x2C90];
	v62 =	vmul.f32 v52, v52;
	v17 =	vadd.f32 v46, v17;
	v16 =	vadd.f32 v55, v16  }
0x1f1: {  	v34 =	vmul.f32 v60, v60;
	v29 =	vld [tilespmem:s20+$0x1A00];
	v19 =	vadd.f32 v48, v19;
	v13 =	vadd.f32 v38, v13  }
0x1f2: {  	v37 =	vld [tilespmem:s18+$0x2B60];
	v63 =	vmul.f32 v53, v53;
	v17 =	vadd.f32 v50, v17;
	v16 =	vadd.f32 v59, v16  }
0x1f3: {  	v36 =	vld [tilespmem:s18+$0x2CA0];
	v35 =	vmul.f32 v61, v61;
	v19 =	vadd.f32 v52, v19;
	v13 =	vadd.f32 v41, v13  }
0x1f4: {  	v28 =	vld [tilespmem:s18+$0x2C80];
	v30 =	vmul.f32 v56, v56;
	v17 =	vadd.f32 v54, v17;
	v16 =	vadd.f32 v63, v16  }
0x1f5: {  	v42 =	vmul.f32 v32, v32;
	v33 =	vld [tilespmem:s18+$0x2B50];
	v19 =	vadd.f32 v56, v19;
	v13 =	vadd.f32 v45, v13  }
0x1f6: {  	v40 =	vld [tilespmem:s18+$0x2CB0];
	v39 =	vmul.f32 v29, v29;
	v17 =	vadd.f32 v58, v17;
	v16 =	vadd.f32 v31, v16  }
0x1f7: {  	v44 =	vld [tilespmem:s18+$0x2CC0];
	v47 =	vmul.f32 v37, v37;
	v19 =	vadd.f32 v60, v19;
	v13 =	vadd.f32 v49, v13  }
0x1f8: {  	s22 =	sadd.s32 $0x12E0, s19;
	v46 =	vmul.f32 v36, v36;
	v48 =	vld [tilespmem:s18+$0x2CD0];
	v17 =	vadd.f32 v62, v17;
	v16 =	vadd.f32 v35, v16  }
0x1f9: {  	s20 =	sand.u32 $0x3FFFFEE0, s22;
	v38 =	vmul.f32 v28, v28;
	v41 =	vld [tilespmem:s18+$0x2B70];
	v19 =	vadd.f32 v28, v19;
	v13 =	vadd.f32 v53, v13  }
0x1fa: {  	v52 =	vld [tilespmem:s20+$0x1A00];
	v43 =	vmul.f32 v33, v33;
	v17 =	vadd.f32 v30, v17;
	v16 =	vadd.f32 v39, v16  }
0x1fb: {  	v50 =	vmul.f32 v40, v40;
	v56 =	vld [tilespmem:s18+$0x2CF0];
	v19 =	vadd.f32 v32, v19;
	v13 =	vadd.f32 v57, v13  }
0x1fc: {  	v54 =	vmul.f32 v44, v44;
	v45 =	vld [tilespmem:s18+$0x2B80];
	v17 =	vadd.f32 v34, v17;
	v16 =	vadd.f32 v43, v16  }
0x1fd: {  	v58 =	vmul.f32 v48, v48;
	v60 =	vld [tilespmem:s18+$0x2D00];
	v19 =	vadd.f32 v36, v19;
	v13 =	vadd.f32 v61, v13  }
0x1fe: {  	v49 =	vld [tilespmem:s18+$0x2B90];
	v51 =	vmul.f32 v41, v41;
	v17 =	vadd.f32 v38, v17;
	v16 =	vadd.f32 v47, v16  }
0x1ff: {  	v28 =	vld [tilespmem:s18+$0x2D10];
	v19 =	vadd.f32 v40, v19;
	v47 =	vmul.f32 $5.000000000e-01, v12;
	v13 =	vadd.f32 v29, v13  }
0x200: {  	v62 =	vmul.f32 v52, v52;
	v53 =	vld [tilespmem:s18+$0x2BA0];
	v17 =	vadd.f32 v42, v17;
	v16 =	vadd.f32 v51, v16  }
0x201: {  	v32 =	vld [tilespmem:s18+$0x2D20];
	v55 =	vmul.f32 v45, v45;
	v19 =	vadd.f32 v44, v19;
	v11 =	vadd.f32 v47, v25  }
0x202: {  	v30 =	vmul.f32 v56, v56;
	v57 =	vld [tilespmem:s18+$0x2BB0];
	v13 =	vadd.f32 v33, v13;
	v17 =	vadd.f32 v46, v17  }
0x203: {  	s23 =	sadd.s32 $0x1380, s19;
	v36 =	vld [tilespmem:s18+$0x2D30];
	v59 =	vmul.f32 v49, v49;
	v16 =	vadd.f32 v55, v16;
	v19 =	vadd.f32 v48, v19  }
0x204: {  	s20 =	sand.u32 $0x3FFFFF80, s23;
	v34 =	vmul.f32 v60, v60;
	v61 =	vld [tilespmem:s18+$0x2BC0];
	v13 =	vadd.f32 v37, v13;
	v17 =	vadd.f32 v50, v17  }
0x205: {  	v63 =	vmul.f32 v53, v53;
	v51 =	vld [tilespmem:s20+$0x1A00];
	v16 =	vadd.f32 v59, v16;
	v19 =	vadd.f32 v52, v19  }
0x206: {  	v38 =	vmul.f32 v28, v28;
	v40 =	vld [tilespmem:s18+$0x2D40];
	v13 =	vadd.f32 v41, v13;
	v17 =	vadd.f32 v54, v17  }
0x207: {  	v29 =	vld [tilespmem:s18+$0x2BD0];
	v31 =	vmul.f32 v57, v57;
	v16 =	vadd.f32 v63, v16;
	v19 =	vadd.f32 v56, v19  }
0x208: {  	v42 =	vmul.f32 v32, v32;
	v37 =	vld [tilespmem:s17+$0xEAFA];
	v13 =	vadd.f32 v45, v13;
	v17 =	vadd.f32 v58, v17  }
0x209: {  	s24 =	sadd.s32 $0x1520, s19;
	v44 =	vld [tilespmem:s18+$0x2D50];
	v46 =	vmul.f32 v36, v36;
	v16 =	vadd.f32 v31, v16;
	v19 =	vadd.f32 v60, v19  }
0x20a: {  	s20 =	sand.u32 $0x3FFFFF20, s24;
	v55 =	vld [tilespmem:s18+$0x2D70];
	v35 =	vmul.f32 v61, v61;
	v58 =	vadd.f32 $0.0e+00, v51;
	v13 =	vadd.f32 v49, v13  }
0x20b: {  	v50 =	vmul.f32 v40, v40;
	v63 =	vld [tilespmem:s20+$0x1A00];
	v17 =	vadd.f32 v62, v17;
	v19 =	vadd.f32 v28, v19  }
0x20c: {  	v39 =	vmul.f32 v29, v29;
	v56 =	vld [tilespmem:s18+$0x2DA0];
	v16 =	vadd.f32 v35, v16;
	v13 =	vadd.f32 v53, v13  }
0x20d: {  	v52 =	vnsel vm0, $0x0, v37;
	v33 =	vadd.f32 v30, v17;
	v43 =	vadd.f32 v32, v19;
	v53 =	vld [tilespmem:s18+$0x2D90]  }
0x20e: {  	v59 =	vld [tilespmem:s18+$0x2DB0];
	v54 =	vmul.f32 v44, v44;
	v11 =	vadd.f32 v11, v52;
	v13 =	vadd.f32 v57, v13  }
0x20f: {  	v23 =	vmul.f32 v55, v55;
	v45 =	vld [tilespmem:s17+$0xEB14];
	v14 =	vadd.f32 v34, v33;
	v48 =	vadd.f32 v36, v43  }
0x210: {  	v60 =	vmul.f32 v51, v51;
	v49 =	vld [tilespmem:s18+$0x2D60];
	v37 =	vadd.f32 $0.0e+00, v63;
	v13 =	vadd.f32 v61, v13  }
0x211: {  	v26 =	vld [tilespmem:s18+$0x30F0];
	v28 =	vmul.f32 v56, v56;
	v14 =	vadd.f32 v38, v14;
	v12 =	vadd.f32 v40, v48  }
0x212: {  	v62 =	vld [tilespmem:s18+$0x2DC0];
	v16 =	vadd.f32 v39, v16;
	v61 =	vmul.f32 v53, v53;
	v13 =	vadd.f32 v29, v13  }
0x213: {  	v35 =	vld [tilespmem:s18+$0x2DE0];
	v21 =	vmul.f32 v63, v63;
	v14 =	vadd.f32 v42, v14;
	v12 =	vadd.f32 v44, v12  }
0x214: {  	v32 =	vmul.f32 v59, v59;
	v29 =	vld [tilespmem:s18+$0x2F30];
	v15 =	vadd.f32 v61, v60;
	v13 =	vmul.f32 v13, v13  }
0x215: {  	v41 =	vld [tilespmem:s17+$0xEB04];
	v20 =	vnsel vm0, $0x0, v45;
	v14 =	vadd.f32 v46, v14;
	v12 =	vadd.f32 v49, v12  }
0x216: {  	v33 =	vld [tilespmem:s18+$0x2F40];
	v57 =	vmul.f32 v49, v49;
	v15 =	vadd.f32 v28, v15;
	v13 =	vsub.f32 v13, v16  }
0x217: {  	v51 =	vld [tilespmem:s18+$0x2E20];
	v36 =	vmul.f32 v62, v62;
	v14 =	vadd.f32 v50, v14;
	v12 =	vadd.f32 v55, v12  }
0x218: {  	v31 =	vld [tilespmem:s18+$0x2DD0];
	v45 =	vmul.f32 v35, v35;
	v16 =	vadd.f32 v53, v58;
	v15 =	vadd.f32 v32, v15  }
0x219: {  	v38 =	vld [tilespmem:s18+$0x2F50];
	v40 =	vmul.f32 v29, v29;
	v18 =	vadd.f32 v29, v37;
	v14 =	vadd.f32 v54, v14  }
0x21a: {  	v47 =	vld [tilespmem:s18+$0x2E10];
	v13 =	vmul.f32 $5.000000000e-01, v13;
	v16 =	vadd.f32 v56, v16;
	v15 =	vadd.f32 v36, v15  }
0x21b: {  	v42 =	vld [tilespmem:s18+$0x2F60];
	v44 =	vmul.f32 v33, v33;
	v21 =	vadd.f32 v40, v21;
	v18 =	vadd.f32 v33, v18  }
0x21c: {  	v39 =	vld [tilespmem:s18+$0x2DF0];
	v61 =	vmul.f32 v51, v51;
	v13 =	vadd.f32 v13, v41;
	v14 =	vadd.f32 v57, v14  }
0x21d: {  	v46 =	vld [tilespmem:s18+$0x2F70];
	v34 =	vadd.f32 v59, v16;
	v41 =	vmul.f32 v31, v31;
	v21 =	vadd.f32 v44, v21  }
0x21e: {  	v43 =	vld [tilespmem:s18+$0x2E00];
	v48 =	vmul.f32 v38, v38;
	v18 =	vadd.f32 v38, v18;
	v14 =	vadd.f32 v23, v14  }
0x21f: {  	v50 =	vld [tilespmem:s18+$0x2F80];
	v30 =	vmul.f32 v12, v12;
	v12 =	vadd.f32 v13, v20;
	v15 =	vadd.f32 v41, v15  }
0x220: {  	v63 =	vld [tilespmem:s18+$0x2E50];
	v52 =	vmul.f32 v42, v42;
	v21 =	vadd.f32 v48, v21;
	v18 =	vadd.f32 v42, v18  }
0x221: {  	v49 =	vmul.f32 v39, v39;
	v54 =	vld [tilespmem:s18+$0x2F90];
	v13 =	vsub.f32 v30, v14;
	v14 =	vadd.f32 v62, v34  }
0x222: {  	v55 =	vld [tilespmem:s18+$0x2E30];
	v56 =	vmul.f32 v46, v46;
	v15 =	vadd.f32 v45, v15;
	v21 =	vadd.f32 v52, v21  }
0x223: {  	v53 =	vmul.f32 v43, v43;
	v58 =	vld [tilespmem:s18+$0x2FA0];
	v18 =	vadd.f32 v46, v18;
	v14 =	vadd.f32 v31, v14  }
0x224: {  	v59 =	vld [tilespmem:s18+$0x2E40];
	v60 =	vmul.f32 v50, v50;
	v15 =	vadd.f32 v49, v15;
	v21 =	vadd.f32 v56, v21  }
0x225: {  	v57 =	vmul.f32 v47, v47;
	v62 =	vld [tilespmem:s18+$0x2FB0];
	v18 =	vadd.f32 v50, v18;
	v14 =	vadd.f32 v35, v14  }
0x226: {  	v38 =	vld [tilespmem:s18+$0x2FE0];
	v28 =	vmul.f32 v54, v54;
	v15 =	vadd.f32 v53, v15;
	v21 =	vadd.f32 v60, v21  }
0x227: {  	v37 =	vmul.f32 v63, v63;
	v30 =	vld [tilespmem:s18+$0x2FC0];
	v18 =	vadd.f32 v54, v18;
	v14 =	vadd.f32 v39, v14  }
0x228: {  	v32 =	vmul.f32 v58, v58;
	v42 =	vld [tilespmem:s18+$0x2FF0];
	v15 =	vadd.f32 v57, v15;
	v21 =	vadd.f32 v28, v21  }
0x229: {  	v29 =	vmul.f32 v55, v55;
	v34 =	vld [tilespmem:s18+$0x2FD0];
	v18 =	vadd.f32 v58, v18;
	v14 =	vadd.f32 v43, v14  }
0x22a: {  	v46 =	vld [tilespmem:s18+$0x3000];
	v36 =	vmul.f32 v62, v62;
	v15 =	vadd.f32 v61, v15;
	v21 =	vadd.f32 v32, v21  }
0x22b: {  	v33 =	vmul.f32 v59, v59;
	v31 =	vld [tilespmem:s18+$0x2E60];
	v18 =	vadd.f32 v62, v18;
	v14 =	vadd.f32 v47, v14  }
0x22c: {  	s25 =	sadd.s32 $0x1480, s19;
	v50 =	vld [tilespmem:s18+$0x3010];
	v40 =	vmul.f32 v30, v30;
	v15 =	vadd.f32 v29, v15;
	v21 =	vadd.f32 v36, v21  }
0x22d: {  	s26 =	sadd.s32 $0x1620, s19;
	s20 =	sand.u32 $0x3FFFFE80, s25;
	v48 =	vmul.f32 v38, v38;
	v35 =	vld [tilespmem:s18+$0x2E70];
	v18 =	vadd.f32 v30, v18;
	v14 =	vadd.f32 v51, v14  }
0x22e: {  	v44 =	vmul.f32 v34, v34;
	v39 =	vld [tilespmem:s20+$0x1A00];
	s20 =	sand.u32 $0x3FFFFE20, s26;
	v15 =	vadd.f32 v33, v15;
	v21 =	vadd.f32 v40, v21  }
0x22f: {  	v13 =	vmul.f32 $5.000000000e-01, v13;
	v54 =	vld [tilespmem:s20+$0x1A00];
	v18 =	vadd.f32 v34, v18;
	v14 =	vadd.f32 v55, v14  }
0x230: {  	v41 =	vmul.f32 v31, v31;
	v58 =	vld [tilespmem:s18+$0x3030];
	v15 =	vadd.f32 v37, v15;
	v21 =	vadd.f32 v44, v21  }
0x231: {  	v52 =	vmul.f32 v42, v42;
	v43 =	vld [tilespmem:s18+$0x2E90];
	v18 =	vadd.f32 v38, v18;
	v14 =	vadd.f32 v59, v14  }
0x232: {  	v45 =	vmul.f32 v35, v35;
	v62 =	vld [tilespmem:s18+$0x3040];
	v15 =	vadd.f32 v41, v15;
	v21 =	vadd.f32 v48, v21  }
0x233: {  	v56 =	vmul.f32 v46, v46;
	v47 =	vld [tilespmem:s18+$0x2EA0];
	v18 =	vadd.f32 v42, v18;
	v14 =	vadd.f32 v63, v14  }
0x234: {  	v49 =	vmul.f32 v39, v39;
	v51 =	vld [tilespmem:s18+$0x2EB0];
	v15 =	vadd.f32 v45, v15;
	v21 =	vadd.f32 v52, v21  }
0x235: {  	v60 =	vmul.f32 v50, v50;
	v18 =	vadd.f32 v46, v18;
	v46 =	vld [tilespmem:s17+$0xEB1E];
	v14 =	vadd.f32 v31, v14  }
0x236: {  	v30 =	vld [tilespmem:s18+$0x3050];
	v53 =	vmul.f32 v43, v43;
	v15 =	vadd.f32 v49, v15;
	v21 =	vadd.f32 v56, v21  }
0x237: {  	v28 =	vmul.f32 v54, v54;
	v55 =	vld [tilespmem:s18+$0x2EC0];
	v18 =	vadd.f32 v50, v18;
	v14 =	vadd.f32 v35, v14  }
0x238: {  	v57 =	vmul.f32 v47, v47;
	v38 =	vld [tilespmem:s18+$0x3070];
	v15 =	vadd.f32 v53, v15;
	v21 =	vadd.f32 v60, v21  }
0x239: {  	v32 =	vmul.f32 v58, v58;
	v59 =	vld [tilespmem:s18+$0x2ED0];
	v18 =	vadd.f32 v54, v18;
	v14 =	vadd.f32 v39, v14  }
0x23a: {  	v34 =	vld [tilespmem:s18+$0x3060];
	v61 =	vmul.f32 v51, v51;
	v15 =	vadd.f32 v57, v15;
	v13 =	vadd.f32 v13, v46  }
0x23b: {  	v36 =	vmul.f32 v62, v62;
	v63 =	vld [tilespmem:s18+$0x2EE0];
	v21 =	vadd.f32 v28, v21;
	v18 =	vadd.f32 v58, v18  }
0x23c: {  	v41 =	vld [tilespmem:s18+$0x3080];
	v29 =	vmul.f32 v55, v55;
	v14 =	vadd.f32 v43, v14;
	v15 =	vadd.f32 v61, v15  }
0x23d: {  	v31 =	vld [tilespmem:s18+$0x2EF0];
	v48 =	vmul.f32 v38, v38;
	v21 =	vadd.f32 v32, v21;
	v18 =	vadd.f32 v62, v18  }
0x23e: {  	v42 =	vld [tilespmem:s18+$0x2F10];
	v33 =	vmul.f32 v59, v59;
	v14 =	vadd.f32 v47, v14;
	v15 =	vadd.f32 v29, v15  }
0x23f: {  	v35 =	vld [tilespmem:s18+$0x2F00];
	v39 =	vmul.f32 v30, v30;
	v21 =	vadd.f32 v36, v21;
	v18 =	vadd.f32 v30, v18  }
0x240: {  	s28 =	sadd.s32 $0x16C0, s19;
	v45 =	vld [tilespmem:s18+$0x3090];
	v37 =	vmul.f32 v63, v63;
	v14 =	vadd.f32 v51, v14;
	v15 =	vadd.f32 v33, v15  }
0x241: {  	s20 =	sand.u32 $0x3FFFFEC0, s28;
	v50 =	vld [tilespmem:s18+$0x30A0];
	v43 =	vmul.f32 v34, v34;
	v21 =	vadd.f32 v39, v21;
	v44 =	vadd.f32 v34, v18  }
0x242: {  	v53 =	vld [tilespmem:s20+$0x1A00];
	v40 =	vmul.f32 v31, v31;
	v14 =	vadd.f32 v55, v14;
	v15 =	vadd.f32 v37, v15  }
0x243: {  	v52 =	vld [tilespmem:s18+$0x30B0];
	v19 =	vmul.f32 v42, v42;
	v21 =	vadd.f32 v43, v21;
	v49 =	vadd.f32 v38, v44  }
0x244: {  	s29 =	sadd.s32 $0x1860, s19;
	v47 =	vmul.f32 v35, v35;
	v55 =	vld [tilespmem:s18+$0x30D0];
	v14 =	vadd.f32 v59, v14;
	v15 =	vadd.f32 v40, v15  }
0x245: {  	s20 =	sand.u32 $0x3FFFFE60, s29;
	v61 =	vld [tilespmem:s18+$0x3270];
	v51 =	vmul.f32 v41, v41;
	v21 =	vadd.f32 v48, v21;
	v16 =	vadd.f32 v41, v49  }
0x246: {  	v54 =	vmul.f32 v45, v45;
	v59 =	vld [tilespmem:s20+$0x1A00];
	v14 =	vadd.f32 v63, v14;
	v15 =	vadd.f32 v47, v15  }
0x247: {  	v56 =	vld [tilespmem:s18+$0x30E0];
	v58 =	vmul.f32 v50, v50;
	v63 =	vadd.f32 $0.0e+00, v53;
	v21 =	vadd.f32 v51, v21  }
0x248: {  	v62 =	vmul.f32 v52, v52;
	v16 =	vadd.f32 v45, v16;
	v14 =	vadd.f32 v31, v14  }
0x249: {  	v30 =	vmul.f32 v53, v53;
	v15 =	vadd.f32 v19, v15;
	v32 =	vadd.f32 v55, v63  }
0x24a: {  	v33 =	vld [tilespmem:s18+$0x3100];
	v31 =	vmul.f32 v55, v55;
	v57 =	vadd.f32 v54, v21;
	v60 =	vadd.f32 v50, v16  }
0x24b: {  	v27 =	vld [tilespmem:s18+$0x3280];
	v28 =	vmul.f32 v61, v61;
	v36 =	vadd.f32 $0.0e+00, v59;
	v14 =	vadd.f32 v35, v14  }
0x24c: {  	v39 =	vmul.f32 v26, v26;
	v34 =	vadd.f32 v31, v30;
	v18 =	vadd.f32 v56, v32  }
0x24d: {  	v37 =	vld [tilespmem:s18+$0x3290];
	v35 =	vmul.f32 v56, v56;
	v19 =	vadd.f32 v58, v57;
	v16 =	vadd.f32 v52, v60  }
0x24e: {  	v38 =	vld [tilespmem:s18+$0x3110];
	v21 =	vmul.f32 v59, v59;
	v17 =	vadd.f32 v61, v36;
	v14 =	vadd.f32 v42, v14  }
0x24f: {  	v40 =	vld [tilespmem:s18+$0x32A0];
	v43 =	vmul.f32 v33, v33;
	v22 =	vadd.f32 v35, v34;
	v18 =	vadd.f32 v26, v18  }
0x250: {  	v44 =	vld [tilespmem:s18+$0x32B0];
	v21 =	vadd.f32 v28, v21;
	v42 =	vmul.f32 v27, v27;
	v17 =	vadd.f32 v27, v17  }
0x251: {  	v41 =	vld [tilespmem:s18+$0x3120];
	v14 =	vmul.f32 v14, v14;
	v22 =	vadd.f32 v39, v22;
	v18 =	vadd.f32 v33, v18  }
0x252: {  	v49 =	vld [tilespmem:s18+$0x3140];
	v46 =	vmul.f32 v37, v37;
	v21 =	vadd.f32 v42, v21;
	v17 =	vadd.f32 v37, v17  }
0x253: {  	v45 =	vld [tilespmem:s18+$0x3130];
	v47 =	vmul.f32 v38, v38;
	v14 =	vsub.f32 v14, v15;
	v15 =	vadd.f32 v62, v19  }
0x254: {  	v48 =	vld [tilespmem:s18+$0x32C0];
	v50 =	vmul.f32 v40, v40;
	v22 =	vadd.f32 v43, v22;
	v18 =	vadd.f32 v38, v18  }
0x255: {  	v53 =	vld [tilespmem:s18+$0x3150];
	v54 =	vmul.f32 v44, v44;
	v21 =	vadd.f32 v46, v21;
	v17 =	vadd.f32 v40, v17  }
0x256: {  	v51 =	vmul.f32 v41, v41;
	v52 =	vld [tilespmem:s18+$0x32D0];
	v22 =	vadd.f32 v47, v22;
	v18 =	vadd.f32 v41, v18  }
0x257: {  	v59 =	vmul.f32 v49, v49;
	v21 =	vadd.f32 v50, v21;
	v17 =	vadd.f32 v44, v17  }
0x258: {  	v56 =	vld [tilespmem:s18+$0x32E0];
	v55 =	vmul.f32 v45, v45;
	v22 =	vadd.f32 v51, v22;
	v18 =	vadd.f32 v45, v18  }
0x259: {  	v57 =	vld [tilespmem:s18+$0x3160];
	v58 =	vmul.f32 v48, v48;
	v21 =	vadd.f32 v54, v21;
	v17 =	vadd.f32 v48, v17  }
0x25a: {  	v60 =	vld [tilespmem:s18+$0x32F0];
	v63 =	vmul.f32 v53, v53;
	v22 =	vadd.f32 v55, v22;
	v18 =	vadd.f32 v49, v18  }
0x25b: {  	v61 =	vld [tilespmem:s18+$0x3170];
	v62 =	vmul.f32 v52, v52;
	v21 =	vadd.f32 v58, v21;
	v17 =	vadd.f32 v52, v17  }
0x25c: {  	v32 =	vld [tilespmem:s18+$0x3300];
	v16 =	vmul.f32 v16, v16;
	v22 =	vadd.f32 v59, v22;
	v18 =	vadd.f32 v53, v18  }
0x25d: {  	v33 =	vld [tilespmem:s18+$0x3180];
	v34 =	vmul.f32 v56, v56;
	v21 =	vadd.f32 v62, v21;
	v17 =	vadd.f32 v56, v17  }
0x25e: {  	v36 =	vld [tilespmem:s18+$0x3310];
	v35 =	vmul.f32 v57, v57;
	v22 =	vadd.f32 v63, v22;
	v18 =	vadd.f32 v57, v18  }
0x25f: {  	v37 =	vld [tilespmem:s18+$0x3190];
	v38 =	vmul.f32 v60, v60;
	v21 =	vadd.f32 v34, v21;
	v17 =	vadd.f32 v60, v17  }
0x260: {  	v39 =	vmul.f32 v61, v61;
	v40 =	vld [tilespmem:s18+$0x3320];
	v22 =	vadd.f32 v35, v22;
	v18 =	vadd.f32 v61, v18  }
0x261: {  	v42 =	vmul.f32 v32, v32;
	v41 =	vld [tilespmem:s18+$0x31A0];
	v21 =	vadd.f32 v38, v21;
	v17 =	vadd.f32 v32, v17  }
0x262: {  	v43 =	vmul.f32 v33, v33;
	v44 =	vld [tilespmem:s18+$0x3330];
	v22 =	vadd.f32 v39, v22;
	v18 =	vadd.f32 v33, v18  }
0x263: {  	s30 =	sadd.s32 $0x17C0, s19;
	v46 =	vmul.f32 v36, v36;
	v45 =	vld [tilespmem:s18+$0x31B0];
	v21 =	vadd.f32 v42, v21;
	v17 =	vadd.f32 v36, v17  }
0x264: {  	s20 =	sand.u32 $0x3FFFFFC0, s30;
	v47 =	vmul.f32 v37, v37;
	v48 =	vld [tilespmem:s18+$0x3340];
	v22 =	vadd.f32 v43, v22;
	v18 =	vadd.f32 v37, v18  }
0x265: {  	v49 =	vld [tilespmem:s20+$0x1A00];
	v50 =	vmul.f32 v40, v40;
	v21 =	vadd.f32 v46, v21;
	v17 =	vadd.f32 v40, v17  }
0x266: {  	s19 =	sadd.s32 $0x1960, s19;
	v51 =	vmul.f32 v41, v41;
	v52 =	vld [tilespmem:s18+$0x3350];
	v22 =	vadd.f32 v47, v22;
	v18 =	vadd.f32 v41, v18  }
0x267: {  	s19 =	sand.u32 $0x3FFFFF60, s19;
	v53 =	vld [tilespmem:s18+$0x31D0];
	v54 =	vmul.f32 v44, v44;
	v21 =	vadd.f32 v50, v21;
	v17 =	vadd.f32 v44, v17  }
0x268: {  	v55 =	vmul.f32 v45, v45;
	v56 =	vld [tilespmem:s19+$0x1A00];
	v22 =	vadd.f32 v51, v22;
	v18 =	vadd.f32 v45, v18  }
0x269: {  	v57 =	vld [tilespmem:s18+$0x31E0];
	v58 =	vmul.f32 v48, v48;
	v21 =	vadd.f32 v54, v21;
	v17 =	vadd.f32 v48, v17  }
0x26a: {  	v59 =	vmul.f32 v49, v49;
	v60 =	vld [tilespmem:s18+$0x3370];
	v22 =	vadd.f32 v55, v22;
	v18 =	vadd.f32 v49, v18  }
0x26b: {  	v61 =	vld [tilespmem:s18+$0x31F0];
	v62 =	vmul.f32 v52, v52;
	v21 =	vadd.f32 v58, v21;
	v17 =	vadd.f32 v52, v17  }
0x26c: {  	v63 =	vmul.f32 v53, v53;
	v32 =	vld [tilespmem:s18+$0x3380];
	v22 =	vadd.f32 v59, v22;
	v18 =	vadd.f32 v53, v18  }
0x26d: {  	v33 =	vld [tilespmem:s18+$0x3200];
	v34 =	vmul.f32 v56, v56;
	v21 =	vadd.f32 v62, v21;
	v17 =	vadd.f32 v56, v17  }
0x26e: {  	v35 =	vmul.f32 v57, v57;
	v36 =	vld [tilespmem:s18+$0x3390];
	v22 =	vadd.f32 v63, v22;
	v18 =	vadd.f32 v57, v18  }
0x26f: {  	v37 =	vld [tilespmem:s18+$0x3210];
	v38 =	vmul.f32 v60, v60;
	v21 =	vadd.f32 v34, v21;
	v17 =	vadd.f32 v60, v17  }
0x270: {  	v39 =	vmul.f32 v61, v61;
	v40 =	vld [tilespmem:s18+$0x33A0];
	v22 =	vadd.f32 v35, v22;
	v18 =	vadd.f32 v61, v18  }
0x271: {  	v41 =	vld [tilespmem:s18+$0x3220];
	v42 =	vmul.f32 v32, v32;
	v21 =	vadd.f32 v38, v21;
	v17 =	vadd.f32 v32, v17  }
0x272: {  	v43 =	vmul.f32 v33, v33;
	v44 =	vld [tilespmem:s18+$0x33B0];
	v22 =	vadd.f32 v39, v22;
	v18 =	vadd.f32 v33, v18  }
0x273: {  	v45 =	vld [tilespmem:s18+$0x3230];
	v46 =	vmul.f32 v36, v36;
	v21 =	vadd.f32 v42, v21;
	v17 =	vadd.f32 v36, v17  }
0x274: {  	v47 =	vmul.f32 v37, v37;
	v48 =	vld [tilespmem:s18+$0x33C0];
	v22 =	vadd.f32 v43, v22;
	v18 =	vadd.f32 v37, v18  }
0x275: {  	v49 =	vld [tilespmem:s18+$0x3240];
	v50 =	vmul.f32 v40, v40;
	v21 =	vadd.f32 v46, v21;
	v17 =	vadd.f32 v40, v17  }
0x276: {  	v51 =	vmul.f32 v41, v41;
	v52 =	vld [tilespmem:s18+$0x33D0];
	v22 =	vadd.f32 v47, v22;
	v18 =	vadd.f32 v41, v18  }
0x277: {  	v53 =	vld [tilespmem:s18+$0x3250];
	v54 =	vmul.f32 v44, v44;
	v21 =	vadd.f32 v50, v21;
	v17 =	vadd.f32 v44, v17  }
0x278: {  	v55 =	vmul.f32 v45, v45;
	v56 =	vld [tilespmem:s18+$0x33E0];
	v22 =	vadd.f32 v51, v22;
	v18 =	vadd.f32 v45, v18  }
0x279: {  	v30 =	vld [tilespmem:s17+$0xEB52];
	v58 =	vmul.f32 v48, v48;
	v57 =	vadd.f32 v54, v21;
	v17 =	vadd.f32 v48, v17  }
0x27a: {  	(xrf2) =	vadd.scan.msk.f32 $0xffff, v2;
	v59 =	vmul.f32 v49, v49;
	v60 =	vld [tilespmem:s18+$0x33F0];
	v22 =	vadd.f32 v55, v22;
	v2 =	vadd.f32 v49, v18  }
0x27b: {  	(xrf2) =	vadd.scan.msk.f32 $0xffff, v3;
	v31 =	vld [tilespmem:s17+$0xEB62];
	v62 =	vmul.f32 v52, v52;
	v19 =	vadd.f32 v58, v57;
	v17 =	vadd.f32 v52, v17  }
0x27c: {  	(xrf2) =	vadd.scan.msk.f32 $0xffff, v4;
	v61 =	vld [tilespmem:s17+$0xEB2E];
	v26 =	vmul.f32 v53, v53;
	v3 =	vadd.f32 v59, v22;
	v2 =	vadd.f32 v53, v2  }
0x27d: {  	(xrf2) =	vadd.scan.msk.f32 $0xffff, v5;
	v63 =	vld [tilespmem:s17+$0xEB38];
	v28 =	vmul.f32 v56, v56;
	v19 =	vadd.f32 v62, v19;
	v29 =	vadd.f32 v56, v17  }
0x27e: {  	(xrf2) =	vadd.scan.msk.f32 $0xffff, v6;
	v27 =	vld [tilespmem:s17+$0xEB48];
	v33 =	vsub.f32 v16, v15;
	v3 =	vadd.f32 v26, v3;
	v2 =	vmul.f32 v2, v2  }
0x27f: {  	(xrf2) =	vadd.scan.msk.f32 $0xffff, v7;
	v34 =	vld [tilespmem:s17+$0xEB6C];
	v32 =	vmul.f32 v60, v60;
	v19 =	vadd.f32 v28, v19;
	v5 =	vadd.f32 v60, v29  }
0x280: {  	(xrf2) =	vadd.scan.msk.f32 $0xffff, v8;
	v36 =	vld [tilespmem:s17+$0xEB7C];
	v7 =	vmul.f32 $5.000000000e-01, v33;
	v2 =	vsub.f32 v2, v3;
	v3 =	vmul.f32 $5.000000000e-01, v14  }
0x281: {  	(xrf2) =	vadd.scan.msk.f32 $0xffff, v9;
	v37 =	vnsel vm0, $0x0, v61;
	v35 =	vadd.f32 v32, v19;
	v5 =	vmul.f32 v5, v5  }
0x282: {  	(xrf2) =	vadd.scan.msk.f32 $0xffff, v10;
	v38 =	vld [tilespmem:s17+$0xEB86];
	v9 =	vadd.f32 v13, v37;
	v3 =	vadd.f32 v3, v63;
	v2 =	vmul.f32 $5.000000000e-01, v2  }
0x283: {  	(xrf2) =	vadd.scan.msk.f32 $0xffff, v11;
	v4 =	vnsel vm0, $0x0, v27;
	v39 =	vld [tilespmem:s17+$0xEB96];
	v7 =	vadd.f32 v7, v30;
	v5 =	vsub.f32 v5, v35  }
0x284: {  	v40, _, _ =	vpop (xrf2);
	(xrf2) =	vadd.scan.msk.f32 $0xffff, v12;
	v41 =	vnsel vm0, $0x0, v31;
	v3 =	vadd.f32 v3, v4;
	v2 =	vadd.f32 v2, v34  }
0x285: {  	v42, _, _ =	vpop (xrf2);
	(xrf2) =	vadd.scan.msk.f32 $0xffff, v9;
	v43 =	vnsel vm0, $0x0, v36;
	v4 =	vadd.f32 v7, v41;
	v5 =	vmul.f32 $5.000000000e-01, v5  }
0x286: {  	v44, _, _ =	vpop (xrf2);
	(xrf2) =	vadd.scan.msk.f32 $0xffff, v3;
	v2 =	vadd.f32 v2, v43  }
0x287: {  	v6 =	vbroadcast v42, $0xF;
	v45, _, _ =	vpop (xrf2);
	v3 =	vbroadcast v40, $0xF;
	(xrf2) =	vadd.scan.msk.f32 $0xffff, v4;
	v46 =	vadd.f32 v5, v38  }
0x288: {  	v47 =	vbroadcast v44, $0xF;
	v49, _, _ =	vpop (xrf2);
	(xrf2) =	vadd.scan.msk.f32 $0xffff, v2;
	v2 =	vnsel vm0, $0x0, v39  }
0x289: {  	v48 =	vbroadcast v45, $0xF;
	v3 =	vsel vm1, v3, v6;
	v2 =	vadd.f32 v46, v2  }
0x28a: {  	v50, _, _ =	vpop (xrf2);
	v51 =	vbroadcast v49, $0xF;
	v3 =	vsel vm2, v3, v47  }
0x28b: {  	v52, _, _ =	vpop (xrf2);
	v53 =	vbroadcast v50, $0xF;
	v3 =	vsel vm3, v3, v48  }
0x28c: {  	v54, _, _ =	vpop (xrf2);
	v4 =	vbroadcast v52, $0xF;
	v3 =	vsel vm4, v3, v51  }
0x28d: {  	v5 =	vbroadcast v54, $0xF;
	(xrf2) =	vadd.scan.msk.f32 $0xffff, v2;
	v3 =	vsel vm5, v3, v53;
	v2, _, _ =	vpop (xrf2)  }
0x28e: {  	v3 =	vsel vm6, v3, v4;
	v55, _, _ =	vpop (xrf2);
	v2 =	vbroadcast v2, $0xF  }
0x28f: {  	v3 =	vsel vm7, v3, v5;
	v56, _, _ =	vpop (xrf2);
	v57 =	vbroadcast v55, $0xF  }
0x290: {  	v58, _, _ =	vpop (xrf2);
	v2 =	vsel vm8, v3, v2;
	v3 =	vbroadcast v56, $0xF  }
0x291: {  	v59, _, _ =	vpop (xrf2);
	v2 =	vsel vm9, v2, v57;
	v60 =	vbroadcast v58, $0xF  }
0x292: {  	v61, _, _ =	vpop (xrf2);
	v2 =	vsel vm0, v2, v3;
	v3 =	vbroadcast v59, $0xF  }
0x293: {  	v62, _, _ =	vpop (xrf2);
	v2 =	vsel vm10, v2, v60  }
0x294: {  	v2 =	vsel vm11, v2, v3;
	v3 =	vbroadcast v62, $0xF  }
0x295: {  	v63 =	vbroadcast v61, $0xF;
	_ =	sdelay $0x1  }
0x296: {  	p0 =	sne.s32 s16, $0x7;
	v2 =	vsel vm12, v2, v63  }
.Ltmp3:
0x297: {  	v2 =	vsel vm13, v2, v3;
	v3, _, _ =	vpop (xrf2);
	(pc) =	sbr.rel @p0 .LBB2_8-.Ltmp3, $4  }
0x298: {  	v2 =	vsel vm14, v2, v3  }
0x299: {  	s31 =	sshll.u32 s16, $0x4;
	v2 =	vadd.f32 v2, v1  }
0x29a: {  	s17 =	sand.u32 $0x3FFFFFF0, s31  }
0x29b: {  	s16 =	sadd.s32 $0x1, s16;
	[tilespmem:s17+$0xF710] =	vst v2  }
0x29c: {  	s15 =	sadd.s32 $0x1, s15  }
0x29d: {  	p0 =	sne.s32 s15, s8  }
.Ltmp4:
0x29e: {  	_ = 	snop;
	(pc) =	sbr.rel @p0 .LBB2_1-.Ltmp4, $4  }
0x29f: {  	[hbm4b:s7+s4] =	stream.linear.scatter [tilespmem:s14], [sflag:$0x3], $0x80, $0x38;
	[tilespmem:$0xF7A0] =	vst v63  }
0x2a0: {  	_ =	swait.ge [sflag:s9], $0x80  }
0x2a1: {  	[sflag:s9] =	ssyncset.done $0x0  }
0x2a2: {  	[sflag:s9] =	ssyncadd.s32 $0xFFFFFF80  }
0x2a3: {  	_ =	sfence.sel $0x180000  }
0x2a4: {  	[bflag:$0x0] =	sbarrier.arrive $0xFFFF  }
0x2a5: {  	p0 =	sne.s32 s0, $0x0;
	_ =	strace $0x90000047  }
0x2a6: {  	s0 =	sadd.s32 @!p0 $0x100000, s2;
	[bflag:$0x2] =	sbarrier.arrive $0xFFFF  }
0x2a7: {  	[sflag:s0] =	ssyncadd.tile.s32 @!p0 $0x1;
	_ =	shalt  }
.Lfunc_end2:
_tile_overlayer_lowered:
.L_overlay_start_2:
0x2a8: {  	(tag) =	ssettag $0x2  }
0x2a9: {  	s0 =	rddreg [dreg:$0x0];
	s2 =	stileid.u32  }
0x2aa: {  	s1 =	rddreg [dreg:$0x1];
	p0 =	sne.s32 s2, $0x0  }
0x2ab: {  	s3 =	rddreg [dreg:$0x2];
	[bflag:$0x3] =	sbarrier.arrive $0xFFFF;
	s2 =	simm.s32 @!p0 $0x1C03  }
0x2ac: {  	[timem:s3], [sflag:s2] =	dma.local @!p0 [hbm:s0], s1  }
0x2ad: {  	s0 =	simm.s32 @!p0 $0x3  }
0x2ae: {  	_ =	swait.ge @!p0 [sflag:s0], s1  }
0x2af: {  	s1 =	ssub.s32 @!p0 $0x0, s1;
	[sflag:s0] =	ssyncset.done @!p0 $0x0  }
0x2b0: {  	[sflag:s0] =	ssyncadd.s32 @!p0 s1  }
0x2b1: {  	[bflag:$0x3] =	sbarrier.arrive $0xFFFF  }
0x2b2: {  	_ =	shalt  }

</sc_bundles>
